<compile_context>
chip_gen: v7x
topology: tpu7x:2x2x1
jax: 0.10.2.dev20260603
libtpu: 0.0.44.dev20260713+nightly
codegen_flags: <defaults>
</compile_context>

<pallas_src>
import functools

import jax
import jax.numpy as jnp
from jax import lax
from jax.experimental import pallas as pl
from jax.experimental.pallas import tpu as pltpu
from jax.experimental.pallas import tpu_sc as plsc

N = 10000
E = 320000
B = 100
K = 30
F = 128
H = 32

NC = 2
NS = 16
NW = NC * NS
EPW = E // NW
CH = 128
NFULL = EPW // CH
TAIL = EPW - NFULL * CH

NCH = 80
RPT = 632
ACC_ROWS = RPT * NS
CPT = 624
SEL_PAD = 3072
SPW = SEL_PAD // NW
GP = 104



def _sc_setup_body(src_hbm, dst_hbm, src3_hbm, dstp3_hbm, degp_hbm,
                   acc, zero_v, ones_v, izero_v, sidx_v, didx_v, dstp_v,
                   sidx_v2, didx_v2, dstp_v2,
                   sidx_t, didx_t, dstp_t, ones_t, stage_v, stage_t, semd):
    c = lax.axis_index("c")
    s = lax.axis_index("s")
    wid = c * NS + s
    base = wid * EPW

    def fill_zero(i, _):
        zero_v[pl.ds(i * 16, 16)] = jnp.zeros((16,), jnp.float32)
        return 0
    lax.fori_loop(0, 640 // 16, fill_zero, 0)

    def fill_ones(i, _):
        ones_v[pl.ds(i * 16, 16)] = jnp.ones((16,), jnp.float32)
        izero_v[pl.ds(i * 16, 16)] = jnp.zeros((16,), jnp.int32)
        return 0
    lax.fori_loop(0, CH // 16, fill_ones, 0)
    ones_t[...] = jnp.ones((TAIL,), jnp.float32)

    pltpu.sync_copy(zero_v.at[pl.ds(0, RPT)], acc.at[pl.ds(s * RPT, RPT)])
    plsc.subcore_barrier()

    def half_chunk(j, si, di, dp):
        off = base + j * CH
        pltpu.sync_copy(src_hbm.at[pl.ds(off, CH)], si)
        pltpu.sync_copy(dst_hbm.at[pl.ds(off, CH)], di)

        def lane(i, _):
            sv = si[pl.ds(i * 16, 16)]
            dv = di[pl.ds(i * 16, 16)]
            pad = N + lax.iota(jnp.int32, 16)
            dp[pl.ds(i * 16, 16)] = jnp.where(sv == dv, pad, dv)
            return 0
        lax.fori_loop(0, CH // 16, lane, 0)
        pltpu.sync_copy(si, src3_hbm.at[wid, j])
        pltpu.sync_copy(dp, dstp3_hbm.at[wid, j])
        pltpu.async_copy(ones_v, acc.at[dp], semd, add=True)

    def pairc(p, _):
        j0 = 2 * p
        pltpu.make_async_copy(ones_v, acc.at[dstp_v], semd).wait()
        half_chunk(j0, sidx_v, didx_v, dstp_v)
        pltpu.make_async_copy(ones_v, acc.at[dstp_v2], semd).wait()
        half_chunk(j0 + 1, sidx_v2, didx_v2, dstp_v2)
        return 0
    def primefill(i, _):
        dstp_v[pl.ds(i * 16, 16)] = N + lax.iota(jnp.int32, 16)
        dstp_v2[pl.ds(i * 16, 16)] = N + lax.iota(jnp.int32, 16)
        return 0
    lax.fori_loop(0, CH // 16, primefill, 0)
    plsc.subcore_barrier()
    pltpu.async_copy(ones_v, acc.at[dstp_v], semd, add=True)
    pltpu.async_copy(ones_v, acc.at[dstp_v2], semd, add=True)
    lax.fori_loop(0, NFULL // 2, pairc, 0)
    pltpu.make_async_copy(ones_v, acc.at[dstp_v], semd).wait()
    pltpu.make_async_copy(ones_v, acc.at[dstp_v2], semd).wait()

    pltpu.sync_copy(src_hbm.at[pl.ds(base + NFULL * CH, TAIL)], sidx_t)
    pltpu.sync_copy(dst_hbm.at[pl.ds(base + NFULL * CH, TAIL)], didx_t)
    sv = sidx_t[...]
    dv = didx_t[...]
    dstp_t[...] = jnp.where(sv == dv, N + lax.iota(jnp.int32, 16), dv)
    pltpu.sync_copy(sidx_t, src3_hbm.at[wid, NFULL, pl.ds(0, TAIL)])
    pltpu.sync_copy(dstp_t, dstp3_hbm.at[wid, NFULL, pl.ds(0, TAIL)])
    pltpu.sync_copy(izero_v.at[pl.ds(TAIL, CH - TAIL)],
                    src3_hbm.at[wid, NFULL, pl.ds(TAIL, CH - TAIL)])
    pltpu.sync_copy(izero_v.at[pl.ds(TAIL, CH - TAIL)],
                    dstp3_hbm.at[wid, NFULL, pl.ds(TAIL, CH - TAIL)])
    pltpu.sync_copy(izero_v, src3_hbm.at[wid, NCH - 1])
    pltpu.sync_copy(izero_v, dstp3_hbm.at[wid, NCH - 1])
    pltpu.sync_copy(ones_t, acc.at[dstp_t], add=True)

    plsc.subcore_barrier()
    pltpu.sync_copy(acc.at[pl.ds(s * CPT, CPT)], stage_v)
    pltpu.sync_copy(stage_v, degp_hbm.at[pl.ds(c * N + s * CPT, CPT)])

    @pl.when(s == 0)
    def _():
        pltpu.sync_copy(acc.at[pl.ds(NS * CPT, 16)], stage_t)
        pltpu.sync_copy(stage_t, degp_hbm.at[pl.ds(c * N + NS * CPT, 16)])


@functools.cache
def _sc_kernels():
    mesh = plsc.VectorSubcoreMesh(core_axis_name="c", subcore_axis_name="s",
                                  num_cores=NC, num_subcores=NS)
    params = pltpu.CompilerParams(use_tc_tiling_on_sc=False)
    setup = pl.kernel(
        _sc_setup_body,
        out_type=(jax.ShapeDtypeStruct((NW, NCH, CH), jnp.int32),
                  jax.ShapeDtypeStruct((NW, NCH, CH), jnp.int32),
                  jax.ShapeDtypeStruct((NC * N,), jnp.float32)),
        mesh=mesh,
        scratch_types=[
            pltpu.VMEM_SHARED((ACC_ROWS,), jnp.float32),
            pltpu.VMEM((640,), jnp.float32),
            pltpu.VMEM((CH,), jnp.float32),
            pltpu.VMEM((CH,), jnp.int32),
            pltpu.VMEM((CH,), jnp.int32),
            pltpu.VMEM((CH,), jnp.int32),
            pltpu.VMEM((CH,), jnp.int32),
            pltpu.VMEM((CH,), jnp.int32),
            pltpu.VMEM((CH,), jnp.int32),
            pltpu.VMEM((CH,), jnp.int32),
            pltpu.VMEM((TAIL,), jnp.int32),
            pltpu.VMEM((TAIL,), jnp.int32),
            pltpu.VMEM((TAIL,), jnp.int32),
            pltpu.VMEM((TAIL,), jnp.float32),
            pltpu.VMEM((CPT,), jnp.float32),
            pltpu.VMEM((16,), jnp.float32),
            pltpu.SemaphoreType.DMA,
        ],
        compiler_params=params,
    )
    def make_scatter(width):
        return pl.kernel(
            _make_sc_scatter_body(width),
            out_type=jax.ShapeDtypeStruct((NC, N, width), jnp.float32),
            mesh=mesh,
            scratch_types=[
                pltpu.VMEM_SHARED((ACC_ROWS, width), jnp.float32),
                pltpu.VMEM((RPT, width), jnp.float32),
                pltpu.VMEM((NCH, CH), jnp.int32),
                pltpu.VMEM((NCH, CH), jnp.int32),
                pltpu.VMEM((CH, width), jnp.float32),
                pltpu.VMEM((CH, width), jnp.float32),
                pltpu.VMEM((TAIL,), jnp.int32),
                pltpu.VMEM((TAIL,), jnp.int32),
                pltpu.VMEM((TAIL, width), jnp.float32),
                pltpu.SemaphoreType.DMA,
                pltpu.SemaphoreType.DMA,
                pltpu.SemaphoreType.DMA,
                pltpu.SemaphoreType.DMA,
            ],
            compiler_params=params,
        )
    scatter = make_scatter(H)
    gather = pl.kernel(
        _sc_gather_body,
        out_type=jax.ShapeDtypeStruct((SEL_PAD, F), jnp.float32),
        mesh=mesh,
        scratch_types=[
            pltpu.VMEM((SPW,), jnp.int32),
            pltpu.VMEM((SPW, F), jnp.float32),
            pltpu.SemaphoreType.DMA,
        ],
        compiler_params=params,
    )
    return setup, scatter, gather


def _sc_setup_call(src, dst):
    return _sc_kernels()[0](src, dst)


def _sc_scatter_call(table, src, dstp):
    return _sc_kernels()[1](table, src, dstp)


def _sc_gather_call(xcat, sel):
    return _sc_kernels()[2](xcat, sel)


def _make_sc_scatter_body(width):
  def _sc_scatter_body(table_hbm, src3_hbm, dstp3_hbm, part_hbm,
                       acc, zero_v, sidx_all, didx_all, rows0, rows1,
                       sidx_t, didx_t, rows_t, semg0, semg1, sems0, sems1):
    c = lax.axis_index("c")
    s = lax.axis_index("s")
    wid = c * NS + s

    def fz(r, _):
        for kk in range(width // 16):
            zero_v[r, pl.ds(kk * 16, 16)] = jnp.zeros((16,), jnp.float32)
        return 0
    lax.fori_loop(0, RPT, fz, 0)
    pltpu.sync_copy(zero_v, acc.at[pl.ds(s * RPT, RPT)])
    pltpu.sync_copy(src3_hbm.at[wid], sidx_all)
    pltpu.sync_copy(dstp3_hbm.at[wid], didx_all)
    plsc.subcore_barrier()

    pltpu.async_copy(table_hbm.at[sidx_all.at[0]], rows0, semg0)
    pltpu.async_copy(zero_v.at[pl.ds(0, CH)], acc.at[didx_all.at[NCH - 1]],
                     sems1, add=True)

    def pair(p, _):
        j0 = 2 * p
        pltpu.make_async_copy(table_hbm.at[sidx_all.at[j0]], rows0,
                              semg0).wait()
        pltpu.make_async_copy(rows1, acc.at[didx_all.at[(j0 - 1) % NCH]],
                              sems1).wait()
        pltpu.async_copy(table_hbm.at[sidx_all.at[j0 + 1]], rows1, semg1)
        pltpu.async_copy(rows0, acc.at[didx_all.at[j0]], sems0, add=True)
        pltpu.make_async_copy(table_hbm.at[sidx_all.at[j0 + 1]], rows1,
                              semg1).wait()
        pltpu.make_async_copy(rows0, acc.at[didx_all.at[j0]], sems0).wait()
        pltpu.async_copy(table_hbm.at[sidx_all.at[j0 + 2]], rows0, semg0)
        pltpu.async_copy(rows1, acc.at[didx_all.at[j0 + 1]], sems1, add=True)
        return 0
    lax.fori_loop(0, NFULL // 2, pair, 0)

    pltpu.make_async_copy(table_hbm.at[sidx_all.at[NFULL]], rows0,
                          semg0).wait()
    pltpu.make_async_copy(rows1, acc.at[didx_all.at[NFULL - 1]],
                          sems1).wait()

    pltpu.sync_copy(src3_hbm.at[wid, NFULL, pl.ds(0, TAIL)], sidx_t)
    pltpu.sync_copy(dstp3_hbm.at[wid, NFULL, pl.ds(0, TAIL)], didx_t)
    pltpu.async_copy(table_hbm.at[sidx_t], rows_t, semg1).wait()
    pltpu.sync_copy(rows_t, acc.at[didx_t], add=True)

    plsc.subcore_barrier()
    pltpu.sync_copy(acc.at[pl.ds(s * CPT, CPT)], zero_v.at[pl.ds(0, CPT)])
    pltpu.sync_copy(zero_v.at[pl.ds(0, CPT)], part_hbm.at[c, pl.ds(s * CPT, CPT)])

    @pl.when(s == 0)
    def _():
        pltpu.sync_copy(acc.at[pl.ds(NS * CPT, 16)], rows_t)
        pltpu.sync_copy(rows_t, part_hbm.at[c, pl.ds(NS * CPT, 16)])
  return _sc_scatter_body


def _sc_gather_body(xcat_hbm, sel_hbm, out_hbm, idx_v, rows_v, sem):
    c = lax.axis_index("c")
    s = lax.axis_index("s")
    wid = c * NS + s
    off = wid * SPW
    pltpu.sync_copy(sel_hbm.at[pl.ds(off, SPW)], idx_v)
    pltpu.async_copy(xcat_hbm.at[idx_v], rows_v, sem).wait()
    pltpu.sync_copy(rows_v, out_hbm.at[pl.ds(off, SPW)])


_RB = 1000


def _tc1_body(d0, d1, x, w, dd_o, xw_o, z_o):
    deg = d0[...] + d1[...] + 1.0
    dinv = lax.rsqrt(deg)
    dinv2 = dinv * dinv
    xw = jnp.dot(x[...], w[...], preferred_element_type=jnp.float32)
    dd_o[:, 0:1] = dinv
    dd_o[:, 1:2] = dinv2
    xw_o[...] = xw
    z_o[...] = xw * dinv


_tc1_call = pl.pallas_call(
    _tc1_body,
    grid=(N // _RB,),
    in_specs=[
        pl.BlockSpec((_RB, 1), lambda i: (i, 0)),
        pl.BlockSpec((_RB, 1), lambda i: (i, 0)),
        pl.BlockSpec((_RB, F), lambda i: (i, 0)),
        pl.BlockSpec((F, H), lambda i: (0, 0)),
    ],
    out_specs=[
        pl.BlockSpec((_RB, 8), lambda i: (i, 0)),
        pl.BlockSpec((_RB, H), lambda i: (i, 0)),
        pl.BlockSpec((_RB, H), lambda i: (i, 0)),
    ],
    out_shape=[
        jax.ShapeDtypeStruct((N, 8), jnp.float32),
        jax.ShapeDtypeStruct((N, H), jnp.float32),
        jax.ShapeDtypeStruct((N, H), jnp.float32),
    ],
)


def _tc_mid_body(p0, p1, dd, xw, b, wn, x_o, xwn_o, zn_o):
    dinv = dd[:, 0:1]
    dinv2 = dd[:, 1:2]
    agg = dinv * (p0[...] + p1[...]) + dinv2 * xw[...] + b[...]
    xi = jnp.tanh(agg)
    xwn = jnp.dot(xi, wn[...], preferred_element_type=jnp.float32)
    x_o[...] = xi
    xwn_o[...] = xwn
    zn_o[...] = xwn * dinv


_tc_mid_call = pl.pallas_call(
    _tc_mid_body,
    grid=(N // _RB,),
    in_specs=[
        pl.BlockSpec((_RB, H), lambda i: (i, 0)),
        pl.BlockSpec((_RB, H), lambda i: (i, 0)),
        pl.BlockSpec((_RB, 8), lambda i: (i, 0)),
        pl.BlockSpec((_RB, H), lambda i: (i, 0)),
        pl.BlockSpec((1, H), lambda i: (0, 0)),
        pl.BlockSpec((H, H), lambda i: (0, 0)),
    ],
    out_specs=[
        pl.BlockSpec((_RB, H), lambda i: (i, 0)),
        pl.BlockSpec((_RB, H), lambda i: (i, 0)),
        pl.BlockSpec((_RB, H), lambda i: (i, 0)),
    ],
    out_shape=[
        jax.ShapeDtypeStruct((N, H), jnp.float32),
        jax.ShapeDtypeStruct((N, H), jnp.float32),
        jax.ShapeDtypeStruct((N, H), jnp.float32),
    ],
)


def _tc_l3_body(p0, p1, dd, xw, b, w4, x_o, xw4_o, z4_o):
    dinv = dd[:, 0:1]
    dinv2 = dd[:, 1:2]
    x3 = jnp.tanh(dinv * (p0[...] + p1[...]) + dinv2 * xw[...] + b[...])
    xw4 = jnp.dot(x3, w4[...], preferred_element_type=jnp.float32)
    x_o[...] = x3
    xw4_o[...] = xw4
    z4_o[...] = jnp.concatenate(
        [xw4 * dinv, jnp.zeros((_RB, H - 1), jnp.float32)], axis=1)


_tc_l3_call = pl.pallas_call(
    _tc_l3_body,
    grid=(N // _RB,),
    in_specs=[
        pl.BlockSpec((_RB, H), lambda i: (i, 0)),
        pl.BlockSpec((_RB, H), lambda i: (i, 0)),
        pl.BlockSpec((_RB, 8), lambda i: (i, 0)),
        pl.BlockSpec((_RB, H), lambda i: (i, 0)),
        pl.BlockSpec((1, H), lambda i: (0, 0)),
        pl.BlockSpec((H, 1), lambda i: (0, 0)),
    ],
    out_specs=[
        pl.BlockSpec((_RB, H), lambda i: (i, 0)),
        pl.BlockSpec((_RB, 1), lambda i: (i, 0)),
        pl.BlockSpec((_RB, H), lambda i: (i, 0)),
    ],
    out_shape=[
        jax.ShapeDtypeStruct((N, H), jnp.float32),
        jax.ShapeDtypeStruct((N, 1), jnp.float32),
        jax.ShapeDtypeStruct((N, H), jnp.float32),
    ],
)


def _tc_l4_body(p0, p1, dd, xw4, b4, x4_o):
    dinv = dd[:, 0:1]
    dinv2 = dd[:, 1:2]
    x4 = jnp.tanh(dinv * (p0[:, 0:1] + p1[:, 0:1]) + dinv2 * xw4[...]
                  + b4[...])
    x4_o[...] = x4


_tc_l4_call = pl.pallas_call(
    _tc_l4_body,
    grid=(N // _RB,),
    in_specs=[
        pl.BlockSpec((_RB, H), lambda i: (i, 0)),
        pl.BlockSpec((_RB, H), lambda i: (i, 0)),
        pl.BlockSpec((_RB, 8), lambda i: (i, 0)),
        pl.BlockSpec((_RB, 1), lambda i: (i, 0)),
        pl.BlockSpec((1, 1), lambda i: (0, 0)),
    ],
    out_specs=pl.BlockSpec((_RB, 1), lambda i: (i, 0)),
    out_shape=jax.ShapeDtypeStruct((N, 1), jnp.float32),
)


def _tc_topk_body(key_r, bat_r, sel_o, km):
    keyv = key_r[...]
    batv = bat_r[...]
    gids = lax.broadcasted_iota(jnp.int32, (1, GP), 1)
    mask = batv == gids
    km0 = jnp.where(mask, keyv, -1e9)
    km[...] = km0
    count = jnp.sum(mask.astype(jnp.int32), axis=0, keepdims=True)
    rowio = lax.broadcasted_iota(jnp.int32, (N, GP), 0)

    def step(j, m):
        kmv = km[...]
        am = jnp.min(jnp.where(kmv == m, rowio, jnp.int32(2 ** 30)),
                     axis=0, keepdims=True)
        sel_o[pl.ds(j, 1), :] = jnp.where(j < count, am, jnp.int32(N))
        kmn = jnp.where(rowio == am, -1e9, kmv)
        km[...] = kmn
        return jnp.max(kmn, axis=0, keepdims=True)
    lax.fori_loop(0, K, step, jnp.max(km0, axis=0, keepdims=True))


_tc_topk_call = pl.pallas_call(
    _tc_topk_body,
    out_shape=jax.ShapeDtypeStruct((32, GP), jnp.int32),
    scratch_shapes=[pltpu.VMEM((N, GP), jnp.float32)],
)


def _tc_c1_body(g2, w, bvec, o):
    g2v = g2[...]
    a = jnp.dot(g2v[:, :F], w[...], preferred_element_type=jnp.float32)
    b = jnp.dot(g2v[:, F:], w[...], preferred_element_type=jnp.float32)
    o[...] = jnp.maximum(jnp.maximum(a, b) + bvec[...], 0.0)


_tc_c1_call = pl.pallas_call(
    _tc_c1_body,
    out_shape=jax.ShapeDtypeStruct((SEL_PAD // 2, F), jnp.float32),
)


def _tc_head_body(p, w6, b6, wl1, bl1, wl2, bl2, o):
    t = jnp.maximum(
        jnp.dot(p[...], w6[...], preferred_element_type=jnp.float32)
        + b6[...], 0.0)
    o1 = jnp.maximum(
        jnp.dot(t, wl1[...], preferred_element_type=jnp.float32)
        + bl1[...], 0.0)
    o2 = jnp.dot(o1, wl2[...], preferred_element_type=jnp.float32) + bl2[...]
    mx = jnp.max(o2, axis=1, keepdims=True)
    lse = jnp.log(jnp.sum(jnp.exp(o2 - mx), axis=1, keepdims=True)) + mx
    o[...] = o2 - lse


_tc_head_call = pl.pallas_call(
    _tc_head_body,
    out_shape=jax.ShapeDtypeStruct((B, 10), jnp.float32),
)


def kernel(x, edge_index, batch, W1, b1, W2, b2, W3, b3, W4, b4,
           Wc5, bc5, Wc6, bc6, Wl1, bl1, Wl2, bl2):
    src = edge_index[0]
    dst = edge_index[1]

    src3, dstp3, degp = _sc_setup_call(src, dst)
    deg0 = degp[:N].reshape(N, 1)
    deg1 = degp[N:].reshape(N, 1)

    dd, xw1, z1 = _tc1_call(deg0, deg1, x, W1)

    part = _sc_scatter_call(z1, src3, dstp3)
    x1, xw2, z2 = _tc_mid_call(part[0], part[1], dd, xw1,
                               b1.reshape(1, H), W2)
    part = _sc_scatter_call(z2, src3, dstp3)
    x2, xw3, z3 = _tc_mid_call(part[0], part[1], dd, xw2,
                               b2.reshape(1, H), W3)
    part = _sc_scatter_call(z3, src3, dstp3)
    x3, xw4, z4 = _tc_l3_call(part[0], part[1], dd, xw3,
                              b3.reshape(1, H), W4)
    part = _sc_scatter_call(z4, src3, dstp3)
    x4 = _tc_l4_call(part[0], part[1], dd, xw4, b4.reshape(1, 1))

    xcat = jnp.concatenate(
        [x1, x2, x3, x4, jnp.zeros((N, F - 3 * H - 1), jnp.float32)], axis=1)
    xcat = jnp.concatenate([xcat, jnp.zeros((8, F), jnp.float32)], axis=0)

    selm = _tc_topk_call(x4, batch.reshape(N, 1))
    sel = selm[:K, :B].T.reshape(B * K)
    sel_flat = jnp.concatenate(
        [sel, jnp.full((SEL_PAD - B * K,), N, jnp.int32)])

    g = _sc_gather_call(xcat, sel_flat)

    Wc5p = jnp.zeros((F, F), jnp.float32).at[:97, :16].set(Wc5[:, 0, :].T)
    bc5p = jnp.zeros((1, F), jnp.float32).at[0, :16].set(bc5)
    m = _tc_c1_call(g.reshape(SEL_PAD // 2, 2 * F), Wc5p, bc5p)

    arr = jnp.zeros((15, F, 32, 11), jnp.float32)
    wtr = jnp.transpose(Wc6, (2, 1, 0))
    for uu in range(11):
        arr = arr.at[uu:uu + 5, :16, :, uu].set(wtr)
    W6E = arr.reshape(15 * F, 352)
    b6e = jnp.repeat(bc6, 11).reshape(1, 352)

    out = _tc_head_call(m[:B * K // 2].reshape(B, 15 * F), W6E, b6e,
                        Wl1, bl1.reshape(1, F), Wl2, bl2.reshape(1, 10))
    return out

# --- scband reference (transcript-rebuilt; emitter-appended) ---
"""Pipeline reference for scband-model-70617852280845 (READ-ONLY COPY).

The authoritative reference and input builder live on the scoring server;
editing this copy changes nothing except your own understanding.
"""

import jax, jax.numpy as jnp
import numpy as np

N_NODES = 10000
N_EDGES = 320000
NUM_FEAT = 128
B = 100
K = 30
NUM_CLASSES = 10


def gcn_conv(x, src, dst, W, b):
    # PyG GCNConv: remove_self_loops was applied upstream (emulated via mask w),
    # then GCNConv adds self-loops with weight 1 and symmetric normalization.
    n = x.shape[0]
    xw = x @ W
    w = (src != dst).astype(x.dtype)  # emulate remove_self_loops on random edges
    deg = jax.ops.segment_sum(w, dst, num_segments=n) + 1.0
    dinv = jax.lax.rsqrt(deg)
    norm = w * dinv[src] * dinv[dst]
    agg = jax.ops.segment_sum(xw[src] * norm[:, None], dst, num_segments=n)
    agg = agg + xw * (dinv * dinv)[:, None]
    return agg + b


def conv1d(x, w, b, stride):
    out = jax.lax.conv_general_dilated(x, w, (stride,), 'VALID', dimension_numbers=('NCH', 'OIH', 'NCH'))
    return out + b[None, :, None]


def maxpool1d(x):
    return jax.lax.reduce_window(x, -jnp.inf, jax.lax.max, (1, 1, 2), (1, 1, 2), 'VALID')


def batch_layout(batch, n, bsz):
    counts = jax.ops.segment_sum(jnp.ones((n,), jnp.int32), batch, num_segments=bsz)
    max_nn = n
    cum = jnp.concatenate([jnp.zeros((1,), counts.dtype), jnp.cumsum(counts)])
    idx = jnp.arange(n) - cum[batch] + batch * max_nn
    return idx, max_nn


def sort_pool(xc, idx, max_nn, k, bsz):
    d = xc.shape[1]
    fill = xc.min() - 1.0
    dense = jnp.full((bsz * max_nn, d), fill, dtype=xc.dtype).at[idx].set(xc)
    dense = dense.reshape(bsz, max_nn, d)
    perm = jnp.argsort(-dense[:, :, -1], axis=-1)  # sort by last channel, descending
    dense = jnp.take_along_axis(dense, perm[:, :, None], axis=1)
    if max_nn >= k:
        dense = dense[:, :k]
    else:
        pad = jnp.full((bsz, k - max_nn, d), fill, dtype=xc.dtype)
        dense = jnp.concatenate([dense, pad], axis=1)
    dense = jnp.where(dense == fill, 0.0, dense)
    return dense.reshape(bsz, k * d)


def setup_inputs(seed: int = 0):
    key = jax.random.key(seed)
    ks = jax.random.split(key, 12)
    x = jax.random.normal(ks[0], (N_NODES, NUM_FEAT), jnp.float32)
    edge_index = jax.random.randint(ks[1], (2, N_EDGES), 0, N_NODES, dtype=jnp.int32)
    batch = jnp.sort(jax.random.randint(ks[2], (N_NODES,), 0, B, dtype=jnp.int32))

    def lin(k_, fi, fo):
        return jax.random.normal(k_, (fi, fo), jnp.float32) / np.sqrt(fi)

    W1 = lin(ks[3], NUM_FEAT, 32); b1 = jnp.zeros((32,), jnp.float32)
    W2 = lin(ks[4], 32, 32); b2 = jnp.zeros((32,), jnp.float32)
    W3 = lin(ks[5], 32, 32); b3 = jnp.zeros((32,), jnp.float32)
    W4 = lin(ks[6], 32, 1); b4 = jnp.zeros((1,), jnp.float32)
    Wc5 = jax.random.normal(ks[7], (16, 1, 97), jnp.float32) / np.sqrt(97.0)
    bc5 = jnp.zeros((16,), jnp.float32)
    Wc6 = jax.random.normal(ks[8], (32, 16, 5), jnp.float32) / np.sqrt(80.0)
    bc6 = jnp.zeros((32,), jnp.float32)
    Wl1 = jax.random.normal(ks[9], (352, 128), jnp.float32) / np.sqrt(352.0)
    bl1 = jnp.zeros((128,), jnp.float32)
    Wl2 = jax.random.normal(ks[10], (128, NUM_CLASSES), jnp.float32) / np.sqrt(128.0)
    bl2 = jnp.zeros((NUM_CLASSES,), jnp.float32)
    return {"x": x, "edge_index": edge_index, "batch": batch,
            "W1": W1, "b1": b1, "W2": W2, "b2": b2, "W3": W3, "b3": b3, "W4": W4, "b4": b4,
            "Wc5": Wc5, "bc5": bc5, "Wc6": Wc6, "bc6": bc6,
            "Wl1": Wl1, "bl1": bl1, "Wl2": Wl2, "bl2": bl2}


def reference(x, edge_index, batch, W1, b1, W2, b2, W3, b3, W4, b4, Wc5, bc5, Wc6, bc6, Wl1, bl1, Wl2, bl2):
    src, dst = edge_index[0], edge_index[1]
    x1 = jnp.tanh(gcn_conv(x, src, dst, W1, b1))
    x2 = jnp.tanh(gcn_conv(x1, src, dst, W2, b2))
    x3 = jnp.tanh(gcn_conv(x2, src, dst, W3, b3))
    x4 = jnp.tanh(gcn_conv(x3, src, dst, W4, b4))
    xc = jnp.concatenate([x1, x2, x3, x4], axis=-1)  # [N, 97]
    idx, max_nn = batch_layout(batch, x.shape[0], B)
    h = sort_pool(xc, idx, max_nn, K, B)  # [B, 30*97=2910]
    h = h.reshape(B, 1, -1)
    h = jax.nn.relu(conv1d(h, Wc5, bc5, 97))  # [B,16,30]
    h = maxpool1d(h)                          # [B,16,15]
    h = jax.nn.relu(conv1d(h, Wc6, bc6, 1))   # [B,32,11]
    h = h.reshape(B, -1)                      # [B,352]
    o = jax.nn.relu(h @ Wl1 + bl1)
    # dropout: identity at eval
    o = o @ Wl2 + bl2
    return jax.nn.log_softmax(o, axis=-1)

if __name__ == "__main__":
    import jax
    _d = setup_inputs()
    print(jax.jit(kernel)(*tuple(_d.values())))

</pallas_src>

<mosaic_0001>
#map = affine_map<(d0, d1) -> (0, 0)>
#map1 = affine_map<(d0, d1) -> (0, 0, 0)>
module attributes {stable_mosaic.version = 14 : i64} {
  func.func @_sc_scatter_body(%arg0: i32, %arg1: i32, %arg2: memref<10000x32xf32, #tpu.memory_space<hbm>>, %arg3: memref<32x80x128xi32, #tpu.memory_space<hbm>>, %arg4: memref<32x80x128xi32, #tpu.memory_space<hbm>>, %arg5: memref<2x10000x32xf32, #tpu.memory_space<hbm>>, %arg6: memref<10112x32xf32, #tpu.memory_space<vmem_shared>>, %arg7: memref<632x32xf32, #tpu.memory_space<vmem>>, %arg8: memref<80x128xi32, #tpu.memory_space<vmem>>, %arg9: memref<80x128xi32, #tpu.memory_space<vmem>>, %arg10: memref<128x32xf32, #tpu.memory_space<vmem>>, %arg11: memref<128x32xf32, #tpu.memory_space<vmem>>, %arg12: memref<16xi32, #tpu.memory_space<vmem>>, %arg13: memref<16xi32, #tpu.memory_space<vmem>>, %arg14: memref<16x32xf32, #tpu.memory_space<vmem>>, %arg15: memref<!tpu.dma_semaphore, #tpu.memory_space<semaphore_mem>>, %arg16: memref<!tpu.dma_semaphore, #tpu.memory_space<semaphore_mem>>, %arg17: memref<!tpu.dma_semaphore, #tpu.memory_space<semaphore_mem>>, %arg18: memref<!tpu.dma_semaphore, #tpu.memory_space<semaphore_mem>>) attributes {dimension_semantics = [#tpu.dimension_semantics<core_parallel>, #tpu.dimension_semantics<subcore_parallel>], iteration_bounds = array<i64: 2, 16>, scalar_prefetch = 0 : i64, scratch_operands = 13 : i64, tpu.core_type = #tpu.core_type<sc_vector_subcore>, window_params = [{transform_indices = #map}, {transform_indices = #map1}, {transform_indices = #map1}, {transform_indices = #map1}]} {
    %mul3A = arith.constant 16 : i32
    %mul3A_0 = arith.muli %arg0, %mul3A : i32
    %add3A = arith.addi %mul3A_0, %arg1 : i32
    %scan3A = arith.constant 0 : i32
    %scan3A_1 = arith.constant 0 : i32
    %scan3A_2 = arith.constant 632 : i32
    %scan3A_3 = arith.addi %scan3A_1, %scan3A_2 : i32
    %scan3A_4 = arith.constant 1 : i32
    %scan3A_5 = scf.for %scan3A_59 = %scan3A_1 to %scan3A_3 step %scan3A_4 iter_args(%scan3A_60 = %scan3A) -> (i32)  : i32 {
      %broadcast_in_dim3A = arith.constant 0.000000e+00 : f32
      %broadcast_in_dim3A_61 = vector.broadcast %broadcast_in_dim3A : f32 to vector<16xf32>
      %swap3A = arith.index_cast %scan3A_59 : i32 to index
      %swap3A_62 = arith.constant 0 : index
      %swap3A_63 = tpu.vector_load %arg7[%swap3A, %swap3A_62] {strides = array<i32>} : memref<632x32xf32, #tpu.memory_space<vmem>>, vector<1x16xf32>,
      %swap3A_64 = vector.shape_cast %swap3A_63 : vector<1x16xf32> to vector<16xf32>
      %swap3A_65 = vector.shape_cast %broadcast_in_dim3A_61 : vector<16xf32> to vector<1x16xf32>
      tpu.vector_store %arg7[%swap3A, %swap3A_62], %swap3A_65 {strides = array<i32>} : memref<632x32xf32, #tpu.memory_space<vmem>>, vector<1x16xf32>,
      %broadcast_in_dim3A_66 = arith.constant 0.000000e+00 : f32
      %broadcast_in_dim3A_67 = vector.broadcast %broadcast_in_dim3A_66 : f32 to vector<16xf32>
      %swap3A_68 = arith.index_cast %scan3A_59 : i32 to index
      %swap3A_69 = arith.constant 16 : index
      %swap3A_70 = tpu.vector_load %arg7[%swap3A_68, %swap3A_69] {strides = array<i32>} : memref<632x32xf32, #tpu.memory_space<vmem>>, vector<1x16xf32>,
      %swap3A_71 = vector.shape_cast %swap3A_70 : vector<1x16xf32> to vector<16xf32>
      %swap3A_72 = vector.shape_cast %broadcast_in_dim3A_67 : vector<16xf32> to vector<1x16xf32>
      tpu.vector_store %arg7[%swap3A_68, %swap3A_69], %swap3A_72 {strides = array<i32>} : memref<632x32xf32, #tpu.memory_space<vmem>>, vector<1x16xf32>,
      %scan3A_73 = arith.constant 0 : i32
      scf.yield %scan3A_73 : i32
    }
    %scan3A_6 = arith.constant 632 : i32
    %mul3A_7 = arith.constant 632 : i32
    %mul3A_8 = arith.muli %arg1, %mul3A_7 : i32
    "tpu.region"() ({
      %run_scoped3A_59 = tpu.sem_alloc : memref<!tpu.dma_semaphore, #tpu.memory_space<semaphore_mem>>
      %dma_start3A_60 = arith.constant 0 : i32
      %dma_start3A_61 = tpu.memref_slice %arg6[%mul3A_8, %dma_start3A_60] : memref<10112x32xf32, #tpu.memory_space<vmem_shared>> -> memref<632x32xf32, #tpu.memory_space<vmem_shared>>
      %dma_start3A_62 = arith.constant 0 : i32
      %dma_start3A_63 = tpu.memref_slice %arg6[%mul3A_8, %dma_start3A_62] : memref<10112x32xf32, #tpu.memory_space<vmem_shared>> -> memref<632x32xf32, #tpu.memory_space<vmem_shared>>
      tpu.enqueue_dma source(%arg7 : memref<632x32xf32, #tpu.memory_space<vmem>>) target(%dma_start3A_63 : memref<632x32xf32, #tpu.memory_space<vmem_shared>>) target_semaphore(%run_scoped3A_59 : memref<!tpu.dma_semaphore, #tpu.memory_space<semaphore_mem>>)
      %dma_wait3A_64 = arith.constant 0 : i32
      %dma_wait3A_65 = tpu.memref_slice %arg6[%mul3A_8, %dma_wait3A_64] : memref<10112x32xf32, #tpu.memory_space<vmem_shared>> -> memref<632x32xf32, #tpu.memory_space<vmem_shared>>
      %dma_wait3A_66 = arith.constant 0 : i32
      %dma_wait3A_67 = tpu.memref_slice %arg6[%mul3A_8, %dma_wait3A_66] : memref<10112x32xf32, #tpu.memory_space<vmem_shared>> -> memref<632x32xf32, #tpu.memory_space<vmem_shared>>
      tpu.wait_dma2 semaphore(%run_scoped3A_59 : memref<!tpu.dma_semaphore, #tpu.memory_space<semaphore_mem>>) src(%arg7 : memref<632x32xf32, #tpu.memory_space<vmem>>) dst(%dma_wait3A_67 : memref<632x32xf32, #tpu.memory_space<vmem_shared>>)
      tpu.yield
    }) : () -> ()
    "tpu.region"() ({
      %run_scoped3A_59 = tpu.sem_alloc : memref<!tpu.dma_semaphore, #tpu.memory_space<semaphore_mem>>
      %dma_start3A_60 = arith.constant 0 : i32
      %dma_start3A_61 = arith.constant 0 : i32
      %dma_start3A_62 = tpu.memref_slice %arg3[%add3A, %dma_start3A_60, %dma_start3A_61] : memref<32x80x128xi32, #tpu.memory_space<hbm>> -> memref<1x80x128xi32, #tpu.memory_space<hbm>>
      %dma_start3A_63 = tpu.memref_squeeze %dma_start3A_62 : memref<1x80x128xi32, #tpu.memory_space<hbm>> -> memref<80x128xi32, #tpu.memory_space<hbm>>
      %dma_start3A_64 = arith.constant 0 : i32
      %dma_start3A_65 = arith.constant 0 : i32
      %dma_start3A_66 = tpu.memref_slice %arg3[%add3A, %dma_start3A_64, %dma_start3A_65] : memref<32x80x128xi32, #tpu.memory_space<hbm>> -> memref<1x80x128xi32, #tpu.memory_space<hbm>>
      %dma_start3A_67 = tpu.memref_squeeze %dma_start3A_66 : memref<1x80x128xi32, #tpu.memory_space<hbm>> -> memref<80x128xi32, #tpu.memory_space<hbm>>
      tpu.enqueue_dma source(%dma_start3A_67 : memref<80x128xi32, #tpu.memory_space<hbm>>) target(%arg8 : memref<80x128xi32, #tpu.memory_space<vmem>>) target_semaphore(%run_scoped3A_59 : memref<!tpu.dma_semaphore, #tpu.memory_space<semaphore_mem>>)
      %dma_wait3A_68 = arith.constant 0 : i32
      %dma_wait3A_69 = arith.constant 0 : i32
      %dma_wait3A_70 = tpu.memref_slice %arg3[%add3A, %dma_wait3A_68, %dma_wait3A_69] : memref<32x80x128xi32, #tpu.memory_space<hbm>> -> memref<1x80x128xi32, #tpu.memory_space<hbm>>
      %dma_wait3A_71 = tpu.memref_squeeze %dma_wait3A_70 : memref<1x80x128xi32, #tpu.memory_space<hbm>> -> memref<80x128xi32, #tpu.memory_space<hbm>>
      %dma_wait3A_72 = arith.constant 0 : i32
      %dma_wait3A_73 = arith.constant 0 : i32
      %dma_wait3A_74 = tpu.memref_slice %arg3[%add3A, %dma_wait3A_72, %dma_wait3A_73] : memref<32x80x128xi32, #tpu.memory_space<hbm>> -> memref<1x80x128xi32, #tpu.memory_space<hbm>>
      %dma_wait3A_75 = tpu.memref_squeeze %dma_wait3A_74 : memref<1x80x128xi32, #tpu.memory_space<hbm>> -> memref<80x128xi32, #tpu.memory_space<hbm>>
      tpu.wait_dma2 semaphore(%run_scoped3A_59 : memref<!tpu.dma_semaphore, #tpu.memory_space<semaphore_mem>>) src(%dma_wait3A_75 : memref<80x128xi32, #tpu.memory_space<hbm>>) dst(%arg8 : memref<80x128xi32, #tpu.memory_space<vmem>>)
      tpu.yield
    }) : () -> ()
    "tpu.region"() ({
      %run_scoped3A_59 = tpu.sem_alloc : memref<!tpu.dma_semaphore, #tpu.memory_space<semaphore_mem>>
      %dma_start3A_60 = arith.constant 0 : i32
      %dma_start3A_61 = arith.constant 0 : i32
      %dma_start3A_62 = tpu.memref_slice %arg4[%add3A, %dma_start3A_60, %dma_start3A_61] : memref<32x80x128xi32, #tpu.memory_space<hbm>> -> memref<1x80x128xi32, #tpu.memory_space<hbm>>
      %dma_start3A_63 = tpu.memref_squeeze %dma_start3A_62 : memref<1x80x128xi32, #tpu.memory_space<hbm>> -> memref<80x128xi32, #tpu.memory_space<hbm>>
      %dma_start3A_64 = arith.constant 0 : i32
      %dma_start3A_65 = arith.constant 0 : i32
      %dma_start3A_66 = tpu.memref_slice %arg4[%add3A, %dma_start3A_64, %dma_start3A_65] : memref<32x80x128xi32, #tpu.memory_space<hbm>> -> memref<1x80x128xi32, #tpu.memory_space<hbm>>
      %dma_start3A_67 = tpu.memref_squeeze %dma_start3A_66 : memref<1x80x128xi32, #tpu.memory_space<hbm>> -> memref<80x128xi32, #tpu.memory_space<hbm>>
      tpu.enqueue_dma source(%dma_start3A_67 : memref<80x128xi32, #tpu.memory_space<hbm>>) target(%arg9 : memref<80x128xi32, #tpu.memory_space<vmem>>) target_semaphore(%run_scoped3A_59 : memref<!tpu.dma_semaphore, #tpu.memory_space<semaphore_mem>>)
      %dma_wait3A_68 = arith.constant 0 : i32
      %dma_wait3A_69 = arith.constant 0 : i32
      %dma_wait3A_70 = tpu.memref_slice %arg4[%add3A, %dma_wait3A_68, %dma_wait3A_69] : memref<32x80x128xi32, #tpu.memory_space<hbm>> -> memref<1x80x128xi32, #tpu.memory_space<hbm>>
      %dma_wait3A_71 = tpu.memref_squeeze %dma_wait3A_70 : memref<1x80x128xi32, #tpu.memory_space<hbm>> -> memref<80x128xi32, #tpu.memory_space<hbm>>
      %dma_wait3A_72 = arith.constant 0 : i32
      %dma_wait3A_73 = arith.constant 0 : i32
      %dma_wait3A_74 = tpu.memref_slice %arg4[%add3A, %dma_wait3A_72, %dma_wait3A_73] : memref<32x80x128xi32, #tpu.memory_space<hbm>> -> memref<1x80x128xi32, #tpu.memory_space<hbm>>
      %dma_wait3A_75 = tpu.memref_squeeze %dma_wait3A_74 : memref<1x80x128xi32, #tpu.memory_space<hbm>> -> memref<80x128xi32, #tpu.memory_space<hbm>>
      tpu.wait_dma2 semaphore(%run_scoped3A_59 : memref<!tpu.dma_semaphore, #tpu.memory_space<semaphore_mem>>) src(%dma_wait3A_75 : memref<80x128xi32, #tpu.memory_space<hbm>>) dst(%arg9 : memref<80x128xi32, #tpu.memory_space<vmem>>)
      tpu.yield
    }) : () -> ()
    %barrier3A = arith.constant 0 : index
    tpu.barrier barrier_id(%barrier3A)
    %dma_start3A = arith.constant 0 : i32
    %dma_start3A_9 = arith.constant 0 : i32
    %dma_start3A_10 = tpu.memref_slice %arg8[%dma_start3A, %dma_start3A_9] : memref<80x128xi32, #tpu.memory_space<vmem>> -> memref<1x128xi32, #tpu.memory_space<vmem>>
    %dma_start3A_11 = tpu.memref_squeeze %dma_start3A_10 : memref<1x128xi32, #tpu.memory_space<vmem>> -> memref<128xi32, #tpu.memory_space<vmem>>
    %dma_start3A_12 = arith.constant 0 : i32
    %dma_start3A_13 = arith.constant 0 : i32
    %dma_start3A_14 = tpu.memref_slice %arg2[%dma_start3A_12, %dma_start3A_13] : memref<10000x32xf32, #tpu.memory_space<hbm>> -> memref<10000x32xf32, #tpu.memory_space<hbm>>
    tpu.enqueue_indirect_dma source(%dma_start3A_14 : memref<10000x32xf32, #tpu.memory_space<hbm>>) target(%arg10 : memref<128x32xf32, #tpu.memory_space<vmem>>) offsets(%dma_start3A_11 : memref<128xi32, #tpu.memory_space<vmem>>) semaphore(%arg15 : memref<!tpu.dma_semaphore, #tpu.memory_space<semaphore_mem>>)
    %dma_start3A_15 = arith.constant 79 : i32
    %dma_start3A_16 = arith.constant 0 : i32
    %dma_start3A_17 = arith.constant 0 : i32
    %dma_start3A_18 = tpu.memref_slice %arg7[%dma_start3A_16, %dma_start3A_17] : memref<632x32xf32, #tpu.memory_space<vmem>> -> memref<128x32xf32, #tpu.memory_space<vmem>>
    %dma_start3A_19 = arith.constant 0 : i32
    %dma_start3A_20 = tpu.memref_slice %arg9[%dma_start3A_15, %dma_start3A_19] : memref<80x128xi32, #tpu.memory_space<vmem>> -> memref<1x128xi32, #tpu.memory_space<vmem>>
    %dma_start3A_21 = tpu.memref_squeeze %dma_start3A_20 : memref<1x128xi32, #tpu.memory_space<vmem>> -> memref<128xi32, #tpu.memory_space<vmem>>
    %dma_start3A_22 = arith.constant 0 : i32
    %dma_start3A_23 = arith.constant 0 : i32
    %dma_start3A_24 = tpu.memref_slice %arg6[%dma_start3A_22, %dma_start3A_23] : memref<10112x32xf32, #tpu.memory_space<vmem_shared>> -> memref<10112x32xf32, #tpu.memory_space<vmem_shared>>
    tpu.enqueue_indirect_dma source(%dma_start3A_18 : memref<128x32xf32, #tpu.memory_space<vmem>>) target(%dma_start3A_24 : memref<10112x32xf32, #tpu.memory_space<vmem_shared>>) offsets(%dma_start3A_21 : memref<128xi32, #tpu.memory_space<vmem>>) semaphore(%arg18 : memref<!tpu.dma_semaphore, #tpu.memory_space<semaphore_mem>>) {add = true}
    %scan3A_25 = arith.constant 0 : i32
    %scan3A_26 = arith.constant 0 : i32
    %scan3A_27 = arith.constant 39 : i32
    %scan3A_28 = arith.addi %scan3A_26, %scan3A_27 : i32
    %scan3A_29 = arith.constant 1 : i32
    %scan3A_30 = scf.for %scan3A_59 = %scan3A_26 to %scan3A_28 step %scan3A_29 iter_args(%scan3A_60 = %scan3A_25) -> (i32)  : i32 {
      %mul3A_61 = arith.constant 2 : i32
      %mul3A_62 = arith.muli %mul3A_61, %scan3A_59 : i32
      %dma_wait3A_63 = arith.constant 0 : i32
      %dma_wait3A_64 = tpu.memref_slice %arg8[%mul3A_62, %dma_wait3A_63] : memref<80x128xi32, #tpu.memory_space<vmem>> -> memref<1x128xi32, #tpu.memory_space<vmem>>
      %dma_wait3A_65 = tpu.memref_squeeze %dma_wait3A_64 : memref<1x128xi32, #tpu.memory_space<vmem>> -> memref<128xi32, #tpu.memory_space<vmem>>
      %dma_wait3A_66 = arith.constant 0 : i32
      %dma_wait3A_67 = arith.constant 0 : i32
      %dma_wait3A_68 = tpu.memref_slice %arg2[%dma_wait3A_66, %dma_wait3A_67] : memref<10000x32xf32, #tpu.memory_space<hbm>> -> memref<10000x32xf32, #tpu.memory_space<hbm>>
      tpu.wait_indirect_dma semaphore(%arg15 : memref<!tpu.dma_semaphore, #tpu.memory_space<semaphore_mem>>) src(%dma_wait3A_68 : memref<10000x32xf32, #tpu.memory_space<hbm>>) dst(%arg10 : memref<128x32xf32, #tpu.memory_space<vmem>>)
      %sub3A = arith.constant 1 : i32
      %sub3A_69 = arith.subi %mul3A_62, %sub3A : i32
      %jit3A = arith.constant 80 : i32
      %eq3A_70 = arith.constant 0 : i32
      %eq3A_71 = arith.cmpi eq, %jit3A, %eq3A_70 : i32
      %jit3A_72 = arith.constant 1 : i32
      %select_n3A = arith.select %eq3A_71, %jit3A_72, %jit3A : i32
      %rem3A = arith.remsi %sub3A_69, %select_n3A : i32
      %ne3A = arith.constant 0 : i32
      %ne3A_73 = arith.cmpi ne, %rem3A, %ne3A : i32
      %lt3A = arith.constant 0 : i32
      %lt3A_74 = arith.cmpi slt, %rem3A, %lt3A : i32
      %lt3A_75 = arith.constant 0 : i32
      %lt3A_76 = arith.cmpi slt, %select_n3A, %lt3A_75 : i32
      %ne3A_77 = arith.xori %lt3A_74, %lt3A_76 : i1
      %and3A = arith.andi %ne3A_77, %ne3A_73 : i1
      %add3A_78 = arith.addi %rem3A, %select_n3A : i32
      %select_n3A_79 = arith.select %and3A, %add3A_78, %rem3A : i32
      %dma_wait3A_80 = arith.constant 0 : i32
      %dma_wait3A_81 = tpu.memref_slice %arg9[%select_n3A_79, %dma_wait3A_80] : memref<80x128xi32, #tpu.memory_space<vmem>> -> memref<1x128xi32, #tpu.memory_space<vmem>>
      %dma_wait3A_82 = tpu.memref_squeeze %dma_wait3A_81 : memref<1x128xi32, #tpu.memory_space<vmem>> -> memref<128xi32, #tpu.memory_space<vmem>>
      %dma_wait3A_83 = arith.constant 0 : i32
      %dma_wait3A_84 = arith.constant 0 : i32
      %dma_wait3A_85 = tpu.memref_slice %arg6[%dma_wait3A_83, %dma_wait3A_84] : memref<10112x32xf32, #tpu.memory_space<vmem_shared>> -> memref<10112x32xf32, #tpu.memory_space<vmem_shared>>
      tpu.wait_indirect_dma semaphore(%arg18 : memref<!tpu.dma_semaphore, #tpu.memory_space<semaphore_mem>>) src(%arg11 : memref<128x32xf32, #tpu.memory_space<vmem>>) dst(%dma_wait3A_85 : memref<10112x32xf32, #tpu.memory_space<vmem_shared>>)
      %add3A_86 = arith.constant 1 : i32
      %add3A_87 = arith.addi %mul3A_62, %add3A_86 : i32
      %dma_start3A_88 = arith.constant 0 : i32
      %dma_start3A_89 = tpu.memref_slice %arg8[%add3A_87, %dma_start3A_88] : memref<80x128xi32, #tpu.memory_space<vmem>> -> memref<1x128xi32, #tpu.memory_space<vmem>>
      %dma_start3A_90 = tpu.memref_squeeze %dma_start3A_89 : memref<1x128xi32, #tpu.memory_space<vmem>> -> memref<128xi32, #tpu.memory_space<vmem>>
      %dma_start3A_91 = arith.constant 0 : i32
      %dma_start3A_92 = arith.constant 0 : i32
      %dma_start3A_93 = tpu.memref_slice %arg2[%dma_start3A_91, %dma_start3A_92] : memref<10000x32xf32, #tpu.memory_space<hbm>> -> memref<10000x32xf32, #tpu.memory_space<hbm>>
      tpu.enqueue_indirect_dma source(%dma_start3A_93 : memref<10000x32xf32, #tpu.memory_space<hbm>>) target(%arg11 : memref<128x32xf32, #tpu.memory_space<vmem>>) offsets(%dma_start3A_90 : memref<128xi32, #tpu.memory_space<vmem>>) semaphore(%arg16 : memref<!tpu.dma_semaphore, #tpu.memory_space<semaphore_mem>>)
      %dma_start3A_94 = arith.constant 0 : i32
      %dma_start3A_95 = tpu.memref_slice %arg9[%mul3A_62, %dma_start3A_94] : memref<80x128xi32, #tpu.memory_space<vmem>> -> memref<1x128xi32, #tpu.memory_space<vmem>>
      %dma_start3A_96 = tpu.memref_squeeze %dma_start3A_95 : memref<1x128xi32, #tpu.memory_space<vmem>> -> memref<128xi32, #tpu.memory_space<vmem>>
      %dma_start3A_97 = arith.constant 0 : i32
      %dma_start3A_98 = arith.constant 0 : i32
      %dma_start3A_99 = tpu.memref_slice %arg6[%dma_start3A_97, %dma_start3A_98] : memref<10112x32xf32, #tpu.memory_space<vmem_shared>> -> memref<10112x32xf32, #tpu.memory_space<vmem_shared>>
      tpu.enqueue_indirect_dma source(%arg10 : memref<128x32xf32, #tpu.memory_space<vmem>>) target(%dma_start3A_99 : memref<10112x32xf32, #tpu.memory_space<vmem_shared>>) offsets(%dma_start3A_96 : memref<128xi32, #tpu.memory_space<vmem>>) semaphore(%arg17 : memref<!tpu.dma_semaphore, #tpu.memory_space<semaphore_mem>>) {add = true}
      %add3A_100 = arith.constant 1 : i32
      %add3A_101 = arith.addi %mul3A_62, %add3A_100 : i32
      %dma_wait3A_102 = arith.constant 0 : i32
      %dma_wait3A_103 = tpu.memref_slice %arg8[%add3A_101, %dma_wait3A_102] : memref<80x128xi32, #tpu.memory_space<vmem>> -> memref<1x128xi32, #tpu.memory_space<vmem>>
      %dma_wait3A_104 = tpu.memref_squeeze %dma_wait3A_103 : memref<1x128xi32, #tpu.memory_space<vmem>> -> memref<128xi32, #tpu.memory_space<vmem>>
      %dma_wait3A_105 = arith.constant 0 : i32
      %dma_wait3A_106 = arith.constant 0 : i32
      %dma_wait3A_107 = tpu.memref_slice %arg2[%dma_wait3A_105, %dma_wait3A_106] : memref<10000x32xf32, #tpu.memory_space<hbm>> -> memref<10000x32xf32, #tpu.memory_space<hbm>>
      tpu.wait_indirect_dma semaphore(%arg16 : memref<!tpu.dma_semaphore, #tpu.memory_space<semaphore_mem>>) src(%dma_wait3A_107 : memref<10000x32xf32, #tpu.memory_space<hbm>>) dst(%arg11 : memref<128x32xf32, #tpu.memory_space<vmem>>)
      %dma_wait3A_108 = arith.constant 0 : i32
      %dma_wait3A_109 = tpu.memref_slice %arg9[%mul3A_62, %dma_wait3A_108] : memref<80x128xi32, #tpu.memory_space<vmem>> -> memref<1x128xi32, #tpu.memory_space<vmem>>
      %dma_wait3A_110 = tpu.memref_squeeze %dma_wait3A_109 : memref<1x128xi32, #tpu.memory_space<vmem>> -> memref<128xi32, #tpu.memory_space<vmem>>
      %dma_wait3A_111 = arith.constant 0 : i32
      %dma_wait3A_112 = arith.constant 0 : i32
      %dma_wait3A_113 = tpu.memref_slice %arg6[%dma_wait3A_111, %dma_wait3A_112] : memref<10112x32xf32, #tpu.memory_space<vmem_shared>> -> memref<10112x32xf32, #tpu.memory_space<vmem_shared>>
      tpu.wait_indirect_dma semaphore(%arg17 : memref<!tpu.dma_semaphore, #tpu.memory_space<semaphore_mem>>) src(%arg10 : memref<128x32xf32, #tpu.memory_space<vmem>>) dst(%dma_wait3A_113 : memref<10112x32xf32, #tpu.memory_space<vmem_shared>>)
      %add3A_114 = arith.constant 2 : i32
      %add3A_115 = arith.addi %mul3A_62, %add3A_114 : i32
      %dma_start3A_116 = arith.constant 0 : i32
      %dma_start3A_117 = tpu.memref_slice %arg8[%add3A_115, %dma_start3A_116] : memref<80x128xi32, #tpu.memory_space<vmem>> -> memref<1x128xi32, #tpu.memory_space<vmem>>
      %dma_start3A_118 = tpu.memref_squeeze %dma_start3A_117 : memref<1x128xi32, #tpu.memory_space<vmem>> -> memref<128xi32, #tpu.memory_space<vmem>>
      %dma_start3A_119 = arith.constant 0 : i32
      %dma_start3A_120 = arith.constant 0 : i32
      %dma_start3A_121 = tpu.memref_slice %arg2[%dma_start3A_119, %dma_start3A_120] : memref<10000x32xf32, #tpu.memory_space<hbm>> -> memref<10000x32xf32, #tpu.memory_space<hbm>>
      tpu.enqueue_indirect_dma source(%dma_start3A_121 : memref<10000x32xf32, #tpu.memory_space<hbm>>) target(%arg10 : memref<128x32xf32, #tpu.memory_space<vmem>>) offsets(%dma_start3A_118 : memref<128xi32, #tpu.memory_space<vmem>>) semaphore(%arg15 : memref<!tpu.dma_semaphore, #tpu.memory_space<semaphore_mem>>)
      %add3A_122 = arith.constant 1 : i32
      %add3A_123 = arith.addi %mul3A_62, %add3A_122 : i32
      %dma_start3A_124 = arith.constant 0 : i32
      %dma_start3A_125 = tpu.memref_slice %arg9[%add3A_123, %dma_start3A_124] : memref<80x128xi32, #tpu.memory_space<vmem>> -> memref<1x128xi32, #tpu.memory_space<vmem>>
      %dma_start3A_126 = tpu.memref_squeeze %dma_start3A_125 : memref<1x128xi32, #tpu.memory_space<vmem>> -> memref<128xi32, #tpu.memory_space<vmem>>
      %dma_start3A_127 = arith.constant 0 : i32
      %dma_start3A_128 = arith.constant 0 : i32
      %dma_start3A_129 = tpu.memref_slice %arg6[%dma_start3A_127, %dma_start3A_128] : memref<10112x32xf32, #tpu.memory_space<vmem_shared>> -> memref<10112x32xf32, #tpu.memory_space<vmem_shared>>
      tpu.enqueue_indirect_dma source(%arg11 : memref<128x32xf32, #tpu.memory_space<vmem>>) target(%dma_start3A_129 : memref<10112x32xf32, #tpu.memory_space<vmem_shared>>) offsets(%dma_start3A_126 : memref<128xi32, #tpu.memory_space<vmem>>) semaphore(%arg18 : memref<!tpu.dma_semaphore, #tpu.memory_space<semaphore_mem>>) {add = true}
      %scan3A_130 = arith.constant 0 : i32
      scf.yield %scan3A_130 : i32
    }
    %scan3A_31 = arith.constant 39 : i32
    %dma_wait3A = arith.constant 78 : i32
    %dma_wait3A_32 = arith.constant 0 : i32
    %dma_wait3A_33 = tpu.memref_slice %arg8[%dma_wait3A, %dma_wait3A_32] : memref<80x128xi32, #tpu.memory_space<vmem>> -> memref<1x128xi32, #tpu.memory_space<vmem>>
    %dma_wait3A_34 = tpu.memref_squeeze %dma_wait3A_33 : memref<1x128xi32, #tpu.memory_space<vmem>> -> memref<128xi32, #tpu.memory_space<vmem>>
    %dma_wait3A_35 = arith.constant 0 : i32
    %dma_wait3A_36 = arith.constant 0 : i32
    %dma_wait3A_37 = tpu.memref_slice %arg2[%dma_wait3A_35, %dma_wait3A_36] : memref<10000x32xf32, #tpu.memory_space<hbm>> -> memref<10000x32xf32, #tpu.memory_space<hbm>>
    tpu.wait_indirect_dma semaphore(%arg15 : memref<!tpu.dma_semaphore, #tpu.memory_space<semaphore_mem>>) src(%dma_wait3A_37 : memref<10000x32xf32, #tpu.memory_space<hbm>>) dst(%arg10 : memref<128x32xf32, #tpu.memory_space<vmem>>)
    %dma_wait3A_38 = arith.constant 77 : i32
    %dma_wait3A_39 = arith.constant 0 : i32
    %dma_wait3A_40 = tpu.memref_slice %arg9[%dma_wait3A_38, %dma_wait3A_39] : memref<80x128xi32, #tpu.memory_space<vmem>> -> memref<1x128xi32, #tpu.memory_space<vmem>>
    %dma_wait3A_41 = tpu.memref_squeeze %dma_wait3A_40 : memref<1x128xi32, #tpu.memory_space<vmem>> -> memref<128xi32, #tpu.memory_space<vmem>>
    %dma_wait3A_42 = arith.constant 0 : i32
    %dma_wait3A_43 = arith.constant 0 : i32
    %dma_wait3A_44 = tpu.memref_slice %arg6[%dma_wait3A_42, %dma_wait3A_43] : memref<10112x32xf32, #tpu.memory_space<vmem_shared>> -> memref<10112x32xf32, #tpu.memory_space<vmem_shared>>
    tpu.wait_indirect_dma semaphore(%arg18 : memref<!tpu.dma_semaphore, #tpu.memory_space<semaphore_mem>>) src(%arg11 : memref<128x32xf32, #tpu.memory_space<vmem>>) dst(%dma_wait3A_44 : memref<10112x32xf32, #tpu.memory_space<vmem_shared>>)
    %run_scoped3A = arith.constant 78 : i32
    "tpu.region"() ({
      %run_scoped3A_59 = tpu.sem_alloc : memref<!tpu.dma_semaphore, #tpu.memory_space<semaphore_mem>>
      %dma_start3A_60 = arith.constant 0 : i32
      %dma_start3A_61 = tpu.memref_slice %arg3[%add3A, %run_scoped3A, %dma_start3A_60] : memref<32x80x128xi32, #tpu.memory_space<hbm>> -> memref<1x1x16xi32, #tpu.memory_space<hbm>>
      %dma_start3A_62 = tpu.memref_squeeze %dma_start3A_61 : memref<1x1x16xi32, #tpu.memory_space<hbm>> -> memref<16xi32, #tpu.memory_space<hbm>>
      %dma_start3A_63 = arith.constant 0 : i32
      %dma_start3A_64 = tpu.memref_slice %arg3[%add3A, %run_scoped3A, %dma_start3A_63] : memref<32x80x128xi32, #tpu.memory_space<hbm>> -> memref<1x1x16xi32, #tpu.memory_space<hbm>>
      %dma_start3A_65 = tpu.memref_squeeze %dma_start3A_64 : memref<1x1x16xi32, #tpu.memory_space<hbm>> -> memref<16xi32, #tpu.memory_space<hbm>>
      tpu.enqueue_dma source(%dma_start3A_65 : memref<16xi32, #tpu.memory_space<hbm>>) target(%arg12 : memref<16xi32, #tpu.memory_space<vmem>>) target_semaphore(%run_scoped3A_59 : memref<!tpu.dma_semaphore, #tpu.memory_space<semaphore_mem>>)
      %dma_wait3A_66 = arith.constant 0 : i32
      %dma_wait3A_67 = tpu.memref_slice %arg3[%add3A, %run_scoped3A, %dma_wait3A_66] : memref<32x80x128xi32, #tpu.memory_space<hbm>> -> memref<1x1x16xi32, #tpu.memory_space<hbm>>
      %dma_wait3A_68 = tpu.memref_squeeze %dma_wait3A_67 : memref<1x1x16xi32, #tpu.memory_space<hbm>> -> memref<16xi32, #tpu.memory_space<hbm>>
      %dma_wait3A_69 = arith.constant 0 : i32
      %dma_wait3A_70 = tpu.memref_slice %arg3[%add3A, %run_scoped3A, %dma_wait3A_69] : memref<32x80x128xi32, #tpu.memory_space<hbm>> -> memref<1x1x16xi32, #tpu.memory_space<hbm>>
      %dma_wait3A_71 = tpu.memref_squeeze %dma_wait3A_70 : memref<1x1x16xi32, #tpu.memory_space<hbm>> -> memref<16xi32, #tpu.memory_space<hbm>>
      tpu.wait_dma2 semaphore(%run_scoped3A_59 : memref<!tpu.dma_semaphore, #tpu.memory_space<semaphore_mem>>) src(%dma_wait3A_71 : memref<16xi32, #tpu.memory_space<hbm>>) dst(%arg12 : memref<16xi32, #tpu.memory_space<vmem>>)
      tpu.yield
    }) : () -> ()
    %run_scoped3A_45 = arith.constant 78 : i32
    "tpu.region"() ({
      %run_scoped3A_59 = tpu.sem_alloc : memref<!tpu.dma_semaphore, #tpu.memory_space<semaphore_mem>>
      %dma_start3A_60 = arith.constant 0 : i32
      %dma_start3A_61 = tpu.memref_slice %arg4[%add3A, %run_scoped3A_45, %dma_start3A_60] : memref<32x80x128xi32, #tpu.memory_space<hbm>> -> memref<1x1x16xi32, #tpu.memory_space<hbm>>
      %dma_start3A_62 = tpu.memref_squeeze %dma_start3A_61 : memref<1x1x16xi32, #tpu.memory_space<hbm>> -> memref<16xi32, #tpu.memory_space<hbm>>
      %dma_start3A_63 = arith.constant 0 : i32
      %dma_start3A_64 = tpu.memref_slice %arg4[%add3A, %run_scoped3A_45, %dma_start3A_63] : memref<32x80x128xi32, #tpu.memory_space<hbm>> -> memref<1x1x16xi32, #tpu.memory_space<hbm>>
      %dma_start3A_65 = tpu.memref_squeeze %dma_start3A_64 : memref<1x1x16xi32, #tpu.memory_space<hbm>> -> memref<16xi32, #tpu.memory_space<hbm>>
      tpu.enqueue_dma source(%dma_start3A_65 : memref<16xi32, #tpu.memory_space<hbm>>) target(%arg13 : memref<16xi32, #tpu.memory_space<vmem>>) target_semaphore(%run_scoped3A_59 : memref<!tpu.dma_semaphore, #tpu.memory_space<semaphore_mem>>)
      %dma_wait3A_66 = arith.constant 0 : i32
      %dma_wait3A_67 = tpu.memref_slice %arg4[%add3A, %run_scoped3A_45, %dma_wait3A_66] : memref<32x80x128xi32, #tpu.memory_space<hbm>> -> memref<1x1x16xi32, #tpu.memory_space<hbm>>
      %dma_wait3A_68 = tpu.memref_squeeze %dma_wait3A_67 : memref<1x1x16xi32, #tpu.memory_space<hbm>> -> memref<16xi32, #tpu.memory_space<hbm>>
      %dma_wait3A_69 = arith.constant 0 : i32
      %dma_wait3A_70 = tpu.memref_slice %arg4[%add3A, %run_scoped3A_45, %dma_wait3A_69] : memref<32x80x128xi32, #tpu.memory_space<hbm>> -> memref<1x1x16xi32, #tpu.memory_space<hbm>>
      %dma_wait3A_71 = tpu.memref_squeeze %dma_wait3A_70 : memref<1x1x16xi32, #tpu.memory_space<hbm>> -> memref<16xi32, #tpu.memory_space<hbm>>
      tpu.wait_dma2 semaphore(%run_scoped3A_59 : memref<!tpu.dma_semaphore, #tpu.memory_space<semaphore_mem>>) src(%dma_wait3A_71 : memref<16xi32, #tpu.memory_space<hbm>>) dst(%arg13 : memref<16xi32, #tpu.memory_space<vmem>>)
      tpu.yield
    }) : () -> ()
    %dma_start3A_46 = arith.constant 0 : i32
    %dma_start3A_47 = arith.constant 0 : i32
    %dma_start3A_48 = tpu.memref_slice %arg2[%dma_start3A_46, %dma_start3A_47] : memref<10000x32xf32, #tpu.memory_space<hbm>> -> memref<10000x32xf32, #tpu.memory_space<hbm>>
    tpu.enqueue_indirect_dma source(%dma_start3A_48 : memref<10000x32xf32, #tpu.memory_space<hbm>>) target(%arg14 : memref<16x32xf32, #tpu.memory_space<vmem>>) offsets(%arg12 : memref<16xi32, #tpu.memory_space<vmem>>) semaphore(%arg16 : memref<!tpu.dma_semaphore, #tpu.memory_space<semaphore_mem>>)
    %dma_wait3A_49 = arith.constant 0 : i32
    %dma_wait3A_50 = arith.constant 0 : i32
    %dma_wait3A_51 = tpu.memref_slice %arg2[%dma_wait3A_49, %dma_wait3A_50] : memref<10000x32xf32, #tpu.memory_space<hbm>> -> memref<10000x32xf32, #tpu.memory_space<hbm>>
    tpu.wait_indirect_dma semaphore(%arg16 : memref<!tpu.dma_semaphore, #tpu.memory_space<semaphore_mem>>) src(%dma_wait3A_51 : memref<10000x32xf32, #tpu.memory_space<hbm>>) dst(%arg14 : memref<16x32xf32, #tpu.memory_space<vmem>>)
    "tpu.region"() ({
      %run_scoped3A_59 = tpu.sem_alloc : memref<!tpu.dma_semaphore, #tpu.memory_space<semaphore_mem>>
      %dma_start3A_60 = arith.constant 0 : i32
      %dma_start3A_61 = arith.constant 0 : i32
      %dma_start3A_62 = tpu.memref_slice %arg6[%dma_start3A_60, %dma_start3A_61] : memref<10112x32xf32, #tpu.memory_space<vmem_shared>> -> memref<10112x32xf32, #tpu.memory_space<vmem_shared>>
      tpu.enqueue_indirect_dma source(%arg14 : memref<16x32xf32, #tpu.memory_space<vmem>>) target(%dma_start3A_62 : memref<10112x32xf32, #tpu.memory_space<vmem_shared>>) offsets(%arg13 : memref<16xi32, #tpu.memory_space<vmem>>) semaphore(%run_scoped3A_59 : memref<!tpu.dma_semaphore, #tpu.memory_space<semaphore_mem>>) {add = true}
      %dma_wait3A_63 = arith.constant 0 : i32
      %dma_wait3A_64 = arith.constant 0 : i32
      %dma_wait3A_65 = tpu.memref_slice %arg6[%dma_wait3A_63, %dma_wait3A_64] : memref<10112x32xf32, #tpu.memory_space<vmem_shared>> -> memref<10112x32xf32, #tpu.memory_space<vmem_shared>>
      tpu.wait_indirect_dma semaphore(%run_scoped3A_59 : memref<!tpu.dma_semaphore, #tpu.memory_space<semaphore_mem>>) src(%arg14 : memref<16x32xf32, #tpu.memory_space<vmem>>) dst(%dma_wait3A_65 : memref<10112x32xf32, #tpu.memory_space<vmem_shared>>)
      tpu.yield
    }) : () -> ()
    %barrier3A_52 = arith.constant 0 : index
    tpu.barrier barrier_id(%barrier3A_52)
    %mul3A_53 = arith.constant 624 : i32
    %mul3A_54 = arith.muli %arg1, %mul3A_53 : i32
    "tpu.region"() ({
      %run_scoped3A_59 = tpu.sem_alloc : memref<!tpu.dma_semaphore, #tpu.memory_space<semaphore_mem>>
      %dma_start3A_60 = arith.constant 0 : i32
      %dma_start3A_61 = arith.constant 0 : i32
      %dma_start3A_62 = tpu.memref_slice %arg7[%dma_start3A_60, %dma_start3A_61] : memref<632x32xf32, #tpu.memory_space<vmem>> -> memref<624x32xf32, #tpu.memory_space<vmem>>
      %dma_start3A_63 = arith.constant 0 : i32
      %dma_start3A_64 = tpu.memref_slice %arg6[%mul3A_54, %dma_start3A_63] : memref<10112x32xf32, #tpu.memory_space<vmem_shared>> -> memref<624x32xf32, #tpu.memory_space<vmem_shared>>
      %dma_start3A_65 = arith.constant 0 : i32
      %dma_start3A_66 = arith.constant 0 : i32
      %dma_start3A_67 = tpu.memref_slice %arg7[%dma_start3A_65, %dma_start3A_66] : memref<632x32xf32, #tpu.memory_space<vmem>> -> memref<624x32xf32, #tpu.memory_space<vmem>>
      %dma_start3A_68 = arith.constant 0 : i32
      %dma_start3A_69 = tpu.memref_slice %arg6[%mul3A_54, %dma_start3A_68] : memref<10112x32xf32, #tpu.memory_space<vmem_shared>> -> memref<624x32xf32, #tpu.memory_space<vmem_shared>>
      tpu.enqueue_dma source(%dma_start3A_69 : memref<624x32xf32, #tpu.memory_space<vmem_shared>>) target(%dma_start3A_67 : memref<624x32xf32, #tpu.memory_space<vmem>>) target_semaphore(%run_scoped3A_59 : memref<!tpu.dma_semaphore, #tpu.memory_space<semaphore_mem>>)
      %dma_wait3A_70 = arith.constant 0 : i32
      %dma_wait3A_71 = arith.constant 0 : i32
      %dma_wait3A_72 = tpu.memref_slice %arg7[%dma_wait3A_70, %dma_wait3A_71] : memref<632x32xf32, #tpu.memory_space<vmem>> -> memref<624x32xf32, #tpu.memory_space<vmem>>
      %dma_wait3A_73 = arith.constant 0 : i32
      %dma_wait3A_74 = tpu.memref_slice %arg6[%mul3A_54, %dma_wait3A_73] : memref<10112x32xf32, #tpu.memory_space<vmem_shared>> -> memref<624x32xf32, #tpu.memory_space<vmem_shared>>
      %dma_wait3A_75 = arith.constant 0 : i32
      %dma_wait3A_76 = arith.constant 0 : i32
      %dma_wait3A_77 = tpu.memref_slice %arg7[%dma_wait3A_75, %dma_wait3A_76] : memref<632x32xf32, #tpu.memory_space<vmem>> -> memref<624x32xf32, #tpu.memory_space<vmem>>
      %dma_wait3A_78 = arith.constant 0 : i32
      %dma_wait3A_79 = tpu.memref_slice %arg6[%mul3A_54, %dma_wait3A_78] : memref<10112x32xf32, #tpu.memory_space<vmem_shared>> -> memref<624x32xf32, #tpu.memory_space<vmem_shared>>
      tpu.wait_dma2 semaphore(%run_scoped3A_59 : memref<!tpu.dma_semaphore, #tpu.memory_space<semaphore_mem>>) src(%dma_wait3A_79 : memref<624x32xf32, #tpu.memory_space<vmem_shared>>) dst(%dma_wait3A_77 : memref<624x32xf32, #tpu.memory_space<vmem>>)
      tpu.yield
    }) : () -> ()
    %mul3A_55 = arith.constant 624 : i32
    %mul3A_56 = arith.muli %arg1, %mul3A_55 : i32
    "tpu.region"() ({
      %run_scoped3A_59 = tpu.sem_alloc : memref<!tpu.dma_semaphore, #tpu.memory_space<semaphore_mem>>
      %dma_start3A_60 = arith.constant 0 : i32
      %dma_start3A_61 = arith.constant 0 : i32
      %dma_start3A_62 = tpu.memref_slice %arg7[%dma_start3A_60, %dma_start3A_61] : memref<632x32xf32, #tpu.memory_space<vmem>> -> memref<624x32xf32, #tpu.memory_space<vmem>>
      %dma_start3A_63 = arith.constant 0 : i32
      %dma_start3A_64 = tpu.memref_slice %arg5[%arg0, %mul3A_56, %dma_start3A_63] : memref<2x10000x32xf32, #tpu.memory_space<hbm>> -> memref<1x624x32xf32, #tpu.memory_space<hbm>>
      %dma_start3A_65 = tpu.memref_squeeze %dma_start3A_64 : memref<1x624x32xf32, #tpu.memory_space<hbm>> -> memref<624x32xf32, #tpu.memory_space<hbm>>
      %dma_start3A_66 = arith.constant 0 : i32
      %dma_start3A_67 = tpu.memref_slice %arg5[%arg0, %mul3A_56, %dma_start3A_66] : memref<2x10000x32xf32, #tpu.memory_space<hbm>> -> memref<1x624x32xf32, #tpu.memory_space<hbm>>
      %dma_start3A_68 = tpu.memref_squeeze %dma_start3A_67 : memref<1x624x32xf32, #tpu.memory_space<hbm>> -> memref<624x32xf32, #tpu.memory_space<hbm>>
      %dma_start3A_69 = arith.constant 0 : i32
      %dma_start3A_70 = arith.constant 0 : i32
      %dma_start3A_71 = tpu.memref_slice %arg7[%dma_start3A_69, %dma_start3A_70] : memref<632x32xf32, #tpu.memory_space<vmem>> -> memref<624x32xf32, #tpu.memory_space<vmem>>
      tpu.enqueue_dma source(%dma_start3A_71 : memref<624x32xf32, #tpu.memory_space<vmem>>) target(%dma_start3A_68 : memref<624x32xf32, #tpu.memory_space<hbm>>) target_semaphore(%run_scoped3A_59 : memref<!tpu.dma_semaphore, #tpu.memory_space<semaphore_mem>>)
      %dma_wait3A_72 = arith.constant 0 : i32
      %dma_wait3A_73 = arith.constant 0 : i32
      %dma_wait3A_74 = tpu.memref_slice %arg7[%dma_wait3A_72, %dma_wait3A_73] : memref<632x32xf32, #tpu.memory_space<vmem>> -> memref<624x32xf32, #tpu.memory_space<vmem>>
      %dma_wait3A_75 = arith.constant 0 : i32
      %dma_wait3A_76 = tpu.memref_slice %arg5[%arg0, %mul3A_56, %dma_wait3A_75] : memref<2x10000x32xf32, #tpu.memory_space<hbm>> -> memref<1x624x32xf32, #tpu.memory_space<hbm>>
      %dma_wait3A_77 = tpu.memref_squeeze %dma_wait3A_76 : memref<1x624x32xf32, #tpu.memory_space<hbm>> -> memref<624x32xf32, #tpu.memory_space<hbm>>
      %dma_wait3A_78 = arith.constant 0 : i32
      %dma_wait3A_79 = tpu.memref_slice %arg5[%arg0, %mul3A_56, %dma_wait3A_78] : memref<2x10000x32xf32, #tpu.memory_space<hbm>> -> memref<1x624x32xf32, #tpu.memory_space<hbm>>
      %dma_wait3A_80 = tpu.memref_squeeze %dma_wait3A_79 : memref<1x624x32xf32, #tpu.memory_space<hbm>> -> memref<624x32xf32, #tpu.memory_space<hbm>>
      %dma_wait3A_81 = arith.constant 0 : i32
      %dma_wait3A_82 = arith.constant 0 : i32
      %dma_wait3A_83 = tpu.memref_slice %arg7[%dma_wait3A_81, %dma_wait3A_82] : memref<632x32xf32, #tpu.memory_space<vmem>> -> memref<624x32xf32, #tpu.memory_space<vmem>>
      tpu.wait_dma2 semaphore(%run_scoped3A_59 : memref<!tpu.dma_semaphore, #tpu.memory_space<semaphore_mem>>) src(%dma_wait3A_83 : memref<624x32xf32, #tpu.memory_space<vmem>>) dst(%dma_wait3A_80 : memref<624x32xf32, #tpu.memory_space<hbm>>)
      tpu.yield
    }) : () -> ()
    %eq3A = arith.constant 0 : i32
    %eq3A_57 = arith.cmpi eq, %arg1, %eq3A : i32
    %convert_element_type3A = arith.extui %eq3A_57 : i1 to i32
    %cond3A = arith.constant 0 : i32
    %cond3A_58 = arith.cmpi ne, %convert_element_type3A, %cond3A : i32
    scf.if %cond3A_58 {
      "tpu.region"() ({
        %run_scoped3A_59 = tpu.sem_alloc : memref<!tpu.dma_semaphore, #tpu.memory_space<semaphore_mem>>
        %dma_start3A_60 = arith.constant 9984 : i32
        %dma_start3A_61 = arith.constant 0 : i32
        %dma_start3A_62 = tpu.memref_slice %arg6[%dma_start3A_60, %dma_start3A_61] : memref<10112x32xf32, #tpu.memory_space<vmem_shared>> -> memref<16x32xf32, #tpu.memory_space<vmem_shared>>
        %dma_start3A_63 = arith.constant 9984 : i32
        %dma_start3A_64 = arith.constant 0 : i32
        %dma_start3A_65 = tpu.memref_slice %arg6[%dma_start3A_63, %dma_start3A_64] : memref<10112x32xf32, #tpu.memory_space<vmem_shared>> -> memref<16x32xf32, #tpu.memory_space<vmem_shared>>
        tpu.enqueue_dma source(%dma_start3A_65 : memref<16x32xf32, #tpu.memory_space<vmem_shared>>) target(%arg14 : memref<16x32xf32, #tpu.memory_space<vmem>>) target_semaphore(%run_scoped3A_59 : memref<!tpu.dma_semaphore, #tpu.memory_space<semaphore_mem>>)
        %dma_wait3A_66 = arith.constant 9984 : i32
        %dma_wait3A_67 = arith.constant 0 : i32
        %dma_wait3A_68 = tpu.memref_slice %arg6[%dma_wait3A_66, %dma_wait3A_67] : memref<10112x32xf32, #tpu.memory_space<vmem_shared>> -> memref<16x32xf32, #tpu.memory_space<vmem_shared>>
        %dma_wait3A_69 = arith.constant 9984 : i32
        %dma_wait3A_70 = arith.constant 0 : i32
        %dma_wait3A_71 = tpu.memref_slice %arg6[%dma_wait3A_69, %dma_wait3A_70] : memref<10112x32xf32, #tpu.memory_space<vmem_shared>> -> memref<16x32xf32, #tpu.memory_space<vmem_shared>>
        tpu.wait_dma2 semaphore(%run_scoped3A_59 : memref<!tpu.dma_semaphore, #tpu.memory_space<semaphore_mem>>) src(%dma_wait3A_71 : memref<16x32xf32, #tpu.memory_space<vmem_shared>>) dst(%arg14 : memref<16x32xf32, #tpu.memory_space<vmem>>)
        tpu.yield
      }) : () -> ()
      "tpu.region"() ({
        %run_scoped3A_59 = tpu.sem_alloc : memref<!tpu.dma_semaphore, #tpu.memory_space<semaphore_mem>>
        %dma_start3A_60 = arith.constant 9984 : i32
        %dma_start3A_61 = arith.constant 0 : i32
        %dma_start3A_62 = tpu.memref_slice %arg5[%arg0, %dma_start3A_60, %dma_start3A_61] : memref<2x10000x32xf32, #tpu.memory_space<hbm>> -> memref<1x16x32xf32, #tpu.memory_space<hbm>>
        %dma_start3A_63 = tpu.memref_squeeze %dma_start3A_62 : memref<1x16x32xf32, #tpu.memory_space<hbm>> -> memref<16x32xf32, #tpu.memory_space<hbm>>
        %dma_start3A_64 = arith.constant 9984 : i32
        %dma_start3A_65 = arith.constant 0 : i32
        %dma_start3A_66 = tpu.memref_slice %arg5[%arg0, %dma_start3A_64, %dma_start3A_65] : memref<2x10000x32xf32, #tpu.memory_space<hbm>> -> memref<1x16x32xf32, #tpu.memory_space<hbm>>
        %dma_start3A_67 = tpu.memref_squeeze %dma_start3A_66 : memref<1x16x32xf32, #tpu.memory_space<hbm>> -> memref<16x32xf32, #tpu.memory_space<hbm>>
        tpu.enqueue_dma source(%arg14 : memref<16x32xf32, #tpu.memory_space<vmem>>) target(%dma_start3A_67 : memref<16x32xf32, #tpu.memory_space<hbm>>) target_semaphore(%run_scoped3A_59 : memref<!tpu.dma_semaphore, #tpu.memory_space<semaphore_mem>>)
        %dma_wait3A_68 = arith.constant 9984 : i32
        %dma_wait3A_69 = arith.constant 0 : i32
        %dma_wait3A_70 = tpu.memref_slice %arg5[%arg0, %dma_wait3A_68, %dma_wait3A_69] : memref<2x10000x32xf32, #tpu.memory_space<hbm>> -> memref<1x16x32xf32, #tpu.memory_space<hbm>>
        %dma_wait3A_71 = tpu.memref_squeeze %dma_wait3A_70 : memref<1x16x32xf32, #tpu.memory_space<hbm>> -> memref<16x32xf32, #tpu.memory_space<hbm>>
        %dma_wait3A_72 = arith.constant 9984 : i32
        %dma_wait3A_73 = arith.constant 0 : i32
        %dma_wait3A_74 = tpu.memref_slice %arg5[%arg0, %dma_wait3A_72, %dma_wait3A_73] : memref<2x10000x32xf32, #tpu.memory_space<hbm>> -> memref<1x16x32xf32, #tpu.memory_space<hbm>>
        %dma_wait3A_75 = tpu.memref_squeeze %dma_wait3A_74 : memref<1x16x32xf32, #tpu.memory_space<hbm>> -> memref<16x32xf32, #tpu.memory_space<hbm>>
        tpu.wait_dma2 semaphore(%run_scoped3A_59 : memref<!tpu.dma_semaphore, #tpu.memory_space<semaphore_mem>>) src(%arg14 : memref<16x32xf32, #tpu.memory_space<vmem>>) dst(%dma_wait3A_75 : memref<16x32xf32, #tpu.memory_space<hbm>>)
        tpu.yield
      }) : () -> ()
    } else {
    }
    return
  }
}

#map = affine_map<(d0, d1) -> (0)>
#map1 = affine_map<(d0, d1) -> (0, 0, 0)>
module attributes {stable_mosaic.version = 14 : i64} {
  func.func @_sc_setup_body(%arg0: i32, %arg1: i32, %arg2: memref<320000xi32, #tpu.memory_space<hbm>>, %arg3: memref<320000xi32, #tpu.memory_space<hbm>>, %arg4: memref<32x80x128xi32, #tpu.memory_space<hbm>>, %arg5: memref<32x80x128xi32, #tpu.memory_space<hbm>>, %arg6: memref<20000xf32, #tpu.memory_space<hbm>>, %arg7: memref<10112xf32, #tpu.memory_space<vmem_shared>>, %arg8: memref<640xf32, #tpu.memory_space<vmem>>, %arg9: memref<128xf32, #tpu.memory_space<vmem>>, %arg10: memref<128xi32, #tpu.memory_space<vmem>>, %arg11: memref<128xi32, #tpu.memory_space<vmem>>, %arg12: memref<128xi32, #tpu.memory_space<vmem>>, %arg13: memref<128xi32, #tpu.memory_space<vmem>>, %arg14: memref<128xi32, #tpu.memory_space<vmem>>, %arg15: memref<128xi32, #tpu.memory_space<vmem>>, %arg16: memref<128xi32, #tpu.memory_space<vmem>>, %arg17: memref<16xi32, #tpu.memory_space<vmem>>, %arg18: memref<16xi32, #tpu.memory_space<vmem>>, %arg19: memref<16xi32, #tpu.memory_space<vmem>>, %arg20: memref<16xf32, #tpu.memory_space<vmem>>, %arg21: memref<624xf32, #tpu.memory_space<vmem>>, %arg22: memref<16xf32, #tpu.memory_space<vmem>>, %arg23: memref<!tpu.dma_semaphore, #tpu.memory_space<semaphore_mem>>) attributes {dimension_semantics = [#tpu.dimension_semantics<core_parallel>, #tpu.dimension_semantics<subcore_parallel>], iteration_bounds = array<i64: 2, 16>, scalar_prefetch = 0 : i64, scratch_operands = 17 : i64, tpu.core_type = #tpu.core_type<sc_vector_subcore>, window_params = [{transform_indices = #map}, {transform_indices = #map}, {transform_indices = #map1}, {transform_indices = #map1}, {transform_indices = #map}]} {
    %mul3A = arith.constant 16 : i32
    %mul3A_0 = arith.muli %arg0, %mul3A : i32
    %add3A = arith.addi %mul3A_0, %arg1 : i32
    %mul3A_1 = arith.constant 10000 : i32
    %mul3A_2 = arith.muli %add3A, %mul3A_1 : i32
    %scan3A = arith.constant 0 : i32
    %scan3A_3 = arith.constant 0 : i32
    %scan3A_4 = arith.constant 40 : i32
    %scan3A_5 = arith.addi %scan3A_3, %scan3A_4 : i32
    %scan3A_6 = arith.constant 1 : i32
    %scan3A_7 = scf.for %scan3A_75 = %scan3A_3 to %scan3A_5 step %scan3A_6 iter_args(%scan3A_76 = %scan3A) -> (i32)  : i32 {
      %broadcast_in_dim3A_77 = arith.constant 0.000000e+00 : f32
      %broadcast_in_dim3A_78 = vector.broadcast %broadcast_in_dim3A_77 : f32 to vector<16xf32>
      %mul3A_79 = arith.constant 16 : i32
      %mul3A_80 = arith.muli %scan3A_75, %mul3A_79 : i32
      %swap3A_81 = arith.index_cast %mul3A_80 : i32 to index
      %swap3A_82 = tpu.vector_load %arg8[%swap3A_81] {strides = array<i32>} : memref<640xf32, #tpu.memory_space<vmem>>, vector<16xf32>,
      %swap3A_83 = vector.shape_cast %swap3A_82 : vector<16xf32> to vector<16xf32>
      %swap3A_84 = vector.shape_cast %broadcast_in_dim3A_78 : vector<16xf32> to vector<16xf32>
      tpu.vector_store %arg8[%swap3A_81], %swap3A_84 {strides = array<i32>} : memref<640xf32, #tpu.memory_space<vmem>>, vector<16xf32>,
      %scan3A_85 = arith.constant 0 : i32
      scf.yield %scan3A_85 : i32
    }
    %scan3A_8 = arith.constant 40 : i32
    %scan3A_9 = arith.constant 0 : i32
    %scan3A_10 = arith.constant 0 : i32
    %scan3A_11 = arith.constant 8 : i32
    %scan3A_12 = arith.addi %scan3A_10, %scan3A_11 : i32
    %scan3A_13 = arith.constant 1 : i32
    %scan3A_14 = scf.for %scan3A_75 = %scan3A_10 to %scan3A_12 step %scan3A_13 iter_args(%scan3A_76 = %scan3A_9) -> (i32)  : i32 {
      %broadcast_in_dim3A_77 = arith.constant 1.000000e+00 : f32
      %broadcast_in_dim3A_78 = vector.broadcast %broadcast_in_dim3A_77 : f32 to vector<16xf32>
      %mul3A_79 = arith.constant 16 : i32
      %mul3A_80 = arith.muli %scan3A_75, %mul3A_79 : i32
      %swap3A_81 = arith.index_cast %mul3A_80 : i32 to index
      %swap3A_82 = tpu.vector_load %arg9[%swap3A_81] {strides = array<i32>} : memref<128xf32, #tpu.memory_space<vmem>>, vector<16xf32>,
      %swap3A_83 = vector.shape_cast %swap3A_82 : vector<16xf32> to vector<16xf32>
      %swap3A_84 = vector.shape_cast %broadcast_in_dim3A_78 : vector<16xf32> to vector<16xf32>
      tpu.vector_store %arg9[%swap3A_81], %swap3A_84 {strides = array<i32>} : memref<128xf32, #tpu.memory_space<vmem>>, vector<16xf32>,
      %broadcast_in_dim3A_85 = arith.constant 0 : i32
      %broadcast_in_dim3A_86 = vector.broadcast %broadcast_in_dim3A_85 : i32 to vector<16xi32>
      %mul3A_87 = arith.constant 16 : i32
      %mul3A_88 = arith.muli %scan3A_75, %mul3A_87 : i32
      %swap3A_89 = arith.index_cast %mul3A_88 : i32 to index
      %swap3A_90 = tpu.vector_load %arg10[%swap3A_89] {strides = array<i32>} : memref<128xi32, #tpu.memory_space<vmem>>, vector<16xi32>,
      %swap3A_91 = vector.shape_cast %swap3A_90 : vector<16xi32> to vector<16xi32>
      %swap3A_92 = vector.shape_cast %broadcast_in_dim3A_86 : vector<16xi32> to vector<16xi32>
      tpu.vector_store %arg10[%swap3A_89], %swap3A_92 {strides = array<i32>} : memref<128xi32, #tpu.memory_space<vmem>>, vector<16xi32>,
      %scan3A_93 = arith.constant 0 : i32
      scf.yield %scan3A_93 : i32
    }
    %scan3A_15 = arith.constant 8 : i32
    %broadcast_in_dim3A = arith.constant 1.000000e+00 : f32
    %broadcast_in_dim3A_16 = vector.broadcast %broadcast_in_dim3A : f32 to vector<16xf32>
    %swap3A = arith.constant 0 : index
    %swap3A_17 = tpu.vector_load %arg20[%swap3A] {strides = array<i32>} : memref<16xf32, #tpu.memory_space<vmem>>, vector<16xf32>,
    %swap3A_18 = vector.shape_cast %swap3A_17 : vector<16xf32> to vector<16xf32>
    %swap3A_19 = vector.shape_cast %broadcast_in_dim3A_16 : vector<16xf32> to vector<16xf32>
    tpu.vector_store %arg20[%swap3A], %swap3A_19 {strides = array<i32>} : memref<16xf32, #tpu.memory_space<vmem>>, vector<16xf32>,
    %mul3A_20 = arith.constant 632 : i32
    %mul3A_21 = arith.muli %arg1, %mul3A_20 : i32
    "tpu.region"() ({
      %run_scoped3A_75 = tpu.sem_alloc : memref<!tpu.dma_semaphore, #tpu.memory_space<semaphore_mem>>
      %dma_start3A_76 = arith.constant 0 : i32
      %dma_start3A_77 = tpu.memref_slice %arg8[%dma_start3A_76] : memref<640xf32, #tpu.memory_space<vmem>> -> memref<632xf32, #tpu.memory_space<vmem>>
      %dma_start3A_78 = tpu.memref_slice %arg7[%mul3A_21] : memref<10112xf32, #tpu.memory_space<vmem_shared>> -> memref<632xf32, #tpu.memory_space<vmem_shared>>
      %dma_start3A_79 = tpu.memref_slice %arg7[%mul3A_21] : memref<10112xf32, #tpu.memory_space<vmem_shared>> -> memref<632xf32, #tpu.memory_space<vmem_shared>>
      %dma_start3A_80 = arith.constant 0 : i32
      %dma_start3A_81 = tpu.memref_slice %arg8[%dma_start3A_80] : memref<640xf32, #tpu.memory_space<vmem>> -> memref<632xf32, #tpu.memory_space<vmem>>
      tpu.enqueue_dma source(%dma_start3A_81 : memref<632xf32, #tpu.memory_space<vmem>>) target(%dma_start3A_79 : memref<632xf32, #tpu.memory_space<vmem_shared>>) target_semaphore(%run_scoped3A_75 : memref<!tpu.dma_semaphore, #tpu.memory_space<semaphore_mem>>)
      %dma_wait3A_82 = arith.constant 0 : i32
      %dma_wait3A_83 = tpu.memref_slice %arg8[%dma_wait3A_82] : memref<640xf32, #tpu.memory_space<vmem>> -> memref<632xf32, #tpu.memory_space<vmem>>
      %dma_wait3A_84 = tpu.memref_slice %arg7[%mul3A_21] : memref<10112xf32, #tpu.memory_space<vmem_shared>> -> memref<632xf32, #tpu.memory_space<vmem_shared>>
      %dma_wait3A_85 = tpu.memref_slice %arg7[%mul3A_21] : memref<10112xf32, #tpu.memory_space<vmem_shared>> -> memref<632xf32, #tpu.memory_space<vmem_shared>>
      %dma_wait3A_86 = arith.constant 0 : i32
      %dma_wait3A_87 = tpu.memref_slice %arg8[%dma_wait3A_86] : memref<640xf32, #tpu.memory_space<vmem>> -> memref<632xf32, #tpu.memory_space<vmem>>
      tpu.wait_dma2 semaphore(%run_scoped3A_75 : memref<!tpu.dma_semaphore, #tpu.memory_space<semaphore_mem>>) src(%dma_wait3A_87 : memref<632xf32, #tpu.memory_space<vmem>>) dst(%dma_wait3A_85 : memref<632xf32, #tpu.memory_space<vmem_shared>>)
      tpu.yield
    }) : () -> ()
    %barrier3A = arith.constant 0 : index
    tpu.barrier barrier_id(%barrier3A)
    %scan3A_22 = arith.constant 0 : i32
    %scan3A_23 = arith.constant 0 : i32
    %scan3A_24 = arith.constant 8 : i32
    %scan3A_25 = arith.addi %scan3A_23, %scan3A_24 : i32
    %scan3A_26 = arith.constant 1 : i32
    %scan3A_27 = scf.for %scan3A_75 = %scan3A_23 to %scan3A_25 step %scan3A_26 iter_args(%scan3A_76 = %scan3A_22) -> (i32)  : i32 {
      %iota3A_77 = tpu.iota {dimensions = array<i32: 0>} : vector<16xi32>
      %add3A_78 = arith.constant 10000 : i32
      %add3A_79 = vector.broadcast %add3A_78 : i32 to vector<16xi32>
      %add3A_80 = arith.addi %add3A_79, %iota3A_77 : vector<16xi32>
      %mul3A_81 = arith.constant 16 : i32
      %mul3A_82 = arith.muli %scan3A_75, %mul3A_81 : i32
      %swap3A_83 = arith.index_cast %mul3A_82 : i32 to index
      %swap3A_84 = tpu.vector_load %arg13[%swap3A_83] {strides = array<i32>} : memref<128xi32, #tpu.memory_space<vmem>>, vector<16xi32>,
      %swap3A_85 = vector.shape_cast %swap3A_84 : vector<16xi32> to vector<16xi32>
      %swap3A_86 = vector.shape_cast %add3A_80 : vector<16xi32> to vector<16xi32>
      tpu.vector_store %arg13[%swap3A_83], %swap3A_86 {strides = array<i32>} : memref<128xi32, #tpu.memory_space<vmem>>, vector<16xi32>,
      %iota3A_87 = tpu.iota {dimensions = array<i32: 0>} : vector<16xi32>
      %add3A_88 = arith.constant 10000 : i32
      %add3A_89 = vector.broadcast %add3A_88 : i32 to vector<16xi32>
      %add3A_90 = arith.addi %add3A_89, %iota3A_87 : vector<16xi32>
      %mul3A_91 = arith.constant 16 : i32
      %mul3A_92 = arith.muli %scan3A_75, %mul3A_91 : i32
      %swap3A_93 = arith.index_cast %mul3A_92 : i32 to index
      %swap3A_94 = tpu.vector_load %arg16[%swap3A_93] {strides = array<i32>} : memref<128xi32, #tpu.memory_space<vmem>>, vector<16xi32>,
      %swap3A_95 = vector.shape_cast %swap3A_94 : vector<16xi32> to vector<16xi32>
      %swap3A_96 = vector.shape_cast %add3A_90 : vector<16xi32> to vector<16xi32>
      tpu.vector_store %arg16[%swap3A_93], %swap3A_96 {strides = array<i32>} : memref<128xi32, #tpu.memory_space<vmem>>, vector<16xi32>,
      %scan3A_97 = arith.constant 0 : i32
      scf.yield %scan3A_97 : i32
    }
    %scan3A_28 = arith.constant 8 : i32
    %barrier3A_29 = arith.constant 0 : index
    tpu.barrier barrier_id(%barrier3A_29)
    %dma_start3A = arith.constant 0 : i32
    %dma_start3A_30 = tpu.memref_slice %arg7[%dma_start3A] : memref<10112xf32, #tpu.memory_space<vmem_shared>> -> memref<10112xf32, #tpu.memory_space<vmem_shared>>
    tpu.enqueue_indirect_dma source(%arg9 : memref<128xf32, #tpu.memory_space<vmem>>) target(%dma_start3A_30 : memref<10112xf32, #tpu.memory_space<vmem_shared>>) offsets(%arg13 : memref<128xi32, #tpu.memory_space<vmem>>) semaphore(%arg23 : memref<!tpu.dma_semaphore, #tpu.memory_space<semaphore_mem>>) {add = true}
    %dma_start3A_31 = arith.constant 0 : i32
    %dma_start3A_32 = tpu.memref_slice %arg7[%dma_start3A_31] : memref<10112xf32, #tpu.memory_space<vmem_shared>> -> memref<10112xf32, #tpu.memory_space<vmem_shared>>
    tpu.enqueue_indirect_dma source(%arg9 : memref<128xf32, #tpu.memory_space<vmem>>) target(%dma_start3A_32 : memref<10112xf32, #tpu.memory_space<vmem_shared>>) offsets(%arg16 : memref<128xi32, #tpu.memory_space<vmem>>) semaphore(%arg23 : memref<!tpu.dma_semaphore, #tpu.memory_space<semaphore_mem>>) {add = true}
    %scan3A_33 = arith.constant 0 : i32
    %scan3A_34 = arith.constant 0 : i32
    %scan3A_35 = arith.constant 39 : i32
    %scan3A_36 = arith.addi %scan3A_34, %scan3A_35 : i32
    %scan3A_37 = arith.constant 1 : i32
    %scan3A_38 = scf.for %scan3A_75 = %scan3A_34 to %scan3A_36 step %scan3A_37 iter_args(%scan3A_76 = %scan3A_33) -> (i32)  : i32 {
      %mul3A_77 = arith.constant 2 : i32
      %mul3A_78 = arith.muli %mul3A_77, %scan3A_75 : i32
      %dma_wait3A_79 = arith.constant 0 : i32
      %dma_wait3A_80 = tpu.memref_slice %arg7[%dma_wait3A_79] : memref<10112xf32, #tpu.memory_space<vmem_shared>> -> memref<10112xf32, #tpu.memory_space<vmem_shared>>
      tpu.wait_indirect_dma semaphore(%arg23 : memref<!tpu.dma_semaphore, #tpu.memory_space<semaphore_mem>>) src(%arg9 : memref<128xf32, #tpu.memory_space<vmem>>) dst(%dma_wait3A_80 : memref<10112xf32, #tpu.memory_space<vmem_shared>>)
      %mul3A_81 = arith.constant 128 : i32
      %mul3A_82 = arith.muli %mul3A_78, %mul3A_81 : i32
      %add3A_83 = arith.addi %mul3A_2, %mul3A_82 : i32
      "tpu.region"() ({
        %run_scoped3A_110 = tpu.sem_alloc : memref<!tpu.dma_semaphore, #tpu.memory_space<semaphore_mem>>
        %dma_start3A_111 = tpu.memref_slice %arg2[%add3A_83] : memref<320000xi32, #tpu.memory_space<hbm>> -> memref<128xi32, #tpu.memory_space<hbm>>
        %dma_start3A_112 = tpu.memref_slice %arg2[%add3A_83] : memref<320000xi32, #tpu.memory_space<hbm>> -> memref<128xi32, #tpu.memory_space<hbm>>
        tpu.enqueue_dma source(%dma_start3A_112 : memref<128xi32, #tpu.memory_space<hbm>>) target(%arg11 : memref<128xi32, #tpu.memory_space<vmem>>) target_semaphore(%run_scoped3A_110 : memref<!tpu.dma_semaphore, #tpu.memory_space<semaphore_mem>>)
        %dma_wait3A_113 = tpu.memref_slice %arg2[%add3A_83] : memref<320000xi32, #tpu.memory_space<hbm>> -> memref<128xi32, #tpu.memory_space<hbm>>
        %dma_wait3A_114 = tpu.memref_slice %arg2[%add3A_83] : memref<320000xi32, #tpu.memory_space<hbm>> -> memref<128xi32, #tpu.memory_space<hbm>>
        tpu.wait_dma2 semaphore(%run_scoped3A_110 : memref<!tpu.dma_semaphore, #tpu.memory_space<semaphore_mem>>) src(%dma_wait3A_114 : memref<128xi32, #tpu.memory_space<hbm>>) dst(%arg11 : memref<128xi32, #tpu.memory_space<vmem>>)
        tpu.yield
      }) : () -> ()
      "tpu.region"() ({
        %run_scoped3A_110 = tpu.sem_alloc : memref<!tpu.dma_semaphore, #tpu.memory_space<semaphore_mem>>
        %dma_start3A_111 = tpu.memref_slice %arg3[%add3A_83] : memref<320000xi32, #tpu.memory_space<hbm>> -> memref<128xi32, #tpu.memory_space<hbm>>
        %dma_start3A_112 = tpu.memref_slice %arg3[%add3A_83] : memref<320000xi32, #tpu.memory_space<hbm>> -> memref<128xi32, #tpu.memory_space<hbm>>
        tpu.enqueue_dma source(%dma_start3A_112 : memref<128xi32, #tpu.memory_space<hbm>>) target(%arg12 : memref<128xi32, #tpu.memory_space<vmem>>) target_semaphore(%run_scoped3A_110 : memref<!tpu.dma_semaphore, #tpu.memory_space<semaphore_mem>>)
        %dma_wait3A_113 = tpu.memref_slice %arg3[%add3A_83] : memref<320000xi32, #tpu.memory_space<hbm>> -> memref<128xi32, #tpu.memory_space<hbm>>
        %dma_wait3A_114 = tpu.memref_slice %arg3[%add3A_83] : memref<320000xi32, #tpu.memory_space<hbm>> -> memref<128xi32, #tpu.memory_space<hbm>>
        tpu.wait_dma2 semaphore(%run_scoped3A_110 : memref<!tpu.dma_semaphore, #tpu.memory_space<semaphore_mem>>) src(%dma_wait3A_114 : memref<128xi32, #tpu.memory_space<hbm>>) dst(%arg12 : memref<128xi32, #tpu.memory_space<vmem>>)
        tpu.yield
      }) : () -> ()
      %scan3A_84 = arith.constant 0 : i32
      %scan3A_85 = arith.constant 0 : i32
      %scan3A_86 = arith.constant 8 : i32
      %scan3A_87 = arith.addi %scan3A_85, %scan3A_86 : i32
      %scan3A_88 = arith.constant 1 : i32
      %scan3A_89 = scf.for %scan3A_110 = %scan3A_85 to %scan3A_87 step %scan3A_88 iter_args(%scan3A_111 = %scan3A_84) -> (i32)  : i32 {
        %mul3A_112 = arith.constant 16 : i32
        %mul3A_113 = arith.muli %scan3A_110, %mul3A_112 : i32
        %get3A_114 = arith.index_cast %mul3A_113 : i32 to index
        %get3A_115 = tpu.vector_load %arg11[%get3A_114] {strides = array<i32>} : memref<128xi32, #tpu.memory_space<vmem>>, vector<16xi32>,
        %get3A_116 = vector.shape_cast %get3A_115 : vector<16xi32> to vector<16xi32>
        %mul3A_117 = arith.constant 16 : i32
        %mul3A_118 = arith.muli %scan3A_110, %mul3A_117 : i32
        %get3A_119 = arith.index_cast %mul3A_118 : i32 to index
        %get3A_120 = tpu.vector_load %arg12[%get3A_119] {strides = array<i32>} : memref<128xi32, #tpu.memory_space<vmem>>, vector<16xi32>,
        %get3A_121 = vector.shape_cast %get3A_120 : vector<16xi32> to vector<16xi32>
        %iota3A_122 = tpu.iota {dimensions = array<i32: 0>} : vector<16xi32>
        %add3A_123 = arith.constant 10000 : i32
        %add3A_124 = vector.broadcast %add3A_123 : i32 to vector<16xi32>
        %add3A_125 = arith.addi %add3A_124, %iota3A_122 : vector<16xi32>
        %eq3A_126 = arith.cmpi eq, %get3A_116, %get3A_121 : vector<16xi32>
        %select_n3A_127 = arith.select %eq3A_126, %add3A_125, %get3A_121 : vector<16xi1>, vector<16xi32>
        %mul3A_128 = arith.constant 16 : i32
        %mul3A_129 = arith.muli %scan3A_110, %mul3A_128 : i32
        %swap3A_130 = arith.index_cast %mul3A_129 : i32 to index
        %swap3A_131 = tpu.vector_load %arg13[%swap3A_130] {strides = array<i32>} : memref<128xi32, #tpu.memory_space<vmem>>, vector<16xi32>,
        %swap3A_132 = vector.shape_cast %swap3A_131 : vector<16xi32> to vector<16xi32>
        %swap3A_133 = vector.shape_cast %select_n3A_127 : vector<16xi32> to vector<16xi32>
        tpu.vector_store %arg13[%swap3A_130], %swap3A_133 {strides = array<i32>} : memref<128xi32, #tpu.memory_space<vmem>>, vector<16xi32>,
        %scan3A_134 = arith.constant 0 : i32
        scf.yield %scan3A_134 : i32
      }
      %scan3A_90 = arith.constant 8 : i32
      "tpu.region"() ({
        %run_scoped3A_110 = tpu.sem_alloc : memref<!tpu.dma_semaphore, #tpu.memory_space<semaphore_mem>>
        %dma_start3A_111 = arith.constant 0 : i32
        %dma_start3A_112 = tpu.memref_slice %arg4[%add3A, %mul3A_78, %dma_start3A_111] : memref<32x80x128xi32, #tpu.memory_space<hbm>> -> memref<1x1x128xi32, #tpu.memory_space<hbm>>
        %dma_start3A_113 = tpu.memref_squeeze %dma_start3A_112 : memref<1x1x128xi32, #tpu.memory_space<hbm>> -> memref<128xi32, #tpu.memory_space<hbm>>
        %dma_start3A_114 = arith.constant 0 : i32
        %dma_start3A_115 = tpu.memref_slice %arg4[%add3A, %mul3A_78, %dma_start3A_114] : memref<32x80x128xi32, #tpu.memory_space<hbm>> -> memref<1x1x128xi32, #tpu.memory_space<hbm>>
        %dma_start3A_116 = tpu.memref_squeeze %dma_start3A_115 : memref<1x1x128xi32, #tpu.memory_space<hbm>> -> memref<128xi32, #tpu.memory_space<hbm>>
        tpu.enqueue_dma source(%arg11 : memref<128xi32, #tpu.memory_space<vmem>>) target(%dma_start3A_116 : memref<128xi32, #tpu.memory_space<hbm>>) target_semaphore(%run_scoped3A_110 : memref<!tpu.dma_semaphore, #tpu.memory_space<semaphore_mem>>)
        %dma_wait3A_117 = arith.constant 0 : i32
        %dma_wait3A_118 = tpu.memref_slice %arg4[%add3A, %mul3A_78, %dma_wait3A_117] : memref<32x80x128xi32, #tpu.memory_space<hbm>> -> memref<1x1x128xi32, #tpu.memory_space<hbm>>
        %dma_wait3A_119 = tpu.memref_squeeze %dma_wait3A_118 : memref<1x1x128xi32, #tpu.memory_space<hbm>> -> memref<128xi32, #tpu.memory_space<hbm>>
        %dma_wait3A_120 = arith.constant 0 : i32
        %dma_wait3A_121 = tpu.memref_slice %arg4[%add3A, %mul3A_78, %dma_wait3A_120] : memref<32x80x128xi32, #tpu.memory_space<hbm>> -> memref<1x1x128xi32, #tpu.memory_space<hbm>>
        %dma_wait3A_122 = tpu.memref_squeeze %dma_wait3A_121 : memref<1x1x128xi32, #tpu.memory_space<hbm>> -> memref<128xi32, #tpu.memory_space<hbm>>
        tpu.wait_dma2 semaphore(%run_scoped3A_110 : memref<!tpu.dma_semaphore, #tpu.memory_space<semaphore_mem>>) src(%arg11 : memref<128xi32, #tpu.memory_space<vmem>>) dst(%dma_wait3A_122 : memref<128xi32, #tpu.memory_space<hbm>>)
        tpu.yield
      }) : () -> ()
      "tpu.region"() ({
        %run_scoped3A_110 = tpu.sem_alloc : memref<!tpu.dma_semaphore, #tpu.memory_space<semaphore_mem>>
        %dma_start3A_111 = arith.constant 0 : i32
        %dma_start3A_112 = tpu.memref_slice %arg5[%add3A, %mul3A_78, %dma_start3A_111] : memref<32x80x128xi32, #tpu.memory_space<hbm>> -> memref<1x1x128xi32, #tpu.memory_space<hbm>>
        %dma_start3A_113 = tpu.memref_squeeze %dma_start3A_112 : memref<1x1x128xi32, #tpu.memory_space<hbm>> -> memref<128xi32, #tpu.memory_space<hbm>>
        %dma_start3A_114 = arith.constant 0 : i32
        %dma_start3A_115 = tpu.memref_slice %arg5[%add3A, %mul3A_78, %dma_start3A_114] : memref<32x80x128xi32, #tpu.memory_space<hbm>> -> memref<1x1x128xi32, #tpu.memory_space<hbm>>
        %dma_start3A_116 = tpu.memref_squeeze %dma_start3A_115 : memref<1x1x128xi32, #tpu.memory_space<hbm>> -> memref<128xi32, #tpu.memory_space<hbm>>
        tpu.enqueue_dma source(%arg13 : memref<128xi32, #tpu.memory_space<vmem>>) target(%dma_start3A_116 : memref<128xi32, #tpu.memory_space<hbm>>) target_semaphore(%run_scoped3A_110 : memref<!tpu.dma_semaphore, #tpu.memory_space<semaphore_mem>>)
        %dma_wait3A_117 = arith.constant 0 : i32
        %dma_wait3A_118 = tpu.memref_slice %arg5[%add3A, %mul3A_78, %dma_wait3A_117] : memref<32x80x128xi32, #tpu.memory_space<hbm>> -> memref<1x1x128xi32, #tpu.memory_space<hbm>>
        %dma_wait3A_119 = tpu.memref_squeeze %dma_wait3A_118 : memref<1x1x128xi32, #tpu.memory_space<hbm>> -> memref<128xi32, #tpu.memory_space<hbm>>
        %dma_wait3A_120 = arith.constant 0 : i32
        %dma_wait3A_121 = tpu.memref_slice %arg5[%add3A, %mul3A_78, %dma_wait3A_120] : memref<32x80x128xi32, #tpu.memory_space<hbm>> -> memref<1x1x128xi32, #tpu.memory_space<hbm>>
        %dma_wait3A_122 = tpu.memref_squeeze %dma_wait3A_121 : memref<1x1x128xi32, #tpu.memory_space<hbm>> -> memref<128xi32, #tpu.memory_space<hbm>>
        tpu.wait_dma2 semaphore(%run_scoped3A_110 : memref<!tpu.dma_semaphore, #tpu.memory_space<semaphore_mem>>) src(%arg13 : memref<128xi32, #tpu.memory_space<vmem>>) dst(%dma_wait3A_122 : memref<128xi32, #tpu.memory_space<hbm>>)
        tpu.yield
      }) : () -> ()
      %dma_start3A_91 = arith.constant 0 : i32
      %dma_start3A_92 = tpu.memref_slice %arg7[%dma_start3A_91] : memref<10112xf32, #tpu.memory_space<vmem_shared>> -> memref<10112xf32, #tpu.memory_space<vmem_shared>>
      tpu.enqueue_indirect_dma source(%arg9 : memref<128xf32, #tpu.memory_space<vmem>>) target(%dma_start3A_92 : memref<10112xf32, #tpu.memory_space<vmem_shared>>) offsets(%arg13 : memref<128xi32, #tpu.memory_space<vmem>>) semaphore(%arg23 : memref<!tpu.dma_semaphore, #tpu.memory_space<semaphore_mem>>) {add = true}
      %dma_wait3A_93 = arith.constant 0 : i32
      %dma_wait3A_94 = tpu.memref_slice %arg7[%dma_wait3A_93] : memref<10112xf32, #tpu.memory_space<vmem_shared>> -> memref<10112xf32, #tpu.memory_space<vmem_shared>>
      tpu.wait_indirect_dma semaphore(%arg23 : memref<!tpu.dma_semaphore, #tpu.memory_space<semaphore_mem>>) src(%arg9 : memref<128xf32, #tpu.memory_space<vmem>>) dst(%dma_wait3A_94 : memref<10112xf32, #tpu.memory_space<vmem_shared>>)
      %add3A_95 = arith.constant 1 : i32
      %add3A_96 = arith.addi %mul3A_78, %add3A_95 : i32
      %mul3A_97 = arith.constant 128 : i32
      %mul3A_98 = arith.muli %add3A_96, %mul3A_97 : i32
      %add3A_99 = arith.addi %mul3A_2, %mul3A_98 : i32
      "tpu.region"() ({
        %run_scoped3A_110 = tpu.sem_alloc : memref<!tpu.dma_semaphore, #tpu.memory_space<semaphore_mem>>
        %dma_start3A_111 = tpu.memref_slice %arg2[%add3A_99] : memref<320000xi32, #tpu.memory_space<hbm>> -> memref<128xi32, #tpu.memory_space<hbm>>
        %dma_start3A_112 = tpu.memref_slice %arg2[%add3A_99] : memref<320000xi32, #tpu.memory_space<hbm>> -> memref<128xi32, #tpu.memory_space<hbm>>
        tpu.enqueue_dma source(%dma_start3A_112 : memref<128xi32, #tpu.memory_space<hbm>>) target(%arg14 : memref<128xi32, #tpu.memory_space<vmem>>) target_semaphore(%run_scoped3A_110 : memref<!tpu.dma_semaphore, #tpu.memory_space<semaphore_mem>>)
        %dma_wait3A_113 = tpu.memref_slice %arg2[%add3A_99] : memref<320000xi32, #tpu.memory_space<hbm>> -> memref<128xi32, #tpu.memory_space<hbm>>
        %dma_wait3A_114 = tpu.memref_slice %arg2[%add3A_99] : memref<320000xi32, #tpu.memory_space<hbm>> -> memref<128xi32, #tpu.memory_space<hbm>>
        tpu.wait_dma2 semaphore(%run_scoped3A_110 : memref<!tpu.dma_semaphore, #tpu.memory_space<semaphore_mem>>) src(%dma_wait3A_114 : memref<128xi32, #tpu.memory_space<hbm>>) dst(%arg14 : memref<128xi32, #tpu.memory_space<vmem>>)
        tpu.yield
      }) : () -> ()
      "tpu.region"() ({
        %run_scoped3A_110 = tpu.sem_alloc : memref<!tpu.dma_semaphore, #tpu.memory_space<semaphore_mem>>
        %dma_start3A_111 = tpu.memref_slice %arg3[%add3A_99] : memref<320000xi32, #tpu.memory_space<hbm>> -> memref<128xi32, #tpu.memory_space<hbm>>
        %dma_start3A_112 = tpu.memref_slice %arg3[%add3A_99] : memref<320000xi32, #tpu.memory_space<hbm>> -> memref<128xi32, #tpu.memory_space<hbm>>
        tpu.enqueue_dma source(%dma_start3A_112 : memref<128xi32, #tpu.memory_space<hbm>>) target(%arg15 : memref<128xi32, #tpu.memory_space<vmem>>) target_semaphore(%run_scoped3A_110 : memref<!tpu.dma_semaphore, #tpu.memory_space<semaphore_mem>>)
        %dma_wait3A_113 = tpu.memref_slice %arg3[%add3A_99] : memref<320000xi32, #tpu.memory_space<hbm>> -> memref<128xi32, #tpu.memory_space<hbm>>
        %dma_wait3A_114 = tpu.memref_slice %arg3[%add3A_99] : memref<320000xi32, #tpu.memory_space<hbm>> -> memref<128xi32, #tpu.memory_space<hbm>>
        tpu.wait_dma2 semaphore(%run_scoped3A_110 : memref<!tpu.dma_semaphore, #tpu.memory_space<semaphore_mem>>) src(%dma_wait3A_114 : memref<128xi32, #tpu.memory_space<hbm>>) dst(%arg15 : memref<128xi32, #tpu.memory_space<vmem>>)
        tpu.yield
      }) : () -> ()
      %scan3A_100 = arith.constant 0 : i32
      %scan3A_101 = arith.constant 0 : i32
      %scan3A_102 = arith.constant 8 : i32
      %scan3A_103 = arith.addi %scan3A_101, %scan3A_102 : i32
      %scan3A_104 = arith.constant 1 : i32
      %scan3A_105 = scf.for %scan3A_110 = %scan3A_101 to %scan3A_103 step %scan3A_104 iter_args(%scan3A_111 = %scan3A_100) -> (i32)  : i32 {
        %mul3A_112 = arith.constant 16 : i32
        %mul3A_113 = arith.muli %scan3A_110, %mul3A_112 : i32
        %get3A_114 = arith.index_cast %mul3A_113 : i32 to index
        %get3A_115 = tpu.vector_load %arg14[%get3A_114] {strides = array<i32>} : memref<128xi32, #tpu.memory_space<vmem>>, vector<16xi32>,
        %get3A_116 = vector.shape_cast %get3A_115 : vector<16xi32> to vector<16xi32>
        %mul3A_117 = arith.constant 16 : i32
        %mul3A_118 = arith.muli %scan3A_110, %mul3A_117 : i32
        %get3A_119 = arith.index_cast %mul3A_118 : i32 to index
        %get3A_120 = tpu.vector_load %arg15[%get3A_119] {strides = array<i32>} : memref<128xi32, #tpu.memory_space<vmem>>, vector<16xi32>,
        %get3A_121 = vector.shape_cast %get3A_120 : vector<16xi32> to vector<16xi32>
        %iota3A_122 = tpu.iota {dimensions = array<i32: 0>} : vector<16xi32>
        %add3A_123 = arith.constant 10000 : i32
        %add3A_124 = vector.broadcast %add3A_123 : i32 to vector<16xi32>
        %add3A_125 = arith.addi %add3A_124, %iota3A_122 : vector<16xi32>
        %eq3A_126 = arith.cmpi eq, %get3A_116, %get3A_121 : vector<16xi32>
        %select_n3A_127 = arith.select %eq3A_126, %add3A_125, %get3A_121 : vector<16xi1>, vector<16xi32>
        %mul3A_128 = arith.constant 16 : i32
        %mul3A_129 = arith.muli %scan3A_110, %mul3A_128 : i32
        %swap3A_130 = arith.index_cast %mul3A_129 : i32 to index
        %swap3A_131 = tpu.vector_load %arg16[%swap3A_130] {strides = array<i32>} : memref<128xi32, #tpu.memory_space<vmem>>, vector<16xi32>,
        %swap3A_132 = vector.shape_cast %swap3A_131 : vector<16xi32> to vector<16xi32>
        %swap3A_133 = vector.shape_cast %select_n3A_127 : vector<16xi32> to vector<16xi32>
        tpu.vector_store %arg16[%swap3A_130], %swap3A_133 {strides = array<i32>} : memref<128xi32, #tpu.memory_space<vmem>>, vector<16xi32>,
        %scan3A_134 = arith.constant 0 : i32
        scf.yield %scan3A_134 : i32
      }
      %scan3A_106 = arith.constant 8 : i32
      "tpu.region"() ({
        %run_scoped3A_110 = tpu.sem_alloc : memref<!tpu.dma_semaphore, #tpu.memory_space<semaphore_mem>>
        %dma_start3A_111 = arith.constant 0 : i32
        %dma_start3A_112 = tpu.memref_slice %arg4[%add3A, %add3A_96, %dma_start3A_111] : memref<32x80x128xi32, #tpu.memory_space<hbm>> -> memref<1x1x128xi32, #tpu.memory_space<hbm>>
        %dma_start3A_113 = tpu.memref_squeeze %dma_start3A_112 : memref<1x1x128xi32, #tpu.memory_space<hbm>> -> memref<128xi32, #tpu.memory_space<hbm>>
        %dma_start3A_114 = arith.constant 0 : i32
        %dma_start3A_115 = tpu.memref_slice %arg4[%add3A, %add3A_96, %dma_start3A_114] : memref<32x80x128xi32, #tpu.memory_space<hbm>> -> memref<1x1x128xi32, #tpu.memory_space<hbm>>
        %dma_start3A_116 = tpu.memref_squeeze %dma_start3A_115 : memref<1x1x128xi32, #tpu.memory_space<hbm>> -> memref<128xi32, #tpu.memory_space<hbm>>
        tpu.enqueue_dma source(%arg14 : memref<128xi32, #tpu.memory_space<vmem>>) target(%dma_start3A_116 : memref<128xi32, #tpu.memory_space<hbm>>) target_semaphore(%run_scoped3A_110 : memref<!tpu.dma_semaphore, #tpu.memory_space<semaphore_mem>>)
        %dma_wait3A_117 = arith.constant 0 : i32
        %dma_wait3A_118 = tpu.memref_slice %arg4[%add3A, %add3A_96, %dma_wait3A_117] : memref<32x80x128xi32, #tpu.memory_space<hbm>> -> memref<1x1x128xi32, #tpu.memory_space<hbm>>
        %dma_wait3A_119 = tpu.memref_squeeze %dma_wait3A_118 : memref<1x1x128xi32, #tpu.memory_space<hbm>> -> memref<128xi32, #tpu.memory_space<hbm>>
        %dma_wait3A_120 = arith.constant 0 : i32
        %dma_wait3A_121 = tpu.memref_slice %arg4[%add3A, %add3A_96, %dma_wait3A_120] : memref<32x80x128xi32, #tpu.memory_space<hbm>> -> memref<1x1x128xi32, #tpu.memory_space<hbm>>
        %dma_wait3A_122 = tpu.memref_squeeze %dma_wait3A_121 : memref<1x1x128xi32, #tpu.memory_space<hbm>> -> memref<128xi32, #tpu.memory_space<hbm>>
        tpu.wait_dma2 semaphore(%run_scoped3A_110 : memref<!tpu.dma_semaphore, #tpu.memory_space<semaphore_mem>>) src(%arg14 : memref<128xi32, #tpu.memory_space<vmem>>) dst(%dma_wait3A_122 : memref<128xi32, #tpu.memory_space<hbm>>)
        tpu.yield
      }) : () -> ()
      "tpu.region"() ({
        %run_scoped3A_110 = tpu.sem_alloc : memref<!tpu.dma_semaphore, #tpu.memory_space<semaphore_mem>>
        %dma_start3A_111 = arith.constant 0 : i32
        %dma_start3A_112 = tpu.memref_slice %arg5[%add3A, %add3A_96, %dma_start3A_111] : memref<32x80x128xi32, #tpu.memory_space<hbm>> -> memref<1x1x128xi32, #tpu.memory_space<hbm>>
        %dma_start3A_113 = tpu.memref_squeeze %dma_start3A_112 : memref<1x1x128xi32, #tpu.memory_space<hbm>> -> memref<128xi32, #tpu.memory_space<hbm>>
        %dma_start3A_114 = arith.constant 0 : i32
        %dma_start3A_115 = tpu.memref_slice %arg5[%add3A, %add3A_96, %dma_start3A_114] : memref<32x80x128xi32, #tpu.memory_space<hbm>> -> memref<1x1x128xi32, #tpu.memory_space<hbm>>
        %dma_start3A_116 = tpu.memref_squeeze %dma_start3A_115 : memref<1x1x128xi32, #tpu.memory_space<hbm>> -> memref<128xi32, #tpu.memory_space<hbm>>
        tpu.enqueue_dma source(%arg16 : memref<128xi32, #tpu.memory_space<vmem>>) target(%dma_start3A_116 : memref<128xi32, #tpu.memory_space<hbm>>) target_semaphore(%run_scoped3A_110 : memref<!tpu.dma_semaphore, #tpu.memory_space<semaphore_mem>>)
        %dma_wait3A_117 = arith.constant 0 : i32
        %dma_wait3A_118 = tpu.memref_slice %arg5[%add3A, %add3A_96, %dma_wait3A_117] : memref<32x80x128xi32, #tpu.memory_space<hbm>> -> memref<1x1x128xi32, #tpu.memory_space<hbm>>
        %dma_wait3A_119 = tpu.memref_squeeze %dma_wait3A_118 : memref<1x1x128xi32, #tpu.memory_space<hbm>> -> memref<128xi32, #tpu.memory_space<hbm>>
        %dma_wait3A_120 = arith.constant 0 : i32
        %dma_wait3A_121 = tpu.memref_slice %arg5[%add3A, %add3A_96, %dma_wait3A_120] : memref<32x80x128xi32, #tpu.memory_space<hbm>> -> memref<1x1x128xi32, #tpu.memory_space<hbm>>
        %dma_wait3A_122 = tpu.memref_squeeze %dma_wait3A_121 : memref<1x1x128xi32, #tpu.memory_space<hbm>> -> memref<128xi32, #tpu.memory_space<hbm>>
        tpu.wait_dma2 semaphore(%run_scoped3A_110 : memref<!tpu.dma_semaphore, #tpu.memory_space<semaphore_mem>>) src(%arg16 : memref<128xi32, #tpu.memory_space<vmem>>) dst(%dma_wait3A_122 : memref<128xi32, #tpu.memory_space<hbm>>)
        tpu.yield
      }) : () -> ()
      %dma_start3A_107 = arith.constant 0 : i32
      %dma_start3A_108 = tpu.memref_slice %arg7[%dma_start3A_107] : memref<10112xf32, #tpu.memory_space<vmem_shared>> -> memref<10112xf32, #tpu.memory_space<vmem_shared>>
      tpu.enqueue_indirect_dma source(%arg9 : memref<128xf32, #tpu.memory_space<vmem>>) target(%dma_start3A_108 : memref<10112xf32, #tpu.memory_space<vmem_shared>>) offsets(%arg16 : memref<128xi32, #tpu.memory_space<vmem>>) semaphore(%arg23 : memref<!tpu.dma_semaphore, #tpu.memory_space<semaphore_mem>>) {add = true}
      %scan3A_109 = arith.constant 0 : i32
      scf.yield %scan3A_109 : i32
    }
    %scan3A_39 = arith.constant 39 : i32
    %dma_wait3A = arith.constant 0 : i32
    %dma_wait3A_40 = tpu.memref_slice %arg7[%dma_wait3A] : memref<10112xf32, #tpu.memory_space<vmem_shared>> -> memref<10112xf32, #tpu.memory_space<vmem_shared>>
    tpu.wait_indirect_dma semaphore(%arg23 : memref<!tpu.dma_semaphore, #tpu.memory_space<semaphore_mem>>) src(%arg9 : memref<128xf32, #tpu.memory_space<vmem>>) dst(%dma_wait3A_40 : memref<10112xf32, #tpu.memory_space<vmem_shared>>)
    %dma_wait3A_41 = arith.constant 0 : i32
    %dma_wait3A_42 = tpu.memref_slice %arg7[%dma_wait3A_41] : memref<10112xf32, #tpu.memory_space<vmem_shared>> -> memref<10112xf32, #tpu.memory_space<vmem_shared>>
    tpu.wait_indirect_dma semaphore(%arg23 : memref<!tpu.dma_semaphore, #tpu.memory_space<semaphore_mem>>) src(%arg9 : memref<128xf32, #tpu.memory_space<vmem>>) dst(%dma_wait3A_42 : memref<10112xf32, #tpu.memory_space<vmem_shared>>)
    %add3A_43 = arith.constant 9984 : i32
    %add3A_44 = arith.addi %mul3A_2, %add3A_43 : i32
    "tpu.region"() ({
      %run_scoped3A_75 = tpu.sem_alloc : memref<!tpu.dma_semaphore, #tpu.memory_space<semaphore_mem>>
      %dma_start3A_76 = tpu.memref_slice %arg2[%add3A_44] : memref<320000xi32, #tpu.memory_space<hbm>> -> memref<16xi32, #tpu.memory_space<hbm>>
      %dma_start3A_77 = tpu.memref_slice %arg2[%add3A_44] : memref<320000xi32, #tpu.memory_space<hbm>> -> memref<16xi32, #tpu.memory_space<hbm>>
      tpu.enqueue_dma source(%dma_start3A_77 : memref<16xi32, #tpu.memory_space<hbm>>) target(%arg17 : memref<16xi32, #tpu.memory_space<vmem>>) target_semaphore(%run_scoped3A_75 : memref<!tpu.dma_semaphore, #tpu.memory_space<semaphore_mem>>)
      %dma_wait3A_78 = tpu.memref_slice %arg2[%add3A_44] : memref<320000xi32, #tpu.memory_space<hbm>> -> memref<16xi32, #tpu.memory_space<hbm>>
      %dma_wait3A_79 = tpu.memref_slice %arg2[%add3A_44] : memref<320000xi32, #tpu.memory_space<hbm>> -> memref<16xi32, #tpu.memory_space<hbm>>
      tpu.wait_dma2 semaphore(%run_scoped3A_75 : memref<!tpu.dma_semaphore, #tpu.memory_space<semaphore_mem>>) src(%dma_wait3A_79 : memref<16xi32, #tpu.memory_space<hbm>>) dst(%arg17 : memref<16xi32, #tpu.memory_space<vmem>>)
      tpu.yield
    }) : () -> ()
    %add3A_45 = arith.constant 9984 : i32
    %add3A_46 = arith.addi %mul3A_2, %add3A_45 : i32
    "tpu.region"() ({
      %run_scoped3A_75 = tpu.sem_alloc : memref<!tpu.dma_semaphore, #tpu.memory_space<semaphore_mem>>
      %dma_start3A_76 = tpu.memref_slice %arg3[%add3A_46] : memref<320000xi32, #tpu.memory_space<hbm>> -> memref<16xi32, #tpu.memory_space<hbm>>
      %dma_start3A_77 = tpu.memref_slice %arg3[%add3A_46] : memref<320000xi32, #tpu.memory_space<hbm>> -> memref<16xi32, #tpu.memory_space<hbm>>
      tpu.enqueue_dma source(%dma_start3A_77 : memref<16xi32, #tpu.memory_space<hbm>>) target(%arg18 : memref<16xi32, #tpu.memory_space<vmem>>) target_semaphore(%run_scoped3A_75 : memref<!tpu.dma_semaphore, #tpu.memory_space<semaphore_mem>>)
      %dma_wait3A_78 = tpu.memref_slice %arg3[%add3A_46] : memref<320000xi32, #tpu.memory_space<hbm>> -> memref<16xi32, #tpu.memory_space<hbm>>
      %dma_wait3A_79 = tpu.memref_slice %arg3[%add3A_46] : memref<320000xi32, #tpu.memory_space<hbm>> -> memref<16xi32, #tpu.memory_space<hbm>>
      tpu.wait_dma2 semaphore(%run_scoped3A_75 : memref<!tpu.dma_semaphore, #tpu.memory_space<semaphore_mem>>) src(%dma_wait3A_79 : memref<16xi32, #tpu.memory_space<hbm>>) dst(%arg18 : memref<16xi32, #tpu.memory_space<vmem>>)
      tpu.yield
    }) : () -> ()
    %get3A = arith.constant 0 : index
    %get3A_47 = tpu.vector_load %arg17[%get3A] {strides = array<i32>} : memref<16xi32, #tpu.memory_space<vmem>>, vector<16xi32>,
    %get3A_48 = vector.shape_cast %get3A_47 : vector<16xi32> to vector<16xi32>
    %get3A_49 = arith.constant 0 : index
    %get3A_50 = tpu.vector_load %arg18[%get3A_49] {strides = array<i32>} : memref<16xi32, #tpu.memory_space<vmem>>, vector<16xi32>,
    %get3A_51 = vector.shape_cast %get3A_50 : vector<16xi32> to vector<16xi32>
    %eq3A = arith.cmpi eq, %get3A_48, %get3A_51 : vector<16xi32>
    %iota3A = tpu.iota {dimensions = array<i32: 0>} : vector<16xi32>
    %add3A_52 = arith.constant 10000 : i32
    %add3A_53 = vector.broadcast %add3A_52 : i32 to vector<16xi32>
    %add3A_54 = arith.addi %add3A_53, %iota3A : vector<16xi32>
    %select_n3A = arith.select %eq3A, %add3A_54, %get3A_51 : vector<16xi1>, vector<16xi32>
    %swap3A_55 = arith.constant 0 : index
    %swap3A_56 = tpu.vector_load %arg19[%swap3A_55] {strides = array<i32>} : memref<16xi32, #tpu.memory_space<vmem>>, vector<16xi32>,
    %swap3A_57 = vector.shape_cast %swap3A_56 : vector<16xi32> to vector<16xi32>
    %swap3A_58 = vector.shape_cast %select_n3A : vector<16xi32> to vector<16xi32>
    tpu.vector_store %arg19[%swap3A_55], %swap3A_58 {strides = array<i32>} : memref<16xi32, #tpu.memory_space<vmem>>, vector<16xi32>,
    %run_scoped3A = arith.constant 78 : i32
    "tpu.region"() ({
      %run_scoped3A_75 = tpu.sem_alloc : memref<!tpu.dma_semaphore, #tpu.memory_space<semaphore_mem>>
      %dma_start3A_76 = arith.constant 0 : i32
      %dma_start3A_77 = tpu.memref_slice %arg4[%add3A, %run_scoped3A, %dma_start3A_76] : memref<32x80x128xi32, #tpu.memory_space<hbm>> -> memref<1x1x16xi32, #tpu.memory_space<hbm>>
      %dma_start3A_78 = tpu.memref_squeeze %dma_start3A_77 : memref<1x1x16xi32, #tpu.memory_space<hbm>> -> memref<16xi32, #tpu.memory_space<hbm>>
      %dma_start3A_79 = arith.constant 0 : i32
      %dma_start3A_80 = tpu.memref_slice %arg4[%add3A, %run_scoped3A, %dma_start3A_79] : memref<32x80x128xi32, #tpu.memory_space<hbm>> -> memref<1x1x16xi32, #tpu.memory_space<hbm>>
      %dma_start3A_81 = tpu.memref_squeeze %dma_start3A_80 : memref<1x1x16xi32, #tpu.memory_space<hbm>> -> memref<16xi32, #tpu.memory_space<hbm>>
      tpu.enqueue_dma source(%arg17 : memref<16xi32, #tpu.memory_space<vmem>>) target(%dma_start3A_81 : memref<16xi32, #tpu.memory_space<hbm>>) target_semaphore(%run_scoped3A_75 : memref<!tpu.dma_semaphore, #tpu.memory_space<semaphore_mem>>)
      %dma_wait3A_82 = arith.constant 0 : i32
      %dma_wait3A_83 = tpu.memref_slice %arg4[%add3A, %run_scoped3A, %dma_wait3A_82] : memref<32x80x128xi32, #tpu.memory_space<hbm>> -> memref<1x1x16xi32, #tpu.memory_space<hbm>>
      %dma_wait3A_84 = tpu.memref_squeeze %dma_wait3A_83 : memref<1x1x16xi32, #tpu.memory_space<hbm>> -> memref<16xi32, #tpu.memory_space<hbm>>
      %dma_wait3A_85 = arith.constant 0 : i32
      %dma_wait3A_86 = tpu.memref_slice %arg4[%add3A, %run_scoped3A, %dma_wait3A_85] : memref<32x80x128xi32, #tpu.memory_space<hbm>> -> memref<1x1x16xi32, #tpu.memory_space<hbm>>
      %dma_wait3A_87 = tpu.memref_squeeze %dma_wait3A_86 : memref<1x1x16xi32, #tpu.memory_space<hbm>> -> memref<16xi32, #tpu.memory_space<hbm>>
      tpu.wait_dma2 semaphore(%run_scoped3A_75 : memref<!tpu.dma_semaphore, #tpu.memory_space<semaphore_mem>>) src(%arg17 : memref<16xi32, #tpu.memory_space<vmem>>) dst(%dma_wait3A_87 : memref<16xi32, #tpu.memory_space<hbm>>)
      tpu.yield
    }) : () -> ()
    %run_scoped3A_59 = arith.constant 78 : i32
    "tpu.region"() ({
      %run_scoped3A_75 = tpu.sem_alloc : memref<!tpu.dma_semaphore, #tpu.memory_space<semaphore_mem>>
      %dma_start3A_76 = arith.constant 0 : i32
      %dma_start3A_77 = tpu.memref_slice %arg5[%add3A, %run_scoped3A_59, %dma_start3A_76] : memref<32x80x128xi32, #tpu.memory_space<hbm>> -> memref<1x1x16xi32, #tpu.memory_space<hbm>>
      %dma_start3A_78 = tpu.memref_squeeze %dma_start3A_77 : memref<1x1x16xi32, #tpu.memory_space<hbm>> -> memref<16xi32, #tpu.memory_space<hbm>>
      %dma_start3A_79 = arith.constant 0 : i32
      %dma_start3A_80 = tpu.memref_slice %arg5[%add3A, %run_scoped3A_59, %dma_start3A_79] : memref<32x80x128xi32, #tpu.memory_space<hbm>> -> memref<1x1x16xi32, #tpu.memory_space<hbm>>
      %dma_start3A_81 = tpu.memref_squeeze %dma_start3A_80 : memref<1x1x16xi32, #tpu.memory_space<hbm>> -> memref<16xi32, #tpu.memory_space<hbm>>
      tpu.enqueue_dma source(%arg19 : memref<16xi32, #tpu.memory_space<vmem>>) target(%dma_start3A_81 : memref<16xi32, #tpu.memory_space<hbm>>) target_semaphore(%run_scoped3A_75 : memref<!tpu.dma_semaphore, #tpu.memory_space<semaphore_mem>>)
      %dma_wait3A_82 = arith.constant 0 : i32
      %dma_wait3A_83 = tpu.memref_slice %arg5[%add3A, %run_scoped3A_59, %dma_wait3A_82] : memref<32x80x128xi32, #tpu.memory_space<hbm>> -> memref<1x1x16xi32, #tpu.memory_space<hbm>>
      %dma_wait3A_84 = tpu.memref_squeeze %dma_wait3A_83 : memref<1x1x16xi32, #tpu.memory_space<hbm>> -> memref<16xi32, #tpu.memory_space<hbm>>
      %dma_wait3A_85 = arith.constant 0 : i32
      %dma_wait3A_86 = tpu.memref_slice %arg5[%add3A, %run_scoped3A_59, %dma_wait3A_85] : memref<32x80x128xi32, #tpu.memory_space<hbm>> -> memref<1x1x16xi32, #tpu.memory_space<hbm>>
      %dma_wait3A_87 = tpu.memref_squeeze %dma_wait3A_86 : memref<1x1x16xi32, #tpu.memory_space<hbm>> -> memref<16xi32, #tpu.memory_space<hbm>>
      tpu.wait_dma2 semaphore(%run_scoped3A_75 : memref<!tpu.dma_semaphore, #tpu.memory_space<semaphore_mem>>) src(%arg19 : memref<16xi32, #tpu.memory_space<vmem>>) dst(%dma_wait3A_87 : memref<16xi32, #tpu.memory_space<hbm>>)
      tpu.yield
    }) : () -> ()
    %run_scoped3A_60 = arith.constant 78 : i32
    "tpu.region"() ({
      %run_scoped3A_75 = tpu.sem_alloc : memref<!tpu.dma_semaphore, #tpu.memory_space<semaphore_mem>>
      %dma_start3A_76 = arith.constant 16 : i32
      %dma_start3A_77 = tpu.memref_slice %arg10[%dma_start3A_76] : memref<128xi32, #tpu.memory_space<vmem>> -> memref<112xi32, #tpu.memory_space<vmem>>
      %dma_start3A_78 = arith.constant 16 : i32
      %dma_start3A_79 = tpu.memref_slice %arg4[%add3A, %run_scoped3A_60, %dma_start3A_78] : memref<32x80x128xi32, #tpu.memory_space<hbm>> -> memref<1x1x112xi32, #tpu.memory_space<hbm>>
      %dma_start3A_80 = tpu.memref_squeeze %dma_start3A_79 : memref<1x1x112xi32, #tpu.memory_space<hbm>> -> memref<112xi32, #tpu.memory_space<hbm>>
      %dma_start3A_81 = arith.constant 16 : i32
      %dma_start3A_82 = tpu.memref_slice %arg4[%add3A, %run_scoped3A_60, %dma_start3A_81] : memref<32x80x128xi32, #tpu.memory_space<hbm>> -> memref<1x1x112xi32, #tpu.memory_space<hbm>>
      %dma_start3A_83 = tpu.memref_squeeze %dma_start3A_82 : memref<1x1x112xi32, #tpu.memory_space<hbm>> -> memref<112xi32, #tpu.memory_space<hbm>>
      %dma_start3A_84 = arith.constant 16 : i32
      %dma_start3A_85 = tpu.memref_slice %arg10[%dma_start3A_84] : memref<128xi32, #tpu.memory_space<vmem>> -> memref<112xi32, #tpu.memory_space<vmem>>
      tpu.enqueue_dma source(%dma_start3A_85 : memref<112xi32, #tpu.memory_space<vmem>>) target(%dma_start3A_83 : memref<112xi32, #tpu.memory_space<hbm>>) target_semaphore(%run_scoped3A_75 : memref<!tpu.dma_semaphore, #tpu.memory_space<semaphore_mem>>)
      %dma_wait3A_86 = arith.constant 16 : i32
      %dma_wait3A_87 = tpu.memref_slice %arg10[%dma_wait3A_86] : memref<128xi32, #tpu.memory_space<vmem>> -> memref<112xi32, #tpu.memory_space<vmem>>
      %dma_wait3A_88 = arith.constant 16 : i32
      %dma_wait3A_89 = tpu.memref_slice %arg4[%add3A, %run_scoped3A_60, %dma_wait3A_88] : memref<32x80x128xi32, #tpu.memory_space<hbm>> -> memref<1x1x112xi32, #tpu.memory_space<hbm>>
      %dma_wait3A_90 = tpu.memref_squeeze %dma_wait3A_89 : memref<1x1x112xi32, #tpu.memory_space<hbm>> -> memref<112xi32, #tpu.memory_space<hbm>>
      %dma_wait3A_91 = arith.constant 16 : i32
      %dma_wait3A_92 = tpu.memref_slice %arg4[%add3A, %run_scoped3A_60, %dma_wait3A_91] : memref<32x80x128xi32, #tpu.memory_space<hbm>> -> memref<1x1x112xi32, #tpu.memory_space<hbm>>
      %dma_wait3A_93 = tpu.memref_squeeze %dma_wait3A_92 : memref<1x1x112xi32, #tpu.memory_space<hbm>> -> memref<112xi32, #tpu.memory_space<hbm>>
      %dma_wait3A_94 = arith.constant 16 : i32
      %dma_wait3A_95 = tpu.memref_slice %arg10[%dma_wait3A_94] : memref<128xi32, #tpu.memory_space<vmem>> -> memref<112xi32, #tpu.memory_space<vmem>>
      tpu.wait_dma2 semaphore(%run_scoped3A_75 : memref<!tpu.dma_semaphore, #tpu.memory_space<semaphore_mem>>) src(%dma_wait3A_95 : memref<112xi32, #tpu.memory_space<vmem>>) dst(%dma_wait3A_93 : memref<112xi32, #tpu.memory_space<hbm>>)
      tpu.yield
    }) : () -> ()
    %run_scoped3A_61 = arith.constant 78 : i32
    "tpu.region"() ({
      %run_scoped3A_75 = tpu.sem_alloc : memref<!tpu.dma_semaphore, #tpu.memory_space<semaphore_mem>>
      %dma_start3A_76 = arith.constant 16 : i32
      %dma_start3A_77 = tpu.memref_slice %arg10[%dma_start3A_76] : memref<128xi32, #tpu.memory_space<vmem>> -> memref<112xi32, #tpu.memory_space<vmem>>
      %dma_start3A_78 = arith.constant 16 : i32
      %dma_start3A_79 = tpu.memref_slice %arg5[%add3A, %run_scoped3A_61, %dma_start3A_78] : memref<32x80x128xi32, #tpu.memory_space<hbm>> -> memref<1x1x112xi32, #tpu.memory_space<hbm>>
      %dma_start3A_80 = tpu.memref_squeeze %dma_start3A_79 : memref<1x1x112xi32, #tpu.memory_space<hbm>> -> memref<112xi32, #tpu.memory_space<hbm>>
      %dma_start3A_81 = arith.constant 16 : i32
      %dma_start3A_82 = tpu.memref_slice %arg5[%add3A, %run_scoped3A_61, %dma_start3A_81] : memref<32x80x128xi32, #tpu.memory_space<hbm>> -> memref<1x1x112xi32, #tpu.memory_space<hbm>>
      %dma_start3A_83 = tpu.memref_squeeze %dma_start3A_82 : memref<1x1x112xi32, #tpu.memory_space<hbm>> -> memref<112xi32, #tpu.memory_space<hbm>>
      %dma_start3A_84 = arith.constant 16 : i32
      %dma_start3A_85 = tpu.memref_slice %arg10[%dma_start3A_84] : memref<128xi32, #tpu.memory_space<vmem>> -> memref<112xi32, #tpu.memory_space<vmem>>
      tpu.enqueue_dma source(%dma_start3A_85 : memref<112xi32, #tpu.memory_space<vmem>>) target(%dma_start3A_83 : memref<112xi32, #tpu.memory_space<hbm>>) target_semaphore(%run_scoped3A_75 : memref<!tpu.dma_semaphore, #tpu.memory_space<semaphore_mem>>)
      %dma_wait3A_86 = arith.constant 16 : i32
      %dma_wait3A_87 = tpu.memref_slice %arg10[%dma_wait3A_86] : memref<128xi32, #tpu.memory_space<vmem>> -> memref<112xi32, #tpu.memory_space<vmem>>
      %dma_wait3A_88 = arith.constant 16 : i32
      %dma_wait3A_89 = tpu.memref_slice %arg5[%add3A, %run_scoped3A_61, %dma_wait3A_88] : memref<32x80x128xi32, #tpu.memory_space<hbm>> -> memref<1x1x112xi32, #tpu.memory_space<hbm>>
      %dma_wait3A_90 = tpu.memref_squeeze %dma_wait3A_89 : memref<1x1x112xi32, #tpu.memory_space<hbm>> -> memref<112xi32, #tpu.memory_space<hbm>>
      %dma_wait3A_91 = arith.constant 16 : i32
      %dma_wait3A_92 = tpu.memref_slice %arg5[%add3A, %run_scoped3A_61, %dma_wait3A_91] : memref<32x80x128xi32, #tpu.memory_space<hbm>> -> memref<1x1x112xi32, #tpu.memory_space<hbm>>
      %dma_wait3A_93 = tpu.memref_squeeze %dma_wait3A_92 : memref<1x1x112xi32, #tpu.memory_space<hbm>> -> memref<112xi32, #tpu.memory_space<hbm>>
      %dma_wait3A_94 = arith.constant 16 : i32
      %dma_wait3A_95 = tpu.memref_slice %arg10[%dma_wait3A_94] : memref<128xi32, #tpu.memory_space<vmem>> -> memref<112xi32, #tpu.memory_space<vmem>>
      tpu.wait_dma2 semaphore(%run_scoped3A_75 : memref<!tpu.dma_semaphore, #tpu.memory_space<semaphore_mem>>) src(%dma_wait3A_95 : memref<112xi32, #tpu.memory_space<vmem>>) dst(%dma_wait3A_93 : memref<112xi32, #tpu.memory_space<hbm>>)
      tpu.yield
    }) : () -> ()
    %run_scoped3A_62 = arith.constant 79 : i32
    "tpu.region"() ({
      %run_scoped3A_75 = tpu.sem_alloc : memref<!tpu.dma_semaphore, #tpu.memory_space<semaphore_mem>>
      %dma_start3A_76 = arith.constant 0 : i32
      %dma_start3A_77 = tpu.memref_slice %arg4[%add3A, %run_scoped3A_62, %dma_start3A_76] : memref<32x80x128xi32, #tpu.memory_space<hbm>> -> memref<1x1x128xi32, #tpu.memory_space<hbm>>
      %dma_start3A_78 = tpu.memref_squeeze %dma_start3A_77 : memref<1x1x128xi32, #tpu.memory_space<hbm>> -> memref<128xi32, #tpu.memory_space<hbm>>
      %dma_start3A_79 = arith.constant 0 : i32
      %dma_start3A_80 = tpu.memref_slice %arg4[%add3A, %run_scoped3A_62, %dma_start3A_79] : memref<32x80x128xi32, #tpu.memory_space<hbm>> -> memref<1x1x128xi32, #tpu.memory_space<hbm>>
      %dma_start3A_81 = tpu.memref_squeeze %dma_start3A_80 : memref<1x1x128xi32, #tpu.memory_space<hbm>> -> memref<128xi32, #tpu.memory_space<hbm>>
      tpu.enqueue_dma source(%arg10 : memref<128xi32, #tpu.memory_space<vmem>>) target(%dma_start3A_81 : memref<128xi32, #tpu.memory_space<hbm>>) target_semaphore(%run_scoped3A_75 : memref<!tpu.dma_semaphore, #tpu.memory_space<semaphore_mem>>)
      %dma_wait3A_82 = arith.constant 0 : i32
      %dma_wait3A_83 = tpu.memref_slice %arg4[%add3A, %run_scoped3A_62, %dma_wait3A_82] : memref<32x80x128xi32, #tpu.memory_space<hbm>> -> memref<1x1x128xi32, #tpu.memory_space<hbm>>
      %dma_wait3A_84 = tpu.memref_squeeze %dma_wait3A_83 : memref<1x1x128xi32, #tpu.memory_space<hbm>> -> memref<128xi32, #tpu.memory_space<hbm>>
      %dma_wait3A_85 = arith.constant 0 : i32
      %dma_wait3A_86 = tpu.memref_slice %arg4[%add3A, %run_scoped3A_62, %dma_wait3A_85] : memref<32x80x128xi32, #tpu.memory_space<hbm>> -> memref<1x1x128xi32, #tpu.memory_space<hbm>>
      %dma_wait3A_87 = tpu.memref_squeeze %dma_wait3A_86 : memref<1x1x128xi32, #tpu.memory_space<hbm>> -> memref<128xi32, #tpu.memory_space<hbm>>
      tpu.wait_dma2 semaphore(%run_scoped3A_75 : memref<!tpu.dma_semaphore, #tpu.memory_space<semaphore_mem>>) src(%arg10 : memref<128xi32, #tpu.memory_space<vmem>>) dst(%dma_wait3A_87 : memref<128xi32, #tpu.memory_space<hbm>>)
      tpu.yield
    }) : () -> ()
    %run_scoped3A_63 = arith.constant 79 : i32
    "tpu.region"() ({
      %run_scoped3A_75 = tpu.sem_alloc : memref<!tpu.dma_semaphore, #tpu.memory_space<semaphore_mem>>
      %dma_start3A_76 = arith.constant 0 : i32
      %dma_start3A_77 = tpu.memref_slice %arg5[%add3A, %run_scoped3A_63, %dma_start3A_76] : memref<32x80x128xi32, #tpu.memory_space<hbm>> -> memref<1x1x128xi32, #tpu.memory_space<hbm>>
      %dma_start3A_78 = tpu.memref_squeeze %dma_start3A_77 : memref<1x1x128xi32, #tpu.memory_space<hbm>> -> memref<128xi32, #tpu.memory_space<hbm>>
      %dma_start3A_79 = arith.constant 0 : i32
      %dma_start3A_80 = tpu.memref_slice %arg5[%add3A, %run_scoped3A_63, %dma_start3A_79] : memref<32x80x128xi32, #tpu.memory_space<hbm>> -> memref<1x1x128xi32, #tpu.memory_space<hbm>>
      %dma_start3A_81 = tpu.memref_squeeze %dma_start3A_80 : memref<1x1x128xi32, #tpu.memory_space<hbm>> -> memref<128xi32, #tpu.memory_space<hbm>>
      tpu.enqueue_dma source(%arg10 : memref<128xi32, #tpu.memory_space<vmem>>) target(%dma_start3A_81 : memref<128xi32, #tpu.memory_space<hbm>>) target_semaphore(%run_scoped3A_75 : memref<!tpu.dma_semaphore, #tpu.memory_space<semaphore_mem>>)
      %dma_wait3A_82 = arith.constant 0 : i32
      %dma_wait3A_83 = tpu.memref_slice %arg5[%add3A, %run_scoped3A_63, %dma_wait3A_82] : memref<32x80x128xi32, #tpu.memory_space<hbm>> -> memref<1x1x128xi32, #tpu.memory_space<hbm>>
      %dma_wait3A_84 = tpu.memref_squeeze %dma_wait3A_83 : memref<1x1x128xi32, #tpu.memory_space<hbm>> -> memref<128xi32, #tpu.memory_space<hbm>>
      %dma_wait3A_85 = arith.constant 0 : i32
      %dma_wait3A_86 = tpu.memref_slice %arg5[%add3A, %run_scoped3A_63, %dma_wait3A_85] : memref<32x80x128xi32, #tpu.memory_space<hbm>> -> memref<1x1x128xi32, #tpu.memory_space<hbm>>
      %dma_wait3A_87 = tpu.memref_squeeze %dma_wait3A_86 : memref<1x1x128xi32, #tpu.memory_space<hbm>> -> memref<128xi32, #tpu.memory_space<hbm>>
      tpu.wait_dma2 semaphore(%run_scoped3A_75 : memref<!tpu.dma_semaphore, #tpu.memory_space<semaphore_mem>>) src(%arg10 : memref<128xi32, #tpu.memory_space<vmem>>) dst(%dma_wait3A_87 : memref<128xi32, #tpu.memory_space<hbm>>)
      tpu.yield
    }) : () -> ()
    "tpu.region"() ({
      %run_scoped3A_75 = tpu.sem_alloc : memref<!tpu.dma_semaphore, #tpu.memory_space<semaphore_mem>>
      %dma_start3A_76 = arith.constant 0 : i32
      %dma_start3A_77 = tpu.memref_slice %arg7[%dma_start3A_76] : memref<10112xf32, #tpu.memory_space<vmem_shared>> -> memref<10112xf32, #tpu.memory_space<vmem_shared>>
      tpu.enqueue_indirect_dma source(%arg20 : memref<16xf32, #tpu.memory_space<vmem>>) target(%dma_start3A_77 : memref<10112xf32, #tpu.memory_space<vmem_shared>>) offsets(%arg19 : memref<16xi32, #tpu.memory_space<vmem>>) semaphore(%run_scoped3A_75 : memref<!tpu.dma_semaphore, #tpu.memory_space<semaphore_mem>>) {add = true}
      %dma_wait3A_78 = arith.constant 0 : i32
      %dma_wait3A_79 = tpu.memref_slice %arg7[%dma_wait3A_78] : memref<10112xf32, #tpu.memory_space<vmem_shared>> -> memref<10112xf32, #tpu.memory_space<vmem_shared>>
      tpu.wait_indirect_dma semaphore(%run_scoped3A_75 : memref<!tpu.dma_semaphore, #tpu.memory_space<semaphore_mem>>) src(%arg20 : memref<16xf32, #tpu.memory_space<vmem>>) dst(%dma_wait3A_79 : memref<10112xf32, #tpu.memory_space<vmem_shared>>)
      tpu.yield
    }) : () -> ()
    %barrier3A_64 = arith.constant 0 : index
    tpu.barrier barrier_id(%barrier3A_64)
    %mul3A_65 = arith.constant 624 : i32
    %mul3A_66 = arith.muli %arg1, %mul3A_65 : i32
    "tpu.region"() ({
      %run_scoped3A_75 = tpu.sem_alloc : memref<!tpu.dma_semaphore, #tpu.memory_space<semaphore_mem>>
      %dma_start3A_76 = tpu.memref_slice %arg7[%mul3A_66] : memref<10112xf32, #tpu.memory_space<vmem_shared>> -> memref<624xf32, #tpu.memory_space<vmem_shared>>
      %dma_start3A_77 = tpu.memref_slice %arg7[%mul3A_66] : memref<10112xf32, #tpu.memory_space<vmem_shared>> -> memref<624xf32, #tpu.memory_space<vmem_shared>>
      tpu.enqueue_dma source(%dma_start3A_77 : memref<624xf32, #tpu.memory_space<vmem_shared>>) target(%arg21 : memref<624xf32, #tpu.memory_space<vmem>>) target_semaphore(%run_scoped3A_75 : memref<!tpu.dma_semaphore, #tpu.memory_space<semaphore_mem>>)
      %dma_wait3A_78 = tpu.memref_slice %arg7[%mul3A_66] : memref<10112xf32, #tpu.memory_space<vmem_shared>> -> memref<624xf32, #tpu.memory_space<vmem_shared>>
      %dma_wait3A_79 = tpu.memref_slice %arg7[%mul3A_66] : memref<10112xf32, #tpu.memory_space<vmem_shared>> -> memref<624xf32, #tpu.memory_space<vmem_shared>>
      tpu.wait_dma2 semaphore(%run_scoped3A_75 : memref<!tpu.dma_semaphore, #tpu.memory_space<semaphore_mem>>) src(%dma_wait3A_79 : memref<624xf32, #tpu.memory_space<vmem_shared>>) dst(%arg21 : memref<624xf32, #tpu.memory_space<vmem>>)
      tpu.yield
    }) : () -> ()
    %mul3A_67 = arith.constant 10000 : i32
    %mul3A_68 = arith.muli %arg0, %mul3A_67 : i32
    %mul3A_69 = arith.constant 624 : i32
    %mul3A_70 = arith.muli %arg1, %mul3A_69 : i32
    %add3A_71 = arith.addi %mul3A_68, %mul3A_70 : i32
    "tpu.region"() ({
      %run_scoped3A_75 = tpu.sem_alloc : memref<!tpu.dma_semaphore, #tpu.memory_space<semaphore_mem>>
      %dma_start3A_76 = tpu.memref_slice %arg6[%add3A_71] : memref<20000xf32, #tpu.memory_space<hbm>> -> memref<624xf32, #tpu.memory_space<hbm>>
      %dma_start3A_77 = tpu.memref_slice %arg6[%add3A_71] : memref<20000xf32, #tpu.memory_space<hbm>> -> memref<624xf32, #tpu.memory_space<hbm>>
      tpu.enqueue_dma source(%arg21 : memref<624xf32, #tpu.memory_space<vmem>>) target(%dma_start3A_77 : memref<624xf32, #tpu.memory_space<hbm>>) target_semaphore(%run_scoped3A_75 : memref<!tpu.dma_semaphore, #tpu.memory_space<semaphore_mem>>)
      %dma_wait3A_78 = tpu.memref_slice %arg6[%add3A_71] : memref<20000xf32, #tpu.memory_space<hbm>> -> memref<624xf32, #tpu.memory_space<hbm>>
      %dma_wait3A_79 = tpu.memref_slice %arg6[%add3A_71] : memref<20000xf32, #tpu.memory_space<hbm>> -> memref<624xf32, #tpu.memory_space<hbm>>
      tpu.wait_dma2 semaphore(%run_scoped3A_75 : memref<!tpu.dma_semaphore, #tpu.memory_space<semaphore_mem>>) src(%arg21 : memref<624xf32, #tpu.memory_space<vmem>>) dst(%dma_wait3A_79 : memref<624xf32, #tpu.memory_space<hbm>>)
      tpu.yield
    }) : () -> ()
    %eq3A_72 = arith.constant 0 : i32
    %eq3A_73 = arith.cmpi eq, %arg1, %eq3A_72 : i32
    %convert_element_type3A = arith.extui %eq3A_73 : i1 to i32
    %cond3A = arith.constant 0 : i32
    %cond3A_74 = arith.cmpi ne, %convert_element_type3A, %cond3A : i32
    scf.if %cond3A_74 {
      "tpu.region"() ({
        %run_scoped3A_79 = tpu.sem_alloc : memref<!tpu.dma_semaphore, #tpu.memory_space<semaphore_mem>>
        %dma_start3A_80 = arith.constant 9984 : i32
        %dma_start3A_81 = tpu.memref_slice %arg7[%dma_start3A_80] : memref<10112xf32, #tpu.memory_space<vmem_shared>> -> memref<16xf32, #tpu.memory_space<vmem_shared>>
        %dma_start3A_82 = arith.constant 9984 : i32
        %dma_start3A_83 = tpu.memref_slice %arg7[%dma_start3A_82] : memref<10112xf32, #tpu.memory_space<vmem_shared>> -> memref<16xf32, #tpu.memory_space<vmem_shared>>
        tpu.enqueue_dma source(%dma_start3A_83 : memref<16xf32, #tpu.memory_space<vmem_shared>>) target(%arg22 : memref<16xf32, #tpu.memory_space<vmem>>) target_semaphore(%run_scoped3A_79 : memref<!tpu.dma_semaphore, #tpu.memory_space<semaphore_mem>>)
        %dma_wait3A_84 = arith.constant 9984 : i32
        %dma_wait3A_85 = tpu.memref_slice %arg7[%dma_wait3A_84] : memref<10112xf32, #tpu.memory_space<vmem_shared>> -> memref<16xf32, #tpu.memory_space<vmem_shared>>
        %dma_wait3A_86 = arith.constant 9984 : i32
        %dma_wait3A_87 = tpu.memref_slice %arg7[%dma_wait3A_86] : memref<10112xf32, #tpu.memory_space<vmem_shared>> -> memref<16xf32, #tpu.memory_space<vmem_shared>>
        tpu.wait_dma2 semaphore(%run_scoped3A_79 : memref<!tpu.dma_semaphore, #tpu.memory_space<semaphore_mem>>) src(%dma_wait3A_87 : memref<16xf32, #tpu.memory_space<vmem_shared>>) dst(%arg22 : memref<16xf32, #tpu.memory_space<vmem>>)
        tpu.yield
      }) : () -> ()
      %mul3A_75 = arith.constant 10000 : i32
      %mul3A_76 = arith.muli %arg0, %mul3A_75 : i32
      %add3A_77 = arith.constant 9984 : i32
      %add3A_78 = arith.addi %mul3A_76, %add3A_77 : i32
      "tpu.region"() ({
        %run_scoped3A_79 = tpu.sem_alloc : memref<!tpu.dma_semaphore, #tpu.memory_space<semaphore_mem>>
        %dma_start3A_80 = tpu.memref_slice %arg6[%add3A_78] : memref<20000xf32, #tpu.memory_space<hbm>> -> memref<16xf32, #tpu.memory_space<hbm>>
        %dma_start3A_81 = tpu.memref_slice %arg6[%add3A_78] : memref<20000xf32, #tpu.memory_space<hbm>> -> memref<16xf32, #tpu.memory_space<hbm>>
        tpu.enqueue_dma source(%arg22 : memref<16xf32, #tpu.memory_space<vmem>>) target(%dma_start3A_81 : memref<16xf32, #tpu.memory_space<hbm>>) target_semaphore(%run_scoped3A_79 : memref<!tpu.dma_semaphore, #tpu.memory_space<semaphore_mem>>)
        %dma_wait3A_82 = tpu.memref_slice %arg6[%add3A_78] : memref<20000xf32, #tpu.memory_space<hbm>> -> memref<16xf32, #tpu.memory_space<hbm>>
        %dma_wait3A_83 = tpu.memref_slice %arg6[%add3A_78] : memref<20000xf32, #tpu.memory_space<hbm>> -> memref<16xf32, #tpu.memory_space<hbm>>
        tpu.wait_dma2 semaphore(%run_scoped3A_79 : memref<!tpu.dma_semaphore, #tpu.memory_space<semaphore_mem>>) src(%arg22 : memref<16xf32, #tpu.memory_space<vmem>>) dst(%dma_wait3A_83 : memref<16xf32, #tpu.memory_space<hbm>>)
        tpu.yield
      }) : () -> ()
    } else {
    }
    return
  }
}

#map = affine_map<(d0, d1) -> (0, 0)>
#map1 = affine_map<(d0, d1) -> (0, 0, 0)>
module attributes {stable_mosaic.version = 14 : i64} {
  func.func @_sc_scatter_body(%arg0: i32, %arg1: i32, %arg2: memref<10000x32xf32, #tpu.memory_space<hbm>>, %arg3: memref<32x80x128xi32, #tpu.memory_space<hbm>>, %arg4: memref<32x80x128xi32, #tpu.memory_space<hbm>>, %arg5: memref<2x10000x32xf32, #tpu.memory_space<hbm>>, %arg6: memref<10112x32xf32, #tpu.memory_space<vmem_shared>>, %arg7: memref<632x32xf32, #tpu.memory_space<vmem>>, %arg8: memref<80x128xi32, #tpu.memory_space<vmem>>, %arg9: memref<80x128xi32, #tpu.memory_space<vmem>>, %arg10: memref<128x32xf32, #tpu.memory_space<vmem>>, %arg11: memref<128x32xf32, #tpu.memory_space<vmem>>, %arg12: memref<16xi32, #tpu.memory_space<vmem>>, %arg13: memref<16xi32, #tpu.memory_space<vmem>>, %arg14: memref<16x32xf32, #tpu.memory_space<vmem>>, %arg15: memref<!tpu.dma_semaphore, #tpu.memory_space<semaphore_mem>>, %arg16: memref<!tpu.dma_semaphore, #tpu.memory_space<semaphore_mem>>, %arg17: memref<!tpu.dma_semaphore, #tpu.memory_space<semaphore_mem>>, %arg18: memref<!tpu.dma_semaphore, #tpu.memory_space<semaphore_mem>>) attributes {dimension_semantics = [#tpu.dimension_semantics<core_parallel>, #tpu.dimension_semantics<subcore_parallel>], iteration_bounds = array<i64: 2, 16>, scalar_prefetch = 0 : i64, scratch_operands = 13 : i64, tpu.core_type = #tpu.core_type<sc_vector_subcore>, window_params = [{transform_indices = #map}, {transform_indices = #map1}, {transform_indices = #map1}, {transform_indices = #map1}]} {
    %mul3A = arith.constant 16 : i32
    %mul3A_0 = arith.muli %arg0, %mul3A : i32
    %add3A = arith.addi %mul3A_0, %arg1 : i32
    %scan3A = arith.constant 0 : i32
    %scan3A_1 = arith.constant 0 : i32
    %scan3A_2 = arith.constant 632 : i32
    %scan3A_3 = arith.addi %scan3A_1, %scan3A_2 : i32
    %scan3A_4 = arith.constant 1 : i32
    %scan3A_5 = scf.for %scan3A_59 = %scan3A_1 to %scan3A_3 step %scan3A_4 iter_args(%scan3A_60 = %scan3A) -> (i32)  : i32 {
      %broadcast_in_dim3A = arith.constant 0.000000e+00 : f32
      %broadcast_in_dim3A_61 = vector.broadcast %broadcast_in_dim3A : f32 to vector<16xf32>
      %swap3A = arith.index_cast %scan3A_59 : i32 to index
      %swap3A_62 = arith.constant 0 : index
      %swap3A_63 = tpu.vector_load %arg7[%swap3A, %swap3A_62] {strides = array<i32>} : memref<632x32xf32, #tpu.memory_space<vmem>>, vector<1x16xf32>,
      %swap3A_64 = vector.shape_cast %swap3A_63 : vector<1x16xf32> to vector<16xf32>
      %swap3A_65 = vector.shape_cast %broadcast_in_dim3A_61 : vector<16xf32> to vector<1x16xf32>
      tpu.vector_store %arg7[%swap3A, %swap3A_62], %swap3A_65 {strides = array<i32>} : memref<632x32xf32, #tpu.memory_space<vmem>>, vector<1x16xf32>,
      %broadcast_in_dim3A_66 = arith.constant 0.000000e+00 : f32
      %broadcast_in_dim3A_67 = vector.broadcast %broadcast_in_dim3A_66 : f32 to vector<16xf32>
      %swap3A_68 = arith.index_cast %scan3A_59 : i32 to index
      %swap3A_69 = arith.constant 16 : index
      %swap3A_70 = tpu.vector_load %arg7[%swap3A_68, %swap3A_69] {strides = array<i32>} : memref<632x32xf32, #tpu.memory_space<vmem>>, vector<1x16xf32>,
      %swap3A_71 = vector.shape_cast %swap3A_70 : vector<1x16xf32> to vector<16xf32>
      %swap3A_72 = vector.shape_cast %broadcast_in_dim3A_67 : vector<16xf32> to vector<1x16xf32>
      tpu.vector_store %arg7[%swap3A_68, %swap3A_69], %swap3A_72 {strides = array<i32>} : memref<632x32xf32, #tpu.memory_space<vmem>>, vector<1x16xf32>,
      %scan3A_73 = arith.constant 0 : i32
      scf.yield %scan3A_73 : i32
    }
    %scan3A_6 = arith.constant 632 : i32
    %mul3A_7 = arith.constant 632 : i32
    %mul3A_8 = arith.muli %arg1, %mul3A_7 : i32
    "tpu.region"() ({
      %run_scoped3A_59 = tpu.sem_alloc : memref<!tpu.dma_semaphore, #tpu.memory_space<semaphore_mem>>
      %dma_start3A_60 = arith.constant 0 : i32
      %dma_start3A_61 = tpu.memref_slice %arg6[%mul3A_8, %dma_start3A_60] : memref<10112x32xf32, #tpu.memory_space<vmem_shared>> -> memref<632x32xf32, #tpu.memory_space<vmem_shared>>
      %dma_start3A_62 = arith.constant 0 : i32
      %dma_start3A_63 = tpu.memref_slice %arg6[%mul3A_8, %dma_start3A_62] : memref<10112x32xf32, #tpu.memory_space<vmem_shared>> -> memref<632x32xf32, #tpu.memory_space<vmem_shared>>
      tpu.enqueue_dma source(%arg7 : memref<632x32xf32, #tpu.memory_space<vmem>>) target(%dma_start3A_63 : memref<632x32xf32, #tpu.memory_space<vmem_shared>>) target_semaphore(%run_scoped3A_59 : memref<!tpu.dma_semaphore, #tpu.memory_space<semaphore_mem>>)
      %dma_wait3A_64 = arith.constant 0 : i32
      %dma_wait3A_65 = tpu.memref_slice %arg6[%mul3A_8, %dma_wait3A_64] : memref<10112x32xf32, #tpu.memory_space<vmem_shared>> -> memref<632x32xf32, #tpu.memory_space<vmem_shared>>
      %dma_wait3A_66 = arith.constant 0 : i32
      %dma_wait3A_67 = tpu.memref_slice %arg6[%mul3A_8, %dma_wait3A_66] : memref<10112x32xf32, #tpu.memory_space<vmem_shared>> -> memref<632x32xf32, #tpu.memory_space<vmem_shared>>
      tpu.wait_dma2 semaphore(%run_scoped3A_59 : memref<!tpu.dma_semaphore, #tpu.memory_space<semaphore_mem>>) src(%arg7 : memref<632x32xf32, #tpu.memory_space<vmem>>) dst(%dma_wait3A_67 : memref<632x32xf32, #tpu.memory_space<vmem_shared>>)
      tpu.yield
    }) : () -> ()
    "tpu.region"() ({
      %run_scoped3A_59 = tpu.sem_alloc : memref<!tpu.dma_semaphore, #tpu.memory_space<semaphore_mem>>
      %dma_start3A_60 = arith.constant 0 : i32
      %dma_start3A_61 = arith.constant 0 : i32
      %dma_start3A_62 = tpu.memref_slice %arg3[%add3A, %dma_start3A_60, %dma_start3A_61] : memref<32x80x128xi32, #tpu.memory_space<hbm>> -> memref<1x80x128xi32, #tpu.memory_space<hbm>>
      %dma_start3A_63 = tpu.memref_squeeze %dma_start3A_62 : memref<1x80x128xi32, #tpu.memory_space<hbm>> -> memref<80x128xi32, #tpu.memory_space<hbm>>
      %dma_start3A_64 = arith.constant 0 : i32
      %dma_start3A_65 = arith.constant 0 : i32
      %dma_start3A_66 = tpu.memref_slice %arg3[%add3A, %dma_start3A_64, %dma_start3A_65] : memref<32x80x128xi32, #tpu.memory_space<hbm>> -> memref<1x80x128xi32, #tpu.memory_space<hbm>>
      %dma_start3A_67 = tpu.memref_squeeze %dma_start3A_66 : memref<1x80x128xi32, #tpu.memory_space<hbm>> -> memref<80x128xi32, #tpu.memory_space<hbm>>
      tpu.enqueue_dma source(%dma_start3A_67 : memref<80x128xi32, #tpu.memory_space<hbm>>) target(%arg8 : memref<80x128xi32, #tpu.memory_space<vmem>>) target_semaphore(%run_scoped3A_59 : memref<!tpu.dma_semaphore, #tpu.memory_space<semaphore_mem>>)
      %dma_wait3A_68 = arith.constant 0 : i32
      %dma_wait3A_69 = arith.constant 0 : i32
      %dma_wait3A_70 = tpu.memref_slice %arg3[%add3A, %dma_wait3A_68, %dma_wait3A_69] : memref<32x80x128xi32, #tpu.memory_space<hbm>> -> memref<1x80x128xi32, #tpu.memory_space<hbm>>
      %dma_wait3A_71 = tpu.memref_squeeze %dma_wait3A_70 : memref<1x80x128xi32, #tpu.memory_space<hbm>> -> memref<80x128xi32, #tpu.memory_space<hbm>>
      %dma_wait3A_72 = arith.constant 0 : i32
      %dma_wait3A_73 = arith.constant 0 : i32
      %dma_wait3A_74 = tpu.memref_slice %arg3[%add3A, %dma_wait3A_72, %dma_wait3A_73] : memref<32x80x128xi32, #tpu.memory_space<hbm>> -> memref<1x80x128xi32, #tpu.memory_space<hbm>>
      %dma_wait3A_75 = tpu.memref_squeeze %dma_wait3A_74 : memref<1x80x128xi32, #tpu.memory_space<hbm>> -> memref<80x128xi32, #tpu.memory_space<hbm>>
      tpu.wait_dma2 semaphore(%run_scoped3A_59 : memref<!tpu.dma_semaphore, #tpu.memory_space<semaphore_mem>>) src(%dma_wait3A_75 : memref<80x128xi32, #tpu.memory_space<hbm>>) dst(%arg8 : memref<80x128xi32, #tpu.memory_space<vmem>>)
      tpu.yield
    }) : () -> ()
    "tpu.region"() ({
      %run_scoped3A_59 = tpu.sem_alloc : memref<!tpu.dma_semaphore, #tpu.memory_space<semaphore_mem>>
      %dma_start3A_60 = arith.constant 0 : i32
      %dma_start3A_61 = arith.constant 0 : i32
      %dma_start3A_62 = tpu.memref_slice %arg4[%add3A, %dma_start3A_60, %dma_start3A_61] : memref<32x80x128xi32, #tpu.memory_space<hbm>> -> memref<1x80x128xi32, #tpu.memory_space<hbm>>
      %dma_start3A_63 = tpu.memref_squeeze %dma_start3A_62 : memref<1x80x128xi32, #tpu.memory_space<hbm>> -> memref<80x128xi32, #tpu.memory_space<hbm>>
      %dma_start3A_64 = arith.constant 0 : i32
      %dma_start3A_65 = arith.constant 0 : i32
      %dma_start3A_66 = tpu.memref_slice %arg4[%add3A, %dma_start3A_64, %dma_start3A_65] : memref<32x80x128xi32, #tpu.memory_space<hbm>> -> memref<1x80x128xi32, #tpu.memory_space<hbm>>
      %dma_start3A_67 = tpu.memref_squeeze %dma_start3A_66 : memref<1x80x128xi32, #tpu.memory_space<hbm>> -> memref<80x128xi32, #tpu.memory_space<hbm>>
      tpu.enqueue_dma source(%dma_start3A_67 : memref<80x128xi32, #tpu.memory_space<hbm>>) target(%arg9 : memref<80x128xi32, #tpu.memory_space<vmem>>) target_semaphore(%run_scoped3A_59 : memref<!tpu.dma_semaphore, #tpu.memory_space<semaphore_mem>>)
      %dma_wait3A_68 = arith.constant 0 : i32
      %dma_wait3A_69 = arith.constant 0 : i32
      %dma_wait3A_70 = tpu.memref_slice %arg4[%add3A, %dma_wait3A_68, %dma_wait3A_69] : memref<32x80x128xi32, #tpu.memory_space<hbm>> -> memref<1x80x128xi32, #tpu.memory_space<hbm>>
      %dma_wait3A_71 = tpu.memref_squeeze %dma_wait3A_70 : memref<1x80x128xi32, #tpu.memory_space<hbm>> -> memref<80x128xi32, #tpu.memory_space<hbm>>
      %dma_wait3A_72 = arith.constant 0 : i32
      %dma_wait3A_73 = arith.constant 0 : i32
      %dma_wait3A_74 = tpu.memref_slice %arg4[%add3A, %dma_wait3A_72, %dma_wait3A_73] : memref<32x80x128xi32, #tpu.memory_space<hbm>> -> memref<1x80x128xi32, #tpu.memory_space<hbm>>
      %dma_wait3A_75 = tpu.memref_squeeze %dma_wait3A_74 : memref<1x80x128xi32, #tpu.memory_space<hbm>> -> memref<80x128xi32, #tpu.memory_space<hbm>>
      tpu.wait_dma2 semaphore(%run_scoped3A_59 : memref<!tpu.dma_semaphore, #tpu.memory_space<semaphore_mem>>) src(%dma_wait3A_75 : memref<80x128xi32, #tpu.memory_space<hbm>>) dst(%arg9 : memref<80x128xi32, #tpu.memory_space<vmem>>)
      tpu.yield
    }) : () -> ()
    %barrier3A = arith.constant 0 : index
    tpu.barrier barrier_id(%barrier3A)
    %dma_start3A = arith.constant 0 : i32
    %dma_start3A_9 = arith.constant 0 : i32
    %dma_start3A_10 = tpu.memref_slice %arg8[%dma_start3A, %dma_start3A_9] : memref<80x128xi32, #tpu.memory_space<vmem>> -> memref<1x128xi32, #tpu.memory_space<vmem>>
    %dma_start3A_11 = tpu.memref_squeeze %dma_start3A_10 : memref<1x128xi32, #tpu.memory_space<vmem>> -> memref<128xi32, #tpu.memory_space<vmem>>
    %dma_start3A_12 = arith.constant 0 : i32
    %dma_start3A_13 = arith.constant 0 : i32
    %dma_start3A_14 = tpu.memref_slice %arg2[%dma_start3A_12, %dma_start3A_13] : memref<10000x32xf32, #tpu.memory_space<hbm>> -> memref<10000x32xf32, #tpu.memory_space<hbm>>
    tpu.enqueue_indirect_dma source(%dma_start3A_14 : memref<10000x32xf32, #tpu.memory_space<hbm>>) target(%arg10 : memref<128x32xf32, #tpu.memory_space<vmem>>) offsets(%dma_start3A_11 : memref<128xi32, #tpu.memory_space<vmem>>) semaphore(%arg15 : memref<!tpu.dma_semaphore, #tpu.memory_space<semaphore_mem>>)
    %dma_start3A_15 = arith.constant 79 : i32
    %dma_start3A_16 = arith.constant 0 : i32
    %dma_start3A_17 = arith.constant 0 : i32
    %dma_start3A_18 = tpu.memref_slice %arg7[%dma_start3A_16, %dma_start3A_17] : memref<632x32xf32, #tpu.memory_space<vmem>> -> memref<128x32xf32, #tpu.memory_space<vmem>>
    %dma_start3A_19 = arith.constant 0 : i32
    %dma_start3A_20 = tpu.memref_slice %arg9[%dma_start3A_15, %dma_start3A_19] : memref<80x128xi32, #tpu.memory_space<vmem>> -> memref<1x128xi32, #tpu.memory_space<vmem>>
    %dma_start3A_21 = tpu.memref_squeeze %dma_start3A_20 : memref<1x128xi32, #tpu.memory_space<vmem>> -> memref<128xi32, #tpu.memory_space<vmem>>
    %dma_start3A_22 = arith.constant 0 : i32
    %dma_start3A_23 = arith.constant 0 : i32
    %dma_start3A_24 = tpu.memref_slice %arg6[%dma_start3A_22, %dma_start3A_23] : memref<10112x32xf32, #tpu.memory_space<vmem_shared>> -> memref<10112x32xf32, #tpu.memory_space<vmem_shared>>
    tpu.enqueue_indirect_dma source(%dma_start3A_18 : memref<128x32xf32, #tpu.memory_space<vmem>>) target(%dma_start3A_24 : memref<10112x32xf32, #tpu.memory_space<vmem_shared>>) offsets(%dma_start3A_21 : memref<128xi32, #tpu.memory_space<vmem>>) semaphore(%arg18 : memref<!tpu.dma_semaphore, #tpu.memory_space<semaphore_mem>>) {add = true}
    %scan3A_25 = arith.constant 0 : i32
    %scan3A_26 = arith.constant 0 : i32
    %scan3A_27 = arith.constant 39 : i32
    %scan3A_28 = arith.addi %scan3A_26, %scan3A_27 : i32
    %scan3A_29 = arith.constant 1 : i32
    %scan3A_30 = scf.for %scan3A_59 = %scan3A_26 to %scan3A_28 step %scan3A_29 iter_args(%scan3A_60 = %scan3A_25) -> (i32)  : i32 {
      %mul3A_61 = arith.constant 2 : i32
      %mul3A_62 = arith.muli %mul3A_61, %scan3A_59 : i32
      %dma_wait3A_63 = arith.constant 0 : i32
      %dma_wait3A_64 = tpu.memref_slice %arg8[%mul3A_62, %dma_wait3A_63] : memref<80x128xi32, #tpu.memory_space<vmem>> -> memref<1x128xi32, #tpu.memory_space<vmem>>
      %dma_wait3A_65 = tpu.memref_squeeze %dma_wait3A_64 : memref<1x128xi32, #tpu.memory_space<vmem>> -> memref<128xi32, #tpu.memory_space<vmem>>
      %dma_wait3A_66 = arith.constant 0 : i32
      %dma_wait3A_67 = arith.constant 0 : i32
      %dma_wait3A_68 = tpu.memref_slice %arg2[%dma_wait3A_66, %dma_wait3A_67] : memref<10000x32xf32, #tpu.memory_space<hbm>> -> memref<10000x32xf32, #tpu.memory_space<hbm>>
      tpu.wait_indirect_dma semaphore(%arg15 : memref<!tpu.dma_semaphore, #tpu.memory_space<semaphore_mem>>) src(%dma_wait3A_68 : memref<10000x32xf32, #tpu.memory_space<hbm>>) dst(%arg10 : memref<128x32xf32, #tpu.memory_space<vmem>>)
      %sub3A = arith.constant 1 : i32
      %sub3A_69 = arith.subi %mul3A_62, %sub3A : i32
      %jit3A = arith.constant 80 : i32
      %eq3A_70 = arith.constant 0 : i32
      %eq3A_71 = arith.cmpi eq, %jit3A, %eq3A_70 : i32
      %jit3A_72 = arith.constant 1 : i32
      %select_n3A = arith.select %eq3A_71, %jit3A_72, %jit3A : i32
      %rem3A = arith.remsi %sub3A_69, %select_n3A : i32
      %ne3A = arith.constant 0 : i32
      %ne3A_73 = arith.cmpi ne, %rem3A, %ne3A : i32
      %lt3A = arith.constant 0 : i32
      %lt3A_74 = arith.cmpi slt, %rem3A, %lt3A : i32
      %lt3A_75 = arith.constant 0 : i32
      %lt3A_76 = arith.cmpi slt, %select_n3A, %lt3A_75 : i32
      %ne3A_77 = arith.xori %lt3A_74, %lt3A_76 : i1
      %and3A = arith.andi %ne3A_77, %ne3A_73 : i1
      %add3A_78 = arith.addi %rem3A, %select_n3A : i32
      %select_n3A_79 = arith.select %and3A, %add3A_78, %rem3A : i32
      %dma_wait3A_80 = arith.constant 0 : i32
      %dma_wait3A_81 = tpu.memref_slice %arg9[%select_n3A_79, %dma_wait3A_80] : memref<80x128xi32, #tpu.memory_space<vmem>> -> memref<1x128xi32, #tpu.memory_space<vmem>>
      %dma_wait3A_82 = tpu.memref_squeeze %dma_wait3A_81 : memref<1x128xi32, #tpu.memory_space<vmem>> -> memref<128xi32, #tpu.memory_space<vmem>>
      %dma_wait3A_83 = arith.constant 0 : i32
      %dma_wait3A_84 = arith.constant 0 : i32
      %dma_wait3A_85 = tpu.memref_slice %arg6[%dma_wait3A_83, %dma_wait3A_84] : memref<10112x32xf32, #tpu.memory_space<vmem_shared>> -> memref<10112x32xf32, #tpu.memory_space<vmem_shared>>
      tpu.wait_indirect_dma semaphore(%arg18 : memref<!tpu.dma_semaphore, #tpu.memory_space<semaphore_mem>>) src(%arg11 : memref<128x32xf32, #tpu.memory_space<vmem>>) dst(%dma_wait3A_85 : memref<10112x32xf32, #tpu.memory_space<vmem_shared>>)
      %add3A_86 = arith.constant 1 : i32
      %add3A_87 = arith.addi %mul3A_62, %add3A_86 : i32
      %dma_start3A_88 = arith.constant 0 : i32
      %dma_start3A_89 = tpu.memref_slice %arg8[%add3A_87, %dma_start3A_88] : memref<80x128xi32, #tpu.memory_space<vmem>> -> memref<1x128xi32, #tpu.memory_space<vmem>>
      %dma_start3A_90 = tpu.memref_squeeze %dma_start3A_89 : memref<1x128xi32, #tpu.memory_space<vmem>> -> memref<128xi32, #tpu.memory_space<vmem>>
      %dma_start3A_91 = arith.constant 0 : i32
      %dma_start3A_92 = arith.constant 0 : i32
      %dma_start3A_93 = tpu.memref_slice %arg2[%dma_start3A_91, %dma_start3A_92] : memref<10000x32xf32, #tpu.memory_space<hbm>> -> memref<10000x32xf32, #tpu.memory_space<hbm>>
      tpu.enqueue_indirect_dma source(%dma_start3A_93 : memref<10000x32xf32, #tpu.memory_space<hbm>>) target(%arg11 : memref<128x32xf32, #tpu.memory_space<vmem>>) offsets(%dma_start3A_90 : memref<128xi32, #tpu.memory_space<vmem>>) semaphore(%arg16 : memref<!tpu.dma_semaphore, #tpu.memory_space<semaphore_mem>>)
      %dma_start3A_94 = arith.constant 0 : i32
      %dma_start3A_95 = tpu.memref_slice %arg9[%mul3A_62, %dma_start3A_94] : memref<80x128xi32, #tpu.memory_space<vmem>> -> memref<1x128xi32, #tpu.memory_space<vmem>>
      %dma_start3A_96 = tpu.memref_squeeze %dma_start3A_95 : memref<1x128xi32, #tpu.memory_space<vmem>> -> memref<128xi32, #tpu.memory_space<vmem>>
      %dma_start3A_97 = arith.constant 0 : i32
      %dma_start3A_98 = arith.constant 0 : i32
      %dma_start3A_99 = tpu.memref_slice %arg6[%dma_start3A_97, %dma_start3A_98] : memref<10112x32xf32, #tpu.memory_space<vmem_shared>> -> memref<10112x32xf32, #tpu.memory_space<vmem_shared>>
      tpu.enqueue_indirect_dma source(%arg10 : memref<128x32xf32, #tpu.memory_space<vmem>>) target(%dma_start3A_99 : memref<10112x32xf32, #tpu.memory_space<vmem_shared>>) offsets(%dma_start3A_96 : memref<128xi32, #tpu.memory_space<vmem>>) semaphore(%arg17 : memref<!tpu.dma_semaphore, #tpu.memory_space<semaphore_mem>>) {add = true}
      %add3A_100 = arith.constant 1 : i32
      %add3A_101 = arith.addi %mul3A_62, %add3A_100 : i32
      %dma_wait3A_102 = arith.constant 0 : i32
      %dma_wait3A_103 = tpu.memref_slice %arg8[%add3A_101, %dma_wait3A_102] : memref<80x128xi32, #tpu.memory_space<vmem>> -> memref<1x128xi32, #tpu.memory_space<vmem>>
      %dma_wait3A_104 = tpu.memref_squeeze %dma_wait3A_103 : memref<1x128xi32, #tpu.memory_space<vmem>> -> memref<128xi32, #tpu.memory_space<vmem>>
      %dma_wait3A_105 = arith.constant 0 : i32
      %dma_wait3A_106 = arith.constant 0 : i32
      %dma_wait3A_107 = tpu.memref_slice %arg2[%dma_wait3A_105, %dma_wait3A_106] : memref<10000x32xf32, #tpu.memory_space<hbm>> -> memref<10000x32xf32, #tpu.memory_space<hbm>>
      tpu.wait_indirect_dma semaphore(%arg16 : memref<!tpu.dma_semaphore, #tpu.memory_space<semaphore_mem>>) src(%dma_wait3A_107 : memref<10000x32xf32, #tpu.memory_space<hbm>>) dst(%arg11 : memref<128x32xf32, #tpu.memory_space<vmem>>)
      %dma_wait3A_108 = arith.constant 0 : i32
      %dma_wait3A_109 = tpu.memref_slice %arg9[%mul3A_62, %dma_wait3A_108] : memref<80x128xi32, #tpu.memory_space<vmem>> -> memref<1x128xi32, #tpu.memory_space<vmem>>
      %dma_wait3A_110 = tpu.memref_squeeze %dma_wait3A_109 : memref<1x128xi32, #tpu.memory_space<vmem>> -> memref<128xi32, #tpu.memory_space<vmem>>
      %dma_wait3A_111 = arith.constant 0 : i32
      %dma_wait3A_112 = arith.constant 0 : i32
      %dma_wait3A_113 = tpu.memref_slice %arg6[%dma_wait3A_111, %dma_wait3A_112] : memref<10112x32xf32, #tpu.memory_space<vmem_shared>> -> memref<10112x32xf32, #tpu.memory_space<vmem_shared>>
      tpu.wait_indirect_dma semaphore(%arg17 : memref<!tpu.dma_semaphore, #tpu.memory_space<semaphore_mem>>) src(%arg10 : memref<128x32xf32, #tpu.memory_space<vmem>>) dst(%dma_wait3A_113 : memref<10112x32xf32, #tpu.memory_space<vmem_shared>>)
      %add3A_114 = arith.constant 2 : i32
      %add3A_115 = arith.addi %mul3A_62, %add3A_114 : i32
      %dma_start3A_116 = arith.constant 0 : i32
      %dma_start3A_117 = tpu.memref_slice %arg8[%add3A_115, %dma_start3A_116] : memref<80x128xi32, #tpu.memory_space<vmem>> -> memref<1x128xi32, #tpu.memory_space<vmem>>
      %dma_start3A_118 = tpu.memref_squeeze %dma_start3A_117 : memref<1x128xi32, #tpu.memory_space<vmem>> -> memref<128xi32, #tpu.memory_space<vmem>>
      %dma_start3A_119 = arith.constant 0 : i32
      %dma_start3A_120 = arith.constant 0 : i32
      %dma_start3A_121 = tpu.memref_slice %arg2[%dma_start3A_119, %dma_start3A_120] : memref<10000x32xf32, #tpu.memory_space<hbm>> -> memref<10000x32xf32, #tpu.memory_space<hbm>>
      tpu.enqueue_indirect_dma source(%dma_start3A_121 : memref<10000x32xf32, #tpu.memory_space<hbm>>) target(%arg10 : memref<128x32xf32, #tpu.memory_space<vmem>>) offsets(%dma_start3A_118 : memref<128xi32, #tpu.memory_space<vmem>>) semaphore(%arg15 : memref<!tpu.dma_semaphore, #tpu.memory_space<semaphore_mem>>)
      %add3A_122 = arith.constant 1 : i32
      %add3A_123 = arith.addi %mul3A_62, %add3A_122 : i32
      %dma_start3A_124 = arith.constant 0 : i32
      %dma_start3A_125 = tpu.memref_slice %arg9[%add3A_123, %dma_start3A_124] : memref<80x128xi32, #tpu.memory_space<vmem>> -> memref<1x128xi32, #tpu.memory_space<vmem>>
      %dma_start3A_126 = tpu.memref_squeeze %dma_start3A_125 : memref<1x128xi32, #tpu.memory_space<vmem>> -> memref<128xi32, #tpu.memory_space<vmem>>
      %dma_start3A_127 = arith.constant 0 : i32
      %dma_start3A_128 = arith.constant 0 : i32
      %dma_start3A_129 = tpu.memref_slice %arg6[%dma_start3A_127, %dma_start3A_128] : memref<10112x32xf32, #tpu.memory_space<vmem_shared>> -> memref<10112x32xf32, #tpu.memory_space<vmem_shared>>
      tpu.enqueue_indirect_dma source(%arg11 : memref<128x32xf32, #tpu.memory_space<vmem>>) target(%dma_start3A_129 : memref<10112x32xf32, #tpu.memory_space<vmem_shared>>) offsets(%dma_start3A_126 : memref<128xi32, #tpu.memory_space<vmem>>) semaphore(%arg18 : memref<!tpu.dma_semaphore, #tpu.memory_space<semaphore_mem>>) {add = true}
      %scan3A_130 = arith.constant 0 : i32
      scf.yield %scan3A_130 : i32
    }
    %scan3A_31 = arith.constant 39 : i32
    %dma_wait3A = arith.constant 78 : i32
    %dma_wait3A_32 = arith.constant 0 : i32
    %dma_wait3A_33 = tpu.memref_slice %arg8[%dma_wait3A, %dma_wait3A_32] : memref<80x128xi32, #tpu.memory_space<vmem>> -> memref<1x128xi32, #tpu.memory_space<vmem>>
    %dma_wait3A_34 = tpu.memref_squeeze %dma_wait3A_33 : memref<1x128xi32, #tpu.memory_space<vmem>> -> memref<128xi32, #tpu.memory_space<vmem>>
    %dma_wait3A_35 = arith.constant 0 : i32
    %dma_wait3A_36 = arith.constant 0 : i32
    %dma_wait3A_37 = tpu.memref_slice %arg2[%dma_wait3A_35, %dma_wait3A_36] : memref<10000x32xf32, #tpu.memory_space<hbm>> -> memref<10000x32xf32, #tpu.memory_space<hbm>>
    tpu.wait_indirect_dma semaphore(%arg15 : memref<!tpu.dma_semaphore, #tpu.memory_space<semaphore_mem>>) src(%dma_wait3A_37 : memref<10000x32xf32, #tpu.memory_space<hbm>>) dst(%arg10 : memref<128x32xf32, #tpu.memory_space<vmem>>)
    %dma_wait3A_38 = arith.constant 77 : i32
    %dma_wait3A_39 = arith.constant 0 : i32
    %dma_wait3A_40 = tpu.memref_slice %arg9[%dma_wait3A_38, %dma_wait3A_39] : memref<80x128xi32, #tpu.memory_space<vmem>> -> memref<1x128xi32, #tpu.memory_space<vmem>>
    %dma_wait3A_41 = tpu.memref_squeeze %dma_wait3A_40 : memref<1x128xi32, #tpu.memory_space<vmem>> -> memref<128xi32, #tpu.memory_space<vmem>>
    %dma_wait3A_42 = arith.constant 0 : i32
    %dma_wait3A_43 = arith.constant 0 : i32
    %dma_wait3A_44 = tpu.memref_slice %arg6[%dma_wait3A_42, %dma_wait3A_43] : memref<10112x32xf32, #tpu.memory_space<vmem_shared>> -> memref<10112x32xf32, #tpu.memory_space<vmem_shared>>
    tpu.wait_indirect_dma semaphore(%arg18 : memref<!tpu.dma_semaphore, #tpu.memory_space<semaphore_mem>>) src(%arg11 : memref<128x32xf32, #tpu.memory_space<vmem>>) dst(%dma_wait3A_44 : memref<10112x32xf32, #tpu.memory_space<vmem_shared>>)
    %run_scoped3A = arith.constant 78 : i32
    "tpu.region"() ({
      %run_scoped3A_59 = tpu.sem_alloc : memref<!tpu.dma_semaphore, #tpu.memory_space<semaphore_mem>>
      %dma_start3A_60 = arith.constant 0 : i32
      %dma_start3A_61 = tpu.memref_slice %arg3[%add3A, %run_scoped3A, %dma_start3A_60] : memref<32x80x128xi32, #tpu.memory_space<hbm>> -> memref<1x1x16xi32, #tpu.memory_space<hbm>>
      %dma_start3A_62 = tpu.memref_squeeze %dma_start3A_61 : memref<1x1x16xi32, #tpu.memory_space<hbm>> -> memref<16xi32, #tpu.memory_space<hbm>>
      %dma_start3A_63 = arith.constant 0 : i32
      %dma_start3A_64 = tpu.memref_slice %arg3[%add3A, %run_scoped3A, %dma_start3A_63] : memref<32x80x128xi32, #tpu.memory_space<hbm>> -> memref<1x1x16xi32, #tpu.memory_space<hbm>>
      %dma_start3A_65 = tpu.memref_squeeze %dma_start3A_64 : memref<1x1x16xi32, #tpu.memory_space<hbm>> -> memref<16xi32, #tpu.memory_space<hbm>>
      tpu.enqueue_dma source(%dma_start3A_65 : memref<16xi32, #tpu.memory_space<hbm>>) target(%arg12 : memref<16xi32, #tpu.memory_space<vmem>>) target_semaphore(%run_scoped3A_59 : memref<!tpu.dma_semaphore, #tpu.memory_space<semaphore_mem>>)
      %dma_wait3A_66 = arith.constant 0 : i32
      %dma_wait3A_67 = tpu.memref_slice %arg3[%add3A, %run_scoped3A, %dma_wait3A_66] : memref<32x80x128xi32, #tpu.memory_space<hbm>> -> memref<1x1x16xi32, #tpu.memory_space<hbm>>
      %dma_wait3A_68 = tpu.memref_squeeze %dma_wait3A_67 : memref<1x1x16xi32, #tpu.memory_space<hbm>> -> memref<16xi32, #tpu.memory_space<hbm>>
      %dma_wait3A_69 = arith.constant 0 : i32
      %dma_wait3A_70 = tpu.memref_slice %arg3[%add3A, %run_scoped3A, %dma_wait3A_69] : memref<32x80x128xi32, #tpu.memory_space<hbm>> -> memref<1x1x16xi32, #tpu.memory_space<hbm>>
      %dma_wait3A_71 = tpu.memref_squeeze %dma_wait3A_70 : memref<1x1x16xi32, #tpu.memory_space<hbm>> -> memref<16xi32, #tpu.memory_space<hbm>>
      tpu.wait_dma2 semaphore(%run_scoped3A_59 : memref<!tpu.dma_semaphore, #tpu.memory_space<semaphore_mem>>) src(%dma_wait3A_71 : memref<16xi32, #tpu.memory_space<hbm>>) dst(%arg12 : memref<16xi32, #tpu.memory_space<vmem>>)
      tpu.yield
    }) : () -> ()
    %run_scoped3A_45 = arith.constant 78 : i32
    "tpu.region"() ({
      %run_scoped3A_59 = tpu.sem_alloc : memref<!tpu.dma_semaphore, #tpu.memory_space<semaphore_mem>>
      %dma_start3A_60 = arith.constant 0 : i32
      %dma_start3A_61 = tpu.memref_slice %arg4[%add3A, %run_scoped3A_45, %dma_start3A_60] : memref<32x80x128xi32, #tpu.memory_space<hbm>> -> memref<1x1x16xi32, #tpu.memory_space<hbm>>
      %dma_start3A_62 = tpu.memref_squeeze %dma_start3A_61 : memref<1x1x16xi32, #tpu.memory_space<hbm>> -> memref<16xi32, #tpu.memory_space<hbm>>
      %dma_start3A_63 = arith.constant 0 : i32
      %dma_start3A_64 = tpu.memref_slice %arg4[%add3A, %run_scoped3A_45, %dma_start3A_63] : memref<32x80x128xi32, #tpu.memory_space<hbm>> -> memref<1x1x16xi32, #tpu.memory_space<hbm>>
      %dma_start3A_65 = tpu.memref_squeeze %dma_start3A_64 : memref<1x1x16xi32, #tpu.memory_space<hbm>> -> memref<16xi32, #tpu.memory_space<hbm>>
      tpu.enqueue_dma source(%dma_start3A_65 : memref<16xi32, #tpu.memory_space<hbm>>) target(%arg13 : memref<16xi32, #tpu.memory_space<vmem>>) target_semaphore(%run_scoped3A_59 : memref<!tpu.dma_semaphore, #tpu.memory_space<semaphore_mem>>)
      %dma_wait3A_66 = arith.constant 0 : i32
      %dma_wait3A_67 = tpu.memref_slice %arg4[%add3A, %run_scoped3A_45, %dma_wait3A_66] : memref<32x80x128xi32, #tpu.memory_space<hbm>> -> memref<1x1x16xi32, #tpu.memory_space<hbm>>
      %dma_wait3A_68 = tpu.memref_squeeze %dma_wait3A_67 : memref<1x1x16xi32, #tpu.memory_space<hbm>> -> memref<16xi32, #tpu.memory_space<hbm>>
      %dma_wait3A_69 = arith.constant 0 : i32
      %dma_wait3A_70 = tpu.memref_slice %arg4[%add3A, %run_scoped3A_45, %dma_wait3A_69] : memref<32x80x128xi32, #tpu.memory_space<hbm>> -> memref<1x1x16xi32, #tpu.memory_space<hbm>>
      %dma_wait3A_71 = tpu.memref_squeeze %dma_wait3A_70 : memref<1x1x16xi32, #tpu.memory_space<hbm>> -> memref<16xi32, #tpu.memory_space<hbm>>
      tpu.wait_dma2 semaphore(%run_scoped3A_59 : memref<!tpu.dma_semaphore, #tpu.memory_space<semaphore_mem>>) src(%dma_wait3A_71 : memref<16xi32, #tpu.memory_space<hbm>>) dst(%arg13 : memref<16xi32, #tpu.memory_space<vmem>>)
      tpu.yield
    }) : () -> ()
    %dma_start3A_46 = arith.constant 0 : i32
    %dma_start3A_47 = arith.constant 0 : i32
    %dma_start3A_48 = tpu.memref_slice %arg2[%dma_start3A_46, %dma_start3A_47] : memref<10000x32xf32, #tpu.memory_space<hbm>> -> memref<10000x32xf32, #tpu.memory_space<hbm>>
    tpu.enqueue_indirect_dma source(%dma_start3A_48 : memref<10000x32xf32, #tpu.memory_space<hbm>>) target(%arg14 : memref<16x32xf32, #tpu.memory_space<vmem>>) offsets(%arg12 : memref<16xi32, #tpu.memory_space<vmem>>) semaphore(%arg16 : memref<!tpu.dma_semaphore, #tpu.memory_space<semaphore_mem>>)
    %dma_wait3A_49 = arith.constant 0 : i32
    %dma_wait3A_50 = arith.constant 0 : i32
    %dma_wait3A_51 = tpu.memref_slice %arg2[%dma_wait3A_49, %dma_wait3A_50] : memref<10000x32xf32, #tpu.memory_space<hbm>> -> memref<10000x32xf32, #tpu.memory_space<hbm>>
    tpu.wait_indirect_dma semaphore(%arg16 : memref<!tpu.dma_semaphore, #tpu.memory_space<semaphore_mem>>) src(%dma_wait3A_51 : memref<10000x32xf32, #tpu.memory_space<hbm>>) dst(%arg14 : memref<16x32xf32, #tpu.memory_space<vmem>>)
    "tpu.region"() ({
      %run_scoped3A_59 = tpu.sem_alloc : memref<!tpu.dma_semaphore, #tpu.memory_space<semaphore_mem>>
      %dma_start3A_60 = arith.constant 0 : i32
      %dma_start3A_61 = arith.constant 0 : i32
      %dma_start3A_62 = tpu.memref_slice %arg6[%dma_start3A_60, %dma_start3A_61] : memref<10112x32xf32, #tpu.memory_space<vmem_shared>> -> memref<10112x32xf32, #tpu.memory_space<vmem_shared>>
      tpu.enqueue_indirect_dma source(%arg14 : memref<16x32xf32, #tpu.memory_space<vmem>>) target(%dma_start3A_62 : memref<10112x32xf32, #tpu.memory_space<vmem_shared>>) offsets(%arg13 : memref<16xi32, #tpu.memory_space<vmem>>) semaphore(%run_scoped3A_59 : memref<!tpu.dma_semaphore, #tpu.memory_space<semaphore_mem>>) {add = true}
      %dma_wait3A_63 = arith.constant 0 : i32
      %dma_wait3A_64 = arith.constant 0 : i32
      %dma_wait3A_65 = tpu.memref_slice %arg6[%dma_wait3A_63, %dma_wait3A_64] : memref<10112x32xf32, #tpu.memory_space<vmem_shared>> -> memref<10112x32xf32, #tpu.memory_space<vmem_shared>>
      tpu.wait_indirect_dma semaphore(%run_scoped3A_59 : memref<!tpu.dma_semaphore, #tpu.memory_space<semaphore_mem>>) src(%arg14 : memref<16x32xf32, #tpu.memory_space<vmem>>) dst(%dma_wait3A_65 : memref<10112x32xf32, #tpu.memory_space<vmem_shared>>)
      tpu.yield
    }) : () -> ()
    %barrier3A_52 = arith.constant 0 : index
    tpu.barrier barrier_id(%barrier3A_52)
    %mul3A_53 = arith.constant 624 : i32
    %mul3A_54 = arith.muli %arg1, %mul3A_53 : i32
    "tpu.region"() ({
      %run_scoped3A_59 = tpu.sem_alloc : memref<!tpu.dma_semaphore, #tpu.memory_space<semaphore_mem>>
      %dma_start3A_60 = arith.constant 0 : i32
      %dma_start3A_61 = arith.constant 0 : i32
      %dma_start3A_62 = tpu.memref_slice %arg7[%dma_start3A_60, %dma_start3A_61] : memref<632x32xf32, #tpu.memory_space<vmem>> -> memref<624x32xf32, #tpu.memory_space<vmem>>
      %dma_start3A_63 = arith.constant 0 : i32
      %dma_start3A_64 = tpu.memref_slice %arg6[%mul3A_54, %dma_start3A_63] : memref<10112x32xf32, #tpu.memory_space<vmem_shared>> -> memref<624x32xf32, #tpu.memory_space<vmem_shared>>
      %dma_start3A_65 = arith.constant 0 : i32
      %dma_start3A_66 = arith.constant 0 : i32
      %dma_start3A_67 = tpu.memref_slice %arg7[%dma_start3A_65, %dma_start3A_66] : memref<632x32xf32, #tpu.memory_space<vmem>> -> memref<624x32xf32, #tpu.memory_space<vmem>>
      %dma_start3A_68 = arith.constant 0 : i32
      %dma_start3A_69 = tpu.memref_slice %arg6[%mul3A_54, %dma_start3A_68] : memref<10112x32xf32, #tpu.memory_space<vmem_shared>> -> memref<624x32xf32, #tpu.memory_space<vmem_shared>>
      tpu.enqueue_dma source(%dma_start3A_69 : memref<624x32xf32, #tpu.memory_space<vmem_shared>>) target(%dma_start3A_67 : memref<624x32xf32, #tpu.memory_space<vmem>>) target_semaphore(%run_scoped3A_59 : memref<!tpu.dma_semaphore, #tpu.memory_space<semaphore_mem>>)
      %dma_wait3A_70 = arith.constant 0 : i32
      %dma_wait3A_71 = arith.constant 0 : i32
      %dma_wait3A_72 = tpu.memref_slice %arg7[%dma_wait3A_70, %dma_wait3A_71] : memref<632x32xf32, #tpu.memory_space<vmem>> -> memref<624x32xf32, #tpu.memory_space<vmem>>
      %dma_wait3A_73 = arith.constant 0 : i32
      %dma_wait3A_74 = tpu.memref_slice %arg6[%mul3A_54, %dma_wait3A_73] : memref<10112x32xf32, #tpu.memory_space<vmem_shared>> -> memref<624x32xf32, #tpu.memory_space<vmem_shared>>
      %dma_wait3A_75 = arith.constant 0 : i32
      %dma_wait3A_76 = arith.constant 0 : i32
      %dma_wait3A_77 = tpu.memref_slice %arg7[%dma_wait3A_75, %dma_wait3A_76] : memref<632x32xf32, #tpu.memory_space<vmem>> -> memref<624x32xf32, #tpu.memory_space<vmem>>
      %dma_wait3A_78 = arith.constant 0 : i32
      %dma_wait3A_79 = tpu.memref_slice %arg6[%mul3A_54, %dma_wait3A_78] : memref<10112x32xf32, #tpu.memory_space<vmem_shared>> -> memref<624x32xf32, #tpu.memory_space<vmem_shared>>
      tpu.wait_dma2 semaphore(%run_scoped3A_59 : memref<!tpu.dma_semaphore, #tpu.memory_space<semaphore_mem>>) src(%dma_wait3A_79 : memref<624x32xf32, #tpu.memory_space<vmem_shared>>) dst(%dma_wait3A_77 : memref<624x32xf32, #tpu.memory_space<vmem>>)
      tpu.yield
    }) : () -> ()
    %mul3A_55 = arith.constant 624 : i32
    %mul3A_56 = arith.muli %arg1, %mul3A_55 : i32
    "tpu.region"() ({
      %run_scoped3A_59 = tpu.sem_alloc : memref<!tpu.dma_semaphore, #tpu.memory_space<semaphore_mem>>
      %dma_start3A_60 = arith.constant 0 : i32
      %dma_start3A_61 = arith.constant 0 : i32
      %dma_start3A_62 = tpu.memref_slice %arg7[%dma_start3A_60, %dma_start3A_61] : memref<632x32xf32, #tpu.memory_space<vmem>> -> memref<624x32xf32, #tpu.memory_space<vmem>>
      %dma_start3A_63 = arith.constant 0 : i32
      %dma_start3A_64 = tpu.memref_slice %arg5[%arg0, %mul3A_56, %dma_start3A_63] : memref<2x10000x32xf32, #tpu.memory_space<hbm>> -> memref<1x624x32xf32, #tpu.memory_space<hbm>>
      %dma_start3A_65 = tpu.memref_squeeze %dma_start3A_64 : memref<1x624x32xf32, #tpu.memory_space<hbm>> -> memref<624x32xf32, #tpu.memory_space<hbm>>
      %dma_start3A_66 = arith.constant 0 : i32
      %dma_start3A_67 = tpu.memref_slice %arg5[%arg0, %mul3A_56, %dma_start3A_66] : memref<2x10000x32xf32, #tpu.memory_space<hbm>> -> memref<1x624x32xf32, #tpu.memory_space<hbm>>
      %dma_start3A_68 = tpu.memref_squeeze %dma_start3A_67 : memref<1x624x32xf32, #tpu.memory_space<hbm>> -> memref<624x32xf32, #tpu.memory_space<hbm>>
      %dma_start3A_69 = arith.constant 0 : i32
      %dma_start3A_70 = arith.constant 0 : i32
      %dma_start3A_71 = tpu.memref_slice %arg7[%dma_start3A_69, %dma_start3A_70] : memref<632x32xf32, #tpu.memory_space<vmem>> -> memref<624x32xf32, #tpu.memory_space<vmem>>
      tpu.enqueue_dma source(%dma_start3A_71 : memref<624x32xf32, #tpu.memory_space<vmem>>) target(%dma_start3A_68 : memref<624x32xf32, #tpu.memory_space<hbm>>) target_semaphore(%run_scoped3A_59 : memref<!tpu.dma_semaphore, #tpu.memory_space<semaphore_mem>>)
      %dma_wait3A_72 = arith.constant 0 : i32
      %dma_wait3A_73 = arith.constant 0 : i32
      %dma_wait3A_74 = tpu.memref_slice %arg7[%dma_wait3A_72, %dma_wait3A_73] : memref<632x32xf32, #tpu.memory_space<vmem>> -> memref<624x32xf32, #tpu.memory_space<vmem>>
      %dma_wait3A_75 = arith.constant 0 : i32
      %dma_wait3A_76 = tpu.memref_slice %arg5[%arg0, %mul3A_56, %dma_wait3A_75] : memref<2x10000x32xf32, #tpu.memory_space<hbm>> -> memref<1x624x32xf32, #tpu.memory_space<hbm>>
      %dma_wait3A_77 = tpu.memref_squeeze %dma_wait3A_76 : memref<1x624x32xf32, #tpu.memory_space<hbm>> -> memref<624x32xf32, #tpu.memory_space<hbm>>
      %dma_wait3A_78 = arith.constant 0 : i32
      %dma_wait3A_79 = tpu.memref_slice %arg5[%arg0, %mul3A_56, %dma_wait3A_78] : memref<2x10000x32xf32, #tpu.memory_space<hbm>> -> memref<1x624x32xf32, #tpu.memory_space<hbm>>
      %dma_wait3A_80 = tpu.memref_squeeze %dma_wait3A_79 : memref<1x624x32xf32, #tpu.memory_space<hbm>> -> memref<624x32xf32, #tpu.memory_space<hbm>>
      %dma_wait3A_81 = arith.constant 0 : i32
      %dma_wait3A_82 = arith.constant 0 : i32
      %dma_wait3A_83 = tpu.memref_slice %arg7[%dma_wait3A_81, %dma_wait3A_82] : memref<632x32xf32, #tpu.memory_space<vmem>> -> memref<624x32xf32, #tpu.memory_space<vmem>>
      tpu.wait_dma2 semaphore(%run_scoped3A_59 : memref<!tpu.dma_semaphore, #tpu.memory_space<semaphore_mem>>) src(%dma_wait3A_83 : memref<624x32xf32, #tpu.memory_space<vmem>>) dst(%dma_wait3A_80 : memref<624x32xf32, #tpu.memory_space<hbm>>)
      tpu.yield
    }) : () -> ()
    %eq3A = arith.constant 0 : i32
    %eq3A_57 = arith.cmpi eq, %arg1, %eq3A : i32
    %convert_element_type3A = arith.extui %eq3A_57 : i1 to i32
    %cond3A = arith.constant 0 : i32
    %cond3A_58 = arith.cmpi ne, %convert_element_type3A, %cond3A : i32
    scf.if %cond3A_58 {
      "tpu.region"() ({
        %run_scoped3A_59 = tpu.sem_alloc : memref<!tpu.dma_semaphore, #tpu.memory_space<semaphore_mem>>
        %dma_start3A_60 = arith.constant 9984 : i32
        %dma_start3A_61 = arith.constant 0 : i32
        %dma_start3A_62 = tpu.memref_slice %arg6[%dma_start3A_60, %dma_start3A_61] : memref<10112x32xf32, #tpu.memory_space<vmem_shared>> -> memref<16x32xf32, #tpu.memory_space<vmem_shared>>
        %dma_start3A_63 = arith.constant 9984 : i32
        %dma_start3A_64 = arith.constant 0 : i32
        %dma_start3A_65 = tpu.memref_slice %arg6[%dma_start3A_63, %dma_start3A_64] : memref<10112x32xf32, #tpu.memory_space<vmem_shared>> -> memref<16x32xf32, #tpu.memory_space<vmem_shared>>
        tpu.enqueue_dma source(%dma_start3A_65 : memref<16x32xf32, #tpu.memory_space<vmem_shared>>) target(%arg14 : memref<16x32xf32, #tpu.memory_space<vmem>>) target_semaphore(%run_scoped3A_59 : memref<!tpu.dma_semaphore, #tpu.memory_space<semaphore_mem>>)
        %dma_wait3A_66 = arith.constant 9984 : i32
        %dma_wait3A_67 = arith.constant 0 : i32
        %dma_wait3A_68 = tpu.memref_slice %arg6[%dma_wait3A_66, %dma_wait3A_67] : memref<10112x32xf32, #tpu.memory_space<vmem_shared>> -> memref<16x32xf32, #tpu.memory_space<vmem_shared>>
        %dma_wait3A_69 = arith.constant 9984 : i32
        %dma_wait3A_70 = arith.constant 0 : i32
        %dma_wait3A_71 = tpu.memref_slice %arg6[%dma_wait3A_69, %dma_wait3A_70] : memref<10112x32xf32, #tpu.memory_space<vmem_shared>> -> memref<16x32xf32, #tpu.memory_space<vmem_shared>>
        tpu.wait_dma2 semaphore(%run_scoped3A_59 : memref<!tpu.dma_semaphore, #tpu.memory_space<semaphore_mem>>) src(%dma_wait3A_71 : memref<16x32xf32, #tpu.memory_space<vmem_shared>>) dst(%arg14 : memref<16x32xf32, #tpu.memory_space<vmem>>)
        tpu.yield
      }) : () -> ()
      "tpu.region"() ({
        %run_scoped3A_59 = tpu.sem_alloc : memref<!tpu.dma_semaphore, #tpu.memory_space<semaphore_mem>>
        %dma_start3A_60 = arith.constant 9984 : i32
        %dma_start3A_61 = arith.constant 0 : i32
        %dma_start3A_62 = tpu.memref_slice %arg5[%arg0, %dma_start3A_60, %dma_start3A_61] : memref<2x10000x32xf32, #tpu.memory_space<hbm>> -> memref<1x16x32xf32, #tpu.memory_space<hbm>>
        %dma_start3A_63 = tpu.memref_squeeze %dma_start3A_62 : memref<1x16x32xf32, #tpu.memory_space<hbm>> -> memref<16x32xf32, #tpu.memory_space<hbm>>
        %dma_start3A_64 = arith.constant 9984 : i32
        %dma_start3A_65 = arith.constant 0 : i32
        %dma_start3A_66 = tpu.memref_slice %arg5[%arg0, %dma_start3A_64, %dma_start3A_65] : memref<2x10000x32xf32, #tpu.memory_space<hbm>> -> memref<1x16x32xf32, #tpu.memory_space<hbm>>
        %dma_start3A_67 = tpu.memref_squeeze %dma_start3A_66 : memref<1x16x32xf32, #tpu.memory_space<hbm>> -> memref<16x32xf32, #tpu.memory_space<hbm>>
        tpu.enqueue_dma source(%arg14 : memref<16x32xf32, #tpu.memory_space<vmem>>) target(%dma_start3A_67 : memref<16x32xf32, #tpu.memory_space<hbm>>) target_semaphore(%run_scoped3A_59 : memref<!tpu.dma_semaphore, #tpu.memory_space<semaphore_mem>>)
        %dma_wait3A_68 = arith.constant 9984 : i32
        %dma_wait3A_69 = arith.constant 0 : i32
        %dma_wait3A_70 = tpu.memref_slice %arg5[%arg0, %dma_wait3A_68, %dma_wait3A_69] : memref<2x10000x32xf32, #tpu.memory_space<hbm>> -> memref<1x16x32xf32, #tpu.memory_space<hbm>>
        %dma_wait3A_71 = tpu.memref_squeeze %dma_wait3A_70 : memref<1x16x32xf32, #tpu.memory_space<hbm>> -> memref<16x32xf32, #tpu.memory_space<hbm>>
        %dma_wait3A_72 = arith.constant 9984 : i32
        %dma_wait3A_73 = arith.constant 0 : i32
        %dma_wait3A_74 = tpu.memref_slice %arg5[%arg0, %dma_wait3A_72, %dma_wait3A_73] : memref<2x10000x32xf32, #tpu.memory_space<hbm>> -> memref<1x16x32xf32, #tpu.memory_space<hbm>>
        %dma_wait3A_75 = tpu.memref_squeeze %dma_wait3A_74 : memref<1x16x32xf32, #tpu.memory_space<hbm>> -> memref<16x32xf32, #tpu.memory_space<hbm>>
        tpu.wait_dma2 semaphore(%run_scoped3A_59 : memref<!tpu.dma_semaphore, #tpu.memory_space<semaphore_mem>>) src(%arg14 : memref<16x32xf32, #tpu.memory_space<vmem>>) dst(%dma_wait3A_75 : memref<16x32xf32, #tpu.memory_space<hbm>>)
        tpu.yield
      }) : () -> ()
    } else {
    }
    return
  }
}

#map = affine_map<(d0, d1) -> (0, 0)>
#map1 = affine_map<(d0, d1) -> (0, 0, 0)>
module attributes {stable_mosaic.version = 14 : i64} {
  func.func @_sc_scatter_body(%arg0: i32, %arg1: i32, %arg2: memref<10000x32xf32, #tpu.memory_space<hbm>>, %arg3: memref<32x80x128xi32, #tpu.memory_space<hbm>>, %arg4: memref<32x80x128xi32, #tpu.memory_space<hbm>>, %arg5: memref<2x10000x32xf32, #tpu.memory_space<hbm>>, %arg6: memref<10112x32xf32, #tpu.memory_space<vmem_shared>>, %arg7: memref<632x32xf32, #tpu.memory_space<vmem>>, %arg8: memref<80x128xi32, #tpu.memory_space<vmem>>, %arg9: memref<80x128xi32, #tpu.memory_space<vmem>>, %arg10: memref<128x32xf32, #tpu.memory_space<vmem>>, %arg11: memref<128x32xf32, #tpu.memory_space<vmem>>, %arg12: memref<16xi32, #tpu.memory_space<vmem>>, %arg13: memref<16xi32, #tpu.memory_space<vmem>>, %arg14: memref<16x32xf32, #tpu.memory_space<vmem>>, %arg15: memref<!tpu.dma_semaphore, #tpu.memory_space<semaphore_mem>>, %arg16: memref<!tpu.dma_semaphore, #tpu.memory_space<semaphore_mem>>, %arg17: memref<!tpu.dma_semaphore, #tpu.memory_space<semaphore_mem>>, %arg18: memref<!tpu.dma_semaphore, #tpu.memory_space<semaphore_mem>>) attributes {dimension_semantics = [#tpu.dimension_semantics<core_parallel>, #tpu.dimension_semantics<subcore_parallel>], iteration_bounds = array<i64: 2, 16>, scalar_prefetch = 0 : i64, scratch_operands = 13 : i64, tpu.core_type = #tpu.core_type<sc_vector_subcore>, window_params = [{transform_indices = #map}, {transform_indices = #map1}, {transform_indices = #map1}, {transform_indices = #map1}]} {
    %mul3A = arith.constant 16 : i32
    %mul3A_0 = arith.muli %arg0, %mul3A : i32
    %add3A = arith.addi %mul3A_0, %arg1 : i32
    %scan3A = arith.constant 0 : i32
    %scan3A_1 = arith.constant 0 : i32
    %scan3A_2 = arith.constant 632 : i32
    %scan3A_3 = arith.addi %scan3A_1, %scan3A_2 : i32
    %scan3A_4 = arith.constant 1 : i32
    %scan3A_5 = scf.for %scan3A_59 = %scan3A_1 to %scan3A_3 step %scan3A_4 iter_args(%scan3A_60 = %scan3A) -> (i32)  : i32 {
      %broadcast_in_dim3A = arith.constant 0.000000e+00 : f32
      %broadcast_in_dim3A_61 = vector.broadcast %broadcast_in_dim3A : f32 to vector<16xf32>
      %swap3A = arith.index_cast %scan3A_59 : i32 to index
      %swap3A_62 = arith.constant 0 : index
      %swap3A_63 = tpu.vector_load %arg7[%swap3A, %swap3A_62] {strides = array<i32>} : memref<632x32xf32, #tpu.memory_space<vmem>>, vector<1x16xf32>,
      %swap3A_64 = vector.shape_cast %swap3A_63 : vector<1x16xf32> to vector<16xf32>
      %swap3A_65 = vector.shape_cast %broadcast_in_dim3A_61 : vector<16xf32> to vector<1x16xf32>
      tpu.vector_store %arg7[%swap3A, %swap3A_62], %swap3A_65 {strides = array<i32>} : memref<632x32xf32, #tpu.memory_space<vmem>>, vector<1x16xf32>,
      %broadcast_in_dim3A_66 = arith.constant 0.000000e+00 : f32
      %broadcast_in_dim3A_67 = vector.broadcast %broadcast_in_dim3A_66 : f32 to vector<16xf32>
      %swap3A_68 = arith.index_cast %scan3A_59 : i32 to index
      %swap3A_69 = arith.constant 16 : index
      %swap3A_70 = tpu.vector_load %arg7[%swap3A_68, %swap3A_69] {strides = array<i32>} : memref<632x32xf32, #tpu.memory_space<vmem>>, vector<1x16xf32>,
      %swap3A_71 = vector.shape_cast %swap3A_70 : vector<1x16xf32> to vector<16xf32>
      %swap3A_72 = vector.shape_cast %broadcast_in_dim3A_67 : vector<16xf32> to vector<1x16xf32>
      tpu.vector_store %arg7[%swap3A_68, %swap3A_69], %swap3A_72 {strides = array<i32>} : memref<632x32xf32, #tpu.memory_space<vmem>>, vector<1x16xf32>,
      %scan3A_73 = arith.constant 0 : i32
      scf.yield %scan3A_73 : i32
    }
    %scan3A_6 = arith.constant 632 : i32
    %mul3A_7 = arith.constant 632 : i32
    %mul3A_8 = arith.muli %arg1, %mul3A_7 : i32
    "tpu.region"() ({
      %run_scoped3A_59 = tpu.sem_alloc : memref<!tpu.dma_semaphore, #tpu.memory_space<semaphore_mem>>
      %dma_start3A_60 = arith.constant 0 : i32
      %dma_start3A_61 = tpu.memref_slice %arg6[%mul3A_8, %dma_start3A_60] : memref<10112x32xf32, #tpu.memory_space<vmem_shared>> -> memref<632x32xf32, #tpu.memory_space<vmem_shared>>
      %dma_start3A_62 = arith.constant 0 : i32
      %dma_start3A_63 = tpu.memref_slice %arg6[%mul3A_8, %dma_start3A_62] : memref<10112x32xf32, #tpu.memory_space<vmem_shared>> -> memref<632x32xf32, #tpu.memory_space<vmem_shared>>
      tpu.enqueue_dma source(%arg7 : memref<632x32xf32, #tpu.memory_space<vmem>>) target(%dma_start3A_63 : memref<632x32xf32, #tpu.memory_space<vmem_shared>>) target_semaphore(%run_scoped3A_59 : memref<!tpu.dma_semaphore, #tpu.memory_space<semaphore_mem>>)
      %dma_wait3A_64 = arith.constant 0 : i32
      %dma_wait3A_65 = tpu.memref_slice %arg6[%mul3A_8, %dma_wait3A_64] : memref<10112x32xf32, #tpu.memory_space<vmem_shared>> -> memref<632x32xf32, #tpu.memory_space<vmem_shared>>
      %dma_wait3A_66 = arith.constant 0 : i32
      %dma_wait3A_67 = tpu.memref_slice %arg6[%mul3A_8, %dma_wait3A_66] : memref<10112x32xf32, #tpu.memory_space<vmem_shared>> -> memref<632x32xf32, #tpu.memory_space<vmem_shared>>
      tpu.wait_dma2 semaphore(%run_scoped3A_59 : memref<!tpu.dma_semaphore, #tpu.memory_space<semaphore_mem>>) src(%arg7 : memref<632x32xf32, #tpu.memory_space<vmem>>) dst(%dma_wait3A_67 : memref<632x32xf32, #tpu.memory_space<vmem_shared>>)
      tpu.yield
    }) : () -> ()
    "tpu.region"() ({
      %run_scoped3A_59 = tpu.sem_alloc : memref<!tpu.dma_semaphore, #tpu.memory_space<semaphore_mem>>
      %dma_start3A_60 = arith.constant 0 : i32
      %dma_start3A_61 = arith.constant 0 : i32
      %dma_start3A_62 = tpu.memref_slice %arg3[%add3A, %dma_start3A_60, %dma_start3A_61] : memref<32x80x128xi32, #tpu.memory_space<hbm>> -> memref<1x80x128xi32, #tpu.memory_space<hbm>>
      %dma_start3A_63 = tpu.memref_squeeze %dma_start3A_62 : memref<1x80x128xi32, #tpu.memory_space<hbm>> -> memref<80x128xi32, #tpu.memory_space<hbm>>
      %dma_start3A_64 = arith.constant 0 : i32
      %dma_start3A_65 = arith.constant 0 : i32
      %dma_start3A_66 = tpu.memref_slice %arg3[%add3A, %dma_start3A_64, %dma_start3A_65] : memref<32x80x128xi32, #tpu.memory_space<hbm>> -> memref<1x80x128xi32, #tpu.memory_space<hbm>>
      %dma_start3A_67 = tpu.memref_squeeze %dma_start3A_66 : memref<1x80x128xi32, #tpu.memory_space<hbm>> -> memref<80x128xi32, #tpu.memory_space<hbm>>
      tpu.enqueue_dma source(%dma_start3A_67 : memref<80x128xi32, #tpu.memory_space<hbm>>) target(%arg8 : memref<80x128xi32, #tpu.memory_space<vmem>>) target_semaphore(%run_scoped3A_59 : memref<!tpu.dma_semaphore, #tpu.memory_space<semaphore_mem>>)
      %dma_wait3A_68 = arith.constant 0 : i32
      %dma_wait3A_69 = arith.constant 0 : i32
      %dma_wait3A_70 = tpu.memref_slice %arg3[%add3A, %dma_wait3A_68, %dma_wait3A_69] : memref<32x80x128xi32, #tpu.memory_space<hbm>> -> memref<1x80x128xi32, #tpu.memory_space<hbm>>
      %dma_wait3A_71 = tpu.memref_squeeze %dma_wait3A_70 : memref<1x80x128xi32, #tpu.memory_space<hbm>> -> memref<80x128xi32, #tpu.memory_space<hbm>>
      %dma_wait3A_72 = arith.constant 0 : i32
      %dma_wait3A_73 = arith.constant 0 : i32
      %dma_wait3A_74 = tpu.memref_slice %arg3[%add3A, %dma_wait3A_72, %dma_wait3A_73] : memref<32x80x128xi32, #tpu.memory_space<hbm>> -> memref<1x80x128xi32, #tpu.memory_space<hbm>>
      %dma_wait3A_75 = tpu.memref_squeeze %dma_wait3A_74 : memref<1x80x128xi32, #tpu.memory_space<hbm>> -> memref<80x128xi32, #tpu.memory_space<hbm>>
      tpu.wait_dma2 semaphore(%run_scoped3A_59 : memref<!tpu.dma_semaphore, #tpu.memory_space<semaphore_mem>>) src(%dma_wait3A_75 : memref<80x128xi32, #tpu.memory_space<hbm>>) dst(%arg8 : memref<80x128xi32, #tpu.memory_space<vmem>>)
      tpu.yield
    }) : () -> ()
    "tpu.region"() ({
      %run_scoped3A_59 = tpu.sem_alloc : memref<!tpu.dma_semaphore, #tpu.memory_space<semaphore_mem>>
      %dma_start3A_60 = arith.constant 0 : i32
      %dma_start3A_61 = arith.constant 0 : i32
      %dma_start3A_62 = tpu.memref_slice %arg4[%add3A, %dma_start3A_60, %dma_start3A_61] : memref<32x80x128xi32, #tpu.memory_space<hbm>> -> memref<1x80x128xi32, #tpu.memory_space<hbm>>
      %dma_start3A_63 = tpu.memref_squeeze %dma_start3A_62 : memref<1x80x128xi32, #tpu.memory_space<hbm>> -> memref<80x128xi32, #tpu.memory_space<hbm>>
      %dma_start3A_64 = arith.constant 0 : i32
      %dma_start3A_65 = arith.constant 0 : i32
      %dma_start3A_66 = tpu.memref_slice %arg4[%add3A, %dma_start3A_64, %dma_start3A_65] : memref<32x80x128xi32, #tpu.memory_space<hbm>> -> memref<1x80x128xi32, #tpu.memory_space<hbm>>
      %dma_start3A_67 = tpu.memref_squeeze %dma_start3A_66 : memref<1x80x128xi32, #tpu.memory_space<hbm>> -> memref<80x128xi32, #tpu.memory_space<hbm>>
      tpu.enqueue_dma source(%dma_start3A_67 : memref<80x128xi32, #tpu.memory_space<hbm>>) target(%arg9 : memref<80x128xi32, #tpu.memory_space<vmem>>) target_semaphore(%run_scoped3A_59 : memref<!tpu.dma_semaphore, #tpu.memory_space<semaphore_mem>>)
      %dma_wait3A_68 = arith.constant 0 : i32
      %dma_wait3A_69 = arith.constant 0 : i32
      %dma_wait3A_70 = tpu.memref_slice %arg4[%add3A, %dma_wait3A_68, %dma_wait3A_69] : memref<32x80x128xi32, #tpu.memory_space<hbm>> -> memref<1x80x128xi32, #tpu.memory_space<hbm>>
      %dma_wait3A_71 = tpu.memref_squeeze %dma_wait3A_70 : memref<1x80x128xi32, #tpu.memory_space<hbm>> -> memref<80x128xi32, #tpu.memory_space<hbm>>
      %dma_wait3A_72 = arith.constant 0 : i32
      %dma_wait3A_73 = arith.constant 0 : i32
      %dma_wait3A_74 = tpu.memref_slice %arg4[%add3A, %dma_wait3A_72, %dma_wait3A_73] : memref<32x80x128xi32, #tpu.memory_space<hbm>> -> memref<1x80x128xi32, #tpu.memory_space<hbm>>
      %dma_wait3A_75 = tpu.memref_squeeze %dma_wait3A_74 : memref<1x80x128xi32, #tpu.memory_space<hbm>> -> memref<80x128xi32, #tpu.memory_space<hbm>>
      tpu.wait_dma2 semaphore(%run_scoped3A_59 : memref<!tpu.dma_semaphore, #tpu.memory_space<semaphore_mem>>) src(%dma_wait3A_75 : memref<80x128xi32, #tpu.memory_space<hbm>>) dst(%arg9 : memref<80x128xi32, #tpu.memory_space<vmem>>)
      tpu.yield
    }) : () -> ()
    %barrier3A = arith.constant 0 : index
    tpu.barrier barrier_id(%barrier3A)
    %dma_start3A = arith.constant 0 : i32
    %dma_start3A_9 = arith.constant 0 : i32
    %dma_start3A_10 = tpu.memref_slice %arg8[%dma_start3A, %dma_start3A_9] : memref<80x128xi32, #tpu.memory_space<vmem>> -> memref<1x128xi32, #tpu.memory_space<vmem>>
    %dma_start3A_11 = tpu.memref_squeeze %dma_start3A_10 : memref<1x128xi32, #tpu.memory_space<vmem>> -> memref<128xi32, #tpu.memory_space<vmem>>
    %dma_start3A_12 = arith.constant 0 : i32
    %dma_start3A_13 = arith.constant 0 : i32
    %dma_start3A_14 = tpu.memref_slice %arg2[%dma_start3A_12, %dma_start3A_13] : memref<10000x32xf32, #tpu.memory_space<hbm>> -> memref<10000x32xf32, #tpu.memory_space<hbm>>
    tpu.enqueue_indirect_dma source(%dma_start3A_14 : memref<10000x32xf32, #tpu.memory_space<hbm>>) target(%arg10 : memref<128x32xf32, #tpu.memory_space<vmem>>) offsets(%dma_start3A_11 : memref<128xi32, #tpu.memory_space<vmem>>) semaphore(%arg15 : memref<!tpu.dma_semaphore, #tpu.memory_space<semaphore_mem>>)
    %dma_start3A_15 = arith.constant 79 : i32
    %dma_start3A_16 = arith.constant 0 : i32
    %dma_start3A_17 = arith.constant 0 : i32
    %dma_start3A_18 = tpu.memref_slice %arg7[%dma_start3A_16, %dma_start3A_17] : memref<632x32xf32, #tpu.memory_space<vmem>> -> memref<128x32xf32, #tpu.memory_space<vmem>>
    %dma_start3A_19 = arith.constant 0 : i32
    %dma_start3A_20 = tpu.memref_slice %arg9[%dma_start3A_15, %dma_start3A_19] : memref<80x128xi32, #tpu.memory_space<vmem>> -> memref<1x128xi32, #tpu.memory_space<vmem>>
    %dma_start3A_21 = tpu.memref_squeeze %dma_start3A_20 : memref<1x128xi32, #tpu.memory_space<vmem>> -> memref<128xi32, #tpu.memory_space<vmem>>
    %dma_start3A_22 = arith.constant 0 : i32
    %dma_start3A_23 = arith.constant 0 : i32
    %dma_start3A_24 = tpu.memref_slice %arg6[%dma_start3A_22, %dma_start3A_23] : memref<10112x32xf32, #tpu.memory_space<vmem_shared>> -> memref<10112x32xf32, #tpu.memory_space<vmem_shared>>
    tpu.enqueue_indirect_dma source(%dma_start3A_18 : memref<128x32xf32, #tpu.memory_space<vmem>>) target(%dma_start3A_24 : memref<10112x32xf32, #tpu.memory_space<vmem_shared>>) offsets(%dma_start3A_21 : memref<128xi32, #tpu.memory_space<vmem>>) semaphore(%arg18 : memref<!tpu.dma_semaphore, #tpu.memory_space<semaphore_mem>>) {add = true}
    %scan3A_25 = arith.constant 0 : i32
    %scan3A_26 = arith.constant 0 : i32
    %scan3A_27 = arith.constant 39 : i32
    %scan3A_28 = arith.addi %scan3A_26, %scan3A_27 : i32
    %scan3A_29 = arith.constant 1 : i32
    %scan3A_30 = scf.for %scan3A_59 = %scan3A_26 to %scan3A_28 step %scan3A_29 iter_args(%scan3A_60 = %scan3A_25) -> (i32)  : i32 {
      %mul3A_61 = arith.constant 2 : i32
      %mul3A_62 = arith.muli %mul3A_61, %scan3A_59 : i32
      %dma_wait3A_63 = arith.constant 0 : i32
      %dma_wait3A_64 = tpu.memref_slice %arg8[%mul3A_62, %dma_wait3A_63] : memref<80x128xi32, #tpu.memory_space<vmem>> -> memref<1x128xi32, #tpu.memory_space<vmem>>
      %dma_wait3A_65 = tpu.memref_squeeze %dma_wait3A_64 : memref<1x128xi32, #tpu.memory_space<vmem>> -> memref<128xi32, #tpu.memory_space<vmem>>
      %dma_wait3A_66 = arith.constant 0 : i32
      %dma_wait3A_67 = arith.constant 0 : i32
      %dma_wait3A_68 = tpu.memref_slice %arg2[%dma_wait3A_66, %dma_wait3A_67] : memref<10000x32xf32, #tpu.memory_space<hbm>> -> memref<10000x32xf32, #tpu.memory_space<hbm>>
      tpu.wait_indirect_dma semaphore(%arg15 : memref<!tpu.dma_semaphore, #tpu.memory_space<semaphore_mem>>) src(%dma_wait3A_68 : memref<10000x32xf32, #tpu.memory_space<hbm>>) dst(%arg10 : memref<128x32xf32, #tpu.memory_space<vmem>>)
      %sub3A = arith.constant 1 : i32
      %sub3A_69 = arith.subi %mul3A_62, %sub3A : i32
      %jit3A = arith.constant 80 : i32
      %eq3A_70 = arith.constant 0 : i32
      %eq3A_71 = arith.cmpi eq, %jit3A, %eq3A_70 : i32
      %jit3A_72 = arith.constant 1 : i32
      %select_n3A = arith.select %eq3A_71, %jit3A_72, %jit3A : i32
      %rem3A = arith.remsi %sub3A_69, %select_n3A : i32
      %ne3A = arith.constant 0 : i32
      %ne3A_73 = arith.cmpi ne, %rem3A, %ne3A : i32
      %lt3A = arith.constant 0 : i32
      %lt3A_74 = arith.cmpi slt, %rem3A, %lt3A : i32
      %lt3A_75 = arith.constant 0 : i32
      %lt3A_76 = arith.cmpi slt, %select_n3A, %lt3A_75 : i32
      %ne3A_77 = arith.xori %lt3A_74, %lt3A_76 : i1
      %and3A = arith.andi %ne3A_77, %ne3A_73 : i1
      %add3A_78 = arith.addi %rem3A, %select_n3A : i32
      %select_n3A_79 = arith.select %and3A, %add3A_78, %rem3A : i32
      %dma_wait3A_80 = arith.constant 0 : i32
      %dma_wait3A_81 = tpu.memref_slice %arg9[%select_n3A_79, %dma_wait3A_80] : memref<80x128xi32, #tpu.memory_space<vmem>> -> memref<1x128xi32, #tpu.memory_space<vmem>>
      %dma_wait3A_82 = tpu.memref_squeeze %dma_wait3A_81 : memref<1x128xi32, #tpu.memory_space<vmem>> -> memref<128xi32, #tpu.memory_space<vmem>>
      %dma_wait3A_83 = arith.constant 0 : i32
      %dma_wait3A_84 = arith.constant 0 : i32
      %dma_wait3A_85 = tpu.memref_slice %arg6[%dma_wait3A_83, %dma_wait3A_84] : memref<10112x32xf32, #tpu.memory_space<vmem_shared>> -> memref<10112x32xf32, #tpu.memory_space<vmem_shared>>
      tpu.wait_indirect_dma semaphore(%arg18 : memref<!tpu.dma_semaphore, #tpu.memory_space<semaphore_mem>>) src(%arg11 : memref<128x32xf32, #tpu.memory_space<vmem>>) dst(%dma_wait3A_85 : memref<10112x32xf32, #tpu.memory_space<vmem_shared>>)
      %add3A_86 = arith.constant 1 : i32
      %add3A_87 = arith.addi %mul3A_62, %add3A_86 : i32
      %dma_start3A_88 = arith.constant 0 : i32
      %dma_start3A_89 = tpu.memref_slice %arg8[%add3A_87, %dma_start3A_88] : memref<80x128xi32, #tpu.memory_space<vmem>> -> memref<1x128xi32, #tpu.memory_space<vmem>>
      %dma_start3A_90 = tpu.memref_squeeze %dma_start3A_89 : memref<1x128xi32, #tpu.memory_space<vmem>> -> memref<128xi32, #tpu.memory_space<vmem>>
      %dma_start3A_91 = arith.constant 0 : i32
      %dma_start3A_92 = arith.constant 0 : i32
      %dma_start3A_93 = tpu.memref_slice %arg2[%dma_start3A_91, %dma_start3A_92] : memref<10000x32xf32, #tpu.memory_space<hbm>> -> memref<10000x32xf32, #tpu.memory_space<hbm>>
      tpu.enqueue_indirect_dma source(%dma_start3A_93 : memref<10000x32xf32, #tpu.memory_space<hbm>>) target(%arg11 : memref<128x32xf32, #tpu.memory_space<vmem>>) offsets(%dma_start3A_90 : memref<128xi32, #tpu.memory_space<vmem>>) semaphore(%arg16 : memref<!tpu.dma_semaphore, #tpu.memory_space<semaphore_mem>>)
      %dma_start3A_94 = arith.constant 0 : i32
      %dma_start3A_95 = tpu.memref_slice %arg9[%mul3A_62, %dma_start3A_94] : memref<80x128xi32, #tpu.memory_space<vmem>> -> memref<1x128xi32, #tpu.memory_space<vmem>>
      %dma_start3A_96 = tpu.memref_squeeze %dma_start3A_95 : memref<1x128xi32, #tpu.memory_space<vmem>> -> memref<128xi32, #tpu.memory_space<vmem>>
      %dma_start3A_97 = arith.constant 0 : i32
      %dma_start3A_98 = arith.constant 0 : i32
      %dma_start3A_99 = tpu.memref_slice %arg6[%dma_start3A_97, %dma_start3A_98] : memref<10112x32xf32, #tpu.memory_space<vmem_shared>> -> memref<10112x32xf32, #tpu.memory_space<vmem_shared>>
      tpu.enqueue_indirect_dma source(%arg10 : memref<128x32xf32, #tpu.memory_space<vmem>>) target(%dma_start3A_99 : memref<10112x32xf32, #tpu.memory_space<vmem_shared>>) offsets(%dma_start3A_96 : memref<128xi32, #tpu.memory_space<vmem>>) semaphore(%arg17 : memref<!tpu.dma_semaphore, #tpu.memory_space<semaphore_mem>>) {add = true}
      %add3A_100 = arith.constant 1 : i32
      %add3A_101 = arith.addi %mul3A_62, %add3A_100 : i32
      %dma_wait3A_102 = arith.constant 0 : i32
      %dma_wait3A_103 = tpu.memref_slice %arg8[%add3A_101, %dma_wait3A_102] : memref<80x128xi32, #tpu.memory_space<vmem>> -> memref<1x128xi32, #tpu.memory_space<vmem>>
      %dma_wait3A_104 = tpu.memref_squeeze %dma_wait3A_103 : memref<1x128xi32, #tpu.memory_space<vmem>> -> memref<128xi32, #tpu.memory_space<vmem>>
      %dma_wait3A_105 = arith.constant 0 : i32
      %dma_wait3A_106 = arith.constant 0 : i32
      %dma_wait3A_107 = tpu.memref_slice %arg2[%dma_wait3A_105, %dma_wait3A_106] : memref<10000x32xf32, #tpu.memory_space<hbm>> -> memref<10000x32xf32, #tpu.memory_space<hbm>>
      tpu.wait_indirect_dma semaphore(%arg16 : memref<!tpu.dma_semaphore, #tpu.memory_space<semaphore_mem>>) src(%dma_wait3A_107 : memref<10000x32xf32, #tpu.memory_space<hbm>>) dst(%arg11 : memref<128x32xf32, #tpu.memory_space<vmem>>)
      %dma_wait3A_108 = arith.constant 0 : i32
      %dma_wait3A_109 = tpu.memref_slice %arg9[%mul3A_62, %dma_wait3A_108] : memref<80x128xi32, #tpu.memory_space<vmem>> -> memref<1x128xi32, #tpu.memory_space<vmem>>
      %dma_wait3A_110 = tpu.memref_squeeze %dma_wait3A_109 : memref<1x128xi32, #tpu.memory_space<vmem>> -> memref<128xi32, #tpu.memory_space<vmem>>
      %dma_wait3A_111 = arith.constant 0 : i32
      %dma_wait3A_112 = arith.constant 0 : i32
      %dma_wait3A_113 = tpu.memref_slice %arg6[%dma_wait3A_111, %dma_wait3A_112] : memref<10112x32xf32, #tpu.memory_space<vmem_shared>> -> memref<10112x32xf32, #tpu.memory_space<vmem_shared>>
      tpu.wait_indirect_dma semaphore(%arg17 : memref<!tpu.dma_semaphore, #tpu.memory_space<semaphore_mem>>) src(%arg10 : memref<128x32xf32, #tpu.memory_space<vmem>>) dst(%dma_wait3A_113 : memref<10112x32xf32, #tpu.memory_space<vmem_shared>>)
      %add3A_114 = arith.constant 2 : i32
      %add3A_115 = arith.addi %mul3A_62, %add3A_114 : i32
      %dma_start3A_116 = arith.constant 0 : i32
      %dma_start3A_117 = tpu.memref_slice %arg8[%add3A_115, %dma_start3A_116] : memref<80x128xi32, #tpu.memory_space<vmem>> -> memref<1x128xi32, #tpu.memory_space<vmem>>
      %dma_start3A_118 = tpu.memref_squeeze %dma_start3A_117 : memref<1x128xi32, #tpu.memory_space<vmem>> -> memref<128xi32, #tpu.memory_space<vmem>>
      %dma_start3A_119 = arith.constant 0 : i32
      %dma_start3A_120 = arith.constant 0 : i32
      %dma_start3A_121 = tpu.memref_slice %arg2[%dma_start3A_119, %dma_start3A_120] : memref<10000x32xf32, #tpu.memory_space<hbm>> -> memref<10000x32xf32, #tpu.memory_space<hbm>>
      tpu.enqueue_indirect_dma source(%dma_start3A_121 : memref<10000x32xf32, #tpu.memory_space<hbm>>) target(%arg10 : memref<128x32xf32, #tpu.memory_space<vmem>>) offsets(%dma_start3A_118 : memref<128xi32, #tpu.memory_space<vmem>>) semaphore(%arg15 : memref<!tpu.dma_semaphore, #tpu.memory_space<semaphore_mem>>)
      %add3A_122 = arith.constant 1 : i32
      %add3A_123 = arith.addi %mul3A_62, %add3A_122 : i32
      %dma_start3A_124 = arith.constant 0 : i32
      %dma_start3A_125 = tpu.memref_slice %arg9[%add3A_123, %dma_start3A_124] : memref<80x128xi32, #tpu.memory_space<vmem>> -> memref<1x128xi32, #tpu.memory_space<vmem>>
      %dma_start3A_126 = tpu.memref_squeeze %dma_start3A_125 : memref<1x128xi32, #tpu.memory_space<vmem>> -> memref<128xi32, #tpu.memory_space<vmem>>
      %dma_start3A_127 = arith.constant 0 : i32
      %dma_start3A_128 = arith.constant 0 : i32
      %dma_start3A_129 = tpu.memref_slice %arg6[%dma_start3A_127, %dma_start3A_128] : memref<10112x32xf32, #tpu.memory_space<vmem_shared>> -> memref<10112x32xf32, #tpu.memory_space<vmem_shared>>
      tpu.enqueue_indirect_dma source(%arg11 : memref<128x32xf32, #tpu.memory_space<vmem>>) target(%dma_start3A_129 : memref<10112x32xf32, #tpu.memory_space<vmem_shared>>) offsets(%dma_start3A_126 : memref<128xi32, #tpu.memory_space<vmem>>) semaphore(%arg18 : memref<!tpu.dma_semaphore, #tpu.memory_space<semaphore_mem>>) {add = true}
      %scan3A_130 = arith.constant 0 : i32
      scf.yield %scan3A_130 : i32
    }
    %scan3A_31 = arith.constant 39 : i32
    %dma_wait3A = arith.constant 78 : i32
    %dma_wait3A_32 = arith.constant 0 : i32
    %dma_wait3A_33 = tpu.memref_slice %arg8[%dma_wait3A, %dma_wait3A_32] : memref<80x128xi32, #tpu.memory_space<vmem>> -> memref<1x128xi32, #tpu.memory_space<vmem>>
    %dma_wait3A_34 = tpu.memref_squeeze %dma_wait3A_33 : memref<1x128xi32, #tpu.memory_space<vmem>> -> memref<128xi32, #tpu.memory_space<vmem>>
    %dma_wait3A_35 = arith.constant 0 : i32
    %dma_wait3A_36 = arith.constant 0 : i32
    %dma_wait3A_37 = tpu.memref_slice %arg2[%dma_wait3A_35, %dma_wait3A_36] : memref<10000x32xf32, #tpu.memory_space<hbm>> -> memref<10000x32xf32, #tpu.memory_space<hbm>>
    tpu.wait_indirect_dma semaphore(%arg15 : memref<!tpu.dma_semaphore, #tpu.memory_space<semaphore_mem>>) src(%dma_wait3A_37 : memref<10000x32xf32, #tpu.memory_space<hbm>>) dst(%arg10 : memref<128x32xf32, #tpu.memory_space<vmem>>)
    %dma_wait3A_38 = arith.constant 77 : i32
    %dma_wait3A_39 = arith.constant 0 : i32
    %dma_wait3A_40 = tpu.memref_slice %arg9[%dma_wait3A_38, %dma_wait3A_39] : memref<80x128xi32, #tpu.memory_space<vmem>> -> memref<1x128xi32, #tpu.memory_space<vmem>>
    %dma_wait3A_41 = tpu.memref_squeeze %dma_wait3A_40 : memref<1x128xi32, #tpu.memory_space<vmem>> -> memref<128xi32, #tpu.memory_space<vmem>>
    %dma_wait3A_42 = arith.constant 0 : i32
    %dma_wait3A_43 = arith.constant 0 : i32
    %dma_wait3A_44 = tpu.memref_slice %arg6[%dma_wait3A_42, %dma_wait3A_43] : memref<10112x32xf32, #tpu.memory_space<vmem_shared>> -> memref<10112x32xf32, #tpu.memory_space<vmem_shared>>
    tpu.wait_indirect_dma semaphore(%arg18 : memref<!tpu.dma_semaphore, #tpu.memory_space<semaphore_mem>>) src(%arg11 : memref<128x32xf32, #tpu.memory_space<vmem>>) dst(%dma_wait3A_44 : memref<10112x32xf32, #tpu.memory_space<vmem_shared>>)
    %run_scoped3A = arith.constant 78 : i32
    "tpu.region"() ({
      %run_scoped3A_59 = tpu.sem_alloc : memref<!tpu.dma_semaphore, #tpu.memory_space<semaphore_mem>>
      %dma_start3A_60 = arith.constant 0 : i32
      %dma_start3A_61 = tpu.memref_slice %arg3[%add3A, %run_scoped3A, %dma_start3A_60] : memref<32x80x128xi32, #tpu.memory_space<hbm>> -> memref<1x1x16xi32, #tpu.memory_space<hbm>>
      %dma_start3A_62 = tpu.memref_squeeze %dma_start3A_61 : memref<1x1x16xi32, #tpu.memory_space<hbm>> -> memref<16xi32, #tpu.memory_space<hbm>>
      %dma_start3A_63 = arith.constant 0 : i32
      %dma_start3A_64 = tpu.memref_slice %arg3[%add3A, %run_scoped3A, %dma_start3A_63] : memref<32x80x128xi32, #tpu.memory_space<hbm>> -> memref<1x1x16xi32, #tpu.memory_space<hbm>>
      %dma_start3A_65 = tpu.memref_squeeze %dma_start3A_64 : memref<1x1x16xi32, #tpu.memory_space<hbm>> -> memref<16xi32, #tpu.memory_space<hbm>>
      tpu.enqueue_dma source(%dma_start3A_65 : memref<16xi32, #tpu.memory_space<hbm>>) target(%arg12 : memref<16xi32, #tpu.memory_space<vmem>>) target_semaphore(%run_scoped3A_59 : memref<!tpu.dma_semaphore, #tpu.memory_space<semaphore_mem>>)
      %dma_wait3A_66 = arith.constant 0 : i32
      %dma_wait3A_67 = tpu.memref_slice %arg3[%add3A, %run_scoped3A, %dma_wait3A_66] : memref<32x80x128xi32, #tpu.memory_space<hbm>> -> memref<1x1x16xi32, #tpu.memory_space<hbm>>
      %dma_wait3A_68 = tpu.memref_squeeze %dma_wait3A_67 : memref<1x1x16xi32, #tpu.memory_space<hbm>> -> memref<16xi32, #tpu.memory_space<hbm>>
      %dma_wait3A_69 = arith.constant 0 : i32
      %dma_wait3A_70 = tpu.memref_slice %arg3[%add3A, %run_scoped3A, %dma_wait3A_69] : memref<32x80x128xi32, #tpu.memory_space<hbm>> -> memref<1x1x16xi32, #tpu.memory_space<hbm>>
      %dma_wait3A_71 = tpu.memref_squeeze %dma_wait3A_70 : memref<1x1x16xi32, #tpu.memory_space<hbm>> -> memref<16xi32, #tpu.memory_space<hbm>>
      tpu.wait_dma2 semaphore(%run_scoped3A_59 : memref<!tpu.dma_semaphore, #tpu.memory_space<semaphore_mem>>) src(%dma_wait3A_71 : memref<16xi32, #tpu.memory_space<hbm>>) dst(%arg12 : memref<16xi32, #tpu.memory_space<vmem>>)
      tpu.yield
    }) : () -> ()
    %run_scoped3A_45 = arith.constant 78 : i32
    "tpu.region"() ({
      %run_scoped3A_59 = tpu.sem_alloc : memref<!tpu.dma_semaphore, #tpu.memory_space<semaphore_mem>>
      %dma_start3A_60 = arith.constant 0 : i32
      %dma_start3A_61 = tpu.memref_slice %arg4[%add3A, %run_scoped3A_45, %dma_start3A_60] : memref<32x80x128xi32, #tpu.memory_space<hbm>> -> memref<1x1x16xi32, #tpu.memory_space<hbm>>
      %dma_start3A_62 = tpu.memref_squeeze %dma_start3A_61 : memref<1x1x16xi32, #tpu.memory_space<hbm>> -> memref<16xi32, #tpu.memory_space<hbm>>
      %dma_start3A_63 = arith.constant 0 : i32
      %dma_start3A_64 = tpu.memref_slice %arg4[%add3A, %run_scoped3A_45, %dma_start3A_63] : memref<32x80x128xi32, #tpu.memory_space<hbm>> -> memref<1x1x16xi32, #tpu.memory_space<hbm>>
      %dma_start3A_65 = tpu.memref_squeeze %dma_start3A_64 : memref<1x1x16xi32, #tpu.memory_space<hbm>> -> memref<16xi32, #tpu.memory_space<hbm>>
      tpu.enqueue_dma source(%dma_start3A_65 : memref<16xi32, #tpu.memory_space<hbm>>) target(%arg13 : memref<16xi32, #tpu.memory_space<vmem>>) target_semaphore(%run_scoped3A_59 : memref<!tpu.dma_semaphore, #tpu.memory_space<semaphore_mem>>)
      %dma_wait3A_66 = arith.constant 0 : i32
      %dma_wait3A_67 = tpu.memref_slice %arg4[%add3A, %run_scoped3A_45, %dma_wait3A_66] : memref<32x80x128xi32, #tpu.memory_space<hbm>> -> memref<1x1x16xi32, #tpu.memory_space<hbm>>
      %dma_wait3A_68 = tpu.memref_squeeze %dma_wait3A_67 : memref<1x1x16xi32, #tpu.memory_space<hbm>> -> memref<16xi32, #tpu.memory_space<hbm>>
      %dma_wait3A_69 = arith.constant 0 : i32
      %dma_wait3A_70 = tpu.memref_slice %arg4[%add3A, %run_scoped3A_45, %dma_wait3A_69] : memref<32x80x128xi32, #tpu.memory_space<hbm>> -> memref<1x1x16xi32, #tpu.memory_space<hbm>>
      %dma_wait3A_71 = tpu.memref_squeeze %dma_wait3A_70 : memref<1x1x16xi32, #tpu.memory_space<hbm>> -> memref<16xi32, #tpu.memory_space<hbm>>
      tpu.wait_dma2 semaphore(%run_scoped3A_59 : memref<!tpu.dma_semaphore, #tpu.memory_space<semaphore_mem>>) src(%dma_wait3A_71 : memref<16xi32, #tpu.memory_space<hbm>>) dst(%arg13 : memref<16xi32, #tpu.memory_space<vmem>>)
      tpu.yield
    }) : () -> ()
    %dma_start3A_46 = arith.constant 0 : i32
    %dma_start3A_47 = arith.constant 0 : i32
    %dma_start3A_48 = tpu.memref_slice %arg2[%dma_start3A_46, %dma_start3A_47] : memref<10000x32xf32, #tpu.memory_space<hbm>> -> memref<10000x32xf32, #tpu.memory_space<hbm>>
    tpu.enqueue_indirect_dma source(%dma_start3A_48 : memref<10000x32xf32, #tpu.memory_space<hbm>>) target(%arg14 : memref<16x32xf32, #tpu.memory_space<vmem>>) offsets(%arg12 : memref<16xi32, #tpu.memory_space<vmem>>) semaphore(%arg16 : memref<!tpu.dma_semaphore, #tpu.memory_space<semaphore_mem>>)
    %dma_wait3A_49 = arith.constant 0 : i32
    %dma_wait3A_50 = arith.constant 0 : i32
    %dma_wait3A_51 = tpu.memref_slice %arg2[%dma_wait3A_49, %dma_wait3A_50] : memref<10000x32xf32, #tpu.memory_space<hbm>> -> memref<10000x32xf32, #tpu.memory_space<hbm>>
    tpu.wait_indirect_dma semaphore(%arg16 : memref<!tpu.dma_semaphore, #tpu.memory_space<semaphore_mem>>) src(%dma_wait3A_51 : memref<10000x32xf32, #tpu.memory_space<hbm>>) dst(%arg14 : memref<16x32xf32, #tpu.memory_space<vmem>>)
    "tpu.region"() ({
      %run_scoped3A_59 = tpu.sem_alloc : memref<!tpu.dma_semaphore, #tpu.memory_space<semaphore_mem>>
      %dma_start3A_60 = arith.constant 0 : i32
      %dma_start3A_61 = arith.constant 0 : i32
      %dma_start3A_62 = tpu.memref_slice %arg6[%dma_start3A_60, %dma_start3A_61] : memref<10112x32xf32, #tpu.memory_space<vmem_shared>> -> memref<10112x32xf32, #tpu.memory_space<vmem_shared>>
      tpu.enqueue_indirect_dma source(%arg14 : memref<16x32xf32, #tpu.memory_space<vmem>>) target(%dma_start3A_62 : memref<10112x32xf32, #tpu.memory_space<vmem_shared>>) offsets(%arg13 : memref<16xi32, #tpu.memory_space<vmem>>) semaphore(%run_scoped3A_59 : memref<!tpu.dma_semaphore, #tpu.memory_space<semaphore_mem>>) {add = true}
      %dma_wait3A_63 = arith.constant 0 : i32
      %dma_wait3A_64 = arith.constant 0 : i32
      %dma_wait3A_65 = tpu.memref_slice %arg6[%dma_wait3A_63, %dma_wait3A_64] : memref<10112x32xf32, #tpu.memory_space<vmem_shared>> -> memref<10112x32xf32, #tpu.memory_space<vmem_shared>>
      tpu.wait_indirect_dma semaphore(%run_scoped3A_59 : memref<!tpu.dma_semaphore, #tpu.memory_space<semaphore_mem>>) src(%arg14 : memref<16x32xf32, #tpu.memory_space<vmem>>) dst(%dma_wait3A_65 : memref<10112x32xf32, #tpu.memory_space<vmem_shared>>)
      tpu.yield
    }) : () -> ()
    %barrier3A_52 = arith.constant 0 : index
    tpu.barrier barrier_id(%barrier3A_52)
    %mul3A_53 = arith.constant 624 : i32
    %mul3A_54 = arith.muli %arg1, %mul3A_53 : i32
    "tpu.region"() ({
      %run_scoped3A_59 = tpu.sem_alloc : memref<!tpu.dma_semaphore, #tpu.memory_space<semaphore_mem>>
      %dma_start3A_60 = arith.constant 0 : i32
      %dma_start3A_61 = arith.constant 0 : i32
      %dma_start3A_62 = tpu.memref_slice %arg7[%dma_start3A_60, %dma_start3A_61] : memref<632x32xf32, #tpu.memory_space<vmem>> -> memref<624x32xf32, #tpu.memory_space<vmem>>
      %dma_start3A_63 = arith.constant 0 : i32
      %dma_start3A_64 = tpu.memref_slice %arg6[%mul3A_54, %dma_start3A_63] : memref<10112x32xf32, #tpu.memory_space<vmem_shared>> -> memref<624x32xf32, #tpu.memory_space<vmem_shared>>
      %dma_start3A_65 = arith.constant 0 : i32
      %dma_start3A_66 = arith.constant 0 : i32
      %dma_start3A_67 = tpu.memref_slice %arg7[%dma_start3A_65, %dma_start3A_66] : memref<632x32xf32, #tpu.memory_space<vmem>> -> memref<624x32xf32, #tpu.memory_space<vmem>>
      %dma_start3A_68 = arith.constant 0 : i32
      %dma_start3A_69 = tpu.memref_slice %arg6[%mul3A_54, %dma_start3A_68] : memref<10112x32xf32, #tpu.memory_space<vmem_shared>> -> memref<624x32xf32, #tpu.memory_space<vmem_shared>>
      tpu.enqueue_dma source(%dma_start3A_69 : memref<624x32xf32, #tpu.memory_space<vmem_shared>>) target(%dma_start3A_67 : memref<624x32xf32, #tpu.memory_space<vmem>>) target_semaphore(%run_scoped3A_59 : memref<!tpu.dma_semaphore, #tpu.memory_space<semaphore_mem>>)
      %dma_wait3A_70 = arith.constant 0 : i32
      %dma_wait3A_71 = arith.constant 0 : i32
      %dma_wait3A_72 = tpu.memref_slice %arg7[%dma_wait3A_70, %dma_wait3A_71] : memref<632x32xf32, #tpu.memory_space<vmem>> -> memref<624x32xf32, #tpu.memory_space<vmem>>
      %dma_wait3A_73 = arith.constant 0 : i32
      %dma_wait3A_74 = tpu.memref_slice %arg6[%mul3A_54, %dma_wait3A_73] : memref<10112x32xf32, #tpu.memory_space<vmem_shared>> -> memref<624x32xf32, #tpu.memory_space<vmem_shared>>
      %dma_wait3A_75 = arith.constant 0 : i32
      %dma_wait3A_76 = arith.constant 0 : i32
      %dma_wait3A_77 = tpu.memref_slice %arg7[%dma_wait3A_75, %dma_wait3A_76] : memref<632x32xf32, #tpu.memory_space<vmem>> -> memref<624x32xf32, #tpu.memory_space<vmem>>
      %dma_wait3A_78 = arith.constant 0 : i32
      %dma_wait3A_79 = tpu.memref_slice %arg6[%mul3A_54, %dma_wait3A_78] : memref<10112x32xf32, #tpu.memory_space<vmem_shared>> -> memref<624x32xf32, #tpu.memory_space<vmem_shared>>
      tpu.wait_dma2 semaphore(%run_scoped3A_59 : memref<!tpu.dma_semaphore, #tpu.memory_space<semaphore_mem>>) src(%dma_wait3A_79 : memref<624x32xf32, #tpu.memory_space<vmem_shared>>) dst(%dma_wait3A_77 : memref<624x32xf32, #tpu.memory_space<vmem>>)
      tpu.yield
    }) : () -> ()
    %mul3A_55 = arith.constant 624 : i32
    %mul3A_56 = arith.muli %arg1, %mul3A_55 : i32
    "tpu.region"() ({
      %run_scoped3A_59 = tpu.sem_alloc : memref<!tpu.dma_semaphore, #tpu.memory_space<semaphore_mem>>
      %dma_start3A_60 = arith.constant 0 : i32
      %dma_start3A_61 = arith.constant 0 : i32
      %dma_start3A_62 = tpu.memref_slice %arg7[%dma_start3A_60, %dma_start3A_61] : memref<632x32xf32, #tpu.memory_space<vmem>> -> memref<624x32xf32, #tpu.memory_space<vmem>>
      %dma_start3A_63 = arith.constant 0 : i32
      %dma_start3A_64 = tpu.memref_slice %arg5[%arg0, %mul3A_56, %dma_start3A_63] : memref<2x10000x32xf32, #tpu.memory_space<hbm>> -> memref<1x624x32xf32, #tpu.memory_space<hbm>>
      %dma_start3A_65 = tpu.memref_squeeze %dma_start3A_64 : memref<1x624x32xf32, #tpu.memory_space<hbm>> -> memref<624x32xf32, #tpu.memory_space<hbm>>
      %dma_start3A_66 = arith.constant 0 : i32
      %dma_start3A_67 = tpu.memref_slice %arg5[%arg0, %mul3A_56, %dma_start3A_66] : memref<2x10000x32xf32, #tpu.memory_space<hbm>> -> memref<1x624x32xf32, #tpu.memory_space<hbm>>
      %dma_start3A_68 = tpu.memref_squeeze %dma_start3A_67 : memref<1x624x32xf32, #tpu.memory_space<hbm>> -> memref<624x32xf32, #tpu.memory_space<hbm>>
      %dma_start3A_69 = arith.constant 0 : i32
      %dma_start3A_70 = arith.constant 0 : i32
      %dma_start3A_71 = tpu.memref_slice %arg7[%dma_start3A_69, %dma_start3A_70] : memref<632x32xf32, #tpu.memory_space<vmem>> -> memref<624x32xf32, #tpu.memory_space<vmem>>
      tpu.enqueue_dma source(%dma_start3A_71 : memref<624x32xf32, #tpu.memory_space<vmem>>) target(%dma_start3A_68 : memref<624x32xf32, #tpu.memory_space<hbm>>) target_semaphore(%run_scoped3A_59 : memref<!tpu.dma_semaphore, #tpu.memory_space<semaphore_mem>>)
      %dma_wait3A_72 = arith.constant 0 : i32
      %dma_wait3A_73 = arith.constant 0 : i32
      %dma_wait3A_74 = tpu.memref_slice %arg7[%dma_wait3A_72, %dma_wait3A_73] : memref<632x32xf32, #tpu.memory_space<vmem>> -> memref<624x32xf32, #tpu.memory_space<vmem>>
      %dma_wait3A_75 = arith.constant 0 : i32
      %dma_wait3A_76 = tpu.memref_slice %arg5[%arg0, %mul3A_56, %dma_wait3A_75] : memref<2x10000x32xf32, #tpu.memory_space<hbm>> -> memref<1x624x32xf32, #tpu.memory_space<hbm>>
      %dma_wait3A_77 = tpu.memref_squeeze %dma_wait3A_76 : memref<1x624x32xf32, #tpu.memory_space<hbm>> -> memref<624x32xf32, #tpu.memory_space<hbm>>
      %dma_wait3A_78 = arith.constant 0 : i32
      %dma_wait3A_79 = tpu.memref_slice %arg5[%arg0, %mul3A_56, %dma_wait3A_78] : memref<2x10000x32xf32, #tpu.memory_space<hbm>> -> memref<1x624x32xf32, #tpu.memory_space<hbm>>
      %dma_wait3A_80 = tpu.memref_squeeze %dma_wait3A_79 : memref<1x624x32xf32, #tpu.memory_space<hbm>> -> memref<624x32xf32, #tpu.memory_space<hbm>>
      %dma_wait3A_81 = arith.constant 0 : i32
      %dma_wait3A_82 = arith.constant 0 : i32
      %dma_wait3A_83 = tpu.memref_slice %arg7[%dma_wait3A_81, %dma_wait3A_82] : memref<632x32xf32, #tpu.memory_space<vmem>> -> memref<624x32xf32, #tpu.memory_space<vmem>>
      tpu.wait_dma2 semaphore(%run_scoped3A_59 : memref<!tpu.dma_semaphore, #tpu.memory_space<semaphore_mem>>) src(%dma_wait3A_83 : memref<624x32xf32, #tpu.memory_space<vmem>>) dst(%dma_wait3A_80 : memref<624x32xf32, #tpu.memory_space<hbm>>)
      tpu.yield
    }) : () -> ()
    %eq3A = arith.constant 0 : i32
    %eq3A_57 = arith.cmpi eq, %arg1, %eq3A : i32
    %convert_element_type3A = arith.extui %eq3A_57 : i1 to i32
    %cond3A = arith.constant 0 : i32
    %cond3A_58 = arith.cmpi ne, %convert_element_type3A, %cond3A : i32
    scf.if %cond3A_58 {
      "tpu.region"() ({
        %run_scoped3A_59 = tpu.sem_alloc : memref<!tpu.dma_semaphore, #tpu.memory_space<semaphore_mem>>
        %dma_start3A_60 = arith.constant 9984 : i32
        %dma_start3A_61 = arith.constant 0 : i32
        %dma_start3A_62 = tpu.memref_slice %arg6[%dma_start3A_60, %dma_start3A_61] : memref<10112x32xf32, #tpu.memory_space<vmem_shared>> -> memref<16x32xf32, #tpu.memory_space<vmem_shared>>
        %dma_start3A_63 = arith.constant 9984 : i32
        %dma_start3A_64 = arith.constant 0 : i32
        %dma_start3A_65 = tpu.memref_slice %arg6[%dma_start3A_63, %dma_start3A_64] : memref<10112x32xf32, #tpu.memory_space<vmem_shared>> -> memref<16x32xf32, #tpu.memory_space<vmem_shared>>
        tpu.enqueue_dma source(%dma_start3A_65 : memref<16x32xf32, #tpu.memory_space<vmem_shared>>) target(%arg14 : memref<16x32xf32, #tpu.memory_space<vmem>>) target_semaphore(%run_scoped3A_59 : memref<!tpu.dma_semaphore, #tpu.memory_space<semaphore_mem>>)
        %dma_wait3A_66 = arith.constant 9984 : i32
        %dma_wait3A_67 = arith.constant 0 : i32
        %dma_wait3A_68 = tpu.memref_slice %arg6[%dma_wait3A_66, %dma_wait3A_67] : memref<10112x32xf32, #tpu.memory_space<vmem_shared>> -> memref<16x32xf32, #tpu.memory_space<vmem_shared>>
        %dma_wait3A_69 = arith.constant 9984 : i32
        %dma_wait3A_70 = arith.constant 0 : i32
        %dma_wait3A_71 = tpu.memref_slice %arg6[%dma_wait3A_69, %dma_wait3A_70] : memref<10112x32xf32, #tpu.memory_space<vmem_shared>> -> memref<16x32xf32, #tpu.memory_space<vmem_shared>>
        tpu.wait_dma2 semaphore(%run_scoped3A_59 : memref<!tpu.dma_semaphore, #tpu.memory_space<semaphore_mem>>) src(%dma_wait3A_71 : memref<16x32xf32, #tpu.memory_space<vmem_shared>>) dst(%arg14 : memref<16x32xf32, #tpu.memory_space<vmem>>)
        tpu.yield
      }) : () -> ()
      "tpu.region"() ({
        %run_scoped3A_59 = tpu.sem_alloc : memref<!tpu.dma_semaphore, #tpu.memory_space<semaphore_mem>>
        %dma_start3A_60 = arith.constant 9984 : i32
        %dma_start3A_61 = arith.constant 0 : i32
        %dma_start3A_62 = tpu.memref_slice %arg5[%arg0, %dma_start3A_60, %dma_start3A_61] : memref<2x10000x32xf32, #tpu.memory_space<hbm>> -> memref<1x16x32xf32, #tpu.memory_space<hbm>>
        %dma_start3A_63 = tpu.memref_squeeze %dma_start3A_62 : memref<1x16x32xf32, #tpu.memory_space<hbm>> -> memref<16x32xf32, #tpu.memory_space<hbm>>
        %dma_start3A_64 = arith.constant 9984 : i32
        %dma_start3A_65 = arith.constant 0 : i32
        %dma_start3A_66 = tpu.memref_slice %arg5[%arg0, %dma_start3A_64, %dma_start3A_65] : memref<2x10000x32xf32, #tpu.memory_space<hbm>> -> memref<1x16x32xf32, #tpu.memory_space<hbm>>
        %dma_start3A_67 = tpu.memref_squeeze %dma_start3A_66 : memref<1x16x32xf32, #tpu.memory_space<hbm>> -> memref<16x32xf32, #tpu.memory_space<hbm>>
        tpu.enqueue_dma source(%arg14 : memref<16x32xf32, #tpu.memory_space<vmem>>) target(%dma_start3A_67 : memref<16x32xf32, #tpu.memory_space<hbm>>) target_semaphore(%run_scoped3A_59 : memref<!tpu.dma_semaphore, #tpu.memory_space<semaphore_mem>>)
        %dma_wait3A_68 = arith.constant 9984 : i32
        %dma_wait3A_69 = arith.constant 0 : i32
        %dma_wait3A_70 = tpu.memref_slice %arg5[%arg0, %dma_wait3A_68, %dma_wait3A_69] : memref<2x10000x32xf32, #tpu.memory_space<hbm>> -> memref<1x16x32xf32, #tpu.memory_space<hbm>>
        %dma_wait3A_71 = tpu.memref_squeeze %dma_wait3A_70 : memref<1x16x32xf32, #tpu.memory_space<hbm>> -> memref<16x32xf32, #tpu.memory_space<hbm>>
        %dma_wait3A_72 = arith.constant 9984 : i32
        %dma_wait3A_73 = arith.constant 0 : i32
        %dma_wait3A_74 = tpu.memref_slice %arg5[%arg0, %dma_wait3A_72, %dma_wait3A_73] : memref<2x10000x32xf32, #tpu.memory_space<hbm>> -> memref<1x16x32xf32, #tpu.memory_space<hbm>>
        %dma_wait3A_75 = tpu.memref_squeeze %dma_wait3A_74 : memref<1x16x32xf32, #tpu.memory_space<hbm>> -> memref<16x32xf32, #tpu.memory_space<hbm>>
        tpu.wait_dma2 semaphore(%run_scoped3A_59 : memref<!tpu.dma_semaphore, #tpu.memory_space<semaphore_mem>>) src(%arg14 : memref<16x32xf32, #tpu.memory_space<vmem>>) dst(%dma_wait3A_75 : memref<16x32xf32, #tpu.memory_space<hbm>>)
        tpu.yield
      }) : () -> ()
    } else {
    }
    return
  }
}

#map = affine_map<(d0, d1) -> (0, 0)>
#map1 = affine_map<(d0, d1) -> (0, 0, 0)>
module attributes {stable_mosaic.version = 14 : i64} {
  func.func @_sc_scatter_body(%arg0: i32, %arg1: i32, %arg2: memref<10000x32xf32, #tpu.memory_space<hbm>>, %arg3: memref<32x80x128xi32, #tpu.memory_space<hbm>>, %arg4: memref<32x80x128xi32, #tpu.memory_space<hbm>>, %arg5: memref<2x10000x32xf32, #tpu.memory_space<hbm>>, %arg6: memref<10112x32xf32, #tpu.memory_space<vmem_shared>>, %arg7: memref<632x32xf32, #tpu.memory_space<vmem>>, %arg8: memref<80x128xi32, #tpu.memory_space<vmem>>, %arg9: memref<80x128xi32, #tpu.memory_space<vmem>>, %arg10: memref<128x32xf32, #tpu.memory_space<vmem>>, %arg11: memref<128x32xf32, #tpu.memory_space<vmem>>, %arg12: memref<16xi32, #tpu.memory_space<vmem>>, %arg13: memref<16xi32, #tpu.memory_space<vmem>>, %arg14: memref<16x32xf32, #tpu.memory_space<vmem>>, %arg15: memref<!tpu.dma_semaphore, #tpu.memory_space<semaphore_mem>>, %arg16: memref<!tpu.dma_semaphore, #tpu.memory_space<semaphore_mem>>, %arg17: memref<!tpu.dma_semaphore, #tpu.memory_space<semaphore_mem>>, %arg18: memref<!tpu.dma_semaphore, #tpu.memory_space<semaphore_mem>>) attributes {dimension_semantics = [#tpu.dimension_semantics<core_parallel>, #tpu.dimension_semantics<subcore_parallel>], iteration_bounds = array<i64: 2, 16>, scalar_prefetch = 0 : i64, scratch_operands = 13 : i64, tpu.core_type = #tpu.core_type<sc_vector_subcore>, window_params = [{transform_indices = #map}, {transform_indices = #map1}, {transform_indices = #map1}, {transform_indices = #map1}]} {
    %mul3A = arith.constant 16 : i32
    %mul3A_0 = arith.muli %arg0, %mul3A : i32
    %add3A = arith.addi %mul3A_0, %arg1 : i32
    %scan3A = arith.constant 0 : i32
    %scan3A_1 = arith.constant 0 : i32
    %scan3A_2 = arith.constant 632 : i32
    %scan3A_3 = arith.addi %scan3A_1, %scan3A_2 : i32
    %scan3A_4 = arith.constant 1 : i32
    %scan3A_5 = scf.for %scan3A_59 = %scan3A_1 to %scan3A_3 step %scan3A_4 iter_args(%scan3A_60 = %scan3A) -> (i32)  : i32 {
      %broadcast_in_dim3A = arith.constant 0.000000e+00 : f32
      %broadcast_in_dim3A_61 = vector.broadcast %broadcast_in_dim3A : f32 to vector<16xf32>
      %swap3A = arith.index_cast %scan3A_59 : i32 to index
      %swap3A_62 = arith.constant 0 : index
      %swap3A_63 = tpu.vector_load %arg7[%swap3A, %swap3A_62] {strides = array<i32>} : memref<632x32xf32, #tpu.memory_space<vmem>>, vector<1x16xf32>,
      %swap3A_64 = vector.shape_cast %swap3A_63 : vector<1x16xf32> to vector<16xf32>
      %swap3A_65 = vector.shape_cast %broadcast_in_dim3A_61 : vector<16xf32> to vector<1x16xf32>
      tpu.vector_store %arg7[%swap3A, %swap3A_62], %swap3A_65 {strides = array<i32>} : memref<632x32xf32, #tpu.memory_space<vmem>>, vector<1x16xf32>,
      %broadcast_in_dim3A_66 = arith.constant 0.000000e+00 : f32
      %broadcast_in_dim3A_67 = vector.broadcast %broadcast_in_dim3A_66 : f32 to vector<16xf32>
      %swap3A_68 = arith.index_cast %scan3A_59 : i32 to index
      %swap3A_69 = arith.constant 16 : index
      %swap3A_70 = tpu.vector_load %arg7[%swap3A_68, %swap3A_69] {strides = array<i32>} : memref<632x32xf32, #tpu.memory_space<vmem>>, vector<1x16xf32>,
      %swap3A_71 = vector.shape_cast %swap3A_70 : vector<1x16xf32> to vector<16xf32>
      %swap3A_72 = vector.shape_cast %broadcast_in_dim3A_67 : vector<16xf32> to vector<1x16xf32>
      tpu.vector_store %arg7[%swap3A_68, %swap3A_69], %swap3A_72 {strides = array<i32>} : memref<632x32xf32, #tpu.memory_space<vmem>>, vector<1x16xf32>,
      %scan3A_73 = arith.constant 0 : i32
      scf.yield %scan3A_73 : i32
    }
    %scan3A_6 = arith.constant 632 : i32
    %mul3A_7 = arith.constant 632 : i32
    %mul3A_8 = arith.muli %arg1, %mul3A_7 : i32
    "tpu.region"() ({
      %run_scoped3A_59 = tpu.sem_alloc : memref<!tpu.dma_semaphore, #tpu.memory_space<semaphore_mem>>
      %dma_start3A_60 = arith.constant 0 : i32
      %dma_start3A_61 = tpu.memref_slice %arg6[%mul3A_8, %dma_start3A_60] : memref<10112x32xf32, #tpu.memory_space<vmem_shared>> -> memref<632x32xf32, #tpu.memory_space<vmem_shared>>
      %dma_start3A_62 = arith.constant 0 : i32
      %dma_start3A_63 = tpu.memref_slice %arg6[%mul3A_8, %dma_start3A_62] : memref<10112x32xf32, #tpu.memory_space<vmem_shared>> -> memref<632x32xf32, #tpu.memory_space<vmem_shared>>
      tpu.enqueue_dma source(%arg7 : memref<632x32xf32, #tpu.memory_space<vmem>>) target(%dma_start3A_63 : memref<632x32xf32, #tpu.memory_space<vmem_shared>>) target_semaphore(%run_scoped3A_59 : memref<!tpu.dma_semaphore, #tpu.memory_space<semaphore_mem>>)
      %dma_wait3A_64 = arith.constant 0 : i32
      %dma_wait3A_65 = tpu.memref_slice %arg6[%mul3A_8, %dma_wait3A_64] : memref<10112x32xf32, #tpu.memory_space<vmem_shared>> -> memref<632x32xf32, #tpu.memory_space<vmem_shared>>
      %dma_wait3A_66 = arith.constant 0 : i32
      %dma_wait3A_67 = tpu.memref_slice %arg6[%mul3A_8, %dma_wait3A_66] : memref<10112x32xf32, #tpu.memory_space<vmem_shared>> -> memref<632x32xf32, #tpu.memory_space<vmem_shared>>
      tpu.wait_dma2 semaphore(%run_scoped3A_59 : memref<!tpu.dma_semaphore, #tpu.memory_space<semaphore_mem>>) src(%arg7 : memref<632x32xf32, #tpu.memory_space<vmem>>) dst(%dma_wait3A_67 : memref<632x32xf32, #tpu.memory_space<vmem_shared>>)
      tpu.yield
    }) : () -> ()
    "tpu.region"() ({
      %run_scoped3A_59 = tpu.sem_alloc : memref<!tpu.dma_semaphore, #tpu.memory_space<semaphore_mem>>
      %dma_start3A_60 = arith.constant 0 : i32
      %dma_start3A_61 = arith.constant 0 : i32
      %dma_start3A_62 = tpu.memref_slice %arg3[%add3A, %dma_start3A_60, %dma_start3A_61] : memref<32x80x128xi32, #tpu.memory_space<hbm>> -> memref<1x80x128xi32, #tpu.memory_space<hbm>>
      %dma_start3A_63 = tpu.memref_squeeze %dma_start3A_62 : memref<1x80x128xi32, #tpu.memory_space<hbm>> -> memref<80x128xi32, #tpu.memory_space<hbm>>
      %dma_start3A_64 = arith.constant 0 : i32
      %dma_start3A_65 = arith.constant 0 : i32
      %dma_start3A_66 = tpu.memref_slice %arg3[%add3A, %dma_start3A_64, %dma_start3A_65] : memref<32x80x128xi32, #tpu.memory_space<hbm>> -> memref<1x80x128xi32, #tpu.memory_space<hbm>>
      %dma_start3A_67 = tpu.memref_squeeze %dma_start3A_66 : memref<1x80x128xi32, #tpu.memory_space<hbm>> -> memref<80x128xi32, #tpu.memory_space<hbm>>
      tpu.enqueue_dma source(%dma_start3A_67 : memref<80x128xi32, #tpu.memory_space<hbm>>) target(%arg8 : memref<80x128xi32, #tpu.memory_space<vmem>>) target_semaphore(%run_scoped3A_59 : memref<!tpu.dma_semaphore, #tpu.memory_space<semaphore_mem>>)
      %dma_wait3A_68 = arith.constant 0 : i32
      %dma_wait3A_69 = arith.constant 0 : i32
      %dma_wait3A_70 = tpu.memref_slice %arg3[%add3A, %dma_wait3A_68, %dma_wait3A_69] : memref<32x80x128xi32, #tpu.memory_space<hbm>> -> memref<1x80x128xi32, #tpu.memory_space<hbm>>
      %dma_wait3A_71 = tpu.memref_squeeze %dma_wait3A_70 : memref<1x80x128xi32, #tpu.memory_space<hbm>> -> memref<80x128xi32, #tpu.memory_space<hbm>>
      %dma_wait3A_72 = arith.constant 0 : i32
      %dma_wait3A_73 = arith.constant 0 : i32
      %dma_wait3A_74 = tpu.memref_slice %arg3[%add3A, %dma_wait3A_72, %dma_wait3A_73] : memref<32x80x128xi32, #tpu.memory_space<hbm>> -> memref<1x80x128xi32, #tpu.memory_space<hbm>>
      %dma_wait3A_75 = tpu.memref_squeeze %dma_wait3A_74 : memref<1x80x128xi32, #tpu.memory_space<hbm>> -> memref<80x128xi32, #tpu.memory_space<hbm>>
      tpu.wait_dma2 semaphore(%run_scoped3A_59 : memref<!tpu.dma_semaphore, #tpu.memory_space<semaphore_mem>>) src(%dma_wait3A_75 : memref<80x128xi32, #tpu.memory_space<hbm>>) dst(%arg8 : memref<80x128xi32, #tpu.memory_space<vmem>>)
      tpu.yield
    }) : () -> ()
    "tpu.region"() ({
      %run_scoped3A_59 = tpu.sem_alloc : memref<!tpu.dma_semaphore, #tpu.memory_space<semaphore_mem>>
      %dma_start3A_60 = arith.constant 0 : i32
      %dma_start3A_61 = arith.constant 0 : i32
      %dma_start3A_62 = tpu.memref_slice %arg4[%add3A, %dma_start3A_60, %dma_start3A_61] : memref<32x80x128xi32, #tpu.memory_space<hbm>> -> memref<1x80x128xi32, #tpu.memory_space<hbm>>
      %dma_start3A_63 = tpu.memref_squeeze %dma_start3A_62 : memref<1x80x128xi32, #tpu.memory_space<hbm>> -> memref<80x128xi32, #tpu.memory_space<hbm>>
      %dma_start3A_64 = arith.constant 0 : i32
      %dma_start3A_65 = arith.constant 0 : i32
      %dma_start3A_66 = tpu.memref_slice %arg4[%add3A, %dma_start3A_64, %dma_start3A_65] : memref<32x80x128xi32, #tpu.memory_space<hbm>> -> memref<1x80x128xi32, #tpu.memory_space<hbm>>
      %dma_start3A_67 = tpu.memref_squeeze %dma_start3A_66 : memref<1x80x128xi32, #tpu.memory_space<hbm>> -> memref<80x128xi32, #tpu.memory_space<hbm>>
      tpu.enqueue_dma source(%dma_start3A_67 : memref<80x128xi32, #tpu.memory_space<hbm>>) target(%arg9 : memref<80x128xi32, #tpu.memory_space<vmem>>) target_semaphore(%run_scoped3A_59 : memref<!tpu.dma_semaphore, #tpu.memory_space<semaphore_mem>>)
      %dma_wait3A_68 = arith.constant 0 : i32
      %dma_wait3A_69 = arith.constant 0 : i32
      %dma_wait3A_70 = tpu.memref_slice %arg4[%add3A, %dma_wait3A_68, %dma_wait3A_69] : memref<32x80x128xi32, #tpu.memory_space<hbm>> -> memref<1x80x128xi32, #tpu.memory_space<hbm>>
      %dma_wait3A_71 = tpu.memref_squeeze %dma_wait3A_70 : memref<1x80x128xi32, #tpu.memory_space<hbm>> -> memref<80x128xi32, #tpu.memory_space<hbm>>
      %dma_wait3A_72 = arith.constant 0 : i32
      %dma_wait3A_73 = arith.constant 0 : i32
      %dma_wait3A_74 = tpu.memref_slice %arg4[%add3A, %dma_wait3A_72, %dma_wait3A_73] : memref<32x80x128xi32, #tpu.memory_space<hbm>> -> memref<1x80x128xi32, #tpu.memory_space<hbm>>
      %dma_wait3A_75 = tpu.memref_squeeze %dma_wait3A_74 : memref<1x80x128xi32, #tpu.memory_space<hbm>> -> memref<80x128xi32, #tpu.memory_space<hbm>>
      tpu.wait_dma2 semaphore(%run_scoped3A_59 : memref<!tpu.dma_semaphore, #tpu.memory_space<semaphore_mem>>) src(%dma_wait3A_75 : memref<80x128xi32, #tpu.memory_space<hbm>>) dst(%arg9 : memref<80x128xi32, #tpu.memory_space<vmem>>)
      tpu.yield
    }) : () -> ()
    %barrier3A = arith.constant 0 : index
    tpu.barrier barrier_id(%barrier3A)
    %dma_start3A = arith.constant 0 : i32
    %dma_start3A_9 = arith.constant 0 : i32
    %dma_start3A_10 = tpu.memref_slice %arg8[%dma_start3A, %dma_start3A_9] : memref<80x128xi32, #tpu.memory_space<vmem>> -> memref<1x128xi32, #tpu.memory_space<vmem>>
    %dma_start3A_11 = tpu.memref_squeeze %dma_start3A_10 : memref<1x128xi32, #tpu.memory_space<vmem>> -> memref<128xi32, #tpu.memory_space<vmem>>
    %dma_start3A_12 = arith.constant 0 : i32
    %dma_start3A_13 = arith.constant 0 : i32
    %dma_start3A_14 = tpu.memref_slice %arg2[%dma_start3A_12, %dma_start3A_13] : memref<10000x32xf32, #tpu.memory_space<hbm>> -> memref<10000x32xf32, #tpu.memory_space<hbm>>
    tpu.enqueue_indirect_dma source(%dma_start3A_14 : memref<10000x32xf32, #tpu.memory_space<hbm>>) target(%arg10 : memref<128x32xf32, #tpu.memory_space<vmem>>) offsets(%dma_start3A_11 : memref<128xi32, #tpu.memory_space<vmem>>) semaphore(%arg15 : memref<!tpu.dma_semaphore, #tpu.memory_space<semaphore_mem>>)
    %dma_start3A_15 = arith.constant 79 : i32
    %dma_start3A_16 = arith.constant 0 : i32
    %dma_start3A_17 = arith.constant 0 : i32
    %dma_start3A_18 = tpu.memref_slice %arg7[%dma_start3A_16, %dma_start3A_17] : memref<632x32xf32, #tpu.memory_space<vmem>> -> memref<128x32xf32, #tpu.memory_space<vmem>>
    %dma_start3A_19 = arith.constant 0 : i32
    %dma_start3A_20 = tpu.memref_slice %arg9[%dma_start3A_15, %dma_start3A_19] : memref<80x128xi32, #tpu.memory_space<vmem>> -> memref<1x128xi32, #tpu.memory_space<vmem>>
    %dma_start3A_21 = tpu.memref_squeeze %dma_start3A_20 : memref<1x128xi32, #tpu.memory_space<vmem>> -> memref<128xi32, #tpu.memory_space<vmem>>
    %dma_start3A_22 = arith.constant 0 : i32
    %dma_start3A_23 = arith.constant 0 : i32
    %dma_start3A_24 = tpu.memref_slice %arg6[%dma_start3A_22, %dma_start3A_23] : memref<10112x32xf32, #tpu.memory_space<vmem_shared>> -> memref<10112x32xf32, #tpu.memory_space<vmem_shared>>
    tpu.enqueue_indirect_dma source(%dma_start3A_18 : memref<128x32xf32, #tpu.memory_space<vmem>>) target(%dma_start3A_24 : memref<10112x32xf32, #tpu.memory_space<vmem_shared>>) offsets(%dma_start3A_21 : memref<128xi32, #tpu.memory_space<vmem>>) semaphore(%arg18 : memref<!tpu.dma_semaphore, #tpu.memory_space<semaphore_mem>>) {add = true}
    %scan3A_25 = arith.constant 0 : i32
    %scan3A_26 = arith.constant 0 : i32
    %scan3A_27 = arith.constant 39 : i32
    %scan3A_28 = arith.addi %scan3A_26, %scan3A_27 : i32
    %scan3A_29 = arith.constant 1 : i32
    %scan3A_30 = scf.for %scan3A_59 = %scan3A_26 to %scan3A_28 step %scan3A_29 iter_args(%scan3A_60 = %scan3A_25) -> (i32)  : i32 {
      %mul3A_61 = arith.constant 2 : i32
      %mul3A_62 = arith.muli %mul3A_61, %scan3A_59 : i32
      %dma_wait3A_63 = arith.constant 0 : i32
      %dma_wait3A_64 = tpu.memref_slice %arg8[%mul3A_62, %dma_wait3A_63] : memref<80x128xi32, #tpu.memory_space<vmem>> -> memref<1x128xi32, #tpu.memory_space<vmem>>
      %dma_wait3A_65 = tpu.memref_squeeze %dma_wait3A_64 : memref<1x128xi32, #tpu.memory_space<vmem>> -> memref<128xi32, #tpu.memory_space<vmem>>
      %dma_wait3A_66 = arith.constant 0 : i32
      %dma_wait3A_67 = arith.constant 0 : i32
      %dma_wait3A_68 = tpu.memref_slice %arg2[%dma_wait3A_66, %dma_wait3A_67] : memref<10000x32xf32, #tpu.memory_space<hbm>> -> memref<10000x32xf32, #tpu.memory_space<hbm>>
      tpu.wait_indirect_dma semaphore(%arg15 : memref<!tpu.dma_semaphore, #tpu.memory_space<semaphore_mem>>) src(%dma_wait3A_68 : memref<10000x32xf32, #tpu.memory_space<hbm>>) dst(%arg10 : memref<128x32xf32, #tpu.memory_space<vmem>>)
      %sub3A = arith.constant 1 : i32
      %sub3A_69 = arith.subi %mul3A_62, %sub3A : i32
      %jit3A = arith.constant 80 : i32
      %eq3A_70 = arith.constant 0 : i32
      %eq3A_71 = arith.cmpi eq, %jit3A, %eq3A_70 : i32
      %jit3A_72 = arith.constant 1 : i32
      %select_n3A = arith.select %eq3A_71, %jit3A_72, %jit3A : i32
      %rem3A = arith.remsi %sub3A_69, %select_n3A : i32
      %ne3A = arith.constant 0 : i32
      %ne3A_73 = arith.cmpi ne, %rem3A, %ne3A : i32
      %lt3A = arith.constant 0 : i32
      %lt3A_74 = arith.cmpi slt, %rem3A, %lt3A : i32
      %lt3A_75 = arith.constant 0 : i32
      %lt3A_76 = arith.cmpi slt, %select_n3A, %lt3A_75 : i32
      %ne3A_77 = arith.xori %lt3A_74, %lt3A_76 : i1
      %and3A = arith.andi %ne3A_77, %ne3A_73 : i1
      %add3A_78 = arith.addi %rem3A, %select_n3A : i32
      %select_n3A_79 = arith.select %and3A, %add3A_78, %rem3A : i32
      %dma_wait3A_80 = arith.constant 0 : i32
      %dma_wait3A_81 = tpu.memref_slice %arg9[%select_n3A_79, %dma_wait3A_80] : memref<80x128xi32, #tpu.memory_space<vmem>> -> memref<1x128xi32, #tpu.memory_space<vmem>>
      %dma_wait3A_82 = tpu.memref_squeeze %dma_wait3A_81 : memref<1x128xi32, #tpu.memory_space<vmem>> -> memref<128xi32, #tpu.memory_space<vmem>>
      %dma_wait3A_83 = arith.constant 0 : i32
      %dma_wait3A_84 = arith.constant 0 : i32
      %dma_wait3A_85 = tpu.memref_slice %arg6[%dma_wait3A_83, %dma_wait3A_84] : memref<10112x32xf32, #tpu.memory_space<vmem_shared>> -> memref<10112x32xf32, #tpu.memory_space<vmem_shared>>
      tpu.wait_indirect_dma semaphore(%arg18 : memref<!tpu.dma_semaphore, #tpu.memory_space<semaphore_mem>>) src(%arg11 : memref<128x32xf32, #tpu.memory_space<vmem>>) dst(%dma_wait3A_85 : memref<10112x32xf32, #tpu.memory_space<vmem_shared>>)
      %add3A_86 = arith.constant 1 : i32
      %add3A_87 = arith.addi %mul3A_62, %add3A_86 : i32
      %dma_start3A_88 = arith.constant 0 : i32
      %dma_start3A_89 = tpu.memref_slice %arg8[%add3A_87, %dma_start3A_88] : memref<80x128xi32, #tpu.memory_space<vmem>> -> memref<1x128xi32, #tpu.memory_space<vmem>>
      %dma_start3A_90 = tpu.memref_squeeze %dma_start3A_89 : memref<1x128xi32, #tpu.memory_space<vmem>> -> memref<128xi32, #tpu.memory_space<vmem>>
      %dma_start3A_91 = arith.constant 0 : i32
      %dma_start3A_92 = arith.constant 0 : i32
      %dma_start3A_93 = tpu.memref_slice %arg2[%dma_start3A_91, %dma_start3A_92] : memref<10000x32xf32, #tpu.memory_space<hbm>> -> memref<10000x32xf32, #tpu.memory_space<hbm>>
      tpu.enqueue_indirect_dma source(%dma_start3A_93 : memref<10000x32xf32, #tpu.memory_space<hbm>>) target(%arg11 : memref<128x32xf32, #tpu.memory_space<vmem>>) offsets(%dma_start3A_90 : memref<128xi32, #tpu.memory_space<vmem>>) semaphore(%arg16 : memref<!tpu.dma_semaphore, #tpu.memory_space<semaphore_mem>>)
      %dma_start3A_94 = arith.constant 0 : i32
      %dma_start3A_95 = tpu.memref_slice %arg9[%mul3A_62, %dma_start3A_94] : memref<80x128xi32, #tpu.memory_space<vmem>> -> memref<1x128xi32, #tpu.memory_space<vmem>>
      %dma_start3A_96 = tpu.memref_squeeze %dma_start3A_95 : memref<1x128xi32, #tpu.memory_space<vmem>> -> memref<128xi32, #tpu.memory_space<vmem>>
      %dma_start3A_97 = arith.constant 0 : i32
      %dma_start3A_98 = arith.constant 0 : i32
      %dma_start3A_99 = tpu.memref_slice %arg6[%dma_start3A_97, %dma_start3A_98] : memref<10112x32xf32, #tpu.memory_space<vmem_shared>> -> memref<10112x32xf32, #tpu.memory_space<vmem_shared>>
      tpu.enqueue_indirect_dma source(%arg10 : memref<128x32xf32, #tpu.memory_space<vmem>>) target(%dma_start3A_99 : memref<10112x32xf32, #tpu.memory_space<vmem_shared>>) offsets(%dma_start3A_96 : memref<128xi32, #tpu.memory_space<vmem>>) semaphore(%arg17 : memref<!tpu.dma_semaphore, #tpu.memory_space<semaphore_mem>>) {add = true}
      %add3A_100 = arith.constant 1 : i32
      %add3A_101 = arith.addi %mul3A_62, %add3A_100 : i32
      %dma_wait3A_102 = arith.constant 0 : i32
      %dma_wait3A_103 = tpu.memref_slice %arg8[%add3A_101, %dma_wait3A_102] : memref<80x128xi32, #tpu.memory_space<vmem>> -> memref<1x128xi32, #tpu.memory_space<vmem>>
      %dma_wait3A_104 = tpu.memref_squeeze %dma_wait3A_103 : memref<1x128xi32, #tpu.memory_space<vmem>> -> memref<128xi32, #tpu.memory_space<vmem>>
      %dma_wait3A_105 = arith.constant 0 : i32
      %dma_wait3A_106 = arith.constant 0 : i32
      %dma_wait3A_107 = tpu.memref_slice %arg2[%dma_wait3A_105, %dma_wait3A_106] : memref<10000x32xf32, #tpu.memory_space<hbm>> -> memref<10000x32xf32, #tpu.memory_space<hbm>>
      tpu.wait_indirect_dma semaphore(%arg16 : memref<!tpu.dma_semaphore, #tpu.memory_space<semaphore_mem>>) src(%dma_wait3A_107 : memref<10000x32xf32, #tpu.memory_space<hbm>>) dst(%arg11 : memref<128x32xf32, #tpu.memory_space<vmem>>)
      %dma_wait3A_108 = arith.constant 0 : i32
      %dma_wait3A_109 = tpu.memref_slice %arg9[%mul3A_62, %dma_wait3A_108] : memref<80x128xi32, #tpu.memory_space<vmem>> -> memref<1x128xi32, #tpu.memory_space<vmem>>
      %dma_wait3A_110 = tpu.memref_squeeze %dma_wait3A_109 : memref<1x128xi32, #tpu.memory_space<vmem>> -> memref<128xi32, #tpu.memory_space<vmem>>
      %dma_wait3A_111 = arith.constant 0 : i32
      %dma_wait3A_112 = arith.constant 0 : i32
      %dma_wait3A_113 = tpu.memref_slice %arg6[%dma_wait3A_111, %dma_wait3A_112] : memref<10112x32xf32, #tpu.memory_space<vmem_shared>> -> memref<10112x32xf32, #tpu.memory_space<vmem_shared>>
      tpu.wait_indirect_dma semaphore(%arg17 : memref<!tpu.dma_semaphore, #tpu.memory_space<semaphore_mem>>) src(%arg10 : memref<128x32xf32, #tpu.memory_space<vmem>>) dst(%dma_wait3A_113 : memref<10112x32xf32, #tpu.memory_space<vmem_shared>>)
      %add3A_114 = arith.constant 2 : i32
      %add3A_115 = arith.addi %mul3A_62, %add3A_114 : i32
      %dma_start3A_116 = arith.constant 0 : i32
      %dma_start3A_117 = tpu.memref_slice %arg8[%add3A_115, %dma_start3A_116] : memref<80x128xi32, #tpu.memory_space<vmem>> -> memref<1x128xi32, #tpu.memory_space<vmem>>
      %dma_start3A_118 = tpu.memref_squeeze %dma_start3A_117 : memref<1x128xi32, #tpu.memory_space<vmem>> -> memref<128xi32, #tpu.memory_space<vmem>>
      %dma_start3A_119 = arith.constant 0 : i32
      %dma_start3A_120 = arith.constant 0 : i32
      %dma_start3A_121 = tpu.memref_slice %arg2[%dma_start3A_119, %dma_start3A_120] : memref<10000x32xf32, #tpu.memory_space<hbm>> -> memref<10000x32xf32, #tpu.memory_space<hbm>>
      tpu.enqueue_indirect_dma source(%dma_start3A_121 : memref<10000x32xf32, #tpu.memory_space<hbm>>) target(%arg10 : memref<128x32xf32, #tpu.memory_space<vmem>>) offsets(%dma_start3A_118 : memref<128xi32, #tpu.memory_space<vmem>>) semaphore(%arg15 : memref<!tpu.dma_semaphore, #tpu.memory_space<semaphore_mem>>)
      %add3A_122 = arith.constant 1 : i32
      %add3A_123 = arith.addi %mul3A_62, %add3A_122 : i32
      %dma_start3A_124 = arith.constant 0 : i32
      %dma_start3A_125 = tpu.memref_slice %arg9[%add3A_123, %dma_start3A_124] : memref<80x128xi32, #tpu.memory_space<vmem>> -> memref<1x128xi32, #tpu.memory_space<vmem>>
      %dma_start3A_126 = tpu.memref_squeeze %dma_start3A_125 : memref<1x128xi32, #tpu.memory_space<vmem>> -> memref<128xi32, #tpu.memory_space<vmem>>
      %dma_start3A_127 = arith.constant 0 : i32
      %dma_start3A_128 = arith.constant 0 : i32
      %dma_start3A_129 = tpu.memref_slice %arg6[%dma_start3A_127, %dma_start3A_128] : memref<10112x32xf32, #tpu.memory_space<vmem_shared>> -> memref<10112x32xf32, #tpu.memory_space<vmem_shared>>
      tpu.enqueue_indirect_dma source(%arg11 : memref<128x32xf32, #tpu.memory_space<vmem>>) target(%dma_start3A_129 : memref<10112x32xf32, #tpu.memory_space<vmem_shared>>) offsets(%dma_start3A_126 : memref<128xi32, #tpu.memory_space<vmem>>) semaphore(%arg18 : memref<!tpu.dma_semaphore, #tpu.memory_space<semaphore_mem>>) {add = true}
      %scan3A_130 = arith.constant 0 : i32
      scf.yield %scan3A_130 : i32
    }
    %scan3A_31 = arith.constant 39 : i32
    %dma_wait3A = arith.constant 78 : i32
    %dma_wait3A_32 = arith.constant 0 : i32
    %dma_wait3A_33 = tpu.memref_slice %arg8[%dma_wait3A, %dma_wait3A_32] : memref<80x128xi32, #tpu.memory_space<vmem>> -> memref<1x128xi32, #tpu.memory_space<vmem>>
    %dma_wait3A_34 = tpu.memref_squeeze %dma_wait3A_33 : memref<1x128xi32, #tpu.memory_space<vmem>> -> memref<128xi32, #tpu.memory_space<vmem>>
    %dma_wait3A_35 = arith.constant 0 : i32
    %dma_wait3A_36 = arith.constant 0 : i32
    %dma_wait3A_37 = tpu.memref_slice %arg2[%dma_wait3A_35, %dma_wait3A_36] : memref<10000x32xf32, #tpu.memory_space<hbm>> -> memref<10000x32xf32, #tpu.memory_space<hbm>>
    tpu.wait_indirect_dma semaphore(%arg15 : memref<!tpu.dma_semaphore, #tpu.memory_space<semaphore_mem>>) src(%dma_wait3A_37 : memref<10000x32xf32, #tpu.memory_space<hbm>>) dst(%arg10 : memref<128x32xf32, #tpu.memory_space<vmem>>)
    %dma_wait3A_38 = arith.constant 77 : i32
    %dma_wait3A_39 = arith.constant 0 : i32
    %dma_wait3A_40 = tpu.memref_slice %arg9[%dma_wait3A_38, %dma_wait3A_39] : memref<80x128xi32, #tpu.memory_space<vmem>> -> memref<1x128xi32, #tpu.memory_space<vmem>>
    %dma_wait3A_41 = tpu.memref_squeeze %dma_wait3A_40 : memref<1x128xi32, #tpu.memory_space<vmem>> -> memref<128xi32, #tpu.memory_space<vmem>>
    %dma_wait3A_42 = arith.constant 0 : i32
    %dma_wait3A_43 = arith.constant 0 : i32
    %dma_wait3A_44 = tpu.memref_slice %arg6[%dma_wait3A_42, %dma_wait3A_43] : memref<10112x32xf32, #tpu.memory_space<vmem_shared>> -> memref<10112x32xf32, #tpu.memory_space<vmem_shared>>
    tpu.wait_indirect_dma semaphore(%arg18 : memref<!tpu.dma_semaphore, #tpu.memory_space<semaphore_mem>>) src(%arg11 : memref<128x32xf32, #tpu.memory_space<vmem>>) dst(%dma_wait3A_44 : memref<10112x32xf32, #tpu.memory_space<vmem_shared>>)
    %run_scoped3A = arith.constant 78 : i32
    "tpu.region"() ({
      %run_scoped3A_59 = tpu.sem_alloc : memref<!tpu.dma_semaphore, #tpu.memory_space<semaphore_mem>>
      %dma_start3A_60 = arith.constant 0 : i32
      %dma_start3A_61 = tpu.memref_slice %arg3[%add3A, %run_scoped3A, %dma_start3A_60] : memref<32x80x128xi32, #tpu.memory_space<hbm>> -> memref<1x1x16xi32, #tpu.memory_space<hbm>>
      %dma_start3A_62 = tpu.memref_squeeze %dma_start3A_61 : memref<1x1x16xi32, #tpu.memory_space<hbm>> -> memref<16xi32, #tpu.memory_space<hbm>>
      %dma_start3A_63 = arith.constant 0 : i32
      %dma_start3A_64 = tpu.memref_slice %arg3[%add3A, %run_scoped3A, %dma_start3A_63] : memref<32x80x128xi32, #tpu.memory_space<hbm>> -> memref<1x1x16xi32, #tpu.memory_space<hbm>>
      %dma_start3A_65 = tpu.memref_squeeze %dma_start3A_64 : memref<1x1x16xi32, #tpu.memory_space<hbm>> -> memref<16xi32, #tpu.memory_space<hbm>>
      tpu.enqueue_dma source(%dma_start3A_65 : memref<16xi32, #tpu.memory_space<hbm>>) target(%arg12 : memref<16xi32, #tpu.memory_space<vmem>>) target_semaphore(%run_scoped3A_59 : memref<!tpu.dma_semaphore, #tpu.memory_space<semaphore_mem>>)
      %dma_wait3A_66 = arith.constant 0 : i32
      %dma_wait3A_67 = tpu.memref_slice %arg3[%add3A, %run_scoped3A, %dma_wait3A_66] : memref<32x80x128xi32, #tpu.memory_space<hbm>> -> memref<1x1x16xi32, #tpu.memory_space<hbm>>
      %dma_wait3A_68 = tpu.memref_squeeze %dma_wait3A_67 : memref<1x1x16xi32, #tpu.memory_space<hbm>> -> memref<16xi32, #tpu.memory_space<hbm>>
      %dma_wait3A_69 = arith.constant 0 : i32
      %dma_wait3A_70 = tpu.memref_slice %arg3[%add3A, %run_scoped3A, %dma_wait3A_69] : memref<32x80x128xi32, #tpu.memory_space<hbm>> -> memref<1x1x16xi32, #tpu.memory_space<hbm>>
      %dma_wait3A_71 = tpu.memref_squeeze %dma_wait3A_70 : memref<1x1x16xi32, #tpu.memory_space<hbm>> -> memref<16xi32, #tpu.memory_space<hbm>>
      tpu.wait_dma2 semaphore(%run_scoped3A_59 : memref<!tpu.dma_semaphore, #tpu.memory_space<semaphore_mem>>) src(%dma_wait3A_71 : memref<16xi32, #tpu.memory_space<hbm>>) dst(%arg12 : memref<16xi32, #tpu.memory_space<vmem>>)
      tpu.yield
    }) : () -> ()
    %run_scoped3A_45 = arith.constant 78 : i32
    "tpu.region"() ({
      %run_scoped3A_59 = tpu.sem_alloc : memref<!tpu.dma_semaphore, #tpu.memory_space<semaphore_mem>>
      %dma_start3A_60 = arith.constant 0 : i32
      %dma_start3A_61 = tpu.memref_slice %arg4[%add3A, %run_scoped3A_45, %dma_start3A_60] : memref<32x80x128xi32, #tpu.memory_space<hbm>> -> memref<1x1x16xi32, #tpu.memory_space<hbm>>
      %dma_start3A_62 = tpu.memref_squeeze %dma_start3A_61 : memref<1x1x16xi32, #tpu.memory_space<hbm>> -> memref<16xi32, #tpu.memory_space<hbm>>
      %dma_start3A_63 = arith.constant 0 : i32
      %dma_start3A_64 = tpu.memref_slice %arg4[%add3A, %run_scoped3A_45, %dma_start3A_63] : memref<32x80x128xi32, #tpu.memory_space<hbm>> -> memref<1x1x16xi32, #tpu.memory_space<hbm>>
      %dma_start3A_65 = tpu.memref_squeeze %dma_start3A_64 : memref<1x1x16xi32, #tpu.memory_space<hbm>> -> memref<16xi32, #tpu.memory_space<hbm>>
      tpu.enqueue_dma source(%dma_start3A_65 : memref<16xi32, #tpu.memory_space<hbm>>) target(%arg13 : memref<16xi32, #tpu.memory_space<vmem>>) target_semaphore(%run_scoped3A_59 : memref<!tpu.dma_semaphore, #tpu.memory_space<semaphore_mem>>)
      %dma_wait3A_66 = arith.constant 0 : i32
      %dma_wait3A_67 = tpu.memref_slice %arg4[%add3A, %run_scoped3A_45, %dma_wait3A_66] : memref<32x80x128xi32, #tpu.memory_space<hbm>> -> memref<1x1x16xi32, #tpu.memory_space<hbm>>
      %dma_wait3A_68 = tpu.memref_squeeze %dma_wait3A_67 : memref<1x1x16xi32, #tpu.memory_space<hbm>> -> memref<16xi32, #tpu.memory_space<hbm>>
      %dma_wait3A_69 = arith.constant 0 : i32
      %dma_wait3A_70 = tpu.memref_slice %arg4[%add3A, %run_scoped3A_45, %dma_wait3A_69] : memref<32x80x128xi32, #tpu.memory_space<hbm>> -> memref<1x1x16xi32, #tpu.memory_space<hbm>>
      %dma_wait3A_71 = tpu.memref_squeeze %dma_wait3A_70 : memref<1x1x16xi32, #tpu.memory_space<hbm>> -> memref<16xi32, #tpu.memory_space<hbm>>
      tpu.wait_dma2 semaphore(%run_scoped3A_59 : memref<!tpu.dma_semaphore, #tpu.memory_space<semaphore_mem>>) src(%dma_wait3A_71 : memref<16xi32, #tpu.memory_space<hbm>>) dst(%arg13 : memref<16xi32, #tpu.memory_space<vmem>>)
      tpu.yield
    }) : () -> ()
    %dma_start3A_46 = arith.constant 0 : i32
    %dma_start3A_47 = arith.constant 0 : i32
    %dma_start3A_48 = tpu.memref_slice %arg2[%dma_start3A_46, %dma_start3A_47] : memref<10000x32xf32, #tpu.memory_space<hbm>> -> memref<10000x32xf32, #tpu.memory_space<hbm>>
    tpu.enqueue_indirect_dma source(%dma_start3A_48 : memref<10000x32xf32, #tpu.memory_space<hbm>>) target(%arg14 : memref<16x32xf32, #tpu.memory_space<vmem>>) offsets(%arg12 : memref<16xi32, #tpu.memory_space<vmem>>) semaphore(%arg16 : memref<!tpu.dma_semaphore, #tpu.memory_space<semaphore_mem>>)
    %dma_wait3A_49 = arith.constant 0 : i32
    %dma_wait3A_50 = arith.constant 0 : i32
    %dma_wait3A_51 = tpu.memref_slice %arg2[%dma_wait3A_49, %dma_wait3A_50] : memref<10000x32xf32, #tpu.memory_space<hbm>> -> memref<10000x32xf32, #tpu.memory_space<hbm>>
    tpu.wait_indirect_dma semaphore(%arg16 : memref<!tpu.dma_semaphore, #tpu.memory_space<semaphore_mem>>) src(%dma_wait3A_51 : memref<10000x32xf32, #tpu.memory_space<hbm>>) dst(%arg14 : memref<16x32xf32, #tpu.memory_space<vmem>>)
    "tpu.region"() ({
      %run_scoped3A_59 = tpu.sem_alloc : memref<!tpu.dma_semaphore, #tpu.memory_space<semaphore_mem>>
      %dma_start3A_60 = arith.constant 0 : i32
      %dma_start3A_61 = arith.constant 0 : i32
      %dma_start3A_62 = tpu.memref_slice %arg6[%dma_start3A_60, %dma_start3A_61] : memref<10112x32xf32, #tpu.memory_space<vmem_shared>> -> memref<10112x32xf32, #tpu.memory_space<vmem_shared>>
      tpu.enqueue_indirect_dma source(%arg14 : memref<16x32xf32, #tpu.memory_space<vmem>>) target(%dma_start3A_62 : memref<10112x32xf32, #tpu.memory_space<vmem_shared>>) offsets(%arg13 : memref<16xi32, #tpu.memory_space<vmem>>) semaphore(%run_scoped3A_59 : memref<!tpu.dma_semaphore, #tpu.memory_space<semaphore_mem>>) {add = true}
      %dma_wait3A_63 = arith.constant 0 : i32
      %dma_wait3A_64 = arith.constant 0 : i32
      %dma_wait3A_65 = tpu.memref_slice %arg6[%dma_wait3A_63, %dma_wait3A_64] : memref<10112x32xf32, #tpu.memory_space<vmem_shared>> -> memref<10112x32xf32, #tpu.memory_space<vmem_shared>>
      tpu.wait_indirect_dma semaphore(%run_scoped3A_59 : memref<!tpu.dma_semaphore, #tpu.memory_space<semaphore_mem>>) src(%arg14 : memref<16x32xf32, #tpu.memory_space<vmem>>) dst(%dma_wait3A_65 : memref<10112x32xf32, #tpu.memory_space<vmem_shared>>)
      tpu.yield
    }) : () -> ()
    %barrier3A_52 = arith.constant 0 : index
    tpu.barrier barrier_id(%barrier3A_52)
    %mul3A_53 = arith.constant 624 : i32
    %mul3A_54 = arith.muli %arg1, %mul3A_53 : i32
    "tpu.region"() ({
      %run_scoped3A_59 = tpu.sem_alloc : memref<!tpu.dma_semaphore, #tpu.memory_space<semaphore_mem>>
      %dma_start3A_60 = arith.constant 0 : i32
      %dma_start3A_61 = arith.constant 0 : i32
      %dma_start3A_62 = tpu.memref_slice %arg7[%dma_start3A_60, %dma_start3A_61] : memref<632x32xf32, #tpu.memory_space<vmem>> -> memref<624x32xf32, #tpu.memory_space<vmem>>
      %dma_start3A_63 = arith.constant 0 : i32
      %dma_start3A_64 = tpu.memref_slice %arg6[%mul3A_54, %dma_start3A_63] : memref<10112x32xf32, #tpu.memory_space<vmem_shared>> -> memref<624x32xf32, #tpu.memory_space<vmem_shared>>
      %dma_start3A_65 = arith.constant 0 : i32
      %dma_start3A_66 = arith.constant 0 : i32
      %dma_start3A_67 = tpu.memref_slice %arg7[%dma_start3A_65, %dma_start3A_66] : memref<632x32xf32, #tpu.memory_space<vmem>> -> memref<624x32xf32, #tpu.memory_space<vmem>>
      %dma_start3A_68 = arith.constant 0 : i32
      %dma_start3A_69 = tpu.memref_slice %arg6[%mul3A_54, %dma_start3A_68] : memref<10112x32xf32, #tpu.memory_space<vmem_shared>> -> memref<624x32xf32, #tpu.memory_space<vmem_shared>>
      tpu.enqueue_dma source(%dma_start3A_69 : memref<624x32xf32, #tpu.memory_space<vmem_shared>>) target(%dma_start3A_67 : memref<624x32xf32, #tpu.memory_space<vmem>>) target_semaphore(%run_scoped3A_59 : memref<!tpu.dma_semaphore, #tpu.memory_space<semaphore_mem>>)
      %dma_wait3A_70 = arith.constant 0 : i32
      %dma_wait3A_71 = arith.constant 0 : i32
      %dma_wait3A_72 = tpu.memref_slice %arg7[%dma_wait3A_70, %dma_wait3A_71] : memref<632x32xf32, #tpu.memory_space<vmem>> -> memref<624x32xf32, #tpu.memory_space<vmem>>
      %dma_wait3A_73 = arith.constant 0 : i32
      %dma_wait3A_74 = tpu.memref_slice %arg6[%mul3A_54, %dma_wait3A_73] : memref<10112x32xf32, #tpu.memory_space<vmem_shared>> -> memref<624x32xf32, #tpu.memory_space<vmem_shared>>
      %dma_wait3A_75 = arith.constant 0 : i32
      %dma_wait3A_76 = arith.constant 0 : i32
      %dma_wait3A_77 = tpu.memref_slice %arg7[%dma_wait3A_75, %dma_wait3A_76] : memref<632x32xf32, #tpu.memory_space<vmem>> -> memref<624x32xf32, #tpu.memory_space<vmem>>
      %dma_wait3A_78 = arith.constant 0 : i32
      %dma_wait3A_79 = tpu.memref_slice %arg6[%mul3A_54, %dma_wait3A_78] : memref<10112x32xf32, #tpu.memory_space<vmem_shared>> -> memref<624x32xf32, #tpu.memory_space<vmem_shared>>
      tpu.wait_dma2 semaphore(%run_scoped3A_59 : memref<!tpu.dma_semaphore, #tpu.memory_space<semaphore_mem>>) src(%dma_wait3A_79 : memref<624x32xf32, #tpu.memory_space<vmem_shared>>) dst(%dma_wait3A_77 : memref<624x32xf32, #tpu.memory_space<vmem>>)
      tpu.yield
    }) : () -> ()
    %mul3A_55 = arith.constant 624 : i32
    %mul3A_56 = arith.muli %arg1, %mul3A_55 : i32
    "tpu.region"() ({
      %run_scoped3A_59 = tpu.sem_alloc : memref<!tpu.dma_semaphore, #tpu.memory_space<semaphore_mem>>
      %dma_start3A_60 = arith.constant 0 : i32
      %dma_start3A_61 = arith.constant 0 : i32
      %dma_start3A_62 = tpu.memref_slice %arg7[%dma_start3A_60, %dma_start3A_61] : memref<632x32xf32, #tpu.memory_space<vmem>> -> memref<624x32xf32, #tpu.memory_space<vmem>>
      %dma_start3A_63 = arith.constant 0 : i32
      %dma_start3A_64 = tpu.memref_slice %arg5[%arg0, %mul3A_56, %dma_start3A_63] : memref<2x10000x32xf32, #tpu.memory_space<hbm>> -> memref<1x624x32xf32, #tpu.memory_space<hbm>>
      %dma_start3A_65 = tpu.memref_squeeze %dma_start3A_64 : memref<1x624x32xf32, #tpu.memory_space<hbm>> -> memref<624x32xf32, #tpu.memory_space<hbm>>
      %dma_start3A_66 = arith.constant 0 : i32
      %dma_start3A_67 = tpu.memref_slice %arg5[%arg0, %mul3A_56, %dma_start3A_66] : memref<2x10000x32xf32, #tpu.memory_space<hbm>> -> memref<1x624x32xf32, #tpu.memory_space<hbm>>
      %dma_start3A_68 = tpu.memref_squeeze %dma_start3A_67 : memref<1x624x32xf32, #tpu.memory_space<hbm>> -> memref<624x32xf32, #tpu.memory_space<hbm>>
      %dma_start3A_69 = arith.constant 0 : i32
      %dma_start3A_70 = arith.constant 0 : i32
      %dma_start3A_71 = tpu.memref_slice %arg7[%dma_start3A_69, %dma_start3A_70] : memref<632x32xf32, #tpu.memory_space<vmem>> -> memref<624x32xf32, #tpu.memory_space<vmem>>
      tpu.enqueue_dma source(%dma_start3A_71 : memref<624x32xf32, #tpu.memory_space<vmem>>) target(%dma_start3A_68 : memref<624x32xf32, #tpu.memory_space<hbm>>) target_semaphore(%run_scoped3A_59 : memref<!tpu.dma_semaphore, #tpu.memory_space<semaphore_mem>>)
      %dma_wait3A_72 = arith.constant 0 : i32
      %dma_wait3A_73 = arith.constant 0 : i32
      %dma_wait3A_74 = tpu.memref_slice %arg7[%dma_wait3A_72, %dma_wait3A_73] : memref<632x32xf32, #tpu.memory_space<vmem>> -> memref<624x32xf32, #tpu.memory_space<vmem>>
      %dma_wait3A_75 = arith.constant 0 : i32
      %dma_wait3A_76 = tpu.memref_slice %arg5[%arg0, %mul3A_56, %dma_wait3A_75] : memref<2x10000x32xf32, #tpu.memory_space<hbm>> -> memref<1x624x32xf32, #tpu.memory_space<hbm>>
      %dma_wait3A_77 = tpu.memref_squeeze %dma_wait3A_76 : memref<1x624x32xf32, #tpu.memory_space<hbm>> -> memref<624x32xf32, #tpu.memory_space<hbm>>
      %dma_wait3A_78 = arith.constant 0 : i32
      %dma_wait3A_79 = tpu.memref_slice %arg5[%arg0, %mul3A_56, %dma_wait3A_78] : memref<2x10000x32xf32, #tpu.memory_space<hbm>> -> memref<1x624x32xf32, #tpu.memory_space<hbm>>
      %dma_wait3A_80 = tpu.memref_squeeze %dma_wait3A_79 : memref<1x624x32xf32, #tpu.memory_space<hbm>> -> memref<624x32xf32, #tpu.memory_space<hbm>>
      %dma_wait3A_81 = arith.constant 0 : i32
      %dma_wait3A_82 = arith.constant 0 : i32
      %dma_wait3A_83 = tpu.memref_slice %arg7[%dma_wait3A_81, %dma_wait3A_82] : memref<632x32xf32, #tpu.memory_space<vmem>> -> memref<624x32xf32, #tpu.memory_space<vmem>>
      tpu.wait_dma2 semaphore(%run_scoped3A_59 : memref<!tpu.dma_semaphore, #tpu.memory_space<semaphore_mem>>) src(%dma_wait3A_83 : memref<624x32xf32, #tpu.memory_space<vmem>>) dst(%dma_wait3A_80 : memref<624x32xf32, #tpu.memory_space<hbm>>)
      tpu.yield
    }) : () -> ()
    %eq3A = arith.constant 0 : i32
    %eq3A_57 = arith.cmpi eq, %arg1, %eq3A : i32
    %convert_element_type3A = arith.extui %eq3A_57 : i1 to i32
    %cond3A = arith.constant 0 : i32
    %cond3A_58 = arith.cmpi ne, %convert_element_type3A, %cond3A : i32
    scf.if %cond3A_58 {
      "tpu.region"() ({
        %run_scoped3A_59 = tpu.sem_alloc : memref<!tpu.dma_semaphore, #tpu.memory_space<semaphore_mem>>
        %dma_start3A_60 = arith.constant 9984 : i32
        %dma_start3A_61 = arith.constant 0 : i32
        %dma_start3A_62 = tpu.memref_slice %arg6[%dma_start3A_60, %dma_start3A_61] : memref<10112x32xf32, #tpu.memory_space<vmem_shared>> -> memref<16x32xf32, #tpu.memory_space<vmem_shared>>
        %dma_start3A_63 = arith.constant 9984 : i32
        %dma_start3A_64 = arith.constant 0 : i32
        %dma_start3A_65 = tpu.memref_slice %arg6[%dma_start3A_63, %dma_start3A_64] : memref<10112x32xf32, #tpu.memory_space<vmem_shared>> -> memref<16x32xf32, #tpu.memory_space<vmem_shared>>
        tpu.enqueue_dma source(%dma_start3A_65 : memref<16x32xf32, #tpu.memory_space<vmem_shared>>) target(%arg14 : memref<16x32xf32, #tpu.memory_space<vmem>>) target_semaphore(%run_scoped3A_59 : memref<!tpu.dma_semaphore, #tpu.memory_space<semaphore_mem>>)
        %dma_wait3A_66 = arith.constant 9984 : i32
        %dma_wait3A_67 = arith.constant 0 : i32
        %dma_wait3A_68 = tpu.memref_slice %arg6[%dma_wait3A_66, %dma_wait3A_67] : memref<10112x32xf32, #tpu.memory_space<vmem_shared>> -> memref<16x32xf32, #tpu.memory_space<vmem_shared>>
        %dma_wait3A_69 = arith.constant 9984 : i32
        %dma_wait3A_70 = arith.constant 0 : i32
        %dma_wait3A_71 = tpu.memref_slice %arg6[%dma_wait3A_69, %dma_wait3A_70] : memref<10112x32xf32, #tpu.memory_space<vmem_shared>> -> memref<16x32xf32, #tpu.memory_space<vmem_shared>>
        tpu.wait_dma2 semaphore(%run_scoped3A_59 : memref<!tpu.dma_semaphore, #tpu.memory_space<semaphore_mem>>) src(%dma_wait3A_71 : memref<16x32xf32, #tpu.memory_space<vmem_shared>>) dst(%arg14 : memref<16x32xf32, #tpu.memory_space<vmem>>)
        tpu.yield
      }) : () -> ()
      "tpu.region"() ({
        %run_scoped3A_59 = tpu.sem_alloc : memref<!tpu.dma_semaphore, #tpu.memory_space<semaphore_mem>>
        %dma_start3A_60 = arith.constant 9984 : i32
        %dma_start3A_61 = arith.constant 0 : i32
        %dma_start3A_62 = tpu.memref_slice %arg5[%arg0, %dma_start3A_60, %dma_start3A_61] : memref<2x10000x32xf32, #tpu.memory_space<hbm>> -> memref<1x16x32xf32, #tpu.memory_space<hbm>>
        %dma_start3A_63 = tpu.memref_squeeze %dma_start3A_62 : memref<1x16x32xf32, #tpu.memory_space<hbm>> -> memref<16x32xf32, #tpu.memory_space<hbm>>
        %dma_start3A_64 = arith.constant 9984 : i32
        %dma_start3A_65 = arith.constant 0 : i32
        %dma_start3A_66 = tpu.memref_slice %arg5[%arg0, %dma_start3A_64, %dma_start3A_65] : memref<2x10000x32xf32, #tpu.memory_space<hbm>> -> memref<1x16x32xf32, #tpu.memory_space<hbm>>
        %dma_start3A_67 = tpu.memref_squeeze %dma_start3A_66 : memref<1x16x32xf32, #tpu.memory_space<hbm>> -> memref<16x32xf32, #tpu.memory_space<hbm>>
        tpu.enqueue_dma source(%arg14 : memref<16x32xf32, #tpu.memory_space<vmem>>) target(%dma_start3A_67 : memref<16x32xf32, #tpu.memory_space<hbm>>) target_semaphore(%run_scoped3A_59 : memref<!tpu.dma_semaphore, #tpu.memory_space<semaphore_mem>>)
        %dma_wait3A_68 = arith.constant 9984 : i32
        %dma_wait3A_69 = arith.constant 0 : i32
        %dma_wait3A_70 = tpu.memref_slice %arg5[%arg0, %dma_wait3A_68, %dma_wait3A_69] : memref<2x10000x32xf32, #tpu.memory_space<hbm>> -> memref<1x16x32xf32, #tpu.memory_space<hbm>>
        %dma_wait3A_71 = tpu.memref_squeeze %dma_wait3A_70 : memref<1x16x32xf32, #tpu.memory_space<hbm>> -> memref<16x32xf32, #tpu.memory_space<hbm>>
        %dma_wait3A_72 = arith.constant 9984 : i32
        %dma_wait3A_73 = arith.constant 0 : i32
        %dma_wait3A_74 = tpu.memref_slice %arg5[%arg0, %dma_wait3A_72, %dma_wait3A_73] : memref<2x10000x32xf32, #tpu.memory_space<hbm>> -> memref<1x16x32xf32, #tpu.memory_space<hbm>>
        %dma_wait3A_75 = tpu.memref_squeeze %dma_wait3A_74 : memref<1x16x32xf32, #tpu.memory_space<hbm>> -> memref<16x32xf32, #tpu.memory_space<hbm>>
        tpu.wait_dma2 semaphore(%run_scoped3A_59 : memref<!tpu.dma_semaphore, #tpu.memory_space<semaphore_mem>>) src(%arg14 : memref<16x32xf32, #tpu.memory_space<vmem>>) dst(%dma_wait3A_75 : memref<16x32xf32, #tpu.memory_space<hbm>>)
        tpu.yield
      }) : () -> ()
    } else {
    }
    return
  }
}

#map = affine_map<(d0, d1) -> (0, 0)>
#map1 = affine_map<(d0, d1) -> (0)>
module attributes {stable_mosaic.version = 14 : i64} {
  func.func @_sc_gather_body(%arg0: i32, %arg1: i32, %arg2: memref<10008x128xf32, #tpu.memory_space<hbm>>, %arg3: memref<3072xi32, #tpu.memory_space<hbm>>, %arg4: memref<3072x128xf32, #tpu.memory_space<hbm>>, %arg5: memref<96xi32, #tpu.memory_space<vmem>>, %arg6: memref<96x128xf32, #tpu.memory_space<vmem>>, %arg7: memref<!tpu.dma_semaphore, #tpu.memory_space<semaphore_mem>>) attributes {dimension_semantics = [#tpu.dimension_semantics<core_parallel>, #tpu.dimension_semantics<subcore_parallel>], iteration_bounds = array<i64: 2, 16>, scalar_prefetch = 0 : i64, scratch_operands = 3 : i64, tpu.core_type = #tpu.core_type<sc_vector_subcore>, window_params = [{transform_indices = #map}, {transform_indices = #map1}, {transform_indices = #map}]} {
    %mul3A = arith.constant 16 : i32
    %mul3A_0 = arith.muli %arg0, %mul3A : i32
    %add3A = arith.addi %mul3A_0, %arg1 : i32
    %mul3A_1 = arith.constant 96 : i32
    %mul3A_2 = arith.muli %add3A, %mul3A_1 : i32
    "tpu.region"() ({
      %run_scoped3A = tpu.sem_alloc : memref<!tpu.dma_semaphore, #tpu.memory_space<semaphore_mem>>
      %dma_start3A_7 = tpu.memref_slice %arg3[%mul3A_2] : memref<3072xi32, #tpu.memory_space<hbm>> -> memref<96xi32, #tpu.memory_space<hbm>>
      %dma_start3A_8 = tpu.memref_slice %arg3[%mul3A_2] : memref<3072xi32, #tpu.memory_space<hbm>> -> memref<96xi32, #tpu.memory_space<hbm>>
      tpu.enqueue_dma source(%dma_start3A_8 : memref<96xi32, #tpu.memory_space<hbm>>) target(%arg5 : memref<96xi32, #tpu.memory_space<vmem>>) target_semaphore(%run_scoped3A : memref<!tpu.dma_semaphore, #tpu.memory_space<semaphore_mem>>)
      %dma_wait3A_9 = tpu.memref_slice %arg3[%mul3A_2] : memref<3072xi32, #tpu.memory_space<hbm>> -> memref<96xi32, #tpu.memory_space<hbm>>
      %dma_wait3A_10 = tpu.memref_slice %arg3[%mul3A_2] : memref<3072xi32, #tpu.memory_space<hbm>> -> memref<96xi32, #tpu.memory_space<hbm>>
      tpu.wait_dma2 semaphore(%run_scoped3A : memref<!tpu.dma_semaphore, #tpu.memory_space<semaphore_mem>>) src(%dma_wait3A_10 : memref<96xi32, #tpu.memory_space<hbm>>) dst(%arg5 : memref<96xi32, #tpu.memory_space<vmem>>)
      tpu.yield
    }) : () -> ()
    %dma_start3A = arith.constant 0 : i32
    %dma_start3A_3 = arith.constant 0 : i32
    %dma_start3A_4 = tpu.memref_slice %arg2[%dma_start3A, %dma_start3A_3] : memref<10008x128xf32, #tpu.memory_space<hbm>> -> memref<10008x128xf32, #tpu.memory_space<hbm>>
    tpu.enqueue_indirect_dma source(%dma_start3A_4 : memref<10008x128xf32, #tpu.memory_space<hbm>>) target(%arg6 : memref<96x128xf32, #tpu.memory_space<vmem>>) offsets(%arg5 : memref<96xi32, #tpu.memory_space<vmem>>) semaphore(%arg7 : memref<!tpu.dma_semaphore, #tpu.memory_space<semaphore_mem>>)
    %dma_wait3A = arith.constant 0 : i32
    %dma_wait3A_5 = arith.constant 0 : i32
    %dma_wait3A_6 = tpu.memref_slice %arg2[%dma_wait3A, %dma_wait3A_5] : memref<10008x128xf32, #tpu.memory_space<hbm>> -> memref<10008x128xf32, #tpu.memory_space<hbm>>
    tpu.wait_indirect_dma semaphore(%arg7 : memref<!tpu.dma_semaphore, #tpu.memory_space<semaphore_mem>>) src(%dma_wait3A_6 : memref<10008x128xf32, #tpu.memory_space<hbm>>) dst(%arg6 : memref<96x128xf32, #tpu.memory_space<vmem>>)
    "tpu.region"() ({
      %run_scoped3A = tpu.sem_alloc : memref<!tpu.dma_semaphore, #tpu.memory_space<semaphore_mem>>
      %dma_start3A_7 = arith.constant 0 : i32
      %dma_start3A_8 = tpu.memref_slice %arg4[%mul3A_2, %dma_start3A_7] : memref<3072x128xf32, #tpu.memory_space<hbm>> -> memref<96x128xf32, #tpu.memory_space<hbm>>
      %dma_start3A_9 = arith.constant 0 : i32
      %dma_start3A_10 = tpu.memref_slice %arg4[%mul3A_2, %dma_start3A_9] : memref<3072x128xf32, #tpu.memory_space<hbm>> -> memref<96x128xf32, #tpu.memory_space<hbm>>
      tpu.enqueue_dma source(%arg6 : memref<96x128xf32, #tpu.memory_space<vmem>>) target(%dma_start3A_10 : memref<96x128xf32, #tpu.memory_space<hbm>>) target_semaphore(%run_scoped3A : memref<!tpu.dma_semaphore, #tpu.memory_space<semaphore_mem>>)
      %dma_wait3A_11 = arith.constant 0 : i32
      %dma_wait3A_12 = tpu.memref_slice %arg4[%mul3A_2, %dma_wait3A_11] : memref<3072x128xf32, #tpu.memory_space<hbm>> -> memref<96x128xf32, #tpu.memory_space<hbm>>
      %dma_wait3A_13 = arith.constant 0 : i32
      %dma_wait3A_14 = tpu.memref_slice %arg4[%mul3A_2, %dma_wait3A_13] : memref<3072x128xf32, #tpu.memory_space<hbm>> -> memref<96x128xf32, #tpu.memory_space<hbm>>
      tpu.wait_dma2 semaphore(%run_scoped3A : memref<!tpu.dma_semaphore, #tpu.memory_space<semaphore_mem>>) src(%arg6 : memref<96x128xf32, #tpu.memory_space<vmem>>) dst(%dma_wait3A_14 : memref<96x128xf32, #tpu.memory_space<hbm>>)
      tpu.yield
    }) : () -> ()
    return
  }
}

module attributes {stable_mosaic.version = 14 : i64} {
  func.func @_tc1_body(%arg0: i32, %arg1: memref<1000x1xf32, #tpu.memory_space<vmem>>, %arg2: memref<1000x1xf32, #tpu.memory_space<vmem>>, %arg3: memref<1000x128xf32, #tpu.memory_space<vmem>>, %arg4: memref<128x32xf32, #tpu.memory_space<vmem>>, %arg5: memref<1000x8xf32, #tpu.memory_space<vmem>>, %arg6: memref<1000x32xf32, #tpu.memory_space<vmem>>, %arg7: memref<1000x32xf32, #tpu.memory_space<vmem>>) attributes {dimension_semantics = [#tpu.dimension_semantics<arbitrary>], iteration_bounds = array<i64: 10>, scalar_prefetch = 0 : i64, scratch_operands = 0 : i64, tpu.core_type = #tpu.core_type<tc>, window_params = [{transform_indices = @transform_0, window_bounds = array<i64: 1000, 1>}, {transform_indices = @transform_1, window_bounds = array<i64: 1000, 1>}, {transform_indices = @transform_2, window_bounds = array<i64: 1000, 128>}, {pipeline_mode = #tpu.pipeline_mode<synchronous>, transform_indices = @transform_3, window_bounds = array<i64: 128, 32>}, {transform_indices = @transform_4, window_bounds = array<i64: 1000, 8>}, {transform_indices = @transform_5, window_bounds = array<i64: 1000, 32>}, {transform_indices = @transform_6, window_bounds = array<i64: 1000, 32>}]} {
    %get3A = arith.constant 0 : index
    %get3A_0 = arith.constant 0 : index
    %get3A_1 = vector.load %arg1[%get3A, %get3A_0] : memref<1000x1xf32, #tpu.memory_space<vmem>>, vector<1000x1xf32>
    %get3A_2 = arith.constant 0 : index
    %get3A_3 = arith.constant 0 : index
    %get3A_4 = vector.load %arg2[%get3A_2, %get3A_3] : memref<1000x1xf32, #tpu.memory_space<vmem>>, vector<1000x1xf32>
    %add3A = arith.addf %get3A_1, %get3A_4 : vector<1000x1xf32>
    %add3A_5 = arith.constant 1.000000e+00 : f32
    %add3A_6 = vector.broadcast %add3A_5 : f32 to vector<1000x1xf32>
    %add3A_7 = arith.addf %add3A, %add3A_6 : vector<1000x1xf32>
    %rsqrt3A = math.rsqrt %add3A_7 : vector<1000x1xf32>
    %mul3A = arith.mulf %rsqrt3A, %rsqrt3A : vector<1000x1xf32>
    %get3A_8 = arith.constant 0 : index
    %get3A_9 = arith.constant 0 : index
    %get3A_10 = vector.load %arg3[%get3A_8, %get3A_9] : memref<1000x128xf32, #tpu.memory_space<vmem>>, vector<1000x128xf32>
    %get3A_11 = arith.constant 0 : index
    %get3A_12 = arith.constant 0 : index
    %get3A_13 = vector.load %arg4[%get3A_11, %get3A_12] : memref<128x32xf32, #tpu.memory_space<vmem>>, vector<128x32xf32>
    %dot_general3A = arith.constant dense<0.000000e+00> : vector<1000x32xf32>
    %dot_general3A_14 = tpu.matmul %get3A_10, %get3A_13, %dot_general3A {dimension_numbers = #tpu.dot_dimension_numbers<[1], [0], [0], [1], [0, 0, 1, 1], [], []>, transpose_lhs_hint = false} : vector<1000x128xf32>, vector<128x32xf32>, vector<1000x32xf32> -> vector<1000x32xf32>
    %swap3A = arith.constant 0 : index
    %swap3A_15 = arith.constant 0 : index
    %swap3A_16 = vector.load %arg5[%swap3A, %swap3A_15] : memref<1000x8xf32, #tpu.memory_space<vmem>>, vector<1000x1xf32>
    tpu.vector_store %arg5[%swap3A, %swap3A_15], %rsqrt3A {strides = array<i32>} : memref<1000x8xf32, #tpu.memory_space<vmem>>, vector<1000x1xf32>,
    %swap3A_17 = arith.constant 0 : index
    %swap3A_18 = arith.constant 1 : index
    %swap3A_19 = vector.load %arg5[%swap3A_17, %swap3A_18] : memref<1000x8xf32, #tpu.memory_space<vmem>>, vector<1000x1xf32>
    tpu.vector_store %arg5[%swap3A_17, %swap3A_18], %mul3A {strides = array<i32>} : memref<1000x8xf32, #tpu.memory_space<vmem>>, vector<1000x1xf32>,
    %swap3A_20 = arith.constant 0 : index
    %swap3A_21 = arith.constant 0 : index
    %swap3A_22 = vector.load %arg6[%swap3A_20, %swap3A_21] : memref<1000x32xf32, #tpu.memory_space<vmem>>, vector<1000x32xf32>
    tpu.vector_store %arg6[%swap3A_20, %swap3A_21], %dot_general3A_14 {strides = array<i32>} : memref<1000x32xf32, #tpu.memory_space<vmem>>, vector<1000x32xf32>,
    %mul3A_23 = vector.broadcast %rsqrt3A : vector<1000x1xf32> to vector<1000x32xf32>
    %mul3A_24 = arith.mulf %dot_general3A_14, %mul3A_23 : vector<1000x32xf32>
    %swap3A_25 = arith.constant 0 : index
    %swap3A_26 = arith.constant 0 : index
    %swap3A_27 = vector.load %arg7[%swap3A_25, %swap3A_26] : memref<1000x32xf32, #tpu.memory_space<vmem>>, vector<1000x32xf32>
    tpu.vector_store %arg7[%swap3A_25, %swap3A_26], %mul3A_24 {strides = array<i32>} : memref<1000x32xf32, #tpu.memory_space<vmem>>, vector<1000x32xf32>,
    return
  }
  func.func @transform_0(%arg0: i32) -> (i32, i32) {
    %c0_i32 = arith.constant 0 : i32
    %c0_i32_0 = arith.constant 0 : i32
    return %arg0, %c0_i32 : i32, i32
  }
  func.func @transform_1(%arg0: i32) -> (i32, i32) {
    %c0_i32 = arith.constant 0 : i32
    %c0_i32_0 = arith.constant 0 : i32
    return %arg0, %c0_i32 : i32, i32
  }
  func.func @transform_2(%arg0: i32) -> (i32, i32) {
    %c0_i32 = arith.constant 0 : i32
    %c0_i32_0 = arith.constant 0 : i32
    return %arg0, %c0_i32 : i32, i32
  }
  func.func @transform_3(%arg0: i32) -> (i32, i32) {
    %c0_i32 = arith.constant 0 : i32
    %c0_i32_0 = arith.constant 0 : i32
    %c0_i32_1 = arith.constant 0 : i32
    return %c0_i32, %c0_i32_0 : i32, i32
  }
  func.func @transform_4(%arg0: i32) -> (i32, i32) {
    %c0_i32 = arith.constant 0 : i32
    %c0_i32_0 = arith.constant 0 : i32
    return %arg0, %c0_i32 : i32, i32
  }
  func.func @transform_5(%arg0: i32) -> (i32, i32) {
    %c0_i32 = arith.constant 0 : i32
    %c0_i32_0 = arith.constant 0 : i32
    return %arg0, %c0_i32 : i32, i32
  }
  func.func @transform_6(%arg0: i32) -> (i32, i32) {
    %c0_i32 = arith.constant 0 : i32
    %c0_i32_0 = arith.constant 0 : i32
    return %arg0, %c0_i32 : i32, i32
  }
}

module attributes {stable_mosaic.version = 14 : i64} {
  func.func @_tc_mid_body(%arg0: i32, %arg1: memref<1000x32xf32, #tpu.memory_space<vmem>>, %arg2: memref<1000x32xf32, #tpu.memory_space<vmem>>, %arg3: memref<1000x8xf32, #tpu.memory_space<vmem>>, %arg4: memref<1000x32xf32, #tpu.memory_space<vmem>>, %arg5: memref<1x32xf32, #tpu.memory_space<vmem>>, %arg6: memref<32x32xf32, #tpu.memory_space<vmem>>, %arg7: memref<1000x32xf32, #tpu.memory_space<vmem>>, %arg8: memref<1000x32xf32, #tpu.memory_space<vmem>>, %arg9: memref<1000x32xf32, #tpu.memory_space<vmem>>) attributes {dimension_semantics = [#tpu.dimension_semantics<arbitrary>], iteration_bounds = array<i64: 10>, scalar_prefetch = 0 : i64, scratch_operands = 0 : i64, tpu.core_type = #tpu.core_type<tc>, window_params = [{transform_indices = @transform_0, window_bounds = array<i64: 1000, 32>}, {transform_indices = @transform_1, window_bounds = array<i64: 1000, 32>}, {transform_indices = @transform_2, window_bounds = array<i64: 1000, 8>}, {transform_indices = @transform_3, window_bounds = array<i64: 1000, 32>}, {pipeline_mode = #tpu.pipeline_mode<synchronous>, transform_indices = @transform_4, window_bounds = array<i64: 1, 32>}, {pipeline_mode = #tpu.pipeline_mode<synchronous>, transform_indices = @transform_5, window_bounds = array<i64: 32, 32>}, {transform_indices = @transform_6, window_bounds = array<i64: 1000, 32>}, {transform_indices = @transform_7, window_bounds = array<i64: 1000, 32>}, {transform_indices = @transform_8, window_bounds = array<i64: 1000, 32>}]} {
    %get3A = arith.constant 0 : index
    %get3A_0 = arith.constant 0 : index
    %get3A_1 = vector.load %arg3[%get3A, %get3A_0] : memref<1000x8xf32, #tpu.memory_space<vmem>>, vector<1000x1xf32>
    %get3A_2 = arith.constant 0 : index
    %get3A_3 = arith.constant 1 : index
    %get3A_4 = vector.load %arg3[%get3A_2, %get3A_3] : memref<1000x8xf32, #tpu.memory_space<vmem>>, vector<1000x1xf32>
    %get3A_5 = arith.constant 0 : index
    %get3A_6 = arith.constant 0 : index
    %get3A_7 = vector.load %arg1[%get3A_5, %get3A_6] : memref<1000x32xf32, #tpu.memory_space<vmem>>, vector<1000x32xf32>
    %get3A_8 = arith.constant 0 : index
    %get3A_9 = arith.constant 0 : index
    %get3A_10 = vector.load %arg2[%get3A_8, %get3A_9] : memref<1000x32xf32, #tpu.memory_space<vmem>>, vector<1000x32xf32>
    %add3A = arith.addf %get3A_7, %get3A_10 : vector<1000x32xf32>
    %mul3A = vector.broadcast %get3A_1 : vector<1000x1xf32> to vector<1000x32xf32>
    %mul3A_11 = arith.mulf %mul3A, %add3A : vector<1000x32xf32>
    %get3A_12 = arith.constant 0 : index
    %get3A_13 = arith.constant 0 : index
    %get3A_14 = vector.load %arg4[%get3A_12, %get3A_13] : memref<1000x32xf32, #tpu.memory_space<vmem>>, vector<1000x32xf32>
    %mul3A_15 = vector.broadcast %get3A_4 : vector<1000x1xf32> to vector<1000x32xf32>
    %mul3A_16 = arith.mulf %mul3A_15, %get3A_14 : vector<1000x32xf32>
    %add3A_17 = arith.addf %mul3A_11, %mul3A_16 : vector<1000x32xf32>
    %get3A_18 = arith.constant 0 : index
    %get3A_19 = arith.constant 0 : index
    %get3A_20 = vector.load %arg5[%get3A_18, %get3A_19] : memref<1x32xf32, #tpu.memory_space<vmem>>, vector<1x32xf32>
    %add3A_21 = vector.broadcast %get3A_20 : vector<1x32xf32> to vector<1000x32xf32>
    %add3A_22 = arith.addf %add3A_17, %add3A_21 : vector<1000x32xf32>
    %tanh3A = math.tanh %add3A_22 : vector<1000x32xf32>
    %get3A_23 = arith.constant 0 : index
    %get3A_24 = arith.constant 0 : index
    %get3A_25 = vector.load %arg6[%get3A_23, %get3A_24] : memref<32x32xf32, #tpu.memory_space<vmem>>, vector<32x32xf32>
    %dot_general3A = arith.constant dense<0.000000e+00> : vector<1000x32xf32>
    %dot_general3A_26 = tpu.matmul %tanh3A, %get3A_25, %dot_general3A {dimension_numbers = #tpu.dot_dimension_numbers<[1], [0], [0], [1], [0, 0, 1, 1], [], []>, transpose_lhs_hint = false} : vector<1000x32xf32>, vector<32x32xf32>, vector<1000x32xf32> -> vector<1000x32xf32>
    %swap3A = arith.constant 0 : index
    %swap3A_27 = arith.constant 0 : index
    %swap3A_28 = vector.load %arg7[%swap3A, %swap3A_27] : memref<1000x32xf32, #tpu.memory_space<vmem>>, vector<1000x32xf32>
    tpu.vector_store %arg7[%swap3A, %swap3A_27], %tanh3A {strides = array<i32>} : memref<1000x32xf32, #tpu.memory_space<vmem>>, vector<1000x32xf32>,
    %swap3A_29 = arith.constant 0 : index
    %swap3A_30 = arith.constant 0 : index
    %swap3A_31 = vector.load %arg8[%swap3A_29, %swap3A_30] : memref<1000x32xf32, #tpu.memory_space<vmem>>, vector<1000x32xf32>
    tpu.vector_store %arg8[%swap3A_29, %swap3A_30], %dot_general3A_26 {strides = array<i32>} : memref<1000x32xf32, #tpu.memory_space<vmem>>, vector<1000x32xf32>,
    %mul3A_32 = vector.broadcast %get3A_1 : vector<1000x1xf32> to vector<1000x32xf32>
    %mul3A_33 = arith.mulf %dot_general3A_26, %mul3A_32 : vector<1000x32xf32>
    %swap3A_34 = arith.constant 0 : index
    %swap3A_35 = arith.constant 0 : index
    %swap3A_36 = vector.load %arg9[%swap3A_34, %swap3A_35] : memref<1000x32xf32, #tpu.memory_space<vmem>>, vector<1000x32xf32>
    tpu.vector_store %arg9[%swap3A_34, %swap3A_35], %mul3A_33 {strides = array<i32>} : memref<1000x32xf32, #tpu.memory_space<vmem>>, vector<1000x32xf32>,
    return
  }
  func.func @transform_0(%arg0: i32) -> (i32, i32) {
    %c0_i32 = arith.constant 0 : i32
    %c0_i32_0 = arith.constant 0 : i32
    return %arg0, %c0_i32 : i32, i32
  }
  func.func @transform_1(%arg0: i32) -> (i32, i32) {
    %c0_i32 = arith.constant 0 : i32
    %c0_i32_0 = arith.constant 0 : i32
    return %arg0, %c0_i32 : i32, i32
  }
  func.func @transform_2(%arg0: i32) -> (i32, i32) {
    %c0_i32 = arith.constant 0 : i32
    %c0_i32_0 = arith.constant 0 : i32
    return %arg0, %c0_i32 : i32, i32
  }
  func.func @transform_3(%arg0: i32) -> (i32, i32) {
    %c0_i32 = arith.constant 0 : i32
    %c0_i32_0 = arith.constant 0 : i32
    return %arg0, %c0_i32 : i32, i32
  }
  func.func @transform_4(%arg0: i32) -> (i32, i32) {
    %c0_i32 = arith.constant 0 : i32
    %c0_i32_0 = arith.constant 0 : i32
    %c0_i32_1 = arith.constant 0 : i32
    return %c0_i32, %c0_i32_0 : i32, i32
  }
  func.func @transform_5(%arg0: i32) -> (i32, i32) {
    %c0_i32 = arith.constant 0 : i32
    %c0_i32_0 = arith.constant 0 : i32
    %c0_i32_1 = arith.constant 0 : i32
    return %c0_i32, %c0_i32_0 : i32, i32
  }
  func.func @transform_6(%arg0: i32) -> (i32, i32) {
    %c0_i32 = arith.constant 0 : i32
    %c0_i32_0 = arith.constant 0 : i32
    return %arg0, %c0_i32 : i32, i32
  }
  func.func @transform_7(%arg0: i32) -> (i32, i32) {
    %c0_i32 = arith.constant 0 : i32
    %c0_i32_0 = arith.constant 0 : i32
    return %arg0, %c0_i32 : i32, i32
  }
  func.func @transform_8(%arg0: i32) -> (i32, i32) {
    %c0_i32 = arith.constant 0 : i32
    %c0_i32_0 = arith.constant 0 : i32
    return %arg0, %c0_i32 : i32, i32
  }
}

module attributes {stable_mosaic.version = 14 : i64} {
  func.func @_tc_l3_body(%arg0: i32, %arg1: memref<1000x32xf32, #tpu.memory_space<vmem>>, %arg2: memref<1000x32xf32, #tpu.memory_space<vmem>>, %arg3: memref<1000x8xf32, #tpu.memory_space<vmem>>, %arg4: memref<1000x32xf32, #tpu.memory_space<vmem>>, %arg5: memref<1x32xf32, #tpu.memory_space<vmem>>, %arg6: memref<32x1xf32, #tpu.memory_space<vmem>>, %arg7: memref<1000x32xf32, #tpu.memory_space<vmem>>, %arg8: memref<1000x1xf32, #tpu.memory_space<vmem>>, %arg9: memref<1000x32xf32, #tpu.memory_space<vmem>>) attributes {dimension_semantics = [#tpu.dimension_semantics<arbitrary>], iteration_bounds = array<i64: 10>, scalar_prefetch = 0 : i64, scratch_operands = 0 : i64, tpu.core_type = #tpu.core_type<tc>, window_params = [{transform_indices = @transform_0, window_bounds = array<i64: 1000, 32>}, {transform_indices = @transform_1, window_bounds = array<i64: 1000, 32>}, {transform_indices = @transform_2, window_bounds = array<i64: 1000, 8>}, {transform_indices = @transform_3, window_bounds = array<i64: 1000, 32>}, {pipeline_mode = #tpu.pipeline_mode<synchronous>, transform_indices = @transform_4, window_bounds = array<i64: 1, 32>}, {pipeline_mode = #tpu.pipeline_mode<synchronous>, transform_indices = @transform_5, window_bounds = array<i64: 32, 1>}, {transform_indices = @transform_6, window_bounds = array<i64: 1000, 32>}, {transform_indices = @transform_7, window_bounds = array<i64: 1000, 1>}, {transform_indices = @transform_8, window_bounds = array<i64: 1000, 32>}]} {
    %get3A = arith.constant 0 : index
    %get3A_0 = arith.constant 0 : index
    %get3A_1 = vector.load %arg3[%get3A, %get3A_0] : memref<1000x8xf32, #tpu.memory_space<vmem>>, vector<1000x1xf32>
    %get3A_2 = arith.constant 0 : index
    %get3A_3 = arith.constant 1 : index
    %get3A_4 = vector.load %arg3[%get3A_2, %get3A_3] : memref<1000x8xf32, #tpu.memory_space<vmem>>, vector<1000x1xf32>
    %get3A_5 = arith.constant 0 : index
    %get3A_6 = arith.constant 0 : index
    %get3A_7 = vector.load %arg1[%get3A_5, %get3A_6] : memref<1000x32xf32, #tpu.memory_space<vmem>>, vector<1000x32xf32>
    %get3A_8 = arith.constant 0 : index
    %get3A_9 = arith.constant 0 : index
    %get3A_10 = vector.load %arg2[%get3A_8, %get3A_9] : memref<1000x32xf32, #tpu.memory_space<vmem>>, vector<1000x32xf32>
    %add3A = arith.addf %get3A_7, %get3A_10 : vector<1000x32xf32>
    %mul3A = vector.broadcast %get3A_1 : vector<1000x1xf32> to vector<1000x32xf32>
    %mul3A_11 = arith.mulf %mul3A, %add3A : vector<1000x32xf32>
    %get3A_12 = arith.constant 0 : index
    %get3A_13 = arith.constant 0 : index
    %get3A_14 = vector.load %arg4[%get3A_12, %get3A_13] : memref<1000x32xf32, #tpu.memory_space<vmem>>, vector<1000x32xf32>
    %mul3A_15 = vector.broadcast %get3A_4 : vector<1000x1xf32> to vector<1000x32xf32>
    %mul3A_16 = arith.mulf %mul3A_15, %get3A_14 : vector<1000x32xf32>
    %add3A_17 = arith.addf %mul3A_11, %mul3A_16 : vector<1000x32xf32>
    %get3A_18 = arith.constant 0 : index
    %get3A_19 = arith.constant 0 : index
    %get3A_20 = vector.load %arg5[%get3A_18, %get3A_19] : memref<1x32xf32, #tpu.memory_space<vmem>>, vector<1x32xf32>
    %add3A_21 = vector.broadcast %get3A_20 : vector<1x32xf32> to vector<1000x32xf32>
    %add3A_22 = arith.addf %add3A_17, %add3A_21 : vector<1000x32xf32>
    %tanh3A = math.tanh %add3A_22 : vector<1000x32xf32>
    %get3A_23 = arith.constant 0 : index
    %get3A_24 = arith.constant 0 : index
    %get3A_25 = vector.load %arg6[%get3A_23, %get3A_24] : memref<32x1xf32, #tpu.memory_space<vmem>>, vector<32x1xf32>
    %dot_general3A = arith.constant dense<0.000000e+00> : vector<1000x1xf32>
    %dot_general3A_26 = tpu.matmul %tanh3A, %get3A_25, %dot_general3A {dimension_numbers = #tpu.dot_dimension_numbers<[1], [0], [0], [1], [0, 0, 1, 1], [], []>, transpose_lhs_hint = false} : vector<1000x32xf32>, vector<32x1xf32>, vector<1000x1xf32> -> vector<1000x1xf32>
    %swap3A = arith.constant 0 : index
    %swap3A_27 = arith.constant 0 : index
    %swap3A_28 = vector.load %arg7[%swap3A, %swap3A_27] : memref<1000x32xf32, #tpu.memory_space<vmem>>, vector<1000x32xf32>
    tpu.vector_store %arg7[%swap3A, %swap3A_27], %tanh3A {strides = array<i32>} : memref<1000x32xf32, #tpu.memory_space<vmem>>, vector<1000x32xf32>,
    %swap3A_29 = arith.constant 0 : index
    %swap3A_30 = arith.constant 0 : index
    %swap3A_31 = vector.load %arg8[%swap3A_29, %swap3A_30] : memref<1000x1xf32, #tpu.memory_space<vmem>>, vector<1000x1xf32>
    tpu.vector_store %arg8[%swap3A_29, %swap3A_30], %dot_general3A_26 {strides = array<i32>} : memref<1000x1xf32, #tpu.memory_space<vmem>>, vector<1000x1xf32>,
    %mul3A_32 = arith.mulf %dot_general3A_26, %get3A_1 : vector<1000x1xf32>
    %broadcast_in_dim3A = arith.constant 0.000000e+00 : f32
    %broadcast_in_dim3A_33 = vector.broadcast %broadcast_in_dim3A : f32 to vector<1000x31xf32>
    %concatenate3A = tpu.concatenate %mul3A_32, %broadcast_in_dim3A_33 in 1 : vector<1000x1xf32>, vector<1000x31xf32> -> vector<1000x32xf32>
    %swap3A_34 = arith.constant 0 : index
    %swap3A_35 = arith.constant 0 : index
    %swap3A_36 = vector.load %arg9[%swap3A_34, %swap3A_35] : memref<1000x32xf32, #tpu.memory_space<vmem>>, vector<1000x32xf32>
    tpu.vector_store %arg9[%swap3A_34, %swap3A_35], %concatenate3A {strides = array<i32>} : memref<1000x32xf32, #tpu.memory_space<vmem>>, vector<1000x32xf32>,
    return
  }
  func.func @transform_0(%arg0: i32) -> (i32, i32) {
    %c0_i32 = arith.constant 0 : i32
    %c0_i32_0 = arith.constant 0 : i32
    return %arg0, %c0_i32 : i32, i32
  }
  func.func @transform_1(%arg0: i32) -> (i32, i32) {
    %c0_i32 = arith.constant 0 : i32
    %c0_i32_0 = arith.constant 0 : i32
    return %arg0, %c0_i32 : i32, i32
  }
  func.func @transform_2(%arg0: i32) -> (i32, i32) {
    %c0_i32 = arith.constant 0 : i32
    %c0_i32_0 = arith.constant 0 : i32
    return %arg0, %c0_i32 : i32, i32
  }
  func.func @transform_3(%arg0: i32) -> (i32, i32) {
    %c0_i32 = arith.constant 0 : i32
    %c0_i32_0 = arith.constant 0 : i32
    return %arg0, %c0_i32 : i32, i32
  }
  func.func @transform_4(%arg0: i32) -> (i32, i32) {
    %c0_i32 = arith.constant 0 : i32
    %c0_i32_0 = arith.constant 0 : i32
    %c0_i32_1 = arith.constant 0 : i32
    return %c0_i32, %c0_i32_0 : i32, i32
  }
  func.func @transform_5(%arg0: i32) -> (i32, i32) {
    %c0_i32 = arith.constant 0 : i32
    %c0_i32_0 = arith.constant 0 : i32
    %c0_i32_1 = arith.constant 0 : i32
    return %c0_i32, %c0_i32_0 : i32, i32
  }
  func.func @transform_6(%arg0: i32) -> (i32, i32) {
    %c0_i32 = arith.constant 0 : i32
    %c0_i32_0 = arith.constant 0 : i32
    return %arg0, %c0_i32 : i32, i32
  }
  func.func @transform_7(%arg0: i32) -> (i32, i32) {
    %c0_i32 = arith.constant 0 : i32
    %c0_i32_0 = arith.constant 0 : i32
    return %arg0, %c0_i32 : i32, i32
  }
  func.func @transform_8(%arg0: i32) -> (i32, i32) {
    %c0_i32 = arith.constant 0 : i32
    %c0_i32_0 = arith.constant 0 : i32
    return %arg0, %c0_i32 : i32, i32
  }
}

module attributes {stable_mosaic.version = 14 : i64} {
  func.func @_tc_l4_body(%arg0: i32, %arg1: memref<1000x32xf32, #tpu.memory_space<vmem>>, %arg2: memref<1000x32xf32, #tpu.memory_space<vmem>>, %arg3: memref<1000x8xf32, #tpu.memory_space<vmem>>, %arg4: memref<1000x1xf32, #tpu.memory_space<vmem>>, %arg5: memref<1x1xf32, #tpu.memory_space<vmem>>, %arg6: memref<1000x1xf32, #tpu.memory_space<vmem>>) attributes {dimension_semantics = [#tpu.dimension_semantics<arbitrary>], iteration_bounds = array<i64: 10>, scalar_prefetch = 0 : i64, scratch_operands = 0 : i64, tpu.core_type = #tpu.core_type<tc>, window_params = [{transform_indices = @transform_0, window_bounds = array<i64: 1000, 32>}, {transform_indices = @transform_1, window_bounds = array<i64: 1000, 32>}, {transform_indices = @transform_2, window_bounds = array<i64: 1000, 8>}, {transform_indices = @transform_3, window_bounds = array<i64: 1000, 1>}, {pipeline_mode = #tpu.pipeline_mode<synchronous>, transform_indices = @transform_4, window_bounds = array<i64: 1, 1>}, {transform_indices = @transform_5, window_bounds = array<i64: 1000, 1>}]} {
    %get3A = arith.constant 0 : index
    %get3A_0 = arith.constant 0 : index
    %get3A_1 = vector.load %arg3[%get3A, %get3A_0] : memref<1000x8xf32, #tpu.memory_space<vmem>>, vector<1000x1xf32>
    %get3A_2 = arith.constant 0 : index
    %get3A_3 = arith.constant 1 : index
    %get3A_4 = vector.load %arg3[%get3A_2, %get3A_3] : memref<1000x8xf32, #tpu.memory_space<vmem>>, vector<1000x1xf32>
    %get3A_5 = arith.constant 0 : index
    %get3A_6 = arith.constant 0 : index
    %get3A_7 = vector.load %arg1[%get3A_5, %get3A_6] : memref<1000x32xf32, #tpu.memory_space<vmem>>, vector<1000x1xf32>
    %get3A_8 = arith.constant 0 : index
    %get3A_9 = arith.constant 0 : index
    %get3A_10 = vector.load %arg2[%get3A_8, %get3A_9] : memref<1000x32xf32, #tpu.memory_space<vmem>>, vector<1000x1xf32>
    %add3A = arith.addf %get3A_7, %get3A_10 : vector<1000x1xf32>
    %mul3A = arith.mulf %get3A_1, %add3A : vector<1000x1xf32>
    %get3A_11 = arith.constant 0 : index
    %get3A_12 = arith.constant 0 : index
    %get3A_13 = vector.load %arg4[%get3A_11, %get3A_12] : memref<1000x1xf32, #tpu.memory_space<vmem>>, vector<1000x1xf32>
    %mul3A_14 = arith.mulf %get3A_4, %get3A_13 : vector<1000x1xf32>
    %add3A_15 = arith.addf %mul3A, %mul3A_14 : vector<1000x1xf32>
    %get3A_16 = arith.constant 0 : index
    %get3A_17 = arith.constant 0 : index
    %get3A_18 = vector.load %arg5[%get3A_16, %get3A_17] : memref<1x1xf32, #tpu.memory_space<vmem>>, vector<1x1xf32>
    %add3A_19 = vector.broadcast %get3A_18 : vector<1x1xf32> to vector<1000x1xf32>
    %add3A_20 = arith.addf %add3A_15, %add3A_19 : vector<1000x1xf32>
    %tanh3A = math.tanh %add3A_20 : vector<1000x1xf32>
    %swap3A = arith.constant 0 : index
    %swap3A_21 = arith.constant 0 : index
    %swap3A_22 = vector.load %arg6[%swap3A, %swap3A_21] : memref<1000x1xf32, #tpu.memory_space<vmem>>, vector<1000x1xf32>
    tpu.vector_store %arg6[%swap3A, %swap3A_21], %tanh3A {strides = array<i32>} : memref<1000x1xf32, #tpu.memory_space<vmem>>, vector<1000x1xf32>,
    return
  }
  func.func @transform_0(%arg0: i32) -> (i32, i32) {
    %c0_i32 = arith.constant 0 : i32
    %c0_i32_0 = arith.constant 0 : i32
    return %arg0, %c0_i32 : i32, i32
  }
  func.func @transform_1(%arg0: i32) -> (i32, i32) {
    %c0_i32 = arith.constant 0 : i32
    %c0_i32_0 = arith.constant 0 : i32
    return %arg0, %c0_i32 : i32, i32
  }
  func.func @transform_2(%arg0: i32) -> (i32, i32) {
    %c0_i32 = arith.constant 0 : i32
    %c0_i32_0 = arith.constant 0 : i32
    return %arg0, %c0_i32 : i32, i32
  }
  func.func @transform_3(%arg0: i32) -> (i32, i32) {
    %c0_i32 = arith.constant 0 : i32
    %c0_i32_0 = arith.constant 0 : i32
    return %arg0, %c0_i32 : i32, i32
  }
  func.func @transform_4(%arg0: i32) -> (i32, i32) {
    %c0_i32 = arith.constant 0 : i32
    %c0_i32_0 = arith.constant 0 : i32
    %c0_i32_1 = arith.constant 0 : i32
    return %c0_i32, %c0_i32_0 : i32, i32
  }
  func.func @transform_5(%arg0: i32) -> (i32, i32) {
    %c0_i32 = arith.constant 0 : i32
    %c0_i32_0 = arith.constant 0 : i32
    return %arg0, %c0_i32 : i32, i32
  }
}

module attributes {stable_mosaic.version = 14 : i64} {
  func.func @_tc_topk_body(%arg0: memref<10000x1xf32, #tpu.memory_space<vmem>>, %arg1: memref<10000x1xi32, #tpu.memory_space<vmem>>, %arg2: memref<32x104xi32, #tpu.memory_space<vmem>>, %arg3: memref<10000x104xf32, #tpu.memory_space<vmem>>) attributes {dimension_semantics = [], scalar_prefetch = 0 : i64, scratch_operands = 1 : i64, tpu.core_type = #tpu.core_type<tc>} {
    %get3A = arith.constant 0 : index
    %get3A_0 = arith.constant 0 : index
    %get3A_1 = vector.load %arg0[%get3A, %get3A_0] : memref<10000x1xf32, #tpu.memory_space<vmem>>, vector<10000x1xf32>
    %get3A_2 = arith.constant 0 : index
    %get3A_3 = arith.constant 0 : index
    %get3A_4 = vector.load %arg1[%get3A_2, %get3A_3] : memref<10000x1xi32, #tpu.memory_space<vmem>>, vector<10000x1xi32>
    %iota3A = tpu.iota {dimensions = array<i32: 1>} : vector<1x104xi32>
    %eq3A = vector.broadcast %get3A_4 : vector<10000x1xi32> to vector<10000x104xi32>
    %eq3A_5 = vector.broadcast %iota3A : vector<1x104xi32> to vector<10000x104xi32>
    %eq3A_6 = arith.cmpi eq, %eq3A, %eq3A_5 : vector<10000x104xi32>
    %jit3A = arith.constant -1.000000e+09 : f32
    %broadcast_in_dim3A = vector.shape_cast %get3A_1 : vector<10000x1xf32> to vector<10000x1xf32>
    %broadcast_in_dim3A_7 = vector.broadcast %broadcast_in_dim3A : vector<10000x1xf32> to vector<10000x104xf32>
    %broadcast_in_dim3A_8 = vector.broadcast %jit3A : f32 to vector<10000x104xf32>
    %select_n3A = arith.select %eq3A_6, %broadcast_in_dim3A_7, %broadcast_in_dim3A_8 : vector<10000x104xi1>, vector<10000x104xf32>
    %swap3A = arith.constant 0 : index
    %swap3A_9 = arith.constant 0 : index
    %swap3A_10 = vector.load %arg3[%swap3A, %swap3A_9] : memref<10000x104xf32, #tpu.memory_space<vmem>>, vector<10000x104xf32>
    tpu.vector_store %arg3[%swap3A, %swap3A_9], %select_n3A {strides = array<i32>} : memref<10000x104xf32, #tpu.memory_space<vmem>>, vector<10000x104xf32>,
    %convert_element_type3A = arith.extui %eq3A_6 : vector<10000x104xi1> to vector<10000x104xi32>
    %reduce_sum3A = arith.constant dense<0> : vector<104xi32>
    %reduce_sum3A_11 = vector.multi_reduction <add>, %convert_element_type3A, %reduce_sum3A [0] : vector<10000x104xi32> to vector<104xi32>
    %broadcast_in_dim3A_12 = vector.shape_cast %reduce_sum3A_11 : vector<104xi32> to vector<1x104xi32>
    %iota3A_13 = tpu.iota {dimensions = array<i32: 0>} : vector<10000x104xi32>
    %reduce_max3A = arith.constant dense<0xFF800000> : vector<104xf32>
    %reduce_max3A_14 = vector.multi_reduction <maximumf>, %select_n3A, %reduce_max3A [0] : vector<10000x104xf32> to vector<104xf32>
    %broadcast_in_dim3A_15 = vector.shape_cast %reduce_max3A_14 : vector<104xf32> to vector<1x104xf32>
    %scan3A = arith.constant 0 : i32
    %scan3A_16 = arith.constant 30 : i32
    %scan3A_17 = arith.addi %scan3A, %scan3A_16 : i32
    %scan3A_18 = arith.constant 1 : i32
    %scan3A_19 = scf.for %scan3A_21 = %scan3A to %scan3A_17 step %scan3A_18 iter_args(%scan3A_22 = %broadcast_in_dim3A_15) -> (vector<1x104xf32>)  : i32 {
      %get3A_23 = arith.constant 0 : index
      %get3A_24 = arith.constant 0 : index
      %get3A_25 = vector.load %arg3[%get3A_23, %get3A_24] : memref<10000x104xf32, #tpu.memory_space<vmem>>, vector<10000x104xf32>
      %eq3A_26 = vector.broadcast %scan3A_22 : vector<1x104xf32> to vector<10000x104xf32>
      %eq3A_27 = arith.cmpf oeq, %get3A_25, %eq3A_26 : vector<10000x104xf32>
      %jit3A_28 = arith.constant 1073741824 : i32
      %broadcast_in_dim3A_29 = vector.broadcast %jit3A_28 : i32 to vector<10000x104xi32>
      %select_n3A_30 = arith.select %eq3A_27, %iota3A_13, %broadcast_in_dim3A_29 : vector<10000x104xi1>, vector<10000x104xi32>
      %reduce_min3A = arith.constant dense<2147483647> : vector<104xi32>
      %reduce_min3A_31 = vector.multi_reduction <minsi>, %select_n3A_30, %reduce_min3A [0] : vector<10000x104xi32> to vector<104xi32>
      %broadcast_in_dim3A_32 = vector.shape_cast %reduce_min3A_31 : vector<104xi32> to vector<1x104xi32>
      %lt3A = vector.broadcast %scan3A_21 : i32 to vector<1x104xi32>
      %lt3A_33 = arith.cmpi slt, %lt3A, %broadcast_in_dim3A_12 : vector<1x104xi32>
      %jit3A_34 = arith.constant 10000 : i32
      %broadcast_in_dim3A_35 = vector.broadcast %jit3A_34 : i32 to vector<1x104xi32>
      %select_n3A_36 = arith.select %lt3A_33, %broadcast_in_dim3A_32, %broadcast_in_dim3A_35 : vector<1x104xi1>, vector<1x104xi32>
      %swap3A_37 = arith.index_cast %scan3A_21 : i32 to index
      %swap3A_38 = arith.constant 0 : index
      %swap3A_39 = vector.load %arg2[%swap3A_37, %swap3A_38] : memref<32x104xi32, #tpu.memory_space<vmem>>, vector<1x104xi32>
      tpu.vector_store %arg2[%swap3A_37, %swap3A_38], %select_n3A_36 {strides = array<i32>} : memref<32x104xi32, #tpu.memory_space<vmem>>, vector<1x104xi32>,
      %eq3A_40 = vector.broadcast %broadcast_in_dim3A_32 : vector<1x104xi32> to vector<10000x104xi32>
      %eq3A_41 = arith.cmpi eq, %iota3A_13, %eq3A_40 : vector<10000x104xi32>
      %jit3A_42 = arith.constant -1.000000e+09 : f32
      %broadcast_in_dim3A_43 = vector.broadcast %jit3A_42 : f32 to vector<10000x104xf32>
      %select_n3A_44 = arith.select %eq3A_41, %broadcast_in_dim3A_43, %get3A_25 : vector<10000x104xi1>, vector<10000x104xf32>
      %swap3A_45 = arith.constant 0 : index
      %swap3A_46 = arith.constant 0 : index
      %swap3A_47 = vector.load %arg3[%swap3A_45, %swap3A_46] : memref<10000x104xf32, #tpu.memory_space<vmem>>, vector<10000x104xf32>
      tpu.vector_store %arg3[%swap3A_45, %swap3A_46], %select_n3A_44 {strides = array<i32>} : memref<10000x104xf32, #tpu.memory_space<vmem>>, vector<10000x104xf32>,
      %reduce_max3A_48 = arith.constant dense<0xFF800000> : vector<104xf32>
      %reduce_max3A_49 = vector.multi_reduction <maximumf>, %select_n3A_44, %reduce_max3A_48 [0] : vector<10000x104xf32> to vector<104xf32>
      %broadcast_in_dim3A_50 = vector.shape_cast %reduce_max3A_49 : vector<104xf32> to vector<1x104xf32>
      scf.yield %broadcast_in_dim3A_50 : vector<1x104xf32>
    }
    %scan3A_20 = arith.constant 30 : i32
    return
  }
}

module attributes {stable_mosaic.version = 14 : i64} {
  func.func @_tc_c1_body(%arg0: memref<1536x256xf32, #tpu.memory_space<vmem>>, %arg1: memref<128x128xf32, #tpu.memory_space<vmem>>, %arg2: memref<1x128xf32, #tpu.memory_space<vmem>>, %arg3: memref<1536x128xf32, #tpu.memory_space<vmem>>) attributes {dimension_semantics = [], scalar_prefetch = 0 : i64, scratch_operands = 0 : i64, tpu.core_type = #tpu.core_type<tc>} {
    %get3A = arith.constant 0 : index
    %get3A_0 = arith.constant 0 : index
    %get3A_1 = vector.load %arg0[%get3A, %get3A_0] : memref<1536x256xf32, #tpu.memory_space<vmem>>, vector<1536x256xf32>
    %slice3A = vector.extract_strided_slice %get3A_1 {offsets = [0, 0], sizes = [1536, 128], strides = [1, 1]} : vector<1536x256xf32> to vector<1536x128xf32>
    %get3A_2 = arith.constant 0 : index
    %get3A_3 = arith.constant 0 : index
    %get3A_4 = vector.load %arg1[%get3A_2, %get3A_3] : memref<128x128xf32, #tpu.memory_space<vmem>>, vector<128x128xf32>
    %dot_general3A = arith.constant dense<0.000000e+00> : vector<1536x128xf32>
    %dot_general3A_5 = tpu.matmul %slice3A, %get3A_4, %dot_general3A {dimension_numbers = #tpu.dot_dimension_numbers<[1], [0], [0], [1], [0, 0, 1, 1], [], []>, transpose_lhs_hint = false} : vector<1536x128xf32>, vector<128x128xf32>, vector<1536x128xf32> -> vector<1536x128xf32>
    %slice3A_6 = vector.extract_strided_slice %get3A_1 {offsets = [0, 128], sizes = [1536, 128], strides = [1, 1]} : vector<1536x256xf32> to vector<1536x128xf32>
    %get3A_7 = arith.constant 0 : index
    %get3A_8 = arith.constant 0 : index
    %get3A_9 = vector.load %arg1[%get3A_7, %get3A_8] : memref<128x128xf32, #tpu.memory_space<vmem>>, vector<128x128xf32>
    %dot_general3A_10 = arith.constant dense<0.000000e+00> : vector<1536x128xf32>
    %dot_general3A_11 = tpu.matmul %slice3A_6, %get3A_9, %dot_general3A_10 {dimension_numbers = #tpu.dot_dimension_numbers<[1], [0], [0], [1], [0, 0, 1, 1], [], []>, transpose_lhs_hint = false} : vector<1536x128xf32>, vector<128x128xf32>, vector<1536x128xf32> -> vector<1536x128xf32>
    %max3A = arith.maximumf %dot_general3A_5, %dot_general3A_11 : vector<1536x128xf32>
    %get3A_12 = arith.constant 0 : index
    %get3A_13 = arith.constant 0 : index
    %get3A_14 = vector.load %arg2[%get3A_12, %get3A_13] : memref<1x128xf32, #tpu.memory_space<vmem>>, vector<1x128xf32>
    %add3A = vector.broadcast %get3A_14 : vector<1x128xf32> to vector<1536x128xf32>
    %add3A_15 = arith.addf %max3A, %add3A : vector<1536x128xf32>
    %max3A_16 = arith.constant 0.000000e+00 : f32
    %max3A_17 = vector.broadcast %max3A_16 : f32 to vector<1536x128xf32>
    %max3A_18 = arith.maximumf %add3A_15, %max3A_17 : vector<1536x128xf32>
    %swap3A = arith.constant 0 : index
    %swap3A_19 = arith.constant 0 : index
    %swap3A_20 = vector.load %arg3[%swap3A, %swap3A_19] : memref<1536x128xf32, #tpu.memory_space<vmem>>, vector<1536x128xf32>
    tpu.vector_store %arg3[%swap3A, %swap3A_19], %max3A_18 {strides = array<i32>} : memref<1536x128xf32, #tpu.memory_space<vmem>>, vector<1536x128xf32>,
    return
  }
}

module attributes {stable_mosaic.version = 14 : i64} {
  func.func @_tc_head_body(%arg0: memref<100x1920xf32, #tpu.memory_space<vmem>>, %arg1: memref<1920x352xf32, #tpu.memory_space<vmem>>, %arg2: memref<1x352xf32, #tpu.memory_space<vmem>>, %arg3: memref<352x128xf32, #tpu.memory_space<vmem>>, %arg4: memref<1x128xf32, #tpu.memory_space<vmem>>, %arg5: memref<128x10xf32, #tpu.memory_space<vmem>>, %arg6: memref<1x10xf32, #tpu.memory_space<vmem>>, %arg7: memref<100x10xf32, #tpu.memory_space<vmem>>) attributes {dimension_semantics = [], scalar_prefetch = 0 : i64, scratch_operands = 0 : i64, tpu.core_type = #tpu.core_type<tc>} {
    %get3A = arith.constant 0 : index
    %get3A_0 = arith.constant 0 : index
    %get3A_1 = vector.load %arg0[%get3A, %get3A_0] : memref<100x1920xf32, #tpu.memory_space<vmem>>, vector<100x1920xf32>
    %get3A_2 = arith.constant 0 : index
    %get3A_3 = arith.constant 0 : index
    %get3A_4 = vector.load %arg1[%get3A_2, %get3A_3] : memref<1920x352xf32, #tpu.memory_space<vmem>>, vector<1920x352xf32>
    %dot_general3A = arith.constant dense<0.000000e+00> : vector<100x352xf32>
    %dot_general3A_5 = tpu.matmul %get3A_1, %get3A_4, %dot_general3A {dimension_numbers = #tpu.dot_dimension_numbers<[1], [0], [0], [1], [0, 0, 1, 1], [], []>, transpose_lhs_hint = false} : vector<100x1920xf32>, vector<1920x352xf32>, vector<100x352xf32> -> vector<100x352xf32>
    %get3A_6 = arith.constant 0 : index
    %get3A_7 = arith.constant 0 : index
    %get3A_8 = vector.load %arg2[%get3A_6, %get3A_7] : memref<1x352xf32, #tpu.memory_space<vmem>>, vector<1x352xf32>
    %add3A = vector.broadcast %get3A_8 : vector<1x352xf32> to vector<100x352xf32>
    %add3A_9 = arith.addf %dot_general3A_5, %add3A : vector<100x352xf32>
    %max3A = arith.constant 0.000000e+00 : f32
    %max3A_10 = vector.broadcast %max3A : f32 to vector<100x352xf32>
    %max3A_11 = arith.maximumf %add3A_9, %max3A_10 : vector<100x352xf32>
    %get3A_12 = arith.constant 0 : index
    %get3A_13 = arith.constant 0 : index
    %get3A_14 = vector.load %arg3[%get3A_12, %get3A_13] : memref<352x128xf32, #tpu.memory_space<vmem>>, vector<352x128xf32>
    %dot_general3A_15 = arith.constant dense<0.000000e+00> : vector<100x128xf32>
    %dot_general3A_16 = tpu.matmul %max3A_11, %get3A_14, %dot_general3A_15 {dimension_numbers = #tpu.dot_dimension_numbers<[1], [0], [0], [1], [0, 0, 1, 1], [], []>, transpose_lhs_hint = false} : vector<100x352xf32>, vector<352x128xf32>, vector<100x128xf32> -> vector<100x128xf32>
    %get3A_17 = arith.constant 0 : index
    %get3A_18 = arith.constant 0 : index
    %get3A_19 = vector.load %arg4[%get3A_17, %get3A_18] : memref<1x128xf32, #tpu.memory_space<vmem>>, vector<1x128xf32>
    %add3A_20 = vector.broadcast %get3A_19 : vector<1x128xf32> to vector<100x128xf32>
    %add3A_21 = arith.addf %dot_general3A_16, %add3A_20 : vector<100x128xf32>
    %max3A_22 = arith.constant 0.000000e+00 : f32
    %max3A_23 = vector.broadcast %max3A_22 : f32 to vector<100x128xf32>
    %max3A_24 = arith.maximumf %add3A_21, %max3A_23 : vector<100x128xf32>
    %get3A_25 = arith.constant 0 : index
    %get3A_26 = arith.constant 0 : index
    %get3A_27 = vector.load %arg5[%get3A_25, %get3A_26] : memref<128x10xf32, #tpu.memory_space<vmem>>, vector<128x10xf32>
    %dot_general3A_28 = arith.constant dense<0.000000e+00> : vector<100x10xf32>
    %dot_general3A_29 = tpu.matmul %max3A_24, %get3A_27, %dot_general3A_28 {dimension_numbers = #tpu.dot_dimension_numbers<[1], [0], [0], [1], [0, 0, 1, 1], [], []>, transpose_lhs_hint = false} : vector<100x128xf32>, vector<128x10xf32>, vector<100x10xf32> -> vector<100x10xf32>
    %get3A_30 = arith.constant 0 : index
    %get3A_31 = arith.constant 0 : index
    %get3A_32 = vector.load %arg6[%get3A_30, %get3A_31] : memref<1x10xf32, #tpu.memory_space<vmem>>, vector<1x10xf32>
    %add3A_33 = vector.broadcast %get3A_32 : vector<1x10xf32> to vector<100x10xf32>
    %add3A_34 = arith.addf %dot_general3A_29, %add3A_33 : vector<100x10xf32>
    %reduce_max3A = arith.constant dense<0xFF800000> : vector<100xf32>
    %reduce_max3A_35 = vector.multi_reduction <maximumf>, %add3A_34, %reduce_max3A [1] : vector<100x10xf32> to vector<100xf32>
    %broadcast_in_dim3A = vector.shape_cast %reduce_max3A_35 : vector<100xf32> to vector<100x1xf32>
    %sub3A = vector.broadcast %broadcast_in_dim3A : vector<100x1xf32> to vector<100x10xf32>
    %sub3A_36 = arith.subf %add3A_34, %sub3A : vector<100x10xf32>
    %exp3A = math.exp %sub3A_36 : vector<100x10xf32>
    %reduce_sum3A = arith.constant dense<0.000000e+00> : vector<100xf32>
    %reduce_sum3A_37 = vector.multi_reduction <add>, %exp3A, %reduce_sum3A [1] : vector<100x10xf32> to vector<100xf32>
    %broadcast_in_dim3A_38 = vector.shape_cast %reduce_sum3A_37 : vector<100xf32> to vector<100x1xf32>
    %log3A = math.log %broadcast_in_dim3A_38 : vector<100x1xf32>
    %add3A_39 = arith.addf %log3A, %broadcast_in_dim3A : vector<100x1xf32>
    %sub3A_40 = vector.broadcast %add3A_39 : vector<100x1xf32> to vector<100x10xf32>
    %sub3A_41 = arith.subf %add3A_34, %sub3A_40 : vector<100x10xf32>
    %swap3A = arith.constant 0 : index
    %swap3A_42 = arith.constant 0 : index
    %swap3A_43 = vector.load %arg7[%swap3A, %swap3A_42] : memref<100x10xf32, #tpu.memory_space<vmem>>, vector<100x10xf32>
    tpu.vector_store %arg7[%swap3A, %swap3A_42], %sub3A_41 {strides = array<i32>} : memref<100x10xf32, #tpu.memory_space<vmem>>, vector<100x10xf32>,
    return
  }
}

</mosaic_0001>

<sc_bundles>
// kernel: kernel.16.cloned.1.call-start
scs
__scs_entry_jumppad:
0x0: {  	(pc) =	sbr.rel $0x88, $3  }
0x1: {  	(tag) =	ssettag $0x0;
	lr =	simm.s32 $0x1  }
0x2: {  	[smem:$0x3F8E] =	sst lr;
	_ =	strace $0xD0000000  }
0x3: {  	_ = 	snop  }
0x4: {  	_ = 	snop  }
0x5: {  	_ = 	snop  }
0x6: {  	_ = 	snop  }
0x7: {  	_ = 	snop  }
__scs_overlays_trampoline_lowered:
0x8: {  	[smem:$0x3F9D] =	sst s0  }
0x9: {  	[smem:$0x3F9E] =	sst s1  }
0xa: {  	[smem:$0x3F9F] =	sst s2  }
0xb: {  	[smem:$0x3FA0] =	sst s3  }
0xc: {  	[smem:$0x3FA1] =	sst s4  }
0xd: {  	[smem:$0x3FA2] =	sst s5  }
0xe: {  	[smem:$0x3FA3] =	sst s6  }
0xf: {  	[smem:$0x3FA4] =	sst s7  }
0x10: {  	[smem:$0x3FA5] =	sst s8  }
0x11: {  	[smem:$0x3FA6] =	sst s9;
	s0 =	simm.s32 @!p0 $0x0  }
0x12: {  	s1 =	sld [smem:$0x3F8C];
	s0 =	simm.s32 @p0 $0x1  }
0x13: {  	[smem:$0x3FA7] =	sst s0;
	s0 =	simm.s32 @!p1 $0x0  }
0x14: {  	s2 =	sld [smem:$0x3F8B];
	s0 =	simm.s32 @p1 $0x1  }
0x15: {  	[smem:$0x3FA8] =	sst s0;
	s0 =	simm.s32 @!p2 $0x0  }
0x16: {  	s3 =	sld [smem:$0x3FDB];
	s0 =	simm.s32 @p2 $0x1  }
0x17: {  	s4 =	simm.s32 $0x1BF5;
	[smem:$0x3FAA] =	sst s0  }
0x18: {  	s0 =	sld [smem:$0x3F8D];
	_ =	swait.ge [sflag:s4], $0x0  }
0x19: {  	s7 =	sld [smem:$0x3F8E]  }
0x1a: {  	s8 =	sadd.s32 $0xFFFFE003, lr  }
0x1b: {  	s9 =	sadd.s32 $0xFFFFFEF7, lr;
	s5 =	simm.s32 $0xFFFFFFFF;
	p2 =	slt.u32 s8, $0xFFFFF086  }
0x1c: {  	p1 =	slt.u32 s9, $0xF7A;
	s5 =	simm.s32 @!p2 $0x0  }
0x1d: {  	s5 =	simm.s32 @p1 $0x1;
	p0 =	seq.s32 s7, s2  }
0x1e: {  	s7 =	smul.u32 @!p0 $0xF7A, s2;
	p2 =	seq.s32 @!p0 s5, $0x0  }
0x1f: {  	s9 =	smul.u32 $0xF7A, s1;
	s8 =	simm.s32 @!p0 $0x1BF5;
	p2 =	por !p2, p0  }
0x20: {  	[sflag:s8] =	ssyncset.s32 @!p0 $0xFFFFF086;
	s6 =	sadd.s32 @!p0 s3, s7;
	s7 =	simm.s32 @!p0 $0x108  }
0x21: {  	s3 =	sadd.s32 s3, s9;
	s6 =	sadd.s32 @!p0 $0x88, s6;
	s7 =	simm.s32 @p2 $0x1082  }
0x22: {  	[simem:s7], [sflag:s8] =	dma.local @!p0 [hbm:s6], $0xF7A  }
0x23: {  	s9 =	sor.u32 $0xD0000000, s2;
	s6 =	simm.s32 $0x108;
	_ =	swait.ge @!p0 [sflag:s8], $0x0  }
0x24: {  	s3 =	sadd.s32 $0x88, s3;
	s6 =	simm.s32 @!p1 $0x1082;
	[sflag:s4] =	ssyncset.s32 $0xFFFFF086  }
0x25: {  	[simem:s6], [sflag:s4] =	dma.local [hbm:s3], $0xF7A  }
0x26: {  	[smem:$0x3F8E] =	sst s1;
	(tag) =	ssettag s2;
	_ =	strace s9  }
0x27: {  	s1 =	sld [smem:$0x3F9E]  }
0x28: {  	s2 =	sld [smem:$0x3F9F]  }
0x29: {  	s4 =	sld [smem:$0x3FA1]  }
0x2a: {  	p0 =	seq.s32 s5, $0x0;
	s5 =	sld [smem:$0x3FA2]  }
0x2b: {  	s6 =	sld [smem:$0x3FA3]  }
0x2c: {  	s7 =	sld [smem:$0x3FA4]  }
0x2d: {  	s3 =	simm.s32 $0x108;
	s8 =	sld [smem:$0x3FA5]  }
0x2e: {  	s3 =	simm.s32 @!p0 $0x1082;
	s9 =	sld [smem:$0x3FA6]  }
0x2f: {  	lr =	sadd.s32 s0, s3;
	s0 =	sld [smem:$0x3F9D]  }
0x30: {  	s3 =	sld [smem:$0x3FA0]  }
0x31: {  	[smem:$0x3FA9] =	sst s10  }
0x32: {  	s10 =	sld [smem:$0x3FA7];
	_ =	sdelay $0x3  }
0x33: {  	p0 =	seq.s32 s10, $0x1;
	s10 =	sld [smem:$0x3FA9];
	_ =	sdelay $0x3  }
0x34: {  	[smem:$0x3FA9] =	sst s10  }
0x35: {  	s10 =	sld [smem:$0x3FA8];
	_ =	sdelay $0x3  }
0x36: {  	p1 =	seq.s32 s10, $0x1;
	s10 =	sld [smem:$0x3FA9];
	_ =	sdelay $0x3  }
0x37: {  	[smem:$0x3FA9] =	sst s10  }
0x38: {  	s10 =	sld [smem:$0x3FAA]  }
0x39: {  	_ = 	snop;
	(pc) =	sbr.ind lr, $3  }
0x3a: {  	_ = 	snop  }
0x3b: {  	_ = 	snop  }
0x3c: {  	p2 =	seq.s32 s10, $0x1;
	s10 =	sld [smem:$0x3FA9]  }
0x3d: {  	_ =	shalt  }
0x3e: {  	_ =	shalt  }
0x3f: {  	_ =	shalt  }
0x40: {  	_ =	shalt  }
0x41: {  	_ =	shalt  }
0x42: {  	_ =	shalt  }
0x43: {  	_ =	shalt  }
0x44: {  	_ =	shalt  }
0x45: {  	_ =	shalt  }
0x46: {  	_ =	shalt  }
0x47: {  	_ =	shalt  }
0x48: {  	_ =	shalt  }
0x49: {  	_ =	shalt  }
0x4a: {  	_ =	shalt  }
0x4b: {  	_ =	shalt  }
0x4c: {  	_ =	shalt  }
0x4d: {  	_ =	shalt  }
0x4e: {  	_ =	shalt  }
0x4f: {  	_ =	shalt  }
0x50: {  	_ =	shalt  }
0x51: {  	_ =	shalt  }
0x52: {  	_ =	shalt  }
0x53: {  	_ =	shalt  }
0x54: {  	_ =	shalt  }
0x55: {  	_ =	shalt  }
0x56: {  	_ =	shalt  }
0x57: {  	_ =	shalt  }
0x58: {  	_ =	shalt  }
0x59: {  	_ =	shalt  }
0x5a: {  	_ =	shalt  }
0x5b: {  	_ =	shalt  }
0x5c: {  	_ =	shalt  }
0x5d: {  	_ =	shalt  }
0x5e: {  	_ =	shalt  }
0x5f: {  	_ =	shalt  }
0x60: {  	_ =	shalt  }
0x61: {  	_ =	shalt  }
0x62: {  	_ =	shalt  }
0x63: {  	_ =	shalt  }
0x64: {  	_ =	shalt  }
0x65: {  	_ =	shalt  }
0x66: {  	_ =	shalt  }
0x67: {  	_ =	shalt  }
0x68: {  	_ =	shalt  }
0x69: {  	_ =	shalt  }
0x6a: {  	_ =	shalt  }
0x6b: {  	_ =	shalt  }
0x6c: {  	_ =	shalt  }
0x6d: {  	_ =	shalt  }
0x6e: {  	_ =	shalt  }
0x6f: {  	_ =	shalt  }
0x70: {  	_ =	shalt  }
0x71: {  	_ =	shalt  }
0x72: {  	_ =	shalt  }
0x73: {  	_ =	shalt  }
0x74: {  	_ =	shalt  }
0x75: {  	_ =	shalt  }
0x76: {  	_ =	shalt  }
0x77: {  	_ =	shalt  }
0x78: {  	_ =	shalt  }
0x79: {  	_ =	shalt  }
0x7a: {  	_ =	shalt  }
0x7b: {  	_ =	shalt  }
0x7c: {  	_ =	shalt  }
0x7d: {  	_ =	shalt  }
0x7e: {  	_ =	shalt  }
0x7f: {  	_ =	shalt  }
0x80: {  	_ =	shalt  }
0x81: {  	_ =	shalt  }
0x82: {  	_ =	shalt  }
0x83: {  	_ =	shalt  }
0x84: {  	_ =	shalt  }
0x85: {  	_ =	shalt  }
0x86: {  	_ =	shalt  }
0x87: {  	_ =	shalt  }
.Lfunc_end0:
.L_simem_size_0:
called_computation_lowered:
.L_overlay_start_0:
0x88: {  	s2 =	sld [smem:$0x3FD9]  }
0x89: {  	s3 =	sld [smem:$0x3FFE];
	_ =	sdelay $0x1  }
0x8a: {  	s1 =	srdreg.scid  }
0x8b: {  	s0 =	sand.u32 $0x1, s1  }
0x8c: {  	s16 =	sshll.u32 s0, $0xA;
	s2 =	sadd.s32 s3, s2  }
0x8d: {  	s2 =	sadd.s32 s2, s16  }
0x8e: {  	[smem:$0x3FB5] =	sst s2  }
0x8f: {  	_ = 	snop  }
0x90: {  	(tm) =	ssettm $0x1  }
0x91: {  	s17 =	sld [smem:$0x3FFB];
	_ =	sdelay $0x3  }
0x92: {  	_ =	strace s17  }
0x93: {  	s2 =	sld [smem:$0x3FFC];
	_ =	sdelay $0x3  }
0x94: {  	_ =	strace s2  }
0x95: {  	s2 =	sld [smem:$0x3FFD];
	_ =	sdelay $0x3  }
0x96: {  	_ =	strace s2  }
0x97: {  	_ =	strace $0x8FFFFFFF  }
0x98: {  	s18 =	sld [smem:$0x3FDB];
	_ =	sdelay $0x1  }
0x99: {  	s19 =	simm.s32 $_scs_section_size  }
0x9a: {  	s4 =	simm.s32 $_size__tile_overlayer_lowered;
	s5 =	simm.s32 $_tile_overlayer_lowered  }
0x9b: {  	s22 =	simm.s32 $0x1BFF;
	s21 =	sshll.u32 s5, $0x1;
	s2 =	sadd.s32 s19, s18  }
0x9c: {  	s6 =	simm.s32 $0x0;
	s20 =	sshll.u32 s4, $0x1;
	s4 =	sadd.s32 s21, s2  }
0x9d: {  	[timem:s6], [sflag:s22] =	dma.local [hbm:s4], s20  }
0x9e: {  	_ =	swait.ge [sflag:s22], s20  }
0x9f: {  	s3 =	ssub.s32 $0x0, s20;
	[sflag:s22] =	ssyncset.done $0x0  }
0xa0: {  	[sflag:s22] =	ssyncadd.s32 s3;
	_ =	sdelay $0x1  }
0xa1: {  	s23 =	simm.s32 $0x1B8B  }
0xa2: {  	_ =	swait.ge [sflag:s23], $0x1  }
0xa3: {  	[sflag:s23] =	ssyncset.done $0x0  }
0xa4: {  	s25 =	simm.s32 $0x1B8E;
	s24 =	sld [smem:$0x3FFE];
	[sflag:s23] =	ssyncadd.s32 $0xFFFFFFFF  }
0xa5: {  	s26 =	simm.s32 $execute0_lowered;
	[smem:$0x3FD2] =	sst s25  }
0xa6: {  	s4 =	sshll.u32 s26, $0x1;
	_ =	strace $0x80000046;
	[dreg:$0x1] =	wrdreg $0xFFFFFFFF  }
0xa7: {  	s28 =	simm.s32 $_size_execute0_lowered;
	s2 =	sadd.s32 s2, s4;
	[dreg:$0x0] =	wrdreg $0x0  }
0xa8: {  	s4 =	sshll.u32 s28, $0x1;
	[dreg:$0x2] =	wrdreg s2  }
0xa9: {  	[dreg:$0x3] =	wrdreg s4  }
0xaa: {  	[dreg:$0x4] =	wrdreg $0xC0  }
0xab: {  	_ =	task [dreg:s6], $0x5FFFF  }
0xac: {  	[dreg:$0x1] =	wrdreg $0xFFFFFFFF  }
0xad: {  	[dreg:$0x0] =	wrdreg $0x60  }
0xae: {  	[dreg:$0x2] =	wrdreg s24  }
0xaf: {  	[dreg:$0x3] =	wrdreg $0x0  }
0xb0: {  	[dreg:$0x4] =	wrdreg $0x9  }
0xb1: {  	_ =	task.clear_ibuf [dreg:s6], $0x5FFFF;
	_ =	strace $0x90000046  }
0xb2: {  	s29 =	simm.s32 $0x9;
	_ =	strace $0x80000048  }
0xb3: {  	_ =	swait.ge [sflag:s29], $0x1  }
0xb4: {  	[sflag:s29] =	ssyncadd.s32 $0xFFFFFFFF  }
0xb5: {  	_ =	strace $0x90000048  }
0xb6: {  	_ =	sfence  }
0xb7: {  	s30 =	sld [smem:$0x0];
	_ =	sdelay $0x2  }
0xb8: {  	s31 =	sshll.u32 s1, $0xD;
	s1 =	sshrl.u32 s1, $0x2  }
0xb9: {  	s3 =	sand.u32 $0x4000, s31;
	s1 =	sadd.s32 s1, s30  }
0xba: {  	s0 =	sor.u32 s3, s0;
	s1 =	sshll.u32 s1, $0x11  }
0xbb: {  	s0 =	sor.u32 s1, s0  }
0xbc: {  	s0 =	sadd.s32 $0x8F2B, s0  }
0xbd: {  	[sflag:s0] =	ssyncadd.remote.s32 $0x1  }
0xbe: {  	_ =	sfence.sel $0xFFFF  }
0xbf: {  	[dreg:$0x0] =	wrdreg $0xFFFFFFFF;
	(pc) =	sbr.abs _section_cstart, $3  }
0xc0: {  	[dreg:$0x1] =	wrdreg $0xFFFFFFFF  }
0xc1: {  	_ =	task.clear_ibuf [dreg:s6], $0x2FFFF;
	_ =	strace $0x9FFFFFFF  }
0xc2: {  	(tm) =	ssettm $0x7FFFFFFF  }
0xc3: {  	_ =	shalt  }
tec
execute0_lowered:
.L_overlay_start_1:
0x0: {  	(tag) =	ssettag $0x1  }
0x1: {  	s0 =	rddreg [dreg:$0x0]  }
0x2: {  	s1 =	rddreg [dreg:$0x1]  }
0x3: {  	s3 =	srdreg.scid;
	s2 =	simm.s32 $0x0;
	s4 =	stileid.u32  }
0x4: {  	s28 =	simm.s32 $0x80;
	s29 =	simm.s32 $0x6F8;
	s30 =	simm.s32 $0x4F8  }
0x5: {  	s31 =	simm.s32 $0x878;
	s3 =	sand.u32 $0x1, s3;
	s12 =	smul.u32 $0x9E0, s4  }
0x6: {  	[smem:$0x7FF] =	sst s2;
	s6 =	sadd.s32 $0xF400, s0;
	s16 =	smul.u32 $0x270, s4  }
0x7: {  	s7 =	sadd.s32 $0x5600, s0;
	s8 =	sadd.s32 $0x19C00, s0;
	s24 =	smul.u32 $0x2710, s4  }
0x8: {  	s10 =	sadd.s32 $0x23C00, s0;
	s0 =	sadd.s32 $0x19200, s0;
	s18 =	smul.u32 $0x2710, s3  }
0x9: {  	p0 =	sne.s32 s4, $0x0;
	s5 =	sshll.u32 s3, $0x4;
	s19 =	smul.u32 $0x28000, s3  }
0xa: {  	s11 =	ssub.s32 $0x2, s3;
	s3 =	smul.u32 $0x27100, s3;
	s5 =	sor.u32 s4, s5  }
0xb: {  	_ =	strace $0x80000047;
	s13 =	sshrl.u32 s11, $0x1;
	s9 =	smul.u32 $0x2710, s5  }
0xc: {  	s12 =	sshrl.u32 s12, $0x2;
	s21 =	sadd.s32 s16, s1;
	s5 =	smul.u32 $0x2800, s5  }
0xd: {  	s11 =	ssub.s32 s11, s13;
	s12 =	sadd.s32 s12, s1;
	[dreg:$0xc] =	wrdreg s21  }
0xe: {  	s20 =	sadd.s32 s16, s18;
	s3 =	sadd.s32 s24, s3;
	[dreg:$0x3] =	wrdreg s12  }
0xf: {  	s22 =	sshrl.u32 s20, $0x3;
	s25 =	sshrl.u32 s3, $0x3;
	s3 =	sadd.s32 $0x80, s3  }
0x10: {  	s24 =	smax.u32 s11, $0x1;
	s11 =	simm.s32 $0x0;
	s9 =	sshrl.u32 s9, $0x3  }
0x11: {  	s5 =	sshrl.u32 s5, $0x3;
	s3 =	sshrl.u32 s3, $0x3;
	s9 =	sadd.s32 $0x4E0, s9  }
0x12: {  	s13 =	sadd.s32 $0x4E0, s5;
	s15 =	sadd.s32 $0x4E2, s5;
	s26 =	sadd.s32 s6, s9  }
0x13: {  	s5 =	sadd.s32 $0x4F0, s5;
	s9 =	sadd.s32 s7, s9;
	[dreg:$0x4] =	wrdreg s26  }
0x14: {  	s20 =	sadd.s32 s3, s7;
	s14 =	sadd.s32 s8, s13;
	[dreg:$0x5] =	wrdreg s9  }
0x15: {  	s21 =	sadd.s32 s3, s6;
	s17 =	sadd.s32 s8, s15;
	[dreg:$0x6] =	wrdreg s14  }
0x16: {  	s3 =	simm.s32 $0x678;
	s12 =	sadd.s32 s10, s15;
	[dreg:$0x8] =	wrdreg s17  }
0x17: {  	s15 =	smul.u32 $0x2800, s4;
	s9 =	sadd.s32 s10, s13;
	[dreg:$0x9] =	wrdreg s12  }
0x18: {  	s4 =	simm.s32 $0x778;
	s14 =	sadd.s32 s8, s5;
	[dreg:$0x7] =	wrdreg s9  }
0x19: {  	s5 =	sadd.s32 s10, s5;
	s26 =	sadd.s32 $0x2700, s1;
	[dreg:$0xa] =	wrdreg s14  }
0x1a: {  	[dreg:$0xb] =	wrdreg s5;
	s5 =	sadd.s32 s0, s22;
	s23 =	sadd.s32 s15, s19  }
0x1b: {  	s9 =	sshrl.u32 s18, $0x3;
	s18 =	sadd.s32 s25, s7;
	s19 =	sadd.s32 s25, s6  }
0x1c: {  	[dreg:$0xe] =	wrdreg s26;
	s26 =	simm.s32 $0x2;
	s25 =	simm.s32 $0x5F8  }
0x1d: {  	s6 =	simm.s32 $0x8F8;
	s7 =	simm.s32 $0x918;
	[dreg:$0xd] =	wrdreg s5  }
0x1e: {  	s12 =	sshrl.u32 s23, $0x3;
	s0 =	sadd.s32 s0, s9;
	s5 =	sor.u32 $0x80, s23  }
0x1f: {  	s9 =	simm.s32 $0x578;
	s14 =	sadd.s32 s12, s10;
	s5 =	sshrl.u32 s5, $0x3  }
0x20: {  	s15 =	sadd.s32 s12, s8;
	s0 =	sadd.s32 $0x4E0, s0;
	s16 =	sadd.s32 s5, s10  }
0x21: {  	v0 =	vimm.f32 $0.0e+00;
	v3 =	vlaneseq.u32;
	s17 =	sadd.s32 s5, s8;
	[dreg:$0xf] =	wrdreg s0;
	s0 =	simm.s32 $0x1  }
0x22: {  	v1 =	vimm.f32 $1.000000000e+00;
	v2 =	vimm.s32 $0x0;
	v3 =	vor.u32 $0x2710, v3;
	s5 =	simm.s32 $0x7F8;
	s8 =	simm.s32 $0x588;
	s10 =	simm.s32 $0x938  }
.LBB2_1:
0x23: {  	[tilespmem:$0x278] =	vst v0  }
0x24: {  	[tilespmem:$0x288] =	vst v0  }
0x25: {  	[tilespmem:$0x298] =	vst v0  }
0x26: {  	[tilespmem:$0x2A8] =	vst v0  }
0x27: {  	[tilespmem:$0x2B8] =	vst v0  }
0x28: {  	[tilespmem:$0x2C8] =	vst v0  }
0x29: {  	[tilespmem:$0x2D8] =	vst v0  }
0x2a: {  	[tilespmem:$0x2E8] =	vst v0  }
0x2b: {  	[tilespmem:$0x2F8] =	vst v0  }
0x2c: {  	[tilespmem:$0x308] =	vst v0  }
0x2d: {  	[tilespmem:$0x318] =	vst v0  }
0x2e: {  	[tilespmem:$0x328] =	vst v0  }
0x2f: {  	[tilespmem:$0x338] =	vst v0  }
0x30: {  	[tilespmem:$0x348] =	vst v0  }
0x31: {  	[tilespmem:$0x358] =	vst v0  }
0x32: {  	[tilespmem:$0x368] =	vst v0  }
0x33: {  	[tilespmem:$0x378] =	vst v0  }
0x34: {  	[tilespmem:$0x388] =	vst v0  }
0x35: {  	[tilespmem:$0x398] =	vst v0  }
0x36: {  	[tilespmem:$0x3A8] =	vst v0  }
0x37: {  	[tilespmem:$0x3B8] =	vst v0  }
0x38: {  	[tilespmem:$0x3C8] =	vst v0  }
0x39: {  	[tilespmem:$0x3D8] =	vst v0  }
0x3a: {  	[tilespmem:$0x3E8] =	vst v0  }
0x3b: {  	[tilespmem:$0x3F8] =	vst v0  }
0x3c: {  	[tilespmem:$0x408] =	vst v0  }
0x3d: {  	[tilespmem:$0x418] =	vst v0  }
0x3e: {  	[tilespmem:$0x428] =	vst v0  }
0x3f: {  	[tilespmem:$0x438] =	vst v0  }
0x40: {  	[tilespmem:$0x448] =	vst v0  }
0x41: {  	[tilespmem:$0x458] =	vst v0  }
0x42: {  	[tilespmem:$0x468] =	vst v0  }
0x43: {  	[tilespmem:$0x478] =	vst v0  }
0x44: {  	[tilespmem:$0x488] =	vst v0  }
0x45: {  	[tilespmem:$0x498] =	vst v0  }
0x46: {  	[tilespmem:$0x4A8] =	vst v0  }
0x47: {  	[tilespmem:$0x4B8] =	vst v0  }
0x48: {  	[tilespmem:$0x4C8] =	vst v0  }
0x49: {  	[tilespmem:$0x4D8] =	vst v0  }
0x4a: {  	[tilespmem:$0x4E8] =	vst v0  }
0x4b: {  	[tilespmem:$0x4F8] =	vst v1  }
0x4c: {  	[tilespmem:$0x578] =	vst v2  }
0x4d: {  	[tilespmem:$0x508] =	vst v1  }
0x4e: {  	[tilespmem:$0x588] =	vst v2  }
0x4f: {  	[tilespmem:$0x518] =	vst v1  }
0x50: {  	[tilespmem:$0x598] =	vst v2  }
0x51: {  	[tilespmem:$0x528] =	vst v1  }
0x52: {  	[tilespmem:$0x5A8] =	vst v2  }
0x53: {  	[tilespmem:$0x538] =	vst v1  }
0x54: {  	[tilespmem:$0x5B8] =	vst v2  }
0x55: {  	[tilespmem:$0x548] =	vst v1  }
0x56: {  	[tilespmem:$0x5C8] =	vst v2  }
0x57: {  	[tilespmem:$0x558] =	vst v1  }
0x58: {  	[tilespmem:$0x5D8] =	vst v2  }
0x59: {  	[tilespmem:$0x568] =	vst v1  }
0x5a: {  	[tilespmem:$0x5E8] =	vst v2  }
0x5b: {  	[tilespmem:$0x928] =	vst v1;
	s12 =	rddreg [dreg:$0x3];
	s13 =	simm.s32 $0x278  }
0x5c: {  	[spmem:s12] =	stream.linear.scatter [tilespmem:s13], [sflag:$0x2], $0x278, $0x38;
	[tilespmem:$0xBB8] =	vst v63  }
0x5d: {  	_ =	swait.ge [sflag:s26], $0x278  }
0x5e: {  	[sflag:s26] =	ssyncset.done $0x0  }
0x5f: {  	[sflag:s26] =	ssyncadd.s32 $0xFFFFFD88  }
0x60: {  	[bflag:$0x0] =	sbarrier.arrive $0xFFFF  }
0x61: {  	[tilespmem:$0x6F8] =	vst v3  }
0x62: {  	[tilespmem:$0x878] =	vst v3  }
0x63: {  	[tilespmem:$0x708] =	vst v3  }
0x64: {  	[tilespmem:$0x888] =	vst v3  }
0x65: {  	[tilespmem:$0x718] =	vst v3  }
0x66: {  	[tilespmem:$0x898] =	vst v3  }
0x67: {  	[tilespmem:$0x728] =	vst v3  }
0x68: {  	[tilespmem:$0x8A8] =	vst v3  }
0x69: {  	[tilespmem:$0x738] =	vst v3  }
0x6a: {  	[tilespmem:$0x8B8] =	vst v3  }
0x6b: {  	[tilespmem:$0x748] =	vst v3  }
0x6c: {  	[tilespmem:$0x8C8] =	vst v3  }
0x6d: {  	[tilespmem:$0x758] =	vst v3  }
0x6e: {  	[tilespmem:$0x8D8] =	vst v3  }
0x6f: {  	[tilespmem:$0x768] =	vst v3  }
0x70: {  	[tilespmem:$0x8E8] =	vst v3  }
0x71: {  	[bflag:$0x0] =	sbarrier.arrive $0xFFFF  }
0x72: {  	[spmem:s1] =	stream.indirect.scatter.add.f32 [tilespmem:s30], [sflag:$0x1], $0x1, s29, s28, $0xb8;
	[tilespmem:$0xBB8] =	vst v63  }
0x73: {  	_ = 	snop  }
0x74: {  	[spmem:s1] =	stream.indirect.scatter.add.f32 [tilespmem:s30], [sflag:$0x1], $0x1, s31, s28, $0xb8;
	[tilespmem:$0xBB8] =	vst v63  }
0x75: {  	_ =	swait.ge [sflag:s0], $0x80  }
0x76: {  	[sflag:s0] =	ssyncset.done $0x0  }
0x77: {  	s13 =	sadd.s32 $0x0, s19;
	[sflag:s0] =	ssyncadd.s32 $0xFFFFFF80  }
0x78: {  	[tilespmem:s25], [sflag:$0x2] =	stream.linear.gather [hbm4b:s13+s2], $0x80, $0x38;
	[tilespmem:$0xBB8] =	vst v63  }
0x79: {  	_ =	swait.ge [sflag:s26], $0x80  }
0x7a: {  	[sflag:s26] =	ssyncset.done $0x0  }
0x7b: {  	s22 =	sadd.s32 $0x0, s18;
	[sflag:s26] =	ssyncadd.s32 $0xFFFFFF80  }
0x7c: {  	[tilespmem:s3], [sflag:$0x2] =	stream.linear.gather [hbm4b:s22+s2], $0x80, $0x38;
	[tilespmem:$0xBB8] =	vst v63  }
0x7d: {  	_ =	swait.ge [sflag:s26], $0x80  }
0x7e: {  	[sflag:s26] =	ssyncset.done $0x0  }
0x7f: {  	[sflag:s26] =	ssyncadd.s32 $0xFFFFFF80  }
0x80: {  	v4 =	vld [tilespmem:$0x6E8]  }
0x81: {  	v5 =	vld [tilespmem:$0x6C8]  }
0x82: {  	v6 =	vld [tilespmem:$0x6B8]  }
0x83: {  	v7 =	vld [tilespmem:$0x6D8]  }
0x84: {  	v8 =	vld [tilespmem:$0x648]  }
0x85: {  	v9 =	vld [tilespmem:$0x638]  }
0x86: {  	v10 =	vld [tilespmem:$0x698]  }
0x87: {  	v11 =	vld [tilespmem:$0x658]  }
0x88: {  	v12 =	vld [tilespmem:$0x6A8]  }
0x89: {  	v15 =	vld [tilespmem:$0x618]  }
0x8a: {  	v63 =	vld [tilespmem:$0x668]  }
0x8b: {  	v13 =	vld [tilespmem:$0x5F8]  }
0x8c: {  	v14 =	vld [tilespmem:$0x628]  }
0x8d: {  	v16 =	vld [tilespmem:$0x688];
	vm0 =	veq.s32 v8, v5  }
0x8e: {  	v62 =	vld [tilespmem:$0x608];
	vm10 =	veq.s32 v11, v7;
	vm1 =	veq.s32 v15, v10;
	v5 =	vsel vm0, v3, v5  }
0x8f: {  	vm14 =	veq.s32 v63, v4;
	v10 =	vsel vm1, v3, v10;
	[tilespmem:$0x748] =	vst v5;
	v5 =	vsel vm10, v3, v7;
	v7 =	vld [tilespmem:$0x678]  }
0x90: {  	v4 =	vsel vm14, v3, v4;
	[tilespmem:$0x718] =	vst v10  }
0x91: {  	vm11 =	veq.s32 v14, v12;
	[tilespmem:$0x768] =	vst v4  }
0x92: {  	vm12 =	veq.s32 v9, v6;
	[tilespmem:$0x758] =	vst v5;
	v5 =	vsel vm11, v3, v12  }
0x93: {  	vm13 =	veq.s32 v62, v16;
	[tilespmem:$0x728] =	vst v5;
	v5 =	vsel vm12, v3, v6  }
0x94: {  	v6 =	vsel vm13, v3, v16;
	[tilespmem:$0x738] =	vst v5;
	vm15 =	veq.s32 v13, v7  }
0x95: {  	[tilespmem:$0x708] =	vst v6;
	v5 =	vsel vm15, v3, v7  }
0x96: {  	s23 =	sadd.s32 $0x0, s15;
	[tilespmem:$0x6F8] =	vst v5  }
0x97: {  	[hbm4b:s23+s2] =	stream.linear.scatter [tilespmem:s25], [sflag:$0x2], $0x80, $0x38;
	[tilespmem:$0xBB8] =	vst v63  }
0x98: {  	_ =	swait.ge [sflag:s26], $0x80  }
0x99: {  	[sflag:s26] =	ssyncset.done $0x0  }
0x9a: {  	s13 =	sadd.s32 $0x0, s14;
	[sflag:s26] =	ssyncadd.s32 $0xFFFFFF80  }
0x9b: {  	[hbm4b:s13+s2] =	stream.linear.scatter [tilespmem:s29], [sflag:$0x2], $0x80, $0x38;
	[tilespmem:$0xBB8] =	vst v63  }
0x9c: {  	_ =	swait.ge [sflag:s26], $0x80  }
0x9d: {  	[sflag:s26] =	ssyncset.done $0x0  }
0x9e: {  	[sflag:s26] =	ssyncadd.s32 $0xFFFFFF80  }
0x9f: {  	[spmem:s1] =	stream.indirect.scatter.add.f32 [tilespmem:s30], [sflag:$0x1], $0x1, s29, s28, $0xb8;
	[tilespmem:$0xBB8] =	vst v63  }
0xa0: {  	_ =	swait.ge [sflag:s0], $0x80  }
0xa1: {  	[sflag:s0] =	ssyncset.done $0x0  }
0xa2: {  	s22 =	sadd.s32 $0x0, s21;
	[sflag:s0] =	ssyncadd.s32 $0xFFFFFF80  }
0xa3: {  	[tilespmem:s4], [sflag:$0x2] =	stream.linear.gather [hbm4b:s22+s2], $0x80, $0x38;
	[tilespmem:$0xBB8] =	vst v63  }
0xa4: {  	_ =	swait.ge [sflag:s26], $0x80  }
0xa5: {  	[sflag:s26] =	ssyncset.done $0x0  }
0xa6: {  	s23 =	sadd.s32 $0x0, s20;
	[sflag:s26] =	ssyncadd.s32 $0xFFFFFF80  }
0xa7: {  	[tilespmem:s5], [sflag:$0x2] =	stream.linear.gather [hbm4b:s23+s2], $0x80, $0x38;
	[tilespmem:$0xBB8] =	vst v63  }
0xa8: {  	_ =	swait.ge [sflag:s26], $0x80  }
0xa9: {  	[sflag:s26] =	ssyncset.done $0x0  }
0xaa: {  	[sflag:s26] =	ssyncadd.s32 $0xFFFFFF80  }
0xab: {  	s12 =	simm.s32 $0x0;
	s13 =	simm.s32 $0x20;
	v4 =	vld [tilespmem:$0x778]  }
.LBB2_2:
0xac: {  	p1 =	sne.s32 s13, $0x4C0;
	v5 =	vld [tilespmem:$0x7E8];
	s22 =	smov.u32 s13;
	s13 =	sadd.s32 $0x20, s13  }
0xad: {  	v6 =	vld [tilespmem:$0x7D8]  }
0xae: {  	v7 =	vld [tilespmem:$0x848]  }
0xaf: {  	v8 =	vld [tilespmem:$0x7C8]  }
0xb0: {  	v9 =	vld [tilespmem:$0x858]  }
0xb1: {  	v10 =	vld [tilespmem:$0x868]  }
0xb2: {  	v11 =	vld [tilespmem:$0x828]  }
0xb3: {  	v12 =	vld [tilespmem:$0x7B8]  }
0xb4: {  	v13 =	vld [tilespmem:$0x838]  }
0xb5: {  	v14 =	vld [tilespmem:$0x7A8];
	vm0 =	veq.s32 v6, v9  }
0xb6: {  	v6 =	vld [tilespmem:$0x798];
	v9 =	vsel vm0, v3, v9;
	vm0 =	veq.s32 v5, v10  }
0xb7: {  	v5 =	vld [tilespmem:$0x808];
	[tilespmem:$0x8D8] =	vst v9;
	v9 =	vsel vm0, v3, v10  }
0xb8: {  	v10 =	vld [tilespmem:$0x818];
	[tilespmem:$0x8E8] =	vst v9  }
0xb9: {  	v9 =	vld [tilespmem:$0x788]  }
0xba: {  	vm1 =	veq.s32 v12, v13;
	v15 =	vld [tilespmem:$0x7F8];
	vm0 =	veq.s32 v14, v11  }
0xbb: {  	v12 =	vsel vm1, v3, v13;
	v11 =	vsel vm0, v3, v11  }
0xbc: {  	vm0 =	veq.s32 v8, v7;
	[tilespmem:$0x8B8] =	vst v12  }
0xbd: {  	vm1 =	veq.s32 v6, v10;
	[tilespmem:$0x8A8] =	vst v11;
	v6 =	vsel vm0, v3, v7  }
0xbe: {  	vm0 =	veq.s32 v9, v5;
	v7 =	vsel vm1, v3, v10;
	[tilespmem:$0x8C8] =	vst v6  }
0xbf: {  	vm1 =	veq.s32 v4, v15;
	v4 =	vsel vm0, v3, v5;
	[tilespmem:$0x898] =	vst v7  }
0xc0: {  	v5 =	vsel vm1, v3, v15;
	[tilespmem:$0x888] =	vst v4  }
0xc1: {  	s23 =	sadd.s32 s12, s17;
	[tilespmem:$0x878] =	vst v5  }
0xc2: {  	[hbm4b:s23+s2] =	stream.linear.scatter [tilespmem:s4], [sflag:$0x2], $0x80, $0x38;
	[tilespmem:$0xBB8] =	vst v63  }
0xc3: {  	_ =	swait.ge [sflag:s26], $0x80  }
0xc4: {  	[sflag:s26] =	ssyncset.done $0x0  }
0xc5: {  	s23 =	sadd.s32 s12, s16;
	s12 =	smov.u32 s22;
	[sflag:s26] =	ssyncadd.s32 $0xFFFFFF80  }
0xc6: {  	[hbm4b:s23+s2] =	stream.linear.scatter [tilespmem:s31], [sflag:$0x2], $0x80, $0x38;
	[tilespmem:$0xBB8] =	vst v63  }
0xc7: {  	_ =	swait.ge [sflag:s26], $0x80  }
0xc8: {  	[sflag:s26] =	ssyncset.done $0x0  }
0xc9: {  	[sflag:s26] =	ssyncadd.s32 $0xFFFFFF80  }
0xca: {  	[spmem:s1] =	stream.indirect.scatter.add.f32 [tilespmem:s30], [sflag:$0x1], $0x1, s31, s28, $0xb8;
	[tilespmem:$0xBB8] =	vst v63  }
0xcb: {  	_ =	swait.ge [sflag:s0], $0x80  }
0xcc: {  	[sflag:s0] =	ssyncset.done $0x0  }
0xcd: {  	s22 =	sadd.s32 s12, s19;
	[sflag:s0] =	ssyncadd.s32 $0xFFFFFF80  }
0xce: {  	[tilespmem:s25], [sflag:$0x2] =	stream.linear.gather [hbm4b:s22+s2], $0x80, $0x38;
	[tilespmem:$0xBB8] =	vst v63  }
0xcf: {  	_ =	swait.ge [sflag:s26], $0x80  }
0xd0: {  	[sflag:s26] =	ssyncset.done $0x0  }
0xd1: {  	s22 =	sadd.s32 s12, s18;
	[sflag:s26] =	ssyncadd.s32 $0xFFFFFF80  }
0xd2: {  	[tilespmem:s3], [sflag:$0x2] =	stream.linear.gather [hbm4b:s22+s2], $0x80, $0x38;
	[tilespmem:$0xBB8] =	vst v63  }
0xd3: {  	_ =	swait.ge [sflag:s26], $0x80  }
0xd4: {  	[sflag:s26] =	ssyncset.done $0x0  }
0xd5: {  	[sflag:s26] =	ssyncadd.s32 $0xFFFFFF80  }
0xd6: {  	v4 =	vld [tilespmem:$0x6E8]  }
0xd7: {  	v5 =	vld [tilespmem:$0x6C8]  }
0xd8: {  	v6 =	vld [tilespmem:$0x6B8]  }
0xd9: {  	v7 =	vld [tilespmem:$0x6D8]  }
0xda: {  	v8 =	vld [tilespmem:$0x648]  }
0xdb: {  	v9 =	vld [tilespmem:$0x638]  }
0xdc: {  	v10 =	vld [tilespmem:$0x698]  }
0xdd: {  	v11 =	vld [tilespmem:$0x658]  }
0xde: {  	v12 =	vld [tilespmem:$0x6A8]  }
0xdf: {  	v13 =	vld [tilespmem:$0x5F8];
	vm0 =	veq.s32 v8, v5  }
0xe0: {  	v8 =	vld [tilespmem:$0x628];
	v5 =	vsel vm0, v3, v5  }
0xe1: {  	v14 =	vld [tilespmem:$0x618];
	[tilespmem:$0x748] =	vst v5  }
0xe2: {  	v5 =	vld [tilespmem:$0x688];
	vm0 =	veq.s32 v11, v7  }
0xe3: {  	v11 =	vld [tilespmem:$0x608];
	v7 =	vsel vm0, v3, v7  }
0xe4: {  	[tilespmem:$0x758] =	vst v7;
	v7 =	vld [tilespmem:$0x668]  }
0xe5: {  	v15 =	vld [tilespmem:$0x678];
	vm0 =	veq.s32 v8, v12  }
0xe6: {  	vm1 =	veq.s32 v14, v10;
	v8 =	vsel vm0, v3, v12  }
0xe7: {  	vm0 =	veq.s32 v9, v6;
	v10 =	vsel vm1, v3, v10;
	[tilespmem:$0x728] =	vst v8  }
0xe8: {  	v6 =	vsel vm0, v3, v6;
	vm1 =	veq.s32 v11, v5;
	[tilespmem:$0x718] =	vst v10  }
0xe9: {  	v5 =	vsel vm1, v3, v5;
	[tilespmem:$0x738] =	vst v6;
	vm0 =	veq.s32 v7, v4  }
0xea: {  	vm1 =	veq.s32 v13, v15;
	[tilespmem:$0x708] =	vst v5;
	v4 =	vsel vm0, v3, v4  }
0xeb: {  	v5 =	vsel vm1, v3, v15;
	[tilespmem:$0x768] =	vst v4  }
0xec: {  	s22 =	sadd.s32 s12, s15;
	[tilespmem:$0x6F8] =	vst v5  }
0xed: {  	[hbm4b:s22+s2] =	stream.linear.scatter [tilespmem:s25], [sflag:$0x2], $0x80, $0x38;
	[tilespmem:$0xBB8] =	vst v63  }
0xee: {  	_ =	swait.ge [sflag:s26], $0x80  }
0xef: {  	[sflag:s26] =	ssyncset.done $0x0  }
0xf0: {  	s22 =	sadd.s32 s12, s14;
	[sflag:s26] =	ssyncadd.s32 $0xFFFFFF80  }
0xf1: {  	[hbm4b:s22+s2] =	stream.linear.scatter [tilespmem:s29], [sflag:$0x2], $0x80, $0x38;
	[tilespmem:$0xBB8] =	vst v63  }
0xf2: {  	_ =	swait.ge [sflag:s26], $0x80  }
0xf3: {  	[sflag:s26] =	ssyncset.done $0x0  }
0xf4: {  	[sflag:s26] =	ssyncadd.s32 $0xFFFFFF80  }
0xf5: {  	[spmem:s1] =	stream.indirect.scatter.add.f32 [tilespmem:s30], [sflag:$0x1], $0x1, s29, s28, $0xb8;
	[tilespmem:$0xBB8] =	vst v63  }
0xf6: {  	_ =	swait.ge [sflag:s0], $0x80  }
0xf7: {  	[sflag:s0] =	ssyncset.done $0x0  }
0xf8: {  	s22 =	sadd.s32 s12, s21;
	[sflag:s0] =	ssyncadd.s32 $0xFFFFFF80  }
0xf9: {  	[tilespmem:s4], [sflag:$0x2] =	stream.linear.gather [hbm4b:s22+s2], $0x80, $0x38;
	[tilespmem:$0xBB8] =	vst v63  }
0xfa: {  	_ =	swait.ge [sflag:s26], $0x80  }
0xfb: {  	[sflag:s26] =	ssyncset.done $0x0  }
0xfc: {  	s22 =	sadd.s32 s12, s20;
	[sflag:s26] =	ssyncadd.s32 $0xFFFFFF80  }
0xfd: {  	[tilespmem:s5], [sflag:$0x2] =	stream.linear.gather [hbm4b:s22+s2], $0x80, $0x38;
	[tilespmem:$0xBB8] =	vst v63  }
.Ltmp0:
0xfe: {  	_ = 	snop;
	(pc) =	sbr.rel @p1 .LBB2_2-.Ltmp0, $4  }
0xff: {  	_ =	swait.ge [sflag:s26], $0x80  }
0x100: {  	[sflag:s26] =	ssyncset.done $0x0  }
0x101: {  	[sflag:s26] =	ssyncadd.s32 $0xFFFFFF80  }
0x102: {  	v4 =	vld [tilespmem:$0x778]  }
0x103: {  	v5 =	vld [tilespmem:$0x7E8]  }
0x104: {  	v6 =	vld [tilespmem:$0x7D8]  }
0x105: {  	v7 =	vld [tilespmem:$0x848]  }
0x106: {  	v8 =	vld [tilespmem:$0x7C8]  }
0x107: {  	v9 =	vld [tilespmem:$0x858]  }
0x108: {  	v10 =	vld [tilespmem:$0x868]  }
0x109: {  	v11 =	vld [tilespmem:$0x828]  }
0x10a: {  	v12 =	vld [tilespmem:$0x7B8]  }
0x10b: {  	v13 =	vld [tilespmem:$0x838]  }
0x10c: {  	v14 =	vld [tilespmem:$0x7A8]  }
0x10d: {  	v15 =	vld [tilespmem:$0x798]  }
0x10e: {  	v16 =	vld [tilespmem:$0x808]  }
0x10f: {  	v60 =	vld [tilespmem:$0x818];
	vm0 =	veq.s32 v6, v9  }
0x110: {  	vm9 =	veq.s32 v5, v10;
	v5 =	vld [tilespmem:$0x788];
	v9 =	vsel vm0, v3, v9  }
0x111: {  	v62 =	vld [tilespmem:$0x7F8];
	vm10 =	veq.s32 v12, v13;
	v61 =	vsel vm9, v3, v10;
	[tilespmem:$0x8D8] =	vst v9  }
0x112: {  	vm1 =	veq.s32 v14, v11;
	v63 =	vsel vm10, v3, v13;
	[tilespmem:$0x8E8] =	vst v61  }
0x113: {  	vm11 =	veq.s32 v8, v7;
	v11 =	vsel vm1, v3, v11;
	[tilespmem:$0x8B8] =	vst v63  }
0x114: {  	vm12 =	veq.s32 v15, v60;
	v7 =	vsel vm11, v3, v7;
	[tilespmem:$0x8A8] =	vst v11  }
0x115: {  	[tilespmem:$0x8C8] =	vst v7;
	vm13 =	veq.s32 v5, v16;
	v5 =	vsel vm12, v3, v60  }
0x116: {  	vm14 =	veq.s32 v4, v62;
	v4 =	vsel vm13, v3, v16;
	[tilespmem:$0x898] =	vst v5  }
0x117: {  	v5 =	vsel vm14, v3, v62;
	[tilespmem:$0x888] =	vst v4  }
0x118: {  	s13 =	sadd.s32 s12, s17;
	[tilespmem:$0x878] =	vst v5  }
0x119: {  	[hbm4b:s13+s2] =	stream.linear.scatter [tilespmem:s4], [sflag:$0x2], $0x80, $0x38;
	[tilespmem:$0xBB8] =	vst v63  }
0x11a: {  	_ =	swait.ge [sflag:s26], $0x80  }
0x11b: {  	[sflag:s26] =	ssyncset.done $0x0  }
0x11c: {  	s23 =	sadd.s32 s12, s16;
	[sflag:s26] =	ssyncadd.s32 $0xFFFFFF80  }
0x11d: {  	[hbm4b:s23+s2] =	stream.linear.scatter [tilespmem:s31], [sflag:$0x2], $0x80, $0x38;
	[tilespmem:$0xBB8] =	vst v63  }
0x11e: {  	_ =	swait.ge [sflag:s26], $0x80  }
0x11f: {  	[sflag:s26] =	ssyncset.done $0x0  }
0x120: {  	[sflag:s26] =	ssyncadd.s32 $0xFFFFFF80  }
0x121: {  	[spmem:s1] =	stream.indirect.scatter.add.f32 [tilespmem:s30], [sflag:$0x1], $0x1, s31, s28, $0xb8;
	[tilespmem:$0xBB8] =	vst v63  }
0x122: {  	_ =	swait.ge [sflag:s0], $0x80  }
0x123: {  	[sflag:s0] =	ssyncset.done $0x0  }
0x124: {  	[sflag:s0] =	ssyncadd.s32 $0xFFFFFF80  }
0x125: {  	_ =	swait.ge [sflag:s0], $0x80  }
0x126: {  	[sflag:s0] =	ssyncset.done $0x0  }
0x127: {  	s13 =	rddreg [dreg:$0x4];
	[sflag:s0] =	ssyncadd.s32 $0xFFFFFF80  }
0x128: {  	[tilespmem:s6], [sflag:$0x2] =	stream.linear.gather [hbm4b:s13+s2], $0x10, $0x38;
	[tilespmem:$0xBB8] =	vst v63  }
0x129: {  	_ =	swait.ge [sflag:s26], $0x10  }
0x12a: {  	[sflag:s26] =	ssyncset.done $0x0  }
0x12b: {  	s23 =	simm.s32 $0x908;
	s22 =	rddreg [dreg:$0x5];
	[sflag:s26] =	ssyncadd.s32 $0xFFFFFFF0  }
0x12c: {  	[tilespmem:s23], [sflag:$0x2] =	stream.linear.gather [hbm4b:s22+s2], $0x10, $0x38;
	[tilespmem:$0xBB8] =	vst v63  }
0x12d: {  	_ =	swait.ge [sflag:s26], $0x10  }
0x12e: {  	[sflag:s26] =	ssyncset.done $0x0  }
0x12f: {  	[sflag:s26] =	ssyncadd.s32 $0xFFFFFFF0  }
0x130: {  	v4 =	vld [tilespmem:$0x8F8]  }
0x131: {  	v5 =	vld [tilespmem:$0x908];
	_ =	sdelay $0x4  }
0x132: {  	vm15 =	veq.s32 v4, v5  }
0x133: {  	v4 =	vsel vm15, v3, v5  }
0x134: {  	s22 =	rddreg [dreg:$0x6];
	[tilespmem:$0x918] =	vst v4  }
0x135: {  	[hbm4b:s22+s2] =	stream.linear.scatter [tilespmem:s6], [sflag:$0x2], $0x10, $0x38;
	[tilespmem:$0xBB8] =	vst v63  }
0x136: {  	_ =	swait.ge [sflag:s26], $0x10  }
0x137: {  	[sflag:s26] =	ssyncset.done $0x0  }
0x138: {  	s23 =	rddreg [dreg:$0x7];
	[sflag:s26] =	ssyncadd.s32 $0xFFFFFFF0  }
0x139: {  	[hbm4b:s23+s2] =	stream.linear.scatter [tilespmem:s7], [sflag:$0x2], $0x10, $0x38;
	[tilespmem:$0xBB8] =	vst v63  }
0x13a: {  	_ =	swait.ge [sflag:s26], $0x10  }
0x13b: {  	[sflag:s26] =	ssyncset.done $0x0  }
0x13c: {  	s13 =	rddreg [dreg:$0x8];
	[sflag:s26] =	ssyncadd.s32 $0xFFFFFFF0  }
0x13d: {  	[hbm4b:s13+s2] =	stream.linear.scatter [tilespmem:s8], [sflag:$0x2], $0x70, $0x38;
	[tilespmem:$0xBB8] =	vst v63  }
0x13e: {  	_ =	swait.ge [sflag:s26], $0x70  }
0x13f: {  	[sflag:s26] =	ssyncset.done $0x0  }
0x140: {  	s22 =	rddreg [dreg:$0x9];
	[sflag:s26] =	ssyncadd.s32 $0xFFFFFF90  }
0x141: {  	[hbm4b:s22+s2] =	stream.linear.scatter [tilespmem:s8], [sflag:$0x2], $0x70, $0x38;
	[tilespmem:$0xBB8] =	vst v63  }
0x142: {  	_ =	swait.ge [sflag:s26], $0x70  }
0x143: {  	[sflag:s26] =	ssyncset.done $0x0  }
0x144: {  	s23 =	rddreg [dreg:$0xa];
	[sflag:s26] =	ssyncadd.s32 $0xFFFFFF90  }
0x145: {  	[hbm4b:s23+s2] =	stream.linear.scatter [tilespmem:s9], [sflag:$0x2], $0x80, $0x38;
	[tilespmem:$0xBB8] =	vst v63  }
0x146: {  	_ =	swait.ge [sflag:s26], $0x80  }
0x147: {  	[sflag:s26] =	ssyncset.done $0x0  }
0x148: {  	s13 =	rddreg [dreg:$0xb];
	[sflag:s26] =	ssyncadd.s32 $0xFFFFFF80  }
0x149: {  	[hbm4b:s13+s2] =	stream.linear.scatter [tilespmem:s9], [sflag:$0x2], $0x80, $0x38;
	[tilespmem:$0xBB8] =	vst v63  }
0x14a: {  	_ =	swait.ge [sflag:s26], $0x80  }
0x14b: {  	[sflag:s26] =	ssyncset.done $0x0  }
0x14c: {  	s22 =	simm.s32 $0x10;
	s23 =	simm.s32 $0x928;
	[sflag:s26] =	ssyncadd.s32 $0xFFFFFF80  }
0x14d: {  	[spmem:s1] =	stream.indirect.scatter.add.f32 [tilespmem:s23], [sflag:$0x2], $0x1, s7, s22, $0xb8;
	[tilespmem:$0xBB8] =	vst v63  }
0x14e: {  	_ =	swait.ge [sflag:s26], $0x10  }
0x14f: {  	[sflag:s26] =	ssyncset.done $0x0  }
0x150: {  	[sflag:s26] =	ssyncadd.s32 $0xFFFFFFF0  }
0x151: {  	[bflag:$0x0] =	sbarrier.arrive $0xFFFF  }
0x152: {  	s22 =	rddreg [dreg:$0xc]  }
0x153: {  	[tilespmem:s10], [sflag:$0x2] =	stream.linear.gather [spmem:s22], $0x270, $0x38;
	[tilespmem:$0xBB8] =	vst v63  }
0x154: {  	_ =	swait.ge [sflag:s26], $0x270  }
0x155: {  	[sflag:s26] =	ssyncset.done $0x0  }
0x156: {  	s23 =	rddreg [dreg:$0xd];
	[sflag:s26] =	ssyncadd.s32 $0xFFFFFD90  }
0x157: {  	[hbm4b:s23+s2] =	stream.linear.scatter [tilespmem:s10], [sflag:$0x2], $0x270, $0x38;
	[tilespmem:$0xBB8] =	vst v63  }
0x158: {  	_ =	swait.ge [sflag:s26], $0x270  }
0x159: {  	[sflag:s26] =	ssyncset.done $0x0  }
0x15a: {  	s12 =	simm.s32 @!p0 $0xBA8;
	s13 =	rddreg [dreg:$0xe];
	[sflag:s26] =	ssyncadd.s32 $0xFFFFFD90  }
0x15b: {  	[tilespmem:s12], [sflag:$0x2] =	stream.linear.gather @!p0 [spmem:s13], $0x10, $0x38;
	[tilespmem:$0xBB8] =	vst v63  }
0x15c: {  	s13 =	simm.s32 @!p0 $0x2  }
0x15d: {  	s11 =	sadd.s32 $0x1, s11;
	_ =	swait.ge @!p0 [sflag:s13], $0x10  }
0x15e: {  	p1 =	sne.s32 s11, s24;
	s22 =	simm.s32 @!p0 $0x0;
	[sflag:s13] =	ssyncset.done @!p0 $0x0  }
.Ltmp1:
0x15f: {  	s23 =	rddreg [dreg:$0xf];
	[sflag:s13] =	ssyncadd.s32 @!p0 $0xFFFFFFF0;
	(pc) =	sbr.rel @p1 .LBB2_1-.Ltmp1, $4  }
0x160: {  	[hbm4b:s23+s22] =	stream.linear.scatter @!p0 [tilespmem:s12], [sflag:$0x2], $0x10, $0x38;
	[tilespmem:$0xBB8] =	vst v63  }
0x161: {  	_ =	swait.ge @!p0 [sflag:s13], $0x10  }
0x162: {  	[sflag:s13] =	ssyncset.done @!p0 $0x0  }
0x163: {  	[sflag:s13] =	ssyncadd.s32 @!p0 $0xFFFFFFF0  }
0x164: {  	_ =	sfence.sel $0x180000  }
0x165: {  	[bflag:$0x0] =	sbarrier.arrive $0xFFFF  }
0x166: {  	_ =	strace $0x90000047  }
0x167: {  	[bflag:$0x2] =	sbarrier.arrive $0xFFFF  }
0x168: {  	s0 =	rddreg [dreg:$0x2]  }
0x169: {  	s0 =	sadd.s32 @!p0 $0x100000, s0  }
0x16a: {  	[sflag:s0] =	ssyncadd.tile.s32 @!p0 $0x1;
	_ =	shalt  }
.Lfunc_end2:
_tile_overlayer_lowered:
.L_overlay_start_2:
0x16b: {  	(tag) =	ssettag $0x2  }
0x16c: {  	s0 =	rddreg [dreg:$0x0];
	s2 =	stileid.u32  }
0x16d: {  	s1 =	rddreg [dreg:$0x1];
	p0 =	sne.s32 s2, $0x0  }
0x16e: {  	s3 =	rddreg [dreg:$0x2];
	[bflag:$0x3] =	sbarrier.arrive $0xFFFF;
	s2 =	simm.s32 @!p0 $0x1C02  }
0x16f: {  	[timem:s3], [sflag:s2] =	dma.local @!p0 [hbm:s0], s1  }
0x170: {  	s0 =	simm.s32 @!p0 $0x2  }
0x171: {  	_ =	swait.ge @!p0 [sflag:s0], s1  }
0x172: {  	s1 =	ssub.s32 @!p0 $0x0, s1;
	[sflag:s0] =	ssyncset.done @!p0 $0x0  }
0x173: {  	[sflag:s0] =	ssyncadd.s32 @!p0 s1  }
0x174: {  	[bflag:$0x3] =	sbarrier.arrive $0xFFFF  }
0x175: {  	_ =	shalt  }

// kernel: kernel.19.cloned.1.call-start
scs
__scs_entry_jumppad:
0x0: {  	(pc) =	sbr.rel $0x88, $3  }
0x1: {  	(tag) =	ssettag $0x0;
	lr =	simm.s32 $0x1  }
0x2: {  	[smem:$0x3F8E] =	sst lr;
	_ =	strace $0xD0000000  }
0x3: {  	_ = 	snop  }
0x4: {  	_ = 	snop  }
0x5: {  	_ = 	snop  }
0x6: {  	_ = 	snop  }
0x7: {  	_ = 	snop  }
__scs_overlays_trampoline_lowered:
0x8: {  	[smem:$0x3F9D] =	sst s0  }
0x9: {  	[smem:$0x3F9E] =	sst s1  }
0xa: {  	[smem:$0x3F9F] =	sst s2  }
0xb: {  	[smem:$0x3FA0] =	sst s3  }
0xc: {  	[smem:$0x3FA1] =	sst s4  }
0xd: {  	[smem:$0x3FA2] =	sst s5  }
0xe: {  	[smem:$0x3FA3] =	sst s6  }
0xf: {  	[smem:$0x3FA4] =	sst s7  }
0x10: {  	[smem:$0x3FA5] =	sst s8  }
0x11: {  	[smem:$0x3FA6] =	sst s9;
	s0 =	simm.s32 @!p0 $0x0  }
0x12: {  	s1 =	sld [smem:$0x3F8C];
	s0 =	simm.s32 @p0 $0x1  }
0x13: {  	[smem:$0x3FA7] =	sst s0;
	s0 =	simm.s32 @!p1 $0x0  }
0x14: {  	s2 =	sld [smem:$0x3F8B];
	s0 =	simm.s32 @p1 $0x1  }
0x15: {  	[smem:$0x3FA8] =	sst s0;
	s0 =	simm.s32 @!p2 $0x0  }
0x16: {  	s3 =	sld [smem:$0x3FDB];
	s0 =	simm.s32 @p2 $0x1  }
0x17: {  	s4 =	simm.s32 $0x1BF5;
	[smem:$0x3FAA] =	sst s0  }
0x18: {  	s0 =	sld [smem:$0x3F8D];
	_ =	swait.ge [sflag:s4], $0x0  }
0x19: {  	s7 =	sld [smem:$0x3F8E]  }
0x1a: {  	s8 =	sadd.s32 $0xFFFFE003, lr  }
0x1b: {  	s9 =	sadd.s32 $0xFFFFFEF7, lr;
	s5 =	simm.s32 $0xFFFFFFFF;
	p2 =	slt.u32 s8, $0xFFFFF086  }
0x1c: {  	p1 =	slt.u32 s9, $0xF7A;
	s5 =	simm.s32 @!p2 $0x0  }
0x1d: {  	s5 =	simm.s32 @p1 $0x1;
	p0 =	seq.s32 s7, s2  }
0x1e: {  	s7 =	smul.u32 @!p0 $0xF7A, s2;
	p2 =	seq.s32 @!p0 s5, $0x0  }
0x1f: {  	s9 =	smul.u32 $0xF7A, s1;
	s8 =	simm.s32 @!p0 $0x1BF5;
	p2 =	por !p2, p0  }
0x20: {  	[sflag:s8] =	ssyncset.s32 @!p0 $0xFFFFF086;
	s6 =	sadd.s32 @!p0 s3, s7;
	s7 =	simm.s32 @!p0 $0x108  }
0x21: {  	s3 =	sadd.s32 s3, s9;
	s6 =	sadd.s32 @!p0 $0x88, s6;
	s7 =	simm.s32 @p2 $0x1082  }
0x22: {  	[simem:s7], [sflag:s8] =	dma.local @!p0 [hbm:s6], $0xF7A  }
0x23: {  	s9 =	sor.u32 $0xD0000000, s2;
	s6 =	simm.s32 $0x108;
	_ =	swait.ge @!p0 [sflag:s8], $0x0  }
0x24: {  	s3 =	sadd.s32 $0x88, s3;
	s6 =	simm.s32 @!p1 $0x1082;
	[sflag:s4] =	ssyncset.s32 $0xFFFFF086  }
0x25: {  	[simem:s6], [sflag:s4] =	dma.local [hbm:s3], $0xF7A  }
0x26: {  	[smem:$0x3F8E] =	sst s1;
	(tag) =	ssettag s2;
	_ =	strace s9  }
0x27: {  	s1 =	sld [smem:$0x3F9E]  }
0x28: {  	s2 =	sld [smem:$0x3F9F]  }
0x29: {  	s4 =	sld [smem:$0x3FA1]  }
0x2a: {  	p0 =	seq.s32 s5, $0x0;
	s5 =	sld [smem:$0x3FA2]  }
0x2b: {  	s6 =	sld [smem:$0x3FA3]  }
0x2c: {  	s7 =	sld [smem:$0x3FA4]  }
0x2d: {  	s3 =	simm.s32 $0x108;
	s8 =	sld [smem:$0x3FA5]  }
0x2e: {  	s3 =	simm.s32 @!p0 $0x1082;
	s9 =	sld [smem:$0x3FA6]  }
0x2f: {  	lr =	sadd.s32 s0, s3;
	s0 =	sld [smem:$0x3F9D]  }
0x30: {  	s3 =	sld [smem:$0x3FA0]  }
0x31: {  	[smem:$0x3FA9] =	sst s10  }
0x32: {  	s10 =	sld [smem:$0x3FA7];
	_ =	sdelay $0x3  }
0x33: {  	p0 =	seq.s32 s10, $0x1;
	s10 =	sld [smem:$0x3FA9];
	_ =	sdelay $0x3  }
0x34: {  	[smem:$0x3FA9] =	sst s10  }
0x35: {  	s10 =	sld [smem:$0x3FA8];
	_ =	sdelay $0x3  }
0x36: {  	p1 =	seq.s32 s10, $0x1;
	s10 =	sld [smem:$0x3FA9];
	_ =	sdelay $0x3  }
0x37: {  	[smem:$0x3FA9] =	sst s10  }
0x38: {  	s10 =	sld [smem:$0x3FAA]  }
0x39: {  	_ = 	snop;
	(pc) =	sbr.ind lr, $3  }
0x3a: {  	_ = 	snop  }
0x3b: {  	_ = 	snop  }
0x3c: {  	p2 =	seq.s32 s10, $0x1;
	s10 =	sld [smem:$0x3FA9]  }
0x3d: {  	_ =	shalt  }
0x3e: {  	_ =	shalt  }
0x3f: {  	_ =	shalt  }
0x40: {  	_ =	shalt  }
0x41: {  	_ =	shalt  }
0x42: {  	_ =	shalt  }
0x43: {  	_ =	shalt  }
0x44: {  	_ =	shalt  }
0x45: {  	_ =	shalt  }
0x46: {  	_ =	shalt  }
0x47: {  	_ =	shalt  }
0x48: {  	_ =	shalt  }
0x49: {  	_ =	shalt  }
0x4a: {  	_ =	shalt  }
0x4b: {  	_ =	shalt  }
0x4c: {  	_ =	shalt  }
0x4d: {  	_ =	shalt  }
0x4e: {  	_ =	shalt  }
0x4f: {  	_ =	shalt  }
0x50: {  	_ =	shalt  }
0x51: {  	_ =	shalt  }
0x52: {  	_ =	shalt  }
0x53: {  	_ =	shalt  }
0x54: {  	_ =	shalt  }
0x55: {  	_ =	shalt  }
0x56: {  	_ =	shalt  }
0x57: {  	_ =	shalt  }
0x58: {  	_ =	shalt  }
0x59: {  	_ =	shalt  }
0x5a: {  	_ =	shalt  }
0x5b: {  	_ =	shalt  }
0x5c: {  	_ =	shalt  }
0x5d: {  	_ =	shalt  }
0x5e: {  	_ =	shalt  }
0x5f: {  	_ =	shalt  }
0x60: {  	_ =	shalt  }
0x61: {  	_ =	shalt  }
0x62: {  	_ =	shalt  }
0x63: {  	_ =	shalt  }
0x64: {  	_ =	shalt  }
0x65: {  	_ =	shalt  }
0x66: {  	_ =	shalt  }
0x67: {  	_ =	shalt  }
0x68: {  	_ =	shalt  }
0x69: {  	_ =	shalt  }
0x6a: {  	_ =	shalt  }
0x6b: {  	_ =	shalt  }
0x6c: {  	_ =	shalt  }
0x6d: {  	_ =	shalt  }
0x6e: {  	_ =	shalt  }
0x6f: {  	_ =	shalt  }
0x70: {  	_ =	shalt  }
0x71: {  	_ =	shalt  }
0x72: {  	_ =	shalt  }
0x73: {  	_ =	shalt  }
0x74: {  	_ =	shalt  }
0x75: {  	_ =	shalt  }
0x76: {  	_ =	shalt  }
0x77: {  	_ =	shalt  }
0x78: {  	_ =	shalt  }
0x79: {  	_ =	shalt  }
0x7a: {  	_ =	shalt  }
0x7b: {  	_ =	shalt  }
0x7c: {  	_ =	shalt  }
0x7d: {  	_ =	shalt  }
0x7e: {  	_ =	shalt  }
0x7f: {  	_ =	shalt  }
0x80: {  	_ =	shalt  }
0x81: {  	_ =	shalt  }
0x82: {  	_ =	shalt  }
0x83: {  	_ =	shalt  }
0x84: {  	_ =	shalt  }
0x85: {  	_ =	shalt  }
0x86: {  	_ =	shalt  }
0x87: {  	_ =	shalt  }
.Lfunc_end0:
.L_simem_size_0:
called_computation.1_lowered:
.L_overlay_start_0:
0x88: {  	s2 =	sld [smem:$0x3FD9]  }
0x89: {  	s3 =	sld [smem:$0x3FFE];
	_ =	sdelay $0x1  }
0x8a: {  	s1 =	srdreg.scid  }
0x8b: {  	s0 =	sand.u32 $0x1, s1  }
0x8c: {  	s16 =	sshll.u32 s0, $0xA;
	s2 =	sadd.s32 s3, s2  }
0x8d: {  	s2 =	sadd.s32 s2, s16  }
0x8e: {  	[smem:$0x3FB5] =	sst s2  }
0x8f: {  	_ = 	snop  }
0x90: {  	(tm) =	ssettm $0x1  }
0x91: {  	s17 =	sld [smem:$0x3FFB];
	_ =	sdelay $0x3  }
0x92: {  	_ =	strace s17  }
0x93: {  	s2 =	sld [smem:$0x3FFC];
	_ =	sdelay $0x3  }
0x94: {  	_ =	strace s2  }
0x95: {  	s2 =	sld [smem:$0x3FFD];
	_ =	sdelay $0x3  }
0x96: {  	_ =	strace s2  }
0x97: {  	_ =	strace $0x8FFFFFFF  }
0x98: {  	s18 =	sld [smem:$0x3FDB];
	_ =	sdelay $0x1  }
0x99: {  	s19 =	simm.s32 $_scs_section_size  }
0x9a: {  	s4 =	simm.s32 $_size__tile_overlayer_lowered;
	s5 =	simm.s32 $_tile_overlayer_lowered  }
0x9b: {  	s22 =	simm.s32 $0x1BFF;
	s21 =	sshll.u32 s5, $0x1;
	s2 =	sadd.s32 s19, s18  }
0x9c: {  	s6 =	simm.s32 $0x0;
	s20 =	sshll.u32 s4, $0x1;
	s4 =	sadd.s32 s21, s2  }
0x9d: {  	[timem:s6], [sflag:s22] =	dma.local [hbm:s4], s20  }
0x9e: {  	_ =	swait.ge [sflag:s22], s20  }
0x9f: {  	s3 =	ssub.s32 $0x0, s20;
	[sflag:s22] =	ssyncset.done $0x0  }
0xa0: {  	[sflag:s22] =	ssyncadd.s32 s3;
	_ =	sdelay $0x1  }
0xa1: {  	s23 =	simm.s32 $0x1B8B  }
0xa2: {  	_ =	swait.ge [sflag:s23], $0x1  }
0xa3: {  	[sflag:s23] =	ssyncset.done $0x0  }
0xa4: {  	s25 =	simm.s32 $0x1B8E;
	s24 =	sld [smem:$0x3FFE];
	[sflag:s23] =	ssyncadd.s32 $0xFFFFFFFF  }
0xa5: {  	s26 =	simm.s32 $execute0_lowered;
	[smem:$0x3FD2] =	sst s25  }
0xa6: {  	s4 =	sshll.u32 s26, $0x1;
	_ =	strace $0x80000049;
	[dreg:$0x1] =	wrdreg $0xFFFFFFFF  }
0xa7: {  	s28 =	simm.s32 $_size_execute0_lowered;
	s2 =	sadd.s32 s2, s4;
	[dreg:$0x0] =	wrdreg $0x0  }
0xa8: {  	s4 =	sshll.u32 s28, $0x1;
	[dreg:$0x2] =	wrdreg s2  }
0xa9: {  	[dreg:$0x3] =	wrdreg s4  }
0xaa: {  	[dreg:$0x4] =	wrdreg $0xC0  }
0xab: {  	_ =	task [dreg:s6], $0x5FFFF  }
0xac: {  	[dreg:$0x1] =	wrdreg $0xFFFFFFFF  }
0xad: {  	[dreg:$0x0] =	wrdreg $0x60  }
0xae: {  	[dreg:$0x2] =	wrdreg s24  }
0xaf: {  	[dreg:$0x3] =	wrdreg $0x0  }
0xb0: {  	[dreg:$0x4] =	wrdreg $0x9  }
0xb1: {  	_ =	task.clear_ibuf [dreg:s6], $0x5FFFF;
	_ =	strace $0x90000049  }
0xb2: {  	s29 =	simm.s32 $0x9;
	_ =	strace $0x8000004B  }
0xb3: {  	_ =	swait.ge [sflag:s29], $0x1  }
0xb4: {  	[sflag:s29] =	ssyncadd.s32 $0xFFFFFFFF  }
0xb5: {  	_ =	strace $0x9000004B  }
0xb6: {  	_ =	sfence  }
0xb7: {  	s30 =	sld [smem:$0x0];
	_ =	sdelay $0x2  }
0xb8: {  	s31 =	sshll.u32 s1, $0xD;
	s1 =	sshrl.u32 s1, $0x2  }
0xb9: {  	s3 =	sand.u32 $0x4000, s31;
	s1 =	sadd.s32 s1, s30  }
0xba: {  	s0 =	sor.u32 s3, s0;
	s1 =	sshll.u32 s1, $0x11  }
0xbb: {  	s0 =	sor.u32 s1, s0  }
0xbc: {  	s0 =	sadd.s32 $0x8F2B, s0  }
0xbd: {  	[sflag:s0] =	ssyncadd.remote.s32 $0x1  }
0xbe: {  	_ =	sfence.sel $0xFFFF  }
0xbf: {  	[dreg:$0x0] =	wrdreg $0xFFFFFFFF;
	(pc) =	sbr.abs _section_cstart, $3  }
0xc0: {  	[dreg:$0x1] =	wrdreg $0xFFFFFFFF  }
0xc1: {  	_ =	task.clear_ibuf [dreg:s6], $0x2FFFF;
	_ =	strace $0x9FFFFFFF  }
0xc2: {  	(tm) =	ssettm $0x7FFFFFFF  }
0xc3: {  	_ =	shalt  }
tec
execute0_lowered:
.L_overlay_start_1:
0x0: {  	(tag) =	ssettag $0x1  }
0x1: {  	s0 =	rddreg [dreg:$0x0]  }
0x2: {  	s1 =	rddreg [dreg:$0x1];
	s2 =	simm.s32 $0x0  }
0x3: {  	s4 =	srdreg.scid;
	s17 =	stileid.u32;
	s15 =	simm.s32 $0x5  }
0x4: {  	s16 =	simm.s32 $0x9E00;
	s18 =	simm.s32 $0x80;
	s19 =	simm.s32 $0xEE00  }
0x5: {  	s21 =	simm.s32 $0x1;
	s22 =	simm.s32 $0x4;
	s28 =	simm.s32 $0x10E10  }
0x6: {  	s29 =	simm.s32 $0x10;
	s30 =	simm.s32 $0x10E20;
	s31 =	simm.s32 $0x0  }
0x7: {  	[smem:$0x7FF] =	sst s2;
	s3 =	sadd.s32 $0x5600, s0;
	s4 =	sand.u32 $0x1, s4  }
0x8: {  	s7 =	sadd.s32 $0x19C00, s0;
	s8 =	smul.u32 $0x13C00, s17;
	s9 =	sadd.s32 $0x23C00, s0  }
0x9: {  	s0 =	sadd.s32 $0x7C000, s0;
	s23 =	smul.u32 $0x4E00, s17;
	p0 =	sne.s32 s17, $0x0  }
0xa: {  	_ =	strace $0x8000004A;
	s5 =	sshll.u32 s4, $0x4;
	s6 =	ssub.s32 $0x2, s4  }
0xb: {  	s11 =	smul.u32 $0x4E200, s4;
	s5 =	sor.u32 s17, s5;
	s10 =	sshrl.u32 s6, $0x1  }
0xc: {  	s24 =	sshrl.u32 s8, $0x2;
	s5 =	smul.u32 $0x2800, s5;
	s13 =	ssub.s32 s6, s10  }
0xd: {  	s4 =	sadd.s32 s24, s1;
	s14 =	sadd.s32 s23, s11;
	s11 =	sshrl.u32 s11, $0x3  }
0xe: {  	s24 =	simm.s32 $0x2;
	s26 =	sshrl.u32 s14, $0x3;
	s13 =	smax.u32 s13, $0x1  }
0xf: {  	s14 =	simm.s32 $0x4F00;
	s25 =	sshrl.u32 s5, $0x3;
	s10 =	sadd.s32 s0, s26  }
0x10: {  	s0 =	sadd.s32 s0, s11;
	s11 =	sadd.s32 $0x4E000, s1;
	s26 =	simm.s32 $0x10E00  }
0x11: {  	s5 =	sadd.s32 s7, s25;
	s12 =	sadd.s32 $0x4E0, s25;
	s6 =	sadd.s32 s9, s25  }
0x12: {  	s25 =	simm.s32 $0x3;
	s7 =	sadd.s32 s7, s12;
	s8 =	sadd.s32 s9, s12  }
0x13: {  	v0 =	vimm.f32 $0.0e+00;
	s9 =	sadd.s32 s23, s1;
	s12 =	sadd.s32 $0x9C00, s0;
	s23 =	simm.s32 $0xFE00  }
.LBB2_1:
0x14: {  	s0 =	simm.s32 $0x80;
	s17 =	simm.s32 $0x0  }
.LBB2_2:
0x15: {  	p1 =	sne.s32 s0, $0x13B80;
	[tilespmem:s17+$0x4F00] =	vst v0;
	s20 =	smov.u32 s0;
	s0 =	sadd.s32 $0x80, s0  }
.Ltmp0:
0x16: {  	[tilespmem:s17+$0x4F10] =	vst v0;
	(pc) =	sbr.rel @p1 .LBB2_2-.Ltmp0, $2  }
0x17: {  	_ =	sdelay $0x2  }
0x18: {  	s17 =	sshra.s32 s20, $0x2  }
0x19: {  	[tilespmem:s17+$0x4F00] =	vst v0  }
0x1a: {  	[tilespmem:s17+$0x4F10] =	vst v0  }
0x1b: {  	[spmem:s4] =	stream.linear.scatter [tilespmem:s14], [sflag:$0x5], $0x4F00, $0x38;
	[tilespmem:$0x11020] =	vst v63  }
0x1c: {  	_ =	swait.ge [sflag:s15], $0x4F00  }
0x1d: {  	[sflag:s15] =	ssyncset.done $0x0  }
0x1e: {  	s0 =	simm.s32 $0x0;
	[sflag:s15] =	ssyncadd.s32 $0xFFFFB100  }
0x1f: {  	[tilespmem:s16], [sflag:$0x5] =	stream.linear.gather [hbm4b:s5+s0], $0x2800, $0x38;
	[tilespmem:$0x11020] =	vst v63  }
0x20: {  	_ =	swait.ge [sflag:s15], $0x2800  }
0x21: {  	[sflag:s15] =	ssyncset.done $0x0  }
0x22: {  	s20 =	simm.s32 $0xC600;
	[sflag:s15] =	ssyncadd.s32 $0xFFFFD800  }
0x23: {  	[tilespmem:s20], [sflag:$0x5] =	stream.linear.gather [hbm4b:s6+s0], $0x2800, $0x38;
	[tilespmem:$0x11020] =	vst v63  }
0x24: {  	_ =	swait.ge [sflag:s15], $0x2800  }
0x25: {  	[sflag:s15] =	ssyncset.done $0x0  }
0x26: {  	[sflag:s15] =	ssyncadd.s32 $0xFFFFD800  }
0x27: {  	[bflag:$0x0] =	sbarrier.arrive $0xFFFF  }
0x28: {  	[tilespmem:s19], [sflag:$0x1] =	stream.indirect.gather [hbm4b:s3+s18], $0x20, s16, s18, $0xb8;
	[tilespmem:$0x11020] =	vst v63  }
0x29: {  	s17 =	simm.s32 $0xED80  }
0x2a: {  	[spmem:s1] =	stream.indirect.scatter.add.f32 [tilespmem:s14], [sflag:$0x4], $0x20, s17, s18, $0xb8;
	[tilespmem:$0x11020] =	vst v63  }
0x2b: {  	_ =	swait.ge [sflag:s21], $0x1000  }
0x2c: {  	[sflag:s21] =	ssyncset.done $0x0  }
0x2d: {  	[sflag:s21] =	ssyncadd.s32 $0xFFFFF000  }
0x2e: {  	_ =	swait.ge [sflag:s22], $0x1000  }
0x2f: {  	[sflag:s22] =	ssyncset.done $0x0  }
0x30: {  	s20 =	simm.s32 $0x9E80;
	[sflag:s22] =	ssyncadd.s32 $0xFFFFF000  }
0x31: {  	[tilespmem:s23], [sflag:$0x2] =	stream.indirect.gather [hbm4b:s3+s18], $0x20, s20, s18, $0xb8;
	[tilespmem:$0x11020] =	vst v63  }
0x32: {  	s17 =	simm.s32 $0xC600  }
0x33: {  	[spmem:s1] =	stream.indirect.scatter.add.f32 [tilespmem:s19], [sflag:$0x3], $0x20, s17, s18, $0xb8;
	[tilespmem:$0x11020] =	vst v63  }
0x34: {  	_ =	swait.ge [sflag:s24], $0x1000  }
0x35: {  	[sflag:s24] =	ssyncset.done $0x0  }
0x36: {  	[sflag:s24] =	ssyncadd.s32 $0xFFFFF000  }
0x37: {  	_ =	swait.ge [sflag:s25], $0x1000  }
0x38: {  	s0 =	simm.s32 $0x400;
	[sflag:s25] =	ssyncset.done $0x0  }
0x39: {  	s20 =	simm.s32 $0x9F00;
	s17 =	simm.s32 $0xC680;
	[sflag:s25] =	ssyncadd.s32 $0xFFFFF000  }
0x3a: {  	[tilespmem:s19], [sflag:$0x1] =	stream.indirect.gather [hbm4b:s3+s18], $0x20, s20, s18, $0xb8;
	[tilespmem:$0x11020] =	vst v63  }
.LBB2_4:
0x3b: {  	[spmem:s1] =	stream.indirect.scatter.add.f32 [tilespmem:s23], [sflag:$0x4], $0x20, s17, s18, $0xb8;
	[tilespmem:$0x11020] =	vst v63  }
0x3c: {  	s17 =	smov.u32 s0  }
0x3d: {  	p1 =	sne.s32 s0, $0x9800;
	s0 =	sadd.s32 $0x400, s0;
	_ =	swait.ge [sflag:s21], $0x1000  }
0x3e: {  	[sflag:s21] =	ssyncset.done $0x0  }
0x3f: {  	[sflag:s21] =	ssyncadd.s32 $0xFFFFF000  }
0x40: {  	_ =	swait.ge [sflag:s22], $0x1000  }
0x41: {  	s17 =	sshra.s32 s17, $0x2;
	[sflag:s22] =	ssyncset.done $0x0  }
0x42: {  	s20 =	sadd.s32 $0x9E80, s17;
	[sflag:s22] =	ssyncadd.s32 $0xFFFFF000  }
0x43: {  	[tilespmem:s23], [sflag:$0x2] =	stream.indirect.gather [hbm4b:s3+s18], $0x20, s20, s18, $0xb8;
	[tilespmem:$0x11020] =	vst v63  }
0x44: {  	s20 =	sadd.s32 $0xC600, s17  }
0x45: {  	[spmem:s1] =	stream.indirect.scatter.add.f32 [tilespmem:s19], [sflag:$0x3], $0x20, s20, s18, $0xb8;
	[tilespmem:$0x11020] =	vst v63  }
0x46: {  	_ =	swait.ge [sflag:s24], $0x1000  }
0x47: {  	[sflag:s24] =	ssyncset.done $0x0  }
0x48: {  	[sflag:s24] =	ssyncadd.s32 $0xFFFFF000  }
.Ltmp1:
0x49: {  	_ =	swait.ge [sflag:s25], $0x1000;
	(pc) =	sbr.rel @p1 .LBB2_4-.Ltmp1, $4  }
0x4a: {  	[sflag:s25] =	ssyncset.done $0x0  }
0x4b: {  	s20 =	sadd.s32 $0x9F00, s17;
	[sflag:s25] =	ssyncadd.s32 $0xFFFFF000  }
0x4c: {  	[tilespmem:s19], [sflag:$0x1] =	stream.indirect.gather [hbm4b:s3+s18], $0x20, s20, s18, $0xb8;
	[tilespmem:$0x11020] =	vst v63  }
0x4d: {  	s17 =	sadd.s32 $0xC680, s17  }
0x4e: {  	[spmem:s1] =	stream.indirect.scatter.add.f32 [tilespmem:s23], [sflag:$0x4], $0x20, s17, s18, $0xb8;
	[tilespmem:$0x11020] =	vst v63  }
0x4f: {  	_ =	swait.ge [sflag:s21], $0x1000  }
0x50: {  	[sflag:s21] =	ssyncset.done $0x0  }
0x51: {  	[sflag:s21] =	ssyncadd.s32 $0xFFFFF000  }
0x52: {  	_ =	swait.ge [sflag:s22], $0x1000  }
0x53: {  	[sflag:s22] =	ssyncset.done $0x0  }
0x54: {  	[sflag:s22] =	ssyncadd.s32 $0xFFFFF000  }
0x55: {  	[tilespmem:s26], [sflag:$0x5] =	stream.linear.gather [hbm4b:s7+s2], $0x10, $0x38;
	[tilespmem:$0x11020] =	vst v63  }
0x56: {  	_ =	swait.ge [sflag:s15], $0x10  }
0x57: {  	[sflag:s15] =	ssyncset.done $0x0  }
0x58: {  	[sflag:s15] =	ssyncadd.s32 $0xFFFFFFF0  }
0x59: {  	[tilespmem:s28], [sflag:$0x5] =	stream.linear.gather [hbm4b:s8+s2], $0x10, $0x38;
	[tilespmem:$0x11020] =	vst v63  }
0x5a: {  	_ =	swait.ge [sflag:s15], $0x10  }
0x5b: {  	[sflag:s15] =	ssyncset.done $0x0  }
0x5c: {  	[sflag:s15] =	ssyncadd.s32 $0xFFFFFFF0  }
0x5d: {  	[tilespmem:s30], [sflag:$0x2] =	stream.indirect.gather [hbm4b:s3+s29], $0x20, s26, s29, $0xb8;
	[tilespmem:$0x11020] =	vst v63  }
0x5e: {  	_ =	swait.ge [sflag:s24], $0x200  }
0x5f: {  	[sflag:s24] =	ssyncset.done $0x0  }
0x60: {  	[sflag:s24] =	ssyncadd.s32 $0xFFFFFE00  }
0x61: {  	[spmem:s1] =	stream.indirect.scatter.add.f32 [tilespmem:s30], [sflag:$0x5], $0x20, s28, s29, $0xb8;
	[tilespmem:$0x11020] =	vst v63  }
0x62: {  	_ =	swait.ge [sflag:s15], $0x200  }
0x63: {  	[sflag:s15] =	ssyncset.done $0x0  }
0x64: {  	[sflag:s15] =	ssyncadd.s32 $0xFFFFFE00  }
0x65: {  	[bflag:$0x0] =	sbarrier.arrive $0xFFFF  }
0x66: {  	[tilespmem:s14], [sflag:$0x5] =	stream.linear.gather [spmem:s9], $0x4E00, $0x38;
	[tilespmem:$0x11020] =	vst v63  }
0x67: {  	_ =	swait.ge [sflag:s15], $0x4E00  }
0x68: {  	[sflag:s15] =	ssyncset.done $0x0  }
0x69: {  	[sflag:s15] =	ssyncadd.s32 $0xFFFFB200  }
0x6a: {  	[hbm4b:s10+s2] =	stream.linear.scatter [tilespmem:s14], [sflag:$0x5], $0x4E00, $0x38;
	[tilespmem:$0x11020] =	vst v63  }
0x6b: {  	_ =	swait.ge [sflag:s15], $0x4E00  }
0x6c: {  	[sflag:s15] =	ssyncset.done $0x0  }
0x6d: {  	s0 =	simm.s32 @!p0 $0x10E20;
	s17 =	simm.s32 @!p0 $0x5;
	[sflag:s15] =	ssyncadd.s32 $0xFFFFB200  }
0x6e: {  	[tilespmem:s0], [sflag:$0x5] =	stream.linear.gather @!p0 [spmem:s11], $0x200, $0x38;
	[tilespmem:$0x11020] =	vst v63  }
0x6f: {  	s31 =	sadd.s32 $0x1, s31;
	_ =	swait.ge @!p0 [sflag:s17], $0x200  }
0x70: {  	p1 =	sne.s32 s31, s13;
	[sflag:s17] =	ssyncset.done @!p0 $0x0  }
.Ltmp2:
0x71: {  	s20 =	simm.s32 @!p0 $0x0;
	[sflag:s17] =	ssyncadd.s32 @!p0 $0xFFFFFE00;
	(pc) =	sbr.rel @p1 .LBB2_1-.Ltmp2, $4  }
0x72: {  	[hbm4b:s12+s20] =	stream.linear.scatter @!p0 [tilespmem:s0], [sflag:$0x5], $0x200, $0x38;
	[tilespmem:$0x11020] =	vst v63  }
0x73: {  	_ =	swait.ge @!p0 [sflag:s17], $0x200  }
0x74: {  	[sflag:s17] =	ssyncset.done @!p0 $0x0  }
0x75: {  	[sflag:s17] =	ssyncadd.s32 @!p0 $0xFFFFFE00  }
0x76: {  	_ =	sfence.sel $0x180000  }
0x77: {  	[bflag:$0x0] =	sbarrier.arrive $0xFFFF  }
0x78: {  	_ =	strace $0x9000004A  }
0x79: {  	[bflag:$0x2] =	sbarrier.arrive $0xFFFF  }
0x7a: {  	s0 =	rddreg [dreg:$0x2]  }
0x7b: {  	s0 =	sadd.s32 @!p0 $0x100000, s0  }
0x7c: {  	[sflag:s0] =	ssyncadd.tile.s32 @!p0 $0x1;
	_ =	shalt  }
.Lfunc_end2:
_tile_overlayer_lowered:
.L_overlay_start_2:
0x7d: {  	(tag) =	ssettag $0x2  }
0x7e: {  	s0 =	rddreg [dreg:$0x0];
	s2 =	stileid.u32  }
0x7f: {  	s1 =	rddreg [dreg:$0x1];
	p0 =	sne.s32 s2, $0x0  }
0x80: {  	s3 =	rddreg [dreg:$0x2];
	[bflag:$0x3] =	sbarrier.arrive $0xFFFF;
	s2 =	simm.s32 @!p0 $0x1C05  }
0x81: {  	[timem:s3], [sflag:s2] =	dma.local @!p0 [hbm:s0], s1  }
0x82: {  	s0 =	simm.s32 @!p0 $0x5  }
0x83: {  	_ =	swait.ge @!p0 [sflag:s0], s1  }
0x84: {  	s1 =	ssub.s32 @!p0 $0x0, s1;
	[sflag:s0] =	ssyncset.done @!p0 $0x0  }
0x85: {  	[sflag:s0] =	ssyncadd.s32 @!p0 s1  }
0x86: {  	[bflag:$0x3] =	sbarrier.arrive $0xFFFF  }
0x87: {  	_ =	shalt  }

// kernel: kernel.22.cloned.1.call-start
scs
__scs_entry_jumppad:
0x0: {  	(pc) =	sbr.rel $0x88, $3  }
0x1: {  	(tag) =	ssettag $0x0;
	lr =	simm.s32 $0x1  }
0x2: {  	[smem:$0x3F8E] =	sst lr;
	_ =	strace $0xD0000000  }
0x3: {  	_ = 	snop  }
0x4: {  	_ = 	snop  }
0x5: {  	_ = 	snop  }
0x6: {  	_ = 	snop  }
0x7: {  	_ = 	snop  }
__scs_overlays_trampoline_lowered:
0x8: {  	[smem:$0x3F9D] =	sst s0  }
0x9: {  	[smem:$0x3F9E] =	sst s1  }
0xa: {  	[smem:$0x3F9F] =	sst s2  }
0xb: {  	[smem:$0x3FA0] =	sst s3  }
0xc: {  	[smem:$0x3FA1] =	sst s4  }
0xd: {  	[smem:$0x3FA2] =	sst s5  }
0xe: {  	[smem:$0x3FA3] =	sst s6  }
0xf: {  	[smem:$0x3FA4] =	sst s7  }
0x10: {  	[smem:$0x3FA5] =	sst s8  }
0x11: {  	[smem:$0x3FA6] =	sst s9;
	s0 =	simm.s32 @!p0 $0x0  }
0x12: {  	s1 =	sld [smem:$0x3F8C];
	s0 =	simm.s32 @p0 $0x1  }
0x13: {  	[smem:$0x3FA7] =	sst s0;
	s0 =	simm.s32 @!p1 $0x0  }
0x14: {  	s2 =	sld [smem:$0x3F8B];
	s0 =	simm.s32 @p1 $0x1  }
0x15: {  	[smem:$0x3FA8] =	sst s0;
	s0 =	simm.s32 @!p2 $0x0  }
0x16: {  	s3 =	sld [smem:$0x3FDB];
	s0 =	simm.s32 @p2 $0x1  }
0x17: {  	s4 =	simm.s32 $0x1BF5;
	[smem:$0x3FAA] =	sst s0  }
0x18: {  	s0 =	sld [smem:$0x3F8D];
	_ =	swait.ge [sflag:s4], $0x0  }
0x19: {  	s7 =	sld [smem:$0x3F8E]  }
0x1a: {  	s8 =	sadd.s32 $0xFFFFE003, lr  }
0x1b: {  	s9 =	sadd.s32 $0xFFFFFEF7, lr;
	s5 =	simm.s32 $0xFFFFFFFF;
	p2 =	slt.u32 s8, $0xFFFFF086  }
0x1c: {  	p1 =	slt.u32 s9, $0xF7A;
	s5 =	simm.s32 @!p2 $0x0  }
0x1d: {  	s5 =	simm.s32 @p1 $0x1;
	p0 =	seq.s32 s7, s2  }
0x1e: {  	s7 =	smul.u32 @!p0 $0xF7A, s2;
	p2 =	seq.s32 @!p0 s5, $0x0  }
0x1f: {  	s9 =	smul.u32 $0xF7A, s1;
	s8 =	simm.s32 @!p0 $0x1BF5;
	p2 =	por !p2, p0  }
0x20: {  	[sflag:s8] =	ssyncset.s32 @!p0 $0xFFFFF086;
	s6 =	sadd.s32 @!p0 s3, s7;
	s7 =	simm.s32 @!p0 $0x108  }
0x21: {  	s3 =	sadd.s32 s3, s9;
	s6 =	sadd.s32 @!p0 $0x88, s6;
	s7 =	simm.s32 @p2 $0x1082  }
0x22: {  	[simem:s7], [sflag:s8] =	dma.local @!p0 [hbm:s6], $0xF7A  }
0x23: {  	s9 =	sor.u32 $0xD0000000, s2;
	s6 =	simm.s32 $0x108;
	_ =	swait.ge @!p0 [sflag:s8], $0x0  }
0x24: {  	s3 =	sadd.s32 $0x88, s3;
	s6 =	simm.s32 @!p1 $0x1082;
	[sflag:s4] =	ssyncset.s32 $0xFFFFF086  }
0x25: {  	[simem:s6], [sflag:s4] =	dma.local [hbm:s3], $0xF7A  }
0x26: {  	[smem:$0x3F8E] =	sst s1;
	(tag) =	ssettag s2;
	_ =	strace s9  }
0x27: {  	s1 =	sld [smem:$0x3F9E]  }
0x28: {  	s2 =	sld [smem:$0x3F9F]  }
0x29: {  	s4 =	sld [smem:$0x3FA1]  }
0x2a: {  	p0 =	seq.s32 s5, $0x0;
	s5 =	sld [smem:$0x3FA2]  }
0x2b: {  	s6 =	sld [smem:$0x3FA3]  }
0x2c: {  	s7 =	sld [smem:$0x3FA4]  }
0x2d: {  	s3 =	simm.s32 $0x108;
	s8 =	sld [smem:$0x3FA5]  }
0x2e: {  	s3 =	simm.s32 @!p0 $0x1082;
	s9 =	sld [smem:$0x3FA6]  }
0x2f: {  	lr =	sadd.s32 s0, s3;
	s0 =	sld [smem:$0x3F9D]  }
0x30: {  	s3 =	sld [smem:$0x3FA0]  }
0x31: {  	[smem:$0x3FA9] =	sst s10  }
0x32: {  	s10 =	sld [smem:$0x3FA7];
	_ =	sdelay $0x3  }
0x33: {  	p0 =	seq.s32 s10, $0x1;
	s10 =	sld [smem:$0x3FA9];
	_ =	sdelay $0x3  }
0x34: {  	[smem:$0x3FA9] =	sst s10  }
0x35: {  	s10 =	sld [smem:$0x3FA8];
	_ =	sdelay $0x3  }
0x36: {  	p1 =	seq.s32 s10, $0x1;
	s10 =	sld [smem:$0x3FA9];
	_ =	sdelay $0x3  }
0x37: {  	[smem:$0x3FA9] =	sst s10  }
0x38: {  	s10 =	sld [smem:$0x3FAA]  }
0x39: {  	_ = 	snop;
	(pc) =	sbr.ind lr, $3  }
0x3a: {  	_ = 	snop  }
0x3b: {  	_ = 	snop  }
0x3c: {  	p2 =	seq.s32 s10, $0x1;
	s10 =	sld [smem:$0x3FA9]  }
0x3d: {  	_ =	shalt  }
0x3e: {  	_ =	shalt  }
0x3f: {  	_ =	shalt  }
0x40: {  	_ =	shalt  }
0x41: {  	_ =	shalt  }
0x42: {  	_ =	shalt  }
0x43: {  	_ =	shalt  }
0x44: {  	_ =	shalt  }
0x45: {  	_ =	shalt  }
0x46: {  	_ =	shalt  }
0x47: {  	_ =	shalt  }
0x48: {  	_ =	shalt  }
0x49: {  	_ =	shalt  }
0x4a: {  	_ =	shalt  }
0x4b: {  	_ =	shalt  }
0x4c: {  	_ =	shalt  }
0x4d: {  	_ =	shalt  }
0x4e: {  	_ =	shalt  }
0x4f: {  	_ =	shalt  }
0x50: {  	_ =	shalt  }
0x51: {  	_ =	shalt  }
0x52: {  	_ =	shalt  }
0x53: {  	_ =	shalt  }
0x54: {  	_ =	shalt  }
0x55: {  	_ =	shalt  }
0x56: {  	_ =	shalt  }
0x57: {  	_ =	shalt  }
0x58: {  	_ =	shalt  }
0x59: {  	_ =	shalt  }
0x5a: {  	_ =	shalt  }
0x5b: {  	_ =	shalt  }
0x5c: {  	_ =	shalt  }
0x5d: {  	_ =	shalt  }
0x5e: {  	_ =	shalt  }
0x5f: {  	_ =	shalt  }
0x60: {  	_ =	shalt  }
0x61: {  	_ =	shalt  }
0x62: {  	_ =	shalt  }
0x63: {  	_ =	shalt  }
0x64: {  	_ =	shalt  }
0x65: {  	_ =	shalt  }
0x66: {  	_ =	shalt  }
0x67: {  	_ =	shalt  }
0x68: {  	_ =	shalt  }
0x69: {  	_ =	shalt  }
0x6a: {  	_ =	shalt  }
0x6b: {  	_ =	shalt  }
0x6c: {  	_ =	shalt  }
0x6d: {  	_ =	shalt  }
0x6e: {  	_ =	shalt  }
0x6f: {  	_ =	shalt  }
0x70: {  	_ =	shalt  }
0x71: {  	_ =	shalt  }
0x72: {  	_ =	shalt  }
0x73: {  	_ =	shalt  }
0x74: {  	_ =	shalt  }
0x75: {  	_ =	shalt  }
0x76: {  	_ =	shalt  }
0x77: {  	_ =	shalt  }
0x78: {  	_ =	shalt  }
0x79: {  	_ =	shalt  }
0x7a: {  	_ =	shalt  }
0x7b: {  	_ =	shalt  }
0x7c: {  	_ =	shalt  }
0x7d: {  	_ =	shalt  }
0x7e: {  	_ =	shalt  }
0x7f: {  	_ =	shalt  }
0x80: {  	_ =	shalt  }
0x81: {  	_ =	shalt  }
0x82: {  	_ =	shalt  }
0x83: {  	_ =	shalt  }
0x84: {  	_ =	shalt  }
0x85: {  	_ =	shalt  }
0x86: {  	_ =	shalt  }
0x87: {  	_ =	shalt  }
.Lfunc_end0:
.L_simem_size_0:
called_computation.2_lowered:
.L_overlay_start_0:
0x88: {  	s2 =	sld [smem:$0x3FD9]  }
0x89: {  	s3 =	sld [smem:$0x3FFE];
	_ =	sdelay $0x1  }
0x8a: {  	s1 =	srdreg.scid  }
0x8b: {  	s0 =	sand.u32 $0x1, s1  }
0x8c: {  	s16 =	sshll.u32 s0, $0xA;
	s2 =	sadd.s32 s3, s2  }
0x8d: {  	s2 =	sadd.s32 s2, s16  }
0x8e: {  	[smem:$0x3FB5] =	sst s2  }
0x8f: {  	_ = 	snop  }
0x90: {  	(tm) =	ssettm $0x1  }
0x91: {  	s17 =	sld [smem:$0x3FFB];
	_ =	sdelay $0x3  }
0x92: {  	_ =	strace s17  }
0x93: {  	s2 =	sld [smem:$0x3FFC];
	_ =	sdelay $0x3  }
0x94: {  	_ =	strace s2  }
0x95: {  	s2 =	sld [smem:$0x3FFD];
	_ =	sdelay $0x3  }
0x96: {  	_ =	strace s2  }
0x97: {  	_ =	strace $0x8FFFFFFF  }
0x98: {  	s18 =	sld [smem:$0x3FDB];
	_ =	sdelay $0x1  }
0x99: {  	s19 =	simm.s32 $_scs_section_size  }
0x9a: {  	s4 =	simm.s32 $_size__tile_overlayer_lowered;
	s5 =	simm.s32 $_tile_overlayer_lowered  }
0x9b: {  	s22 =	simm.s32 $0x1BFF;
	s21 =	sshll.u32 s5, $0x1;
	s2 =	sadd.s32 s19, s18  }
0x9c: {  	s6 =	simm.s32 $0x0;
	s20 =	sshll.u32 s4, $0x1;
	s4 =	sadd.s32 s21, s2  }
0x9d: {  	[timem:s6], [sflag:s22] =	dma.local [hbm:s4], s20  }
0x9e: {  	_ =	swait.ge [sflag:s22], s20  }
0x9f: {  	s3 =	ssub.s32 $0x0, s20;
	[sflag:s22] =	ssyncset.done $0x0  }
0xa0: {  	[sflag:s22] =	ssyncadd.s32 s3;
	_ =	sdelay $0x1  }
0xa1: {  	s23 =	simm.s32 $0x1B8B  }
0xa2: {  	_ =	swait.ge [sflag:s23], $0x1  }
0xa3: {  	[sflag:s23] =	ssyncset.done $0x0  }
0xa4: {  	s25 =	simm.s32 $0x1B8E;
	s24 =	sld [smem:$0x3FFE];
	[sflag:s23] =	ssyncadd.s32 $0xFFFFFFFF  }
0xa5: {  	s26 =	simm.s32 $execute0_lowered;
	[smem:$0x3FD2] =	sst s25  }
0xa6: {  	s4 =	sshll.u32 s26, $0x1;
	_ =	strace $0x8000004C;
	[dreg:$0x1] =	wrdreg $0xFFFFFFFF  }
0xa7: {  	s28 =	simm.s32 $_size_execute0_lowered;
	s2 =	sadd.s32 s2, s4;
	[dreg:$0x0] =	wrdreg $0x0  }
0xa8: {  	s4 =	sshll.u32 s28, $0x1;
	[dreg:$0x2] =	wrdreg s2  }
0xa9: {  	[dreg:$0x3] =	wrdreg s4  }
0xaa: {  	[dreg:$0x4] =	wrdreg $0xC0  }
0xab: {  	_ =	task [dreg:s6], $0x5FFFF  }
0xac: {  	[dreg:$0x1] =	wrdreg $0xFFFFFFFF  }
0xad: {  	[dreg:$0x0] =	wrdreg $0x60  }
0xae: {  	[dreg:$0x2] =	wrdreg s24  }
0xaf: {  	[dreg:$0x3] =	wrdreg $0x0  }
0xb0: {  	[dreg:$0x4] =	wrdreg $0x9  }
0xb1: {  	_ =	task.clear_ibuf [dreg:s6], $0x5FFFF;
	_ =	strace $0x9000004C  }
0xb2: {  	s29 =	simm.s32 $0x9;
	_ =	strace $0x8000004E  }
0xb3: {  	_ =	swait.ge [sflag:s29], $0x1  }
0xb4: {  	[sflag:s29] =	ssyncadd.s32 $0xFFFFFFFF  }
0xb5: {  	_ =	strace $0x9000004E  }
0xb6: {  	_ =	sfence  }
0xb7: {  	s30 =	sld [smem:$0x0];
	_ =	sdelay $0x2  }
0xb8: {  	s31 =	sshll.u32 s1, $0xD;
	s1 =	sshrl.u32 s1, $0x2  }
0xb9: {  	s3 =	sand.u32 $0x4000, s31;
	s1 =	sadd.s32 s1, s30  }
0xba: {  	s0 =	sor.u32 s3, s0;
	s1 =	sshll.u32 s1, $0x11  }
0xbb: {  	s0 =	sor.u32 s1, s0  }
0xbc: {  	s0 =	sadd.s32 $0x8F2B, s0  }
0xbd: {  	[sflag:s0] =	ssyncadd.remote.s32 $0x1  }
0xbe: {  	_ =	sfence.sel $0xFFFF  }
0xbf: {  	[dreg:$0x0] =	wrdreg $0xFFFFFFFF;
	(pc) =	sbr.abs _section_cstart, $3  }
0xc0: {  	[dreg:$0x1] =	wrdreg $0xFFFFFFFF  }
0xc1: {  	_ =	task.clear_ibuf [dreg:s6], $0x2FFFF;
	_ =	strace $0x9FFFFFFF  }
0xc2: {  	(tm) =	ssettm $0x7FFFFFFF  }
0xc3: {  	_ =	shalt  }
tec
execute0_lowered:
.L_overlay_start_1:
0x0: {  	(tag) =	ssettag $0x1  }
0x1: {  	s0 =	rddreg [dreg:$0x0]  }
0x2: {  	s1 =	rddreg [dreg:$0x1];
	s2 =	simm.s32 $0x0  }
0x3: {  	s4 =	srdreg.scid;
	s17 =	stileid.u32;
	s15 =	simm.s32 $0x5  }
0x4: {  	s16 =	simm.s32 $0x9E00;
	s18 =	simm.s32 $0x80;
	s19 =	simm.s32 $0xEE00  }
0x5: {  	s21 =	simm.s32 $0x1;
	s22 =	simm.s32 $0x4;
	s28 =	simm.s32 $0x10E10  }
0x6: {  	s29 =	simm.s32 $0x10;
	s30 =	simm.s32 $0x10E20;
	s31 =	simm.s32 $0x0  }
0x7: {  	[smem:$0x7FF] =	sst s2;
	s3 =	sadd.s32 $0x5600, s0;
	s4 =	sand.u32 $0x1, s4  }
0x8: {  	s7 =	sadd.s32 $0x19C00, s0;
	s8 =	smul.u32 $0x13C00, s17;
	s9 =	sadd.s32 $0x23C00, s0  }
0x9: {  	s0 =	sadd.s32 $0x7C000, s0;
	s23 =	smul.u32 $0x4E00, s17;
	p0 =	sne.s32 s17, $0x0  }
0xa: {  	_ =	strace $0x8000004D;
	s5 =	sshll.u32 s4, $0x4;
	s6 =	ssub.s32 $0x2, s4  }
0xb: {  	s11 =	smul.u32 $0x4E200, s4;
	s5 =	sor.u32 s17, s5;
	s10 =	sshrl.u32 s6, $0x1  }
0xc: {  	s24 =	sshrl.u32 s8, $0x2;
	s5 =	smul.u32 $0x2800, s5;
	s13 =	ssub.s32 s6, s10  }
0xd: {  	s4 =	sadd.s32 s24, s1;
	s14 =	sadd.s32 s23, s11;
	s11 =	sshrl.u32 s11, $0x3  }
0xe: {  	s24 =	simm.s32 $0x2;
	s26 =	sshrl.u32 s14, $0x3;
	s13 =	smax.u32 s13, $0x1  }
0xf: {  	s14 =	simm.s32 $0x4F00;
	s25 =	sshrl.u32 s5, $0x3;
	s10 =	sadd.s32 s0, s26  }
0x10: {  	s0 =	sadd.s32 s0, s11;
	s11 =	sadd.s32 $0x4E000, s1;
	s26 =	simm.s32 $0x10E00  }
0x11: {  	s5 =	sadd.s32 s7, s25;
	s12 =	sadd.s32 $0x4E0, s25;
	s6 =	sadd.s32 s9, s25  }
0x12: {  	s25 =	simm.s32 $0x3;
	s7 =	sadd.s32 s7, s12;
	s8 =	sadd.s32 s9, s12  }
0x13: {  	v0 =	vimm.f32 $0.0e+00;
	s9 =	sadd.s32 s23, s1;
	s12 =	sadd.s32 $0x9C00, s0;
	s23 =	simm.s32 $0xFE00  }
.LBB2_1:
0x14: {  	s0 =	simm.s32 $0x80;
	s17 =	simm.s32 $0x0  }
.LBB2_2:
0x15: {  	p1 =	sne.s32 s0, $0x13B80;
	[tilespmem:s17+$0x4F00] =	vst v0;
	s20 =	smov.u32 s0;
	s0 =	sadd.s32 $0x80, s0  }
.Ltmp0:
0x16: {  	[tilespmem:s17+$0x4F10] =	vst v0;
	(pc) =	sbr.rel @p1 .LBB2_2-.Ltmp0, $2  }
0x17: {  	_ =	sdelay $0x2  }
0x18: {  	s17 =	sshra.s32 s20, $0x2  }
0x19: {  	[tilespmem:s17+$0x4F00] =	vst v0  }
0x1a: {  	[tilespmem:s17+$0x4F10] =	vst v0  }
0x1b: {  	[spmem:s4] =	stream.linear.scatter [tilespmem:s14], [sflag:$0x5], $0x4F00, $0x38;
	[tilespmem:$0x11020] =	vst v63  }
0x1c: {  	_ =	swait.ge [sflag:s15], $0x4F00  }
0x1d: {  	[sflag:s15] =	ssyncset.done $0x0  }
0x1e: {  	s0 =	simm.s32 $0x0;
	[sflag:s15] =	ssyncadd.s32 $0xFFFFB100  }
0x1f: {  	[tilespmem:s16], [sflag:$0x5] =	stream.linear.gather [hbm4b:s5+s0], $0x2800, $0x38;
	[tilespmem:$0x11020] =	vst v63  }
0x20: {  	_ =	swait.ge [sflag:s15], $0x2800  }
0x21: {  	[sflag:s15] =	ssyncset.done $0x0  }
0x22: {  	s20 =	simm.s32 $0xC600;
	[sflag:s15] =	ssyncadd.s32 $0xFFFFD800  }
0x23: {  	[tilespmem:s20], [sflag:$0x5] =	stream.linear.gather [hbm4b:s6+s0], $0x2800, $0x38;
	[tilespmem:$0x11020] =	vst v63  }
0x24: {  	_ =	swait.ge [sflag:s15], $0x2800  }
0x25: {  	[sflag:s15] =	ssyncset.done $0x0  }
0x26: {  	[sflag:s15] =	ssyncadd.s32 $0xFFFFD800  }
0x27: {  	[bflag:$0x0] =	sbarrier.arrive $0xFFFF  }
0x28: {  	[tilespmem:s19], [sflag:$0x1] =	stream.indirect.gather [hbm4b:s3+s18], $0x20, s16, s18, $0xb8;
	[tilespmem:$0x11020] =	vst v63  }
0x29: {  	s17 =	simm.s32 $0xED80  }
0x2a: {  	[spmem:s1] =	stream.indirect.scatter.add.f32 [tilespmem:s14], [sflag:$0x4], $0x20, s17, s18, $0xb8;
	[tilespmem:$0x11020] =	vst v63  }
0x2b: {  	_ =	swait.ge [sflag:s21], $0x1000  }
0x2c: {  	[sflag:s21] =	ssyncset.done $0x0  }
0x2d: {  	[sflag:s21] =	ssyncadd.s32 $0xFFFFF000  }
0x2e: {  	_ =	swait.ge [sflag:s22], $0x1000  }
0x2f: {  	[sflag:s22] =	ssyncset.done $0x0  }
0x30: {  	s20 =	simm.s32 $0x9E80;
	[sflag:s22] =	ssyncadd.s32 $0xFFFFF000  }
0x31: {  	[tilespmem:s23], [sflag:$0x2] =	stream.indirect.gather [hbm4b:s3+s18], $0x20, s20, s18, $0xb8;
	[tilespmem:$0x11020] =	vst v63  }
0x32: {  	s17 =	simm.s32 $0xC600  }
0x33: {  	[spmem:s1] =	stream.indirect.scatter.add.f32 [tilespmem:s19], [sflag:$0x3], $0x20, s17, s18, $0xb8;
	[tilespmem:$0x11020] =	vst v63  }
0x34: {  	_ =	swait.ge [sflag:s24], $0x1000  }
0x35: {  	[sflag:s24] =	ssyncset.done $0x0  }
0x36: {  	[sflag:s24] =	ssyncadd.s32 $0xFFFFF000  }
0x37: {  	_ =	swait.ge [sflag:s25], $0x1000  }
0x38: {  	s0 =	simm.s32 $0x400;
	[sflag:s25] =	ssyncset.done $0x0  }
0x39: {  	s20 =	simm.s32 $0x9F00;
	s17 =	simm.s32 $0xC680;
	[sflag:s25] =	ssyncadd.s32 $0xFFFFF000  }
0x3a: {  	[tilespmem:s19], [sflag:$0x1] =	stream.indirect.gather [hbm4b:s3+s18], $0x20, s20, s18, $0xb8;
	[tilespmem:$0x11020] =	vst v63  }
.LBB2_4:
0x3b: {  	[spmem:s1] =	stream.indirect.scatter.add.f32 [tilespmem:s23], [sflag:$0x4], $0x20, s17, s18, $0xb8;
	[tilespmem:$0x11020] =	vst v63  }
0x3c: {  	s17 =	smov.u32 s0  }
0x3d: {  	p1 =	sne.s32 s0, $0x9800;
	s0 =	sadd.s32 $0x400, s0;
	_ =	swait.ge [sflag:s21], $0x1000  }
0x3e: {  	[sflag:s21] =	ssyncset.done $0x0  }
0x3f: {  	[sflag:s21] =	ssyncadd.s32 $0xFFFFF000  }
0x40: {  	_ =	swait.ge [sflag:s22], $0x1000  }
0x41: {  	s17 =	sshra.s32 s17, $0x2;
	[sflag:s22] =	ssyncset.done $0x0  }
0x42: {  	s20 =	sadd.s32 $0x9E80, s17;
	[sflag:s22] =	ssyncadd.s32 $0xFFFFF000  }
0x43: {  	[tilespmem:s23], [sflag:$0x2] =	stream.indirect.gather [hbm4b:s3+s18], $0x20, s20, s18, $0xb8;
	[tilespmem:$0x11020] =	vst v63  }
0x44: {  	s20 =	sadd.s32 $0xC600, s17  }
0x45: {  	[spmem:s1] =	stream.indirect.scatter.add.f32 [tilespmem:s19], [sflag:$0x3], $0x20, s20, s18, $0xb8;
	[tilespmem:$0x11020] =	vst v63  }
0x46: {  	_ =	swait.ge [sflag:s24], $0x1000  }
0x47: {  	[sflag:s24] =	ssyncset.done $0x0  }
0x48: {  	[sflag:s24] =	ssyncadd.s32 $0xFFFFF000  }
.Ltmp1:
0x49: {  	_ =	swait.ge [sflag:s25], $0x1000;
	(pc) =	sbr.rel @p1 .LBB2_4-.Ltmp1, $4  }
0x4a: {  	[sflag:s25] =	ssyncset.done $0x0  }
0x4b: {  	s20 =	sadd.s32 $0x9F00, s17;
	[sflag:s25] =	ssyncadd.s32 $0xFFFFF000  }
0x4c: {  	[tilespmem:s19], [sflag:$0x1] =	stream.indirect.gather [hbm4b:s3+s18], $0x20, s20, s18, $0xb8;
	[tilespmem:$0x11020] =	vst v63  }
0x4d: {  	s17 =	sadd.s32 $0xC680, s17  }
0x4e: {  	[spmem:s1] =	stream.indirect.scatter.add.f32 [tilespmem:s23], [sflag:$0x4], $0x20, s17, s18, $0xb8;
	[tilespmem:$0x11020] =	vst v63  }
0x4f: {  	_ =	swait.ge [sflag:s21], $0x1000  }
0x50: {  	[sflag:s21] =	ssyncset.done $0x0  }
0x51: {  	[sflag:s21] =	ssyncadd.s32 $0xFFFFF000  }
0x52: {  	_ =	swait.ge [sflag:s22], $0x1000  }
0x53: {  	[sflag:s22] =	ssyncset.done $0x0  }
0x54: {  	[sflag:s22] =	ssyncadd.s32 $0xFFFFF000  }
0x55: {  	[tilespmem:s26], [sflag:$0x5] =	stream.linear.gather [hbm4b:s7+s2], $0x10, $0x38;
	[tilespmem:$0x11020] =	vst v63  }
0x56: {  	_ =	swait.ge [sflag:s15], $0x10  }
0x57: {  	[sflag:s15] =	ssyncset.done $0x0  }
0x58: {  	[sflag:s15] =	ssyncadd.s32 $0xFFFFFFF0  }
0x59: {  	[tilespmem:s28], [sflag:$0x5] =	stream.linear.gather [hbm4b:s8+s2], $0x10, $0x38;
	[tilespmem:$0x11020] =	vst v63  }
0x5a: {  	_ =	swait.ge [sflag:s15], $0x10  }
0x5b: {  	[sflag:s15] =	ssyncset.done $0x0  }
0x5c: {  	[sflag:s15] =	ssyncadd.s32 $0xFFFFFFF0  }
0x5d: {  	[tilespmem:s30], [sflag:$0x2] =	stream.indirect.gather [hbm4b:s3+s29], $0x20, s26, s29, $0xb8;
	[tilespmem:$0x11020] =	vst v63  }
0x5e: {  	_ =	swait.ge [sflag:s24], $0x200  }
0x5f: {  	[sflag:s24] =	ssyncset.done $0x0  }
0x60: {  	[sflag:s24] =	ssyncadd.s32 $0xFFFFFE00  }
0x61: {  	[spmem:s1] =	stream.indirect.scatter.add.f32 [tilespmem:s30], [sflag:$0x5], $0x20, s28, s29, $0xb8;
	[tilespmem:$0x11020] =	vst v63  }
0x62: {  	_ =	swait.ge [sflag:s15], $0x200  }
0x63: {  	[sflag:s15] =	ssyncset.done $0x0  }
0x64: {  	[sflag:s15] =	ssyncadd.s32 $0xFFFFFE00  }
0x65: {  	[bflag:$0x0] =	sbarrier.arrive $0xFFFF  }
0x66: {  	[tilespmem:s14], [sflag:$0x5] =	stream.linear.gather [spmem:s9], $0x4E00, $0x38;
	[tilespmem:$0x11020] =	vst v63  }
0x67: {  	_ =	swait.ge [sflag:s15], $0x4E00  }
0x68: {  	[sflag:s15] =	ssyncset.done $0x0  }
0x69: {  	[sflag:s15] =	ssyncadd.s32 $0xFFFFB200  }
0x6a: {  	[hbm4b:s10+s2] =	stream.linear.scatter [tilespmem:s14], [sflag:$0x5], $0x4E00, $0x38;
	[tilespmem:$0x11020] =	vst v63  }
0x6b: {  	_ =	swait.ge [sflag:s15], $0x4E00  }
0x6c: {  	[sflag:s15] =	ssyncset.done $0x0  }
0x6d: {  	s0 =	simm.s32 @!p0 $0x10E20;
	s17 =	simm.s32 @!p0 $0x5;
	[sflag:s15] =	ssyncadd.s32 $0xFFFFB200  }
0x6e: {  	[tilespmem:s0], [sflag:$0x5] =	stream.linear.gather @!p0 [spmem:s11], $0x200, $0x38;
	[tilespmem:$0x11020] =	vst v63  }
0x6f: {  	s31 =	sadd.s32 $0x1, s31;
	_ =	swait.ge @!p0 [sflag:s17], $0x200  }
0x70: {  	p1 =	sne.s32 s31, s13;
	[sflag:s17] =	ssyncset.done @!p0 $0x0  }
.Ltmp2:
0x71: {  	s20 =	simm.s32 @!p0 $0x0;
	[sflag:s17] =	ssyncadd.s32 @!p0 $0xFFFFFE00;
	(pc) =	sbr.rel @p1 .LBB2_1-.Ltmp2, $4  }
0x72: {  	[hbm4b:s12+s20] =	stream.linear.scatter @!p0 [tilespmem:s0], [sflag:$0x5], $0x200, $0x38;
	[tilespmem:$0x11020] =	vst v63  }
0x73: {  	_ =	swait.ge @!p0 [sflag:s17], $0x200  }
0x74: {  	[sflag:s17] =	ssyncset.done @!p0 $0x0  }
0x75: {  	[sflag:s17] =	ssyncadd.s32 @!p0 $0xFFFFFE00  }
0x76: {  	_ =	sfence.sel $0x180000  }
0x77: {  	[bflag:$0x0] =	sbarrier.arrive $0xFFFF  }
0x78: {  	_ =	strace $0x9000004D  }
0x79: {  	[bflag:$0x2] =	sbarrier.arrive $0xFFFF  }
0x7a: {  	s0 =	rddreg [dreg:$0x2]  }
0x7b: {  	s0 =	sadd.s32 @!p0 $0x100000, s0  }
0x7c: {  	[sflag:s0] =	ssyncadd.tile.s32 @!p0 $0x1;
	_ =	shalt  }
.Lfunc_end2:
_tile_overlayer_lowered:
.L_overlay_start_2:
0x7d: {  	(tag) =	ssettag $0x2  }
0x7e: {  	s0 =	rddreg [dreg:$0x0];
	s2 =	stileid.u32  }
0x7f: {  	s1 =	rddreg [dreg:$0x1];
	p0 =	sne.s32 s2, $0x0  }
0x80: {  	s3 =	rddreg [dreg:$0x2];
	[bflag:$0x3] =	sbarrier.arrive $0xFFFF;
	s2 =	simm.s32 @!p0 $0x1C05  }
0x81: {  	[timem:s3], [sflag:s2] =	dma.local @!p0 [hbm:s0], s1  }
0x82: {  	s0 =	simm.s32 @!p0 $0x5  }
0x83: {  	_ =	swait.ge @!p0 [sflag:s0], s1  }
0x84: {  	s1 =	ssub.s32 @!p0 $0x0, s1;
	[sflag:s0] =	ssyncset.done @!p0 $0x0  }
0x85: {  	[sflag:s0] =	ssyncadd.s32 @!p0 s1  }
0x86: {  	[bflag:$0x3] =	sbarrier.arrive $0xFFFF  }
0x87: {  	_ =	shalt  }

// kernel: kernel.25.cloned.1.call-start
scs
__scs_entry_jumppad:
0x0: {  	(pc) =	sbr.rel $0x88, $3  }
0x1: {  	(tag) =	ssettag $0x0;
	lr =	simm.s32 $0x1  }
0x2: {  	[smem:$0x3F8E] =	sst lr;
	_ =	strace $0xD0000000  }
0x3: {  	_ = 	snop  }
0x4: {  	_ = 	snop  }
0x5: {  	_ = 	snop  }
0x6: {  	_ = 	snop  }
0x7: {  	_ = 	snop  }
__scs_overlays_trampoline_lowered:
0x8: {  	[smem:$0x3F9D] =	sst s0  }
0x9: {  	[smem:$0x3F9E] =	sst s1  }
0xa: {  	[smem:$0x3F9F] =	sst s2  }
0xb: {  	[smem:$0x3FA0] =	sst s3  }
0xc: {  	[smem:$0x3FA1] =	sst s4  }
0xd: {  	[smem:$0x3FA2] =	sst s5  }
0xe: {  	[smem:$0x3FA3] =	sst s6  }
0xf: {  	[smem:$0x3FA4] =	sst s7  }
0x10: {  	[smem:$0x3FA5] =	sst s8  }
0x11: {  	[smem:$0x3FA6] =	sst s9;
	s0 =	simm.s32 @!p0 $0x0  }
0x12: {  	s1 =	sld [smem:$0x3F8C];
	s0 =	simm.s32 @p0 $0x1  }
0x13: {  	[smem:$0x3FA7] =	sst s0;
	s0 =	simm.s32 @!p1 $0x0  }
0x14: {  	s2 =	sld [smem:$0x3F8B];
	s0 =	simm.s32 @p1 $0x1  }
0x15: {  	[smem:$0x3FA8] =	sst s0;
	s0 =	simm.s32 @!p2 $0x0  }
0x16: {  	s3 =	sld [smem:$0x3FDB];
	s0 =	simm.s32 @p2 $0x1  }
0x17: {  	s4 =	simm.s32 $0x1BF5;
	[smem:$0x3FAA] =	sst s0  }
0x18: {  	s0 =	sld [smem:$0x3F8D];
	_ =	swait.ge [sflag:s4], $0x0  }
0x19: {  	s7 =	sld [smem:$0x3F8E]  }
0x1a: {  	s8 =	sadd.s32 $0xFFFFE003, lr  }
0x1b: {  	s9 =	sadd.s32 $0xFFFFFEF7, lr;
	s5 =	simm.s32 $0xFFFFFFFF;
	p2 =	slt.u32 s8, $0xFFFFF086  }
0x1c: {  	p1 =	slt.u32 s9, $0xF7A;
	s5 =	simm.s32 @!p2 $0x0  }
0x1d: {  	s5 =	simm.s32 @p1 $0x1;
	p0 =	seq.s32 s7, s2  }
0x1e: {  	s7 =	smul.u32 @!p0 $0xF7A, s2;
	p2 =	seq.s32 @!p0 s5, $0x0  }
0x1f: {  	s9 =	smul.u32 $0xF7A, s1;
	s8 =	simm.s32 @!p0 $0x1BF5;
	p2 =	por !p2, p0  }
0x20: {  	[sflag:s8] =	ssyncset.s32 @!p0 $0xFFFFF086;
	s6 =	sadd.s32 @!p0 s3, s7;
	s7 =	simm.s32 @!p0 $0x108  }
0x21: {  	s3 =	sadd.s32 s3, s9;
	s6 =	sadd.s32 @!p0 $0x88, s6;
	s7 =	simm.s32 @p2 $0x1082  }
0x22: {  	[simem:s7], [sflag:s8] =	dma.local @!p0 [hbm:s6], $0xF7A  }
0x23: {  	s9 =	sor.u32 $0xD0000000, s2;
	s6 =	simm.s32 $0x108;
	_ =	swait.ge @!p0 [sflag:s8], $0x0  }
0x24: {  	s3 =	sadd.s32 $0x88, s3;
	s6 =	simm.s32 @!p1 $0x1082;
	[sflag:s4] =	ssyncset.s32 $0xFFFFF086  }
0x25: {  	[simem:s6], [sflag:s4] =	dma.local [hbm:s3], $0xF7A  }
0x26: {  	[smem:$0x3F8E] =	sst s1;
	(tag) =	ssettag s2;
	_ =	strace s9  }
0x27: {  	s1 =	sld [smem:$0x3F9E]  }
0x28: {  	s2 =	sld [smem:$0x3F9F]  }
0x29: {  	s4 =	sld [smem:$0x3FA1]  }
0x2a: {  	p0 =	seq.s32 s5, $0x0;
	s5 =	sld [smem:$0x3FA2]  }
0x2b: {  	s6 =	sld [smem:$0x3FA3]  }
0x2c: {  	s7 =	sld [smem:$0x3FA4]  }
0x2d: {  	s3 =	simm.s32 $0x108;
	s8 =	sld [smem:$0x3FA5]  }
0x2e: {  	s3 =	simm.s32 @!p0 $0x1082;
	s9 =	sld [smem:$0x3FA6]  }
0x2f: {  	lr =	sadd.s32 s0, s3;
	s0 =	sld [smem:$0x3F9D]  }
0x30: {  	s3 =	sld [smem:$0x3FA0]  }
0x31: {  	[smem:$0x3FA9] =	sst s10  }
0x32: {  	s10 =	sld [smem:$0x3FA7];
	_ =	sdelay $0x3  }
0x33: {  	p0 =	seq.s32 s10, $0x1;
	s10 =	sld [smem:$0x3FA9];
	_ =	sdelay $0x3  }
0x34: {  	[smem:$0x3FA9] =	sst s10  }
0x35: {  	s10 =	sld [smem:$0x3FA8];
	_ =	sdelay $0x3  }
0x36: {  	p1 =	seq.s32 s10, $0x1;
	s10 =	sld [smem:$0x3FA9];
	_ =	sdelay $0x3  }
0x37: {  	[smem:$0x3FA9] =	sst s10  }
0x38: {  	s10 =	sld [smem:$0x3FAA]  }
0x39: {  	_ = 	snop;
	(pc) =	sbr.ind lr, $3  }
0x3a: {  	_ = 	snop  }
0x3b: {  	_ = 	snop  }
0x3c: {  	p2 =	seq.s32 s10, $0x1;
	s10 =	sld [smem:$0x3FA9]  }
0x3d: {  	_ =	shalt  }
0x3e: {  	_ =	shalt  }
0x3f: {  	_ =	shalt  }
0x40: {  	_ =	shalt  }
0x41: {  	_ =	shalt  }
0x42: {  	_ =	shalt  }
0x43: {  	_ =	shalt  }
0x44: {  	_ =	shalt  }
0x45: {  	_ =	shalt  }
0x46: {  	_ =	shalt  }
0x47: {  	_ =	shalt  }
0x48: {  	_ =	shalt  }
0x49: {  	_ =	shalt  }
0x4a: {  	_ =	shalt  }
0x4b: {  	_ =	shalt  }
0x4c: {  	_ =	shalt  }
0x4d: {  	_ =	shalt  }
0x4e: {  	_ =	shalt  }
0x4f: {  	_ =	shalt  }
0x50: {  	_ =	shalt  }
0x51: {  	_ =	shalt  }
0x52: {  	_ =	shalt  }
0x53: {  	_ =	shalt  }
0x54: {  	_ =	shalt  }
0x55: {  	_ =	shalt  }
0x56: {  	_ =	shalt  }
0x57: {  	_ =	shalt  }
0x58: {  	_ =	shalt  }
0x59: {  	_ =	shalt  }
0x5a: {  	_ =	shalt  }
0x5b: {  	_ =	shalt  }
0x5c: {  	_ =	shalt  }
0x5d: {  	_ =	shalt  }
0x5e: {  	_ =	shalt  }
0x5f: {  	_ =	shalt  }
0x60: {  	_ =	shalt  }
0x61: {  	_ =	shalt  }
0x62: {  	_ =	shalt  }
0x63: {  	_ =	shalt  }
0x64: {  	_ =	shalt  }
0x65: {  	_ =	shalt  }
0x66: {  	_ =	shalt  }
0x67: {  	_ =	shalt  }
0x68: {  	_ =	shalt  }
0x69: {  	_ =	shalt  }
0x6a: {  	_ =	shalt  }
0x6b: {  	_ =	shalt  }
0x6c: {  	_ =	shalt  }
0x6d: {  	_ =	shalt  }
0x6e: {  	_ =	shalt  }
0x6f: {  	_ =	shalt  }
0x70: {  	_ =	shalt  }
0x71: {  	_ =	shalt  }
0x72: {  	_ =	shalt  }
0x73: {  	_ =	shalt  }
0x74: {  	_ =	shalt  }
0x75: {  	_ =	shalt  }
0x76: {  	_ =	shalt  }
0x77: {  	_ =	shalt  }
0x78: {  	_ =	shalt  }
0x79: {  	_ =	shalt  }
0x7a: {  	_ =	shalt  }
0x7b: {  	_ =	shalt  }
0x7c: {  	_ =	shalt  }
0x7d: {  	_ =	shalt  }
0x7e: {  	_ =	shalt  }
0x7f: {  	_ =	shalt  }
0x80: {  	_ =	shalt  }
0x81: {  	_ =	shalt  }
0x82: {  	_ =	shalt  }
0x83: {  	_ =	shalt  }
0x84: {  	_ =	shalt  }
0x85: {  	_ =	shalt  }
0x86: {  	_ =	shalt  }
0x87: {  	_ =	shalt  }
.Lfunc_end0:
.L_simem_size_0:
called_computation.3_lowered:
.L_overlay_start_0:
0x88: {  	s2 =	sld [smem:$0x3FD9]  }
0x89: {  	s3 =	sld [smem:$0x3FFE];
	_ =	sdelay $0x1  }
0x8a: {  	s1 =	srdreg.scid  }
0x8b: {  	s0 =	sand.u32 $0x1, s1  }
0x8c: {  	s16 =	sshll.u32 s0, $0xA;
	s2 =	sadd.s32 s3, s2  }
0x8d: {  	s2 =	sadd.s32 s2, s16  }
0x8e: {  	[smem:$0x3FB5] =	sst s2  }
0x8f: {  	_ = 	snop  }
0x90: {  	(tm) =	ssettm $0x1  }
0x91: {  	s17 =	sld [smem:$0x3FFB];
	_ =	sdelay $0x3  }
0x92: {  	_ =	strace s17  }
0x93: {  	s2 =	sld [smem:$0x3FFC];
	_ =	sdelay $0x3  }
0x94: {  	_ =	strace s2  }
0x95: {  	s2 =	sld [smem:$0x3FFD];
	_ =	sdelay $0x3  }
0x96: {  	_ =	strace s2  }
0x97: {  	_ =	strace $0x8FFFFFFF  }
0x98: {  	s18 =	sld [smem:$0x3FDB];
	_ =	sdelay $0x1  }
0x99: {  	s19 =	simm.s32 $_scs_section_size  }
0x9a: {  	s4 =	simm.s32 $_size__tile_overlayer_lowered;
	s5 =	simm.s32 $_tile_overlayer_lowered  }
0x9b: {  	s22 =	simm.s32 $0x1BFF;
	s21 =	sshll.u32 s5, $0x1;
	s2 =	sadd.s32 s19, s18  }
0x9c: {  	s6 =	simm.s32 $0x0;
	s20 =	sshll.u32 s4, $0x1;
	s4 =	sadd.s32 s21, s2  }
0x9d: {  	[timem:s6], [sflag:s22] =	dma.local [hbm:s4], s20  }
0x9e: {  	_ =	swait.ge [sflag:s22], s20  }
0x9f: {  	s3 =	ssub.s32 $0x0, s20;
	[sflag:s22] =	ssyncset.done $0x0  }
0xa0: {  	[sflag:s22] =	ssyncadd.s32 s3;
	_ =	sdelay $0x1  }
0xa1: {  	s23 =	simm.s32 $0x1B8B  }
0xa2: {  	_ =	swait.ge [sflag:s23], $0x1  }
0xa3: {  	[sflag:s23] =	ssyncset.done $0x0  }
0xa4: {  	s25 =	simm.s32 $0x1B8E;
	s24 =	sld [smem:$0x3FFE];
	[sflag:s23] =	ssyncadd.s32 $0xFFFFFFFF  }
0xa5: {  	s26 =	simm.s32 $execute0_lowered;
	[smem:$0x3FD2] =	sst s25  }
0xa6: {  	s4 =	sshll.u32 s26, $0x1;
	_ =	strace $0x8000004F;
	[dreg:$0x1] =	wrdreg $0xFFFFFFFF  }
0xa7: {  	s28 =	simm.s32 $_size_execute0_lowered;
	s2 =	sadd.s32 s2, s4;
	[dreg:$0x0] =	wrdreg $0x0  }
0xa8: {  	s4 =	sshll.u32 s28, $0x1;
	[dreg:$0x2] =	wrdreg s2  }
0xa9: {  	[dreg:$0x3] =	wrdreg s4  }
0xaa: {  	[dreg:$0x4] =	wrdreg $0xC0  }
0xab: {  	_ =	task [dreg:s6], $0x5FFFF  }
0xac: {  	[dreg:$0x1] =	wrdreg $0xFFFFFFFF  }
0xad: {  	[dreg:$0x0] =	wrdreg $0x60  }
0xae: {  	[dreg:$0x2] =	wrdreg s24  }
0xaf: {  	[dreg:$0x3] =	wrdreg $0x0  }
0xb0: {  	[dreg:$0x4] =	wrdreg $0x9  }
0xb1: {  	_ =	task.clear_ibuf [dreg:s6], $0x5FFFF;
	_ =	strace $0x9000004F  }
0xb2: {  	s29 =	simm.s32 $0x9;
	_ =	strace $0x80000051  }
0xb3: {  	_ =	swait.ge [sflag:s29], $0x1  }
0xb4: {  	[sflag:s29] =	ssyncadd.s32 $0xFFFFFFFF  }
0xb5: {  	_ =	strace $0x90000051  }
0xb6: {  	_ =	sfence  }
0xb7: {  	s30 =	sld [smem:$0x0];
	_ =	sdelay $0x2  }
0xb8: {  	s31 =	sshll.u32 s1, $0xD;
	s1 =	sshrl.u32 s1, $0x2  }
0xb9: {  	s3 =	sand.u32 $0x4000, s31;
	s1 =	sadd.s32 s1, s30  }
0xba: {  	s0 =	sor.u32 s3, s0;
	s1 =	sshll.u32 s1, $0x11  }
0xbb: {  	s0 =	sor.u32 s1, s0  }
0xbc: {  	s0 =	sadd.s32 $0x8F2B, s0  }
0xbd: {  	[sflag:s0] =	ssyncadd.remote.s32 $0x1  }
0xbe: {  	_ =	sfence.sel $0xFFFF  }
0xbf: {  	[dreg:$0x0] =	wrdreg $0xFFFFFFFF;
	(pc) =	sbr.abs _section_cstart, $3  }
0xc0: {  	[dreg:$0x1] =	wrdreg $0xFFFFFFFF  }
0xc1: {  	_ =	task.clear_ibuf [dreg:s6], $0x2FFFF;
	_ =	strace $0x9FFFFFFF  }
0xc2: {  	(tm) =	ssettm $0x7FFFFFFF  }
0xc3: {  	_ =	shalt  }
tec
execute0_lowered:
.L_overlay_start_1:
0x0: {  	(tag) =	ssettag $0x1  }
0x1: {  	s0 =	rddreg [dreg:$0x0]  }
0x2: {  	s1 =	rddreg [dreg:$0x1];
	s2 =	simm.s32 $0x0  }
0x3: {  	s4 =	srdreg.scid;
	s17 =	stileid.u32;
	s15 =	simm.s32 $0x5  }
0x4: {  	s16 =	simm.s32 $0x9E00;
	s18 =	simm.s32 $0x80;
	s19 =	simm.s32 $0xEE00  }
0x5: {  	s21 =	simm.s32 $0x1;
	s22 =	simm.s32 $0x4;
	s28 =	simm.s32 $0x10E10  }
0x6: {  	s29 =	simm.s32 $0x10;
	s30 =	simm.s32 $0x10E20;
	s31 =	simm.s32 $0x0  }
0x7: {  	[smem:$0x7FF] =	sst s2;
	s3 =	sadd.s32 $0x5600, s0;
	s4 =	sand.u32 $0x1, s4  }
0x8: {  	s7 =	sadd.s32 $0x19C00, s0;
	s8 =	smul.u32 $0x13C00, s17;
	s9 =	sadd.s32 $0x23C00, s0  }
0x9: {  	s0 =	sadd.s32 $0xA3200, s0;
	s23 =	smul.u32 $0x4E00, s17;
	p0 =	sne.s32 s17, $0x0  }
0xa: {  	_ =	strace $0x80000050;
	s5 =	sshll.u32 s4, $0x4;
	s6 =	ssub.s32 $0x2, s4  }
0xb: {  	s11 =	smul.u32 $0x4E200, s4;
	s5 =	sor.u32 s17, s5;
	s10 =	sshrl.u32 s6, $0x1  }
0xc: {  	s24 =	sshrl.u32 s8, $0x2;
	s5 =	smul.u32 $0x2800, s5;
	s13 =	ssub.s32 s6, s10  }
0xd: {  	s4 =	sadd.s32 s24, s1;
	s14 =	sadd.s32 s23, s11;
	s11 =	sshrl.u32 s11, $0x3  }
0xe: {  	s24 =	simm.s32 $0x2;
	s26 =	sshrl.u32 s14, $0x3;
	s13 =	smax.u32 s13, $0x1  }
0xf: {  	s14 =	simm.s32 $0x4F00;
	s25 =	sshrl.u32 s5, $0x3;
	s10 =	sadd.s32 s0, s26  }
0x10: {  	s0 =	sadd.s32 s0, s11;
	s11 =	sadd.s32 $0x4E000, s1;
	s26 =	simm.s32 $0x10E00  }
0x11: {  	s5 =	sadd.s32 s7, s25;
	s12 =	sadd.s32 $0x4E0, s25;
	s6 =	sadd.s32 s9, s25  }
0x12: {  	s25 =	simm.s32 $0x3;
	s7 =	sadd.s32 s7, s12;
	s8 =	sadd.s32 s9, s12  }
0x13: {  	v0 =	vimm.f32 $0.0e+00;
	s9 =	sadd.s32 s23, s1;
	s12 =	sadd.s32 $0x9C00, s0;
	s23 =	simm.s32 $0xFE00  }
.LBB2_1:
0x14: {  	s0 =	simm.s32 $0x80;
	s17 =	simm.s32 $0x0  }
.LBB2_2:
0x15: {  	p1 =	sne.s32 s0, $0x13B80;
	[tilespmem:s17+$0x4F00] =	vst v0;
	s20 =	smov.u32 s0;
	s0 =	sadd.s32 $0x80, s0  }
.Ltmp0:
0x16: {  	[tilespmem:s17+$0x4F10] =	vst v0;
	(pc) =	sbr.rel @p1 .LBB2_2-.Ltmp0, $2  }
0x17: {  	_ =	sdelay $0x2  }
0x18: {  	s17 =	sshra.s32 s20, $0x2  }
0x19: {  	[tilespmem:s17+$0x4F00] =	vst v0  }
0x1a: {  	[tilespmem:s17+$0x4F10] =	vst v0  }
0x1b: {  	[spmem:s4] =	stream.linear.scatter [tilespmem:s14], [sflag:$0x5], $0x4F00, $0x38;
	[tilespmem:$0x11020] =	vst v63  }
0x1c: {  	_ =	swait.ge [sflag:s15], $0x4F00  }
0x1d: {  	[sflag:s15] =	ssyncset.done $0x0  }
0x1e: {  	s0 =	simm.s32 $0x0;
	[sflag:s15] =	ssyncadd.s32 $0xFFFFB100  }
0x1f: {  	[tilespmem:s16], [sflag:$0x5] =	stream.linear.gather [hbm4b:s5+s0], $0x2800, $0x38;
	[tilespmem:$0x11020] =	vst v63  }
0x20: {  	_ =	swait.ge [sflag:s15], $0x2800  }
0x21: {  	[sflag:s15] =	ssyncset.done $0x0  }
0x22: {  	s20 =	simm.s32 $0xC600;
	[sflag:s15] =	ssyncadd.s32 $0xFFFFD800  }
0x23: {  	[tilespmem:s20], [sflag:$0x5] =	stream.linear.gather [hbm4b:s6+s0], $0x2800, $0x38;
	[tilespmem:$0x11020] =	vst v63  }
0x24: {  	_ =	swait.ge [sflag:s15], $0x2800  }
0x25: {  	[sflag:s15] =	ssyncset.done $0x0  }
0x26: {  	[sflag:s15] =	ssyncadd.s32 $0xFFFFD800  }
0x27: {  	[bflag:$0x0] =	sbarrier.arrive $0xFFFF  }
0x28: {  	[tilespmem:s19], [sflag:$0x1] =	stream.indirect.gather [hbm4b:s3+s18], $0x20, s16, s18, $0xb8;
	[tilespmem:$0x11020] =	vst v63  }
0x29: {  	s17 =	simm.s32 $0xED80  }
0x2a: {  	[spmem:s1] =	stream.indirect.scatter.add.f32 [tilespmem:s14], [sflag:$0x4], $0x20, s17, s18, $0xb8;
	[tilespmem:$0x11020] =	vst v63  }
0x2b: {  	_ =	swait.ge [sflag:s21], $0x1000  }
0x2c: {  	[sflag:s21] =	ssyncset.done $0x0  }
0x2d: {  	[sflag:s21] =	ssyncadd.s32 $0xFFFFF000  }
0x2e: {  	_ =	swait.ge [sflag:s22], $0x1000  }
0x2f: {  	[sflag:s22] =	ssyncset.done $0x0  }
0x30: {  	s20 =	simm.s32 $0x9E80;
	[sflag:s22] =	ssyncadd.s32 $0xFFFFF000  }
0x31: {  	[tilespmem:s23], [sflag:$0x2] =	stream.indirect.gather [hbm4b:s3+s18], $0x20, s20, s18, $0xb8;
	[tilespmem:$0x11020] =	vst v63  }
0x32: {  	s17 =	simm.s32 $0xC600  }
0x33: {  	[spmem:s1] =	stream.indirect.scatter.add.f32 [tilespmem:s19], [sflag:$0x3], $0x20, s17, s18, $0xb8;
	[tilespmem:$0x11020] =	vst v63  }
0x34: {  	_ =	swait.ge [sflag:s24], $0x1000  }
0x35: {  	[sflag:s24] =	ssyncset.done $0x0  }
0x36: {  	[sflag:s24] =	ssyncadd.s32 $0xFFFFF000  }
0x37: {  	_ =	swait.ge [sflag:s25], $0x1000  }
0x38: {  	s0 =	simm.s32 $0x400;
	[sflag:s25] =	ssyncset.done $0x0  }
0x39: {  	s20 =	simm.s32 $0x9F00;
	s17 =	simm.s32 $0xC680;
	[sflag:s25] =	ssyncadd.s32 $0xFFFFF000  }
0x3a: {  	[tilespmem:s19], [sflag:$0x1] =	stream.indirect.gather [hbm4b:s3+s18], $0x20, s20, s18, $0xb8;
	[tilespmem:$0x11020] =	vst v63  }
.LBB2_4:
0x3b: {  	[spmem:s1] =	stream.indirect.scatter.add.f32 [tilespmem:s23], [sflag:$0x4], $0x20, s17, s18, $0xb8;
	[tilespmem:$0x11020] =	vst v63  }
0x3c: {  	s17 =	smov.u32 s0  }
0x3d: {  	p1 =	sne.s32 s0, $0x9800;
	s0 =	sadd.s32 $0x400, s0;
	_ =	swait.ge [sflag:s21], $0x1000  }
0x3e: {  	[sflag:s21] =	ssyncset.done $0x0  }
0x3f: {  	[sflag:s21] =	ssyncadd.s32 $0xFFFFF000  }
0x40: {  	_ =	swait.ge [sflag:s22], $0x1000  }
0x41: {  	s17 =	sshra.s32 s17, $0x2;
	[sflag:s22] =	ssyncset.done $0x0  }
0x42: {  	s20 =	sadd.s32 $0x9E80, s17;
	[sflag:s22] =	ssyncadd.s32 $0xFFFFF000  }
0x43: {  	[tilespmem:s23], [sflag:$0x2] =	stream.indirect.gather [hbm4b:s3+s18], $0x20, s20, s18, $0xb8;
	[tilespmem:$0x11020] =	vst v63  }
0x44: {  	s20 =	sadd.s32 $0xC600, s17  }
0x45: {  	[spmem:s1] =	stream.indirect.scatter.add.f32 [tilespmem:s19], [sflag:$0x3], $0x20, s20, s18, $0xb8;
	[tilespmem:$0x11020] =	vst v63  }
0x46: {  	_ =	swait.ge [sflag:s24], $0x1000  }
0x47: {  	[sflag:s24] =	ssyncset.done $0x0  }
0x48: {  	[sflag:s24] =	ssyncadd.s32 $0xFFFFF000  }
.Ltmp1:
0x49: {  	_ =	swait.ge [sflag:s25], $0x1000;
	(pc) =	sbr.rel @p1 .LBB2_4-.Ltmp1, $4  }
0x4a: {  	[sflag:s25] =	ssyncset.done $0x0  }
0x4b: {  	s20 =	sadd.s32 $0x9F00, s17;
	[sflag:s25] =	ssyncadd.s32 $0xFFFFF000  }
0x4c: {  	[tilespmem:s19], [sflag:$0x1] =	stream.indirect.gather [hbm4b:s3+s18], $0x20, s20, s18, $0xb8;
	[tilespmem:$0x11020] =	vst v63  }
0x4d: {  	s17 =	sadd.s32 $0xC680, s17  }
0x4e: {  	[spmem:s1] =	stream.indirect.scatter.add.f32 [tilespmem:s23], [sflag:$0x4], $0x20, s17, s18, $0xb8;
	[tilespmem:$0x11020] =	vst v63  }
0x4f: {  	_ =	swait.ge [sflag:s21], $0x1000  }
0x50: {  	[sflag:s21] =	ssyncset.done $0x0  }
0x51: {  	[sflag:s21] =	ssyncadd.s32 $0xFFFFF000  }
0x52: {  	_ =	swait.ge [sflag:s22], $0x1000  }
0x53: {  	[sflag:s22] =	ssyncset.done $0x0  }
0x54: {  	[sflag:s22] =	ssyncadd.s32 $0xFFFFF000  }
0x55: {  	[tilespmem:s26], [sflag:$0x5] =	stream.linear.gather [hbm4b:s7+s2], $0x10, $0x38;
	[tilespmem:$0x11020] =	vst v63  }
0x56: {  	_ =	swait.ge [sflag:s15], $0x10  }
0x57: {  	[sflag:s15] =	ssyncset.done $0x0  }
0x58: {  	[sflag:s15] =	ssyncadd.s32 $0xFFFFFFF0  }
0x59: {  	[tilespmem:s28], [sflag:$0x5] =	stream.linear.gather [hbm4b:s8+s2], $0x10, $0x38;
	[tilespmem:$0x11020] =	vst v63  }
0x5a: {  	_ =	swait.ge [sflag:s15], $0x10  }
0x5b: {  	[sflag:s15] =	ssyncset.done $0x0  }
0x5c: {  	[sflag:s15] =	ssyncadd.s32 $0xFFFFFFF0  }
0x5d: {  	[tilespmem:s30], [sflag:$0x2] =	stream.indirect.gather [hbm4b:s3+s29], $0x20, s26, s29, $0xb8;
	[tilespmem:$0x11020] =	vst v63  }
0x5e: {  	_ =	swait.ge [sflag:s24], $0x200  }
0x5f: {  	[sflag:s24] =	ssyncset.done $0x0  }
0x60: {  	[sflag:s24] =	ssyncadd.s32 $0xFFFFFE00  }
0x61: {  	[spmem:s1] =	stream.indirect.scatter.add.f32 [tilespmem:s30], [sflag:$0x5], $0x20, s28, s29, $0xb8;
	[tilespmem:$0x11020] =	vst v63  }
0x62: {  	_ =	swait.ge [sflag:s15], $0x200  }
0x63: {  	[sflag:s15] =	ssyncset.done $0x0  }
0x64: {  	[sflag:s15] =	ssyncadd.s32 $0xFFFFFE00  }
0x65: {  	[bflag:$0x0] =	sbarrier.arrive $0xFFFF  }
0x66: {  	[tilespmem:s14], [sflag:$0x5] =	stream.linear.gather [spmem:s9], $0x4E00, $0x38;
	[tilespmem:$0x11020] =	vst v63  }
0x67: {  	_ =	swait.ge [sflag:s15], $0x4E00  }
0x68: {  	[sflag:s15] =	ssyncset.done $0x0  }
0x69: {  	[sflag:s15] =	ssyncadd.s32 $0xFFFFB200  }
0x6a: {  	[hbm4b:s10+s2] =	stream.linear.scatter [tilespmem:s14], [sflag:$0x5], $0x4E00, $0x38;
	[tilespmem:$0x11020] =	vst v63  }
0x6b: {  	_ =	swait.ge [sflag:s15], $0x4E00  }
0x6c: {  	[sflag:s15] =	ssyncset.done $0x0  }
0x6d: {  	s0 =	simm.s32 @!p0 $0x10E20;
	s17 =	simm.s32 @!p0 $0x5;
	[sflag:s15] =	ssyncadd.s32 $0xFFFFB200  }
0x6e: {  	[tilespmem:s0], [sflag:$0x5] =	stream.linear.gather @!p0 [spmem:s11], $0x200, $0x38;
	[tilespmem:$0x11020] =	vst v63  }
0x6f: {  	s31 =	sadd.s32 $0x1, s31;
	_ =	swait.ge @!p0 [sflag:s17], $0x200  }
0x70: {  	p1 =	sne.s32 s31, s13;
	[sflag:s17] =	ssyncset.done @!p0 $0x0  }
.Ltmp2:
0x71: {  	s20 =	simm.s32 @!p0 $0x0;
	[sflag:s17] =	ssyncadd.s32 @!p0 $0xFFFFFE00;
	(pc) =	sbr.rel @p1 .LBB2_1-.Ltmp2, $4  }
0x72: {  	[hbm4b:s12+s20] =	stream.linear.scatter @!p0 [tilespmem:s0], [sflag:$0x5], $0x200, $0x38;
	[tilespmem:$0x11020] =	vst v63  }
0x73: {  	_ =	swait.ge @!p0 [sflag:s17], $0x200  }
0x74: {  	[sflag:s17] =	ssyncset.done @!p0 $0x0  }
0x75: {  	[sflag:s17] =	ssyncadd.s32 @!p0 $0xFFFFFE00  }
0x76: {  	_ =	sfence.sel $0x180000  }
0x77: {  	[bflag:$0x0] =	sbarrier.arrive $0xFFFF  }
0x78: {  	_ =	strace $0x90000050  }
0x79: {  	[bflag:$0x2] =	sbarrier.arrive $0xFFFF  }
0x7a: {  	s0 =	rddreg [dreg:$0x2]  }
0x7b: {  	s0 =	sadd.s32 @!p0 $0x100000, s0  }
0x7c: {  	[sflag:s0] =	ssyncadd.tile.s32 @!p0 $0x1;
	_ =	shalt  }
.Lfunc_end2:
_tile_overlayer_lowered:
.L_overlay_start_2:
0x7d: {  	(tag) =	ssettag $0x2  }
0x7e: {  	s0 =	rddreg [dreg:$0x0];
	s2 =	stileid.u32  }
0x7f: {  	s1 =	rddreg [dreg:$0x1];
	p0 =	sne.s32 s2, $0x0  }
0x80: {  	s3 =	rddreg [dreg:$0x2];
	[bflag:$0x3] =	sbarrier.arrive $0xFFFF;
	s2 =	simm.s32 @!p0 $0x1C05  }
0x81: {  	[timem:s3], [sflag:s2] =	dma.local @!p0 [hbm:s0], s1  }
0x82: {  	s0 =	simm.s32 @!p0 $0x5  }
0x83: {  	_ =	swait.ge @!p0 [sflag:s0], s1  }
0x84: {  	s1 =	ssub.s32 @!p0 $0x0, s1;
	[sflag:s0] =	ssyncset.done @!p0 $0x0  }
0x85: {  	[sflag:s0] =	ssyncadd.s32 @!p0 s1  }
0x86: {  	[bflag:$0x3] =	sbarrier.arrive $0xFFFF  }
0x87: {  	_ =	shalt  }

// kernel: kernel.28.cloned.1.call-start
scs
__scs_entry_jumppad:
0x0: {  	(pc) =	sbr.rel $0x88, $3  }
0x1: {  	(tag) =	ssettag $0x0;
	lr =	simm.s32 $0x1  }
0x2: {  	[smem:$0x3F8E] =	sst lr;
	_ =	strace $0xD0000000  }
0x3: {  	_ = 	snop  }
0x4: {  	_ = 	snop  }
0x5: {  	_ = 	snop  }
0x6: {  	_ = 	snop  }
0x7: {  	_ = 	snop  }
__scs_overlays_trampoline_lowered:
0x8: {  	[smem:$0x3F9D] =	sst s0  }
0x9: {  	[smem:$0x3F9E] =	sst s1  }
0xa: {  	[smem:$0x3F9F] =	sst s2  }
0xb: {  	[smem:$0x3FA0] =	sst s3  }
0xc: {  	[smem:$0x3FA1] =	sst s4  }
0xd: {  	[smem:$0x3FA2] =	sst s5  }
0xe: {  	[smem:$0x3FA3] =	sst s6  }
0xf: {  	[smem:$0x3FA4] =	sst s7  }
0x10: {  	[smem:$0x3FA5] =	sst s8  }
0x11: {  	[smem:$0x3FA6] =	sst s9;
	s0 =	simm.s32 @!p0 $0x0  }
0x12: {  	s1 =	sld [smem:$0x3F8C];
	s0 =	simm.s32 @p0 $0x1  }
0x13: {  	[smem:$0x3FA7] =	sst s0;
	s0 =	simm.s32 @!p1 $0x0  }
0x14: {  	s2 =	sld [smem:$0x3F8B];
	s0 =	simm.s32 @p1 $0x1  }
0x15: {  	[smem:$0x3FA8] =	sst s0;
	s0 =	simm.s32 @!p2 $0x0  }
0x16: {  	s3 =	sld [smem:$0x3FDB];
	s0 =	simm.s32 @p2 $0x1  }
0x17: {  	s4 =	simm.s32 $0x1BF5;
	[smem:$0x3FAA] =	sst s0  }
0x18: {  	s0 =	sld [smem:$0x3F8D];
	_ =	swait.ge [sflag:s4], $0x0  }
0x19: {  	s7 =	sld [smem:$0x3F8E]  }
0x1a: {  	s8 =	sadd.s32 $0xFFFFE003, lr  }
0x1b: {  	s9 =	sadd.s32 $0xFFFFFEF7, lr;
	s5 =	simm.s32 $0xFFFFFFFF;
	p2 =	slt.u32 s8, $0xFFFFF086  }
0x1c: {  	p1 =	slt.u32 s9, $0xF7A;
	s5 =	simm.s32 @!p2 $0x0  }
0x1d: {  	s5 =	simm.s32 @p1 $0x1;
	p0 =	seq.s32 s7, s2  }
0x1e: {  	s7 =	smul.u32 @!p0 $0xF7A, s2;
	p2 =	seq.s32 @!p0 s5, $0x0  }
0x1f: {  	s9 =	smul.u32 $0xF7A, s1;
	s8 =	simm.s32 @!p0 $0x1BF5;
	p2 =	por !p2, p0  }
0x20: {  	[sflag:s8] =	ssyncset.s32 @!p0 $0xFFFFF086;
	s6 =	sadd.s32 @!p0 s3, s7;
	s7 =	simm.s32 @!p0 $0x108  }
0x21: {  	s3 =	sadd.s32 s3, s9;
	s6 =	sadd.s32 @!p0 $0x88, s6;
	s7 =	simm.s32 @p2 $0x1082  }
0x22: {  	[simem:s7], [sflag:s8] =	dma.local @!p0 [hbm:s6], $0xF7A  }
0x23: {  	s9 =	sor.u32 $0xD0000000, s2;
	s6 =	simm.s32 $0x108;
	_ =	swait.ge @!p0 [sflag:s8], $0x0  }
0x24: {  	s3 =	sadd.s32 $0x88, s3;
	s6 =	simm.s32 @!p1 $0x1082;
	[sflag:s4] =	ssyncset.s32 $0xFFFFF086  }
0x25: {  	[simem:s6], [sflag:s4] =	dma.local [hbm:s3], $0xF7A  }
0x26: {  	[smem:$0x3F8E] =	sst s1;
	(tag) =	ssettag s2;
	_ =	strace s9  }
0x27: {  	s1 =	sld [smem:$0x3F9E]  }
0x28: {  	s2 =	sld [smem:$0x3F9F]  }
0x29: {  	s4 =	sld [smem:$0x3FA1]  }
0x2a: {  	p0 =	seq.s32 s5, $0x0;
	s5 =	sld [smem:$0x3FA2]  }
0x2b: {  	s6 =	sld [smem:$0x3FA3]  }
0x2c: {  	s7 =	sld [smem:$0x3FA4]  }
0x2d: {  	s3 =	simm.s32 $0x108;
	s8 =	sld [smem:$0x3FA5]  }
0x2e: {  	s3 =	simm.s32 @!p0 $0x1082;
	s9 =	sld [smem:$0x3FA6]  }
0x2f: {  	lr =	sadd.s32 s0, s3;
	s0 =	sld [smem:$0x3F9D]  }
0x30: {  	s3 =	sld [smem:$0x3FA0]  }
0x31: {  	[smem:$0x3FA9] =	sst s10  }
0x32: {  	s10 =	sld [smem:$0x3FA7];
	_ =	sdelay $0x3  }
0x33: {  	p0 =	seq.s32 s10, $0x1;
	s10 =	sld [smem:$0x3FA9];
	_ =	sdelay $0x3  }
0x34: {  	[smem:$0x3FA9] =	sst s10  }
0x35: {  	s10 =	sld [smem:$0x3FA8];
	_ =	sdelay $0x3  }
0x36: {  	p1 =	seq.s32 s10, $0x1;
	s10 =	sld [smem:$0x3FA9];
	_ =	sdelay $0x3  }
0x37: {  	[smem:$0x3FA9] =	sst s10  }
0x38: {  	s10 =	sld [smem:$0x3FAA]  }
0x39: {  	_ = 	snop;
	(pc) =	sbr.ind lr, $3  }
0x3a: {  	_ = 	snop  }
0x3b: {  	_ = 	snop  }
0x3c: {  	p2 =	seq.s32 s10, $0x1;
	s10 =	sld [smem:$0x3FA9]  }
0x3d: {  	_ =	shalt  }
0x3e: {  	_ =	shalt  }
0x3f: {  	_ =	shalt  }
0x40: {  	_ =	shalt  }
0x41: {  	_ =	shalt  }
0x42: {  	_ =	shalt  }
0x43: {  	_ =	shalt  }
0x44: {  	_ =	shalt  }
0x45: {  	_ =	shalt  }
0x46: {  	_ =	shalt  }
0x47: {  	_ =	shalt  }
0x48: {  	_ =	shalt  }
0x49: {  	_ =	shalt  }
0x4a: {  	_ =	shalt  }
0x4b: {  	_ =	shalt  }
0x4c: {  	_ =	shalt  }
0x4d: {  	_ =	shalt  }
0x4e: {  	_ =	shalt  }
0x4f: {  	_ =	shalt  }
0x50: {  	_ =	shalt  }
0x51: {  	_ =	shalt  }
0x52: {  	_ =	shalt  }
0x53: {  	_ =	shalt  }
0x54: {  	_ =	shalt  }
0x55: {  	_ =	shalt  }
0x56: {  	_ =	shalt  }
0x57: {  	_ =	shalt  }
0x58: {  	_ =	shalt  }
0x59: {  	_ =	shalt  }
0x5a: {  	_ =	shalt  }
0x5b: {  	_ =	shalt  }
0x5c: {  	_ =	shalt  }
0x5d: {  	_ =	shalt  }
0x5e: {  	_ =	shalt  }
0x5f: {  	_ =	shalt  }
0x60: {  	_ =	shalt  }
0x61: {  	_ =	shalt  }
0x62: {  	_ =	shalt  }
0x63: {  	_ =	shalt  }
0x64: {  	_ =	shalt  }
0x65: {  	_ =	shalt  }
0x66: {  	_ =	shalt  }
0x67: {  	_ =	shalt  }
0x68: {  	_ =	shalt  }
0x69: {  	_ =	shalt  }
0x6a: {  	_ =	shalt  }
0x6b: {  	_ =	shalt  }
0x6c: {  	_ =	shalt  }
0x6d: {  	_ =	shalt  }
0x6e: {  	_ =	shalt  }
0x6f: {  	_ =	shalt  }
0x70: {  	_ =	shalt  }
0x71: {  	_ =	shalt  }
0x72: {  	_ =	shalt  }
0x73: {  	_ =	shalt  }
0x74: {  	_ =	shalt  }
0x75: {  	_ =	shalt  }
0x76: {  	_ =	shalt  }
0x77: {  	_ =	shalt  }
0x78: {  	_ =	shalt  }
0x79: {  	_ =	shalt  }
0x7a: {  	_ =	shalt  }
0x7b: {  	_ =	shalt  }
0x7c: {  	_ =	shalt  }
0x7d: {  	_ =	shalt  }
0x7e: {  	_ =	shalt  }
0x7f: {  	_ =	shalt  }
0x80: {  	_ =	shalt  }
0x81: {  	_ =	shalt  }
0x82: {  	_ =	shalt  }
0x83: {  	_ =	shalt  }
0x84: {  	_ =	shalt  }
0x85: {  	_ =	shalt  }
0x86: {  	_ =	shalt  }
0x87: {  	_ =	shalt  }
.Lfunc_end0:
.L_simem_size_0:
called_computation.4_lowered:
.L_overlay_start_0:
0x88: {  	s2 =	sld [smem:$0x3FD9]  }
0x89: {  	s3 =	sld [smem:$0x3FFE];
	_ =	sdelay $0x1  }
0x8a: {  	s1 =	srdreg.scid  }
0x8b: {  	s0 =	sand.u32 $0x1, s1  }
0x8c: {  	s16 =	sshll.u32 s0, $0xA;
	s2 =	sadd.s32 s3, s2  }
0x8d: {  	s2 =	sadd.s32 s2, s16  }
0x8e: {  	[smem:$0x3FB5] =	sst s2  }
0x8f: {  	_ = 	snop  }
0x90: {  	(tm) =	ssettm $0x1  }
0x91: {  	s17 =	sld [smem:$0x3FFB];
	_ =	sdelay $0x3  }
0x92: {  	_ =	strace s17  }
0x93: {  	s2 =	sld [smem:$0x3FFC];
	_ =	sdelay $0x3  }
0x94: {  	_ =	strace s2  }
0x95: {  	s2 =	sld [smem:$0x3FFD];
	_ =	sdelay $0x3  }
0x96: {  	_ =	strace s2  }
0x97: {  	_ =	strace $0x8FFFFFFF  }
0x98: {  	s18 =	sld [smem:$0x3FDB];
	_ =	sdelay $0x1  }
0x99: {  	s19 =	simm.s32 $_scs_section_size  }
0x9a: {  	s4 =	simm.s32 $_size__tile_overlayer_lowered;
	s5 =	simm.s32 $_tile_overlayer_lowered  }
0x9b: {  	s22 =	simm.s32 $0x1BFF;
	s21 =	sshll.u32 s5, $0x1;
	s2 =	sadd.s32 s19, s18  }
0x9c: {  	s6 =	simm.s32 $0x0;
	s20 =	sshll.u32 s4, $0x1;
	s4 =	sadd.s32 s21, s2  }
0x9d: {  	[timem:s6], [sflag:s22] =	dma.local [hbm:s4], s20  }
0x9e: {  	_ =	swait.ge [sflag:s22], s20  }
0x9f: {  	s3 =	ssub.s32 $0x0, s20;
	[sflag:s22] =	ssyncset.done $0x0  }
0xa0: {  	[sflag:s22] =	ssyncadd.s32 s3;
	_ =	sdelay $0x1  }
0xa1: {  	s23 =	simm.s32 $0x1B8B  }
0xa2: {  	_ =	swait.ge [sflag:s23], $0x1  }
0xa3: {  	[sflag:s23] =	ssyncset.done $0x0  }
0xa4: {  	s25 =	simm.s32 $0x1B8E;
	s24 =	sld [smem:$0x3FFE];
	[sflag:s23] =	ssyncadd.s32 $0xFFFFFFFF  }
0xa5: {  	s26 =	simm.s32 $execute0_lowered;
	[smem:$0x3FD2] =	sst s25  }
0xa6: {  	s4 =	sshll.u32 s26, $0x1;
	_ =	strace $0x80000052;
	[dreg:$0x1] =	wrdreg $0xFFFFFFFF  }
0xa7: {  	s28 =	simm.s32 $_size_execute0_lowered;
	s2 =	sadd.s32 s2, s4;
	[dreg:$0x0] =	wrdreg $0x0  }
0xa8: {  	s4 =	sshll.u32 s28, $0x1;
	[dreg:$0x2] =	wrdreg s2  }
0xa9: {  	[dreg:$0x3] =	wrdreg s4  }
0xaa: {  	[dreg:$0x4] =	wrdreg $0xC0  }
0xab: {  	_ =	task [dreg:s6], $0x5FFFF  }
0xac: {  	[dreg:$0x1] =	wrdreg $0xFFFFFFFF  }
0xad: {  	[dreg:$0x0] =	wrdreg $0x60  }
0xae: {  	[dreg:$0x2] =	wrdreg s24  }
0xaf: {  	[dreg:$0x3] =	wrdreg $0x0  }
0xb0: {  	[dreg:$0x4] =	wrdreg $0x9  }
0xb1: {  	_ =	task.clear_ibuf [dreg:s6], $0x5FFFF;
	_ =	strace $0x90000052  }
0xb2: {  	s29 =	simm.s32 $0x9;
	_ =	strace $0x80000054  }
0xb3: {  	_ =	swait.ge [sflag:s29], $0x1  }
0xb4: {  	[sflag:s29] =	ssyncadd.s32 $0xFFFFFFFF  }
0xb5: {  	_ =	strace $0x90000054  }
0xb6: {  	_ =	sfence  }
0xb7: {  	s30 =	sld [smem:$0x0];
	_ =	sdelay $0x2  }
0xb8: {  	s31 =	sshll.u32 s1, $0xD;
	s1 =	sshrl.u32 s1, $0x2  }
0xb9: {  	s3 =	sand.u32 $0x4000, s31;
	s1 =	sadd.s32 s1, s30  }
0xba: {  	s0 =	sor.u32 s3, s0;
	s1 =	sshll.u32 s1, $0x11  }
0xbb: {  	s0 =	sor.u32 s1, s0  }
0xbc: {  	s0 =	sadd.s32 $0x8F2B, s0  }
0xbd: {  	[sflag:s0] =	ssyncadd.remote.s32 $0x1  }
0xbe: {  	_ =	sfence.sel $0xFFFF  }
0xbf: {  	[dreg:$0x0] =	wrdreg $0xFFFFFFFF;
	(pc) =	sbr.abs _section_cstart, $3  }
0xc0: {  	[dreg:$0x1] =	wrdreg $0xFFFFFFFF  }
0xc1: {  	_ =	task.clear_ibuf [dreg:s6], $0x2FFFF;
	_ =	strace $0x9FFFFFFF  }
0xc2: {  	(tm) =	ssettm $0x7FFFFFFF  }
0xc3: {  	_ =	shalt  }
tec
execute0_lowered:
.L_overlay_start_1:
0x0: {  	(tag) =	ssettag $0x1  }
0x1: {  	s0 =	rddreg [dreg:$0x0]  }
0x2: {  	s1 =	rddreg [dreg:$0x1];
	s2 =	simm.s32 $0x0  }
0x3: {  	s4 =	srdreg.scid;
	s17 =	stileid.u32;
	s15 =	simm.s32 $0x5  }
0x4: {  	s16 =	simm.s32 $0x9E00;
	s18 =	simm.s32 $0x80;
	s19 =	simm.s32 $0xEE00  }
0x5: {  	s21 =	simm.s32 $0x1;
	s22 =	simm.s32 $0x4;
	s28 =	simm.s32 $0x10E10  }
0x6: {  	s29 =	simm.s32 $0x10;
	s30 =	simm.s32 $0x10E20;
	s31 =	simm.s32 $0x0  }
0x7: {  	[smem:$0x7FF] =	sst s2;
	s3 =	sadd.s32 $0x5600, s0;
	s4 =	sand.u32 $0x1, s4  }
0x8: {  	s7 =	sadd.s32 $0x19C00, s0;
	s8 =	smul.u32 $0x13C00, s17;
	s9 =	sadd.s32 $0x23C00, s0  }
0x9: {  	s0 =	sadd.s32 $0xCA400, s0;
	s23 =	smul.u32 $0x4E00, s17;
	p0 =	sne.s32 s17, $0x0  }
0xa: {  	_ =	strace $0x80000053;
	s5 =	sshll.u32 s4, $0x4;
	s6 =	ssub.s32 $0x2, s4  }
0xb: {  	s11 =	smul.u32 $0x4E200, s4;
	s5 =	sor.u32 s17, s5;
	s10 =	sshrl.u32 s6, $0x1  }
0xc: {  	s24 =	sshrl.u32 s8, $0x2;
	s5 =	smul.u32 $0x2800, s5;
	s13 =	ssub.s32 s6, s10  }
0xd: {  	s4 =	sadd.s32 s24, s1;
	s14 =	sadd.s32 s23, s11;
	s11 =	sshrl.u32 s11, $0x3  }
0xe: {  	s24 =	simm.s32 $0x2;
	s26 =	sshrl.u32 s14, $0x3;
	s13 =	smax.u32 s13, $0x1  }
0xf: {  	s14 =	simm.s32 $0x4F00;
	s25 =	sshrl.u32 s5, $0x3;
	s10 =	sadd.s32 s0, s26  }
0x10: {  	s0 =	sadd.s32 s0, s11;
	s11 =	sadd.s32 $0x4E000, s1;
	s26 =	simm.s32 $0x10E00  }
0x11: {  	s5 =	sadd.s32 s7, s25;
	s12 =	sadd.s32 $0x4E0, s25;
	s6 =	sadd.s32 s9, s25  }
0x12: {  	s25 =	simm.s32 $0x3;
	s7 =	sadd.s32 s7, s12;
	s8 =	sadd.s32 s9, s12  }
0x13: {  	v0 =	vimm.f32 $0.0e+00;
	s9 =	sadd.s32 s23, s1;
	s12 =	sadd.s32 $0x9C00, s0;
	s23 =	simm.s32 $0xFE00  }
.LBB2_1:
0x14: {  	s0 =	simm.s32 $0x80;
	s17 =	simm.s32 $0x0  }
.LBB2_2:
0x15: {  	p1 =	sne.s32 s0, $0x13B80;
	[tilespmem:s17+$0x4F00] =	vst v0;
	s20 =	smov.u32 s0;
	s0 =	sadd.s32 $0x80, s0  }
.Ltmp0:
0x16: {  	[tilespmem:s17+$0x4F10] =	vst v0;
	(pc) =	sbr.rel @p1 .LBB2_2-.Ltmp0, $2  }
0x17: {  	_ =	sdelay $0x2  }
0x18: {  	s17 =	sshra.s32 s20, $0x2  }
0x19: {  	[tilespmem:s17+$0x4F00] =	vst v0  }
0x1a: {  	[tilespmem:s17+$0x4F10] =	vst v0  }
0x1b: {  	[spmem:s4] =	stream.linear.scatter [tilespmem:s14], [sflag:$0x5], $0x4F00, $0x38;
	[tilespmem:$0x11020] =	vst v63  }
0x1c: {  	_ =	swait.ge [sflag:s15], $0x4F00  }
0x1d: {  	[sflag:s15] =	ssyncset.done $0x0  }
0x1e: {  	s0 =	simm.s32 $0x0;
	[sflag:s15] =	ssyncadd.s32 $0xFFFFB100  }
0x1f: {  	[tilespmem:s16], [sflag:$0x5] =	stream.linear.gather [hbm4b:s5+s0], $0x2800, $0x38;
	[tilespmem:$0x11020] =	vst v63  }
0x20: {  	_ =	swait.ge [sflag:s15], $0x2800  }
0x21: {  	[sflag:s15] =	ssyncset.done $0x0  }
0x22: {  	s20 =	simm.s32 $0xC600;
	[sflag:s15] =	ssyncadd.s32 $0xFFFFD800  }
0x23: {  	[tilespmem:s20], [sflag:$0x5] =	stream.linear.gather [hbm4b:s6+s0], $0x2800, $0x38;
	[tilespmem:$0x11020] =	vst v63  }
0x24: {  	_ =	swait.ge [sflag:s15], $0x2800  }
0x25: {  	[sflag:s15] =	ssyncset.done $0x0  }
0x26: {  	[sflag:s15] =	ssyncadd.s32 $0xFFFFD800  }
0x27: {  	[bflag:$0x0] =	sbarrier.arrive $0xFFFF  }
0x28: {  	[tilespmem:s19], [sflag:$0x1] =	stream.indirect.gather [hbm4b:s3+s18], $0x20, s16, s18, $0xb8;
	[tilespmem:$0x11020] =	vst v63  }
0x29: {  	s17 =	simm.s32 $0xED80  }
0x2a: {  	[spmem:s1] =	stream.indirect.scatter.add.f32 [tilespmem:s14], [sflag:$0x4], $0x20, s17, s18, $0xb8;
	[tilespmem:$0x11020] =	vst v63  }
0x2b: {  	_ =	swait.ge [sflag:s21], $0x1000  }
0x2c: {  	[sflag:s21] =	ssyncset.done $0x0  }
0x2d: {  	[sflag:s21] =	ssyncadd.s32 $0xFFFFF000  }
0x2e: {  	_ =	swait.ge [sflag:s22], $0x1000  }
0x2f: {  	[sflag:s22] =	ssyncset.done $0x0  }
0x30: {  	s20 =	simm.s32 $0x9E80;
	[sflag:s22] =	ssyncadd.s32 $0xFFFFF000  }
0x31: {  	[tilespmem:s23], [sflag:$0x2] =	stream.indirect.gather [hbm4b:s3+s18], $0x20, s20, s18, $0xb8;
	[tilespmem:$0x11020] =	vst v63  }
0x32: {  	s17 =	simm.s32 $0xC600  }
0x33: {  	[spmem:s1] =	stream.indirect.scatter.add.f32 [tilespmem:s19], [sflag:$0x3], $0x20, s17, s18, $0xb8;
	[tilespmem:$0x11020] =	vst v63  }
0x34: {  	_ =	swait.ge [sflag:s24], $0x1000  }
0x35: {  	[sflag:s24] =	ssyncset.done $0x0  }
0x36: {  	[sflag:s24] =	ssyncadd.s32 $0xFFFFF000  }
0x37: {  	_ =	swait.ge [sflag:s25], $0x1000  }
0x38: {  	s0 =	simm.s32 $0x400;
	[sflag:s25] =	ssyncset.done $0x0  }
0x39: {  	s20 =	simm.s32 $0x9F00;
	s17 =	simm.s32 $0xC680;
	[sflag:s25] =	ssyncadd.s32 $0xFFFFF000  }
0x3a: {  	[tilespmem:s19], [sflag:$0x1] =	stream.indirect.gather [hbm4b:s3+s18], $0x20, s20, s18, $0xb8;
	[tilespmem:$0x11020] =	vst v63  }
.LBB2_4:
0x3b: {  	[spmem:s1] =	stream.indirect.scatter.add.f32 [tilespmem:s23], [sflag:$0x4], $0x20, s17, s18, $0xb8;
	[tilespmem:$0x11020] =	vst v63  }
0x3c: {  	s17 =	smov.u32 s0  }
0x3d: {  	p1 =	sne.s32 s0, $0x9800;
	s0 =	sadd.s32 $0x400, s0;
	_ =	swait.ge [sflag:s21], $0x1000  }
0x3e: {  	[sflag:s21] =	ssyncset.done $0x0  }
0x3f: {  	[sflag:s21] =	ssyncadd.s32 $0xFFFFF000  }
0x40: {  	_ =	swait.ge [sflag:s22], $0x1000  }
0x41: {  	s17 =	sshra.s32 s17, $0x2;
	[sflag:s22] =	ssyncset.done $0x0  }
0x42: {  	s20 =	sadd.s32 $0x9E80, s17;
	[sflag:s22] =	ssyncadd.s32 $0xFFFFF000  }
0x43: {  	[tilespmem:s23], [sflag:$0x2] =	stream.indirect.gather [hbm4b:s3+s18], $0x20, s20, s18, $0xb8;
	[tilespmem:$0x11020] =	vst v63  }
0x44: {  	s20 =	sadd.s32 $0xC600, s17  }
0x45: {  	[spmem:s1] =	stream.indirect.scatter.add.f32 [tilespmem:s19], [sflag:$0x3], $0x20, s20, s18, $0xb8;
	[tilespmem:$0x11020] =	vst v63  }
0x46: {  	_ =	swait.ge [sflag:s24], $0x1000  }
0x47: {  	[sflag:s24] =	ssyncset.done $0x0  }
0x48: {  	[sflag:s24] =	ssyncadd.s32 $0xFFFFF000  }
.Ltmp1:
0x49: {  	_ =	swait.ge [sflag:s25], $0x1000;
	(pc) =	sbr.rel @p1 .LBB2_4-.Ltmp1, $4  }
0x4a: {  	[sflag:s25] =	ssyncset.done $0x0  }
0x4b: {  	s20 =	sadd.s32 $0x9F00, s17;
	[sflag:s25] =	ssyncadd.s32 $0xFFFFF000  }
0x4c: {  	[tilespmem:s19], [sflag:$0x1] =	stream.indirect.gather [hbm4b:s3+s18], $0x20, s20, s18, $0xb8;
	[tilespmem:$0x11020] =	vst v63  }
0x4d: {  	s17 =	sadd.s32 $0xC680, s17  }
0x4e: {  	[spmem:s1] =	stream.indirect.scatter.add.f32 [tilespmem:s23], [sflag:$0x4], $0x20, s17, s18, $0xb8;
	[tilespmem:$0x11020] =	vst v63  }
0x4f: {  	_ =	swait.ge [sflag:s21], $0x1000  }
0x50: {  	[sflag:s21] =	ssyncset.done $0x0  }
0x51: {  	[sflag:s21] =	ssyncadd.s32 $0xFFFFF000  }
0x52: {  	_ =	swait.ge [sflag:s22], $0x1000  }
0x53: {  	[sflag:s22] =	ssyncset.done $0x0  }
0x54: {  	[sflag:s22] =	ssyncadd.s32 $0xFFFFF000  }
0x55: {  	[tilespmem:s26], [sflag:$0x5] =	stream.linear.gather [hbm4b:s7+s2], $0x10, $0x38;
	[tilespmem:$0x11020] =	vst v63  }
0x56: {  	_ =	swait.ge [sflag:s15], $0x10  }
0x57: {  	[sflag:s15] =	ssyncset.done $0x0  }
0x58: {  	[sflag:s15] =	ssyncadd.s32 $0xFFFFFFF0  }
0x59: {  	[tilespmem:s28], [sflag:$0x5] =	stream.linear.gather [hbm4b:s8+s2], $0x10, $0x38;
	[tilespmem:$0x11020] =	vst v63  }
0x5a: {  	_ =	swait.ge [sflag:s15], $0x10  }
0x5b: {  	[sflag:s15] =	ssyncset.done $0x0  }
0x5c: {  	[sflag:s15] =	ssyncadd.s32 $0xFFFFFFF0  }
0x5d: {  	[tilespmem:s30], [sflag:$0x2] =	stream.indirect.gather [hbm4b:s3+s29], $0x20, s26, s29, $0xb8;
	[tilespmem:$0x11020] =	vst v63  }
0x5e: {  	_ =	swait.ge [sflag:s24], $0x200  }
0x5f: {  	[sflag:s24] =	ssyncset.done $0x0  }
0x60: {  	[sflag:s24] =	ssyncadd.s32 $0xFFFFFE00  }
0x61: {  	[spmem:s1] =	stream.indirect.scatter.add.f32 [tilespmem:s30], [sflag:$0x5], $0x20, s28, s29, $0xb8;
	[tilespmem:$0x11020] =	vst v63  }
0x62: {  	_ =	swait.ge [sflag:s15], $0x200  }
0x63: {  	[sflag:s15] =	ssyncset.done $0x0  }
0x64: {  	[sflag:s15] =	ssyncadd.s32 $0xFFFFFE00  }
0x65: {  	[bflag:$0x0] =	sbarrier.arrive $0xFFFF  }
0x66: {  	[tilespmem:s14], [sflag:$0x5] =	stream.linear.gather [spmem:s9], $0x4E00, $0x38;
	[tilespmem:$0x11020] =	vst v63  }
0x67: {  	_ =	swait.ge [sflag:s15], $0x4E00  }
0x68: {  	[sflag:s15] =	ssyncset.done $0x0  }
0x69: {  	[sflag:s15] =	ssyncadd.s32 $0xFFFFB200  }
0x6a: {  	[hbm4b:s10+s2] =	stream.linear.scatter [tilespmem:s14], [sflag:$0x5], $0x4E00, $0x38;
	[tilespmem:$0x11020] =	vst v63  }
0x6b: {  	_ =	swait.ge [sflag:s15], $0x4E00  }
0x6c: {  	[sflag:s15] =	ssyncset.done $0x0  }
0x6d: {  	s0 =	simm.s32 @!p0 $0x10E20;
	s17 =	simm.s32 @!p0 $0x5;
	[sflag:s15] =	ssyncadd.s32 $0xFFFFB200  }
0x6e: {  	[tilespmem:s0], [sflag:$0x5] =	stream.linear.gather @!p0 [spmem:s11], $0x200, $0x38;
	[tilespmem:$0x11020] =	vst v63  }
0x6f: {  	s31 =	sadd.s32 $0x1, s31;
	_ =	swait.ge @!p0 [sflag:s17], $0x200  }
0x70: {  	p1 =	sne.s32 s31, s13;
	[sflag:s17] =	ssyncset.done @!p0 $0x0  }
.Ltmp2:
0x71: {  	s20 =	simm.s32 @!p0 $0x0;
	[sflag:s17] =	ssyncadd.s32 @!p0 $0xFFFFFE00;
	(pc) =	sbr.rel @p1 .LBB2_1-.Ltmp2, $4  }
0x72: {  	[hbm4b:s12+s20] =	stream.linear.scatter @!p0 [tilespmem:s0], [sflag:$0x5], $0x200, $0x38;
	[tilespmem:$0x11020] =	vst v63  }
0x73: {  	_ =	swait.ge @!p0 [sflag:s17], $0x200  }
0x74: {  	[sflag:s17] =	ssyncset.done @!p0 $0x0  }
0x75: {  	[sflag:s17] =	ssyncadd.s32 @!p0 $0xFFFFFE00  }
0x76: {  	_ =	sfence.sel $0x180000  }
0x77: {  	[bflag:$0x0] =	sbarrier.arrive $0xFFFF  }
0x78: {  	_ =	strace $0x90000053  }
0x79: {  	[bflag:$0x2] =	sbarrier.arrive $0xFFFF  }
0x7a: {  	s0 =	rddreg [dreg:$0x2]  }
0x7b: {  	s0 =	sadd.s32 @!p0 $0x100000, s0  }
0x7c: {  	[sflag:s0] =	ssyncadd.tile.s32 @!p0 $0x1;
	_ =	shalt  }
.Lfunc_end2:
_tile_overlayer_lowered:
.L_overlay_start_2:
0x7d: {  	(tag) =	ssettag $0x2  }
0x7e: {  	s0 =	rddreg [dreg:$0x0];
	s2 =	stileid.u32  }
0x7f: {  	s1 =	rddreg [dreg:$0x1];
	p0 =	sne.s32 s2, $0x0  }
0x80: {  	s3 =	rddreg [dreg:$0x2];
	[bflag:$0x3] =	sbarrier.arrive $0xFFFF;
	s2 =	simm.s32 @!p0 $0x1C05  }
0x81: {  	[timem:s3], [sflag:s2] =	dma.local @!p0 [hbm:s0], s1  }
0x82: {  	s0 =	simm.s32 @!p0 $0x5  }
0x83: {  	_ =	swait.ge @!p0 [sflag:s0], s1  }
0x84: {  	s1 =	ssub.s32 @!p0 $0x0, s1;
	[sflag:s0] =	ssyncset.done @!p0 $0x0  }
0x85: {  	[sflag:s0] =	ssyncadd.s32 @!p0 s1  }
0x86: {  	[bflag:$0x3] =	sbarrier.arrive $0xFFFF  }
0x87: {  	_ =	shalt  }

// kernel: kernel.31.cloned.1.call-start
scs
__scs_entry_jumppad:
0x0: {  	(pc) =	sbr.rel $0x88, $3  }
0x1: {  	(tag) =	ssettag $0x0;
	lr =	simm.s32 $0x1  }
0x2: {  	[smem:$0x3F8E] =	sst lr;
	_ =	strace $0xD0000000  }
0x3: {  	_ = 	snop  }
0x4: {  	_ = 	snop  }
0x5: {  	_ = 	snop  }
0x6: {  	_ = 	snop  }
0x7: {  	_ = 	snop  }
__scs_overlays_trampoline_lowered:
0x8: {  	[smem:$0x3F9D] =	sst s0  }
0x9: {  	[smem:$0x3F9E] =	sst s1  }
0xa: {  	[smem:$0x3F9F] =	sst s2  }
0xb: {  	[smem:$0x3FA0] =	sst s3  }
0xc: {  	[smem:$0x3FA1] =	sst s4  }
0xd: {  	[smem:$0x3FA2] =	sst s5  }
0xe: {  	[smem:$0x3FA3] =	sst s6  }
0xf: {  	[smem:$0x3FA4] =	sst s7  }
0x10: {  	[smem:$0x3FA5] =	sst s8  }
0x11: {  	[smem:$0x3FA6] =	sst s9;
	s0 =	simm.s32 @!p0 $0x0  }
0x12: {  	s1 =	sld [smem:$0x3F8C];
	s0 =	simm.s32 @p0 $0x1  }
0x13: {  	[smem:$0x3FA7] =	sst s0;
	s0 =	simm.s32 @!p1 $0x0  }
0x14: {  	s2 =	sld [smem:$0x3F8B];
	s0 =	simm.s32 @p1 $0x1  }
0x15: {  	[smem:$0x3FA8] =	sst s0;
	s0 =	simm.s32 @!p2 $0x0  }
0x16: {  	s3 =	sld [smem:$0x3FDB];
	s0 =	simm.s32 @p2 $0x1  }
0x17: {  	s4 =	simm.s32 $0x1BF5;
	[smem:$0x3FAA] =	sst s0  }
0x18: {  	s0 =	sld [smem:$0x3F8D];
	_ =	swait.ge [sflag:s4], $0x0  }
0x19: {  	s7 =	sld [smem:$0x3F8E]  }
0x1a: {  	s8 =	sadd.s32 $0xFFFFE003, lr  }
0x1b: {  	s9 =	sadd.s32 $0xFFFFFEF7, lr;
	s5 =	simm.s32 $0xFFFFFFFF;
	p2 =	slt.u32 s8, $0xFFFFF086  }
0x1c: {  	p1 =	slt.u32 s9, $0xF7A;
	s5 =	simm.s32 @!p2 $0x0  }
0x1d: {  	s5 =	simm.s32 @p1 $0x1;
	p0 =	seq.s32 s7, s2  }
0x1e: {  	s7 =	smul.u32 @!p0 $0xF7A, s2;
	p2 =	seq.s32 @!p0 s5, $0x0  }
0x1f: {  	s9 =	smul.u32 $0xF7A, s1;
	s8 =	simm.s32 @!p0 $0x1BF5;
	p2 =	por !p2, p0  }
0x20: {  	[sflag:s8] =	ssyncset.s32 @!p0 $0xFFFFF086;
	s6 =	sadd.s32 @!p0 s3, s7;
	s7 =	simm.s32 @!p0 $0x108  }
0x21: {  	s3 =	sadd.s32 s3, s9;
	s6 =	sadd.s32 @!p0 $0x88, s6;
	s7 =	simm.s32 @p2 $0x1082  }
0x22: {  	[simem:s7], [sflag:s8] =	dma.local @!p0 [hbm:s6], $0xF7A  }
0x23: {  	s9 =	sor.u32 $0xD0000000, s2;
	s6 =	simm.s32 $0x108;
	_ =	swait.ge @!p0 [sflag:s8], $0x0  }
0x24: {  	s3 =	sadd.s32 $0x88, s3;
	s6 =	simm.s32 @!p1 $0x1082;
	[sflag:s4] =	ssyncset.s32 $0xFFFFF086  }
0x25: {  	[simem:s6], [sflag:s4] =	dma.local [hbm:s3], $0xF7A  }
0x26: {  	[smem:$0x3F8E] =	sst s1;
	(tag) =	ssettag s2;
	_ =	strace s9  }
0x27: {  	s1 =	sld [smem:$0x3F9E]  }
0x28: {  	s2 =	sld [smem:$0x3F9F]  }
0x29: {  	s4 =	sld [smem:$0x3FA1]  }
0x2a: {  	p0 =	seq.s32 s5, $0x0;
	s5 =	sld [smem:$0x3FA2]  }
0x2b: {  	s6 =	sld [smem:$0x3FA3]  }
0x2c: {  	s7 =	sld [smem:$0x3FA4]  }
0x2d: {  	s3 =	simm.s32 $0x108;
	s8 =	sld [smem:$0x3FA5]  }
0x2e: {  	s3 =	simm.s32 @!p0 $0x1082;
	s9 =	sld [smem:$0x3FA6]  }
0x2f: {  	lr =	sadd.s32 s0, s3;
	s0 =	sld [smem:$0x3F9D]  }
0x30: {  	s3 =	sld [smem:$0x3FA0]  }
0x31: {  	[smem:$0x3FA9] =	sst s10  }
0x32: {  	s10 =	sld [smem:$0x3FA7];
	_ =	sdelay $0x3  }
0x33: {  	p0 =	seq.s32 s10, $0x1;
	s10 =	sld [smem:$0x3FA9];
	_ =	sdelay $0x3  }
0x34: {  	[smem:$0x3FA9] =	sst s10  }
0x35: {  	s10 =	sld [smem:$0x3FA8];
	_ =	sdelay $0x3  }
0x36: {  	p1 =	seq.s32 s10, $0x1;
	s10 =	sld [smem:$0x3FA9];
	_ =	sdelay $0x3  }
0x37: {  	[smem:$0x3FA9] =	sst s10  }
0x38: {  	s10 =	sld [smem:$0x3FAA]  }
0x39: {  	_ = 	snop;
	(pc) =	sbr.ind lr, $3  }
0x3a: {  	_ = 	snop  }
0x3b: {  	_ = 	snop  }
0x3c: {  	p2 =	seq.s32 s10, $0x1;
	s10 =	sld [smem:$0x3FA9]  }
0x3d: {  	_ =	shalt  }
0x3e: {  	_ =	shalt  }
0x3f: {  	_ =	shalt  }
0x40: {  	_ =	shalt  }
0x41: {  	_ =	shalt  }
0x42: {  	_ =	shalt  }
0x43: {  	_ =	shalt  }
0x44: {  	_ =	shalt  }
0x45: {  	_ =	shalt  }
0x46: {  	_ =	shalt  }
0x47: {  	_ =	shalt  }
0x48: {  	_ =	shalt  }
0x49: {  	_ =	shalt  }
0x4a: {  	_ =	shalt  }
0x4b: {  	_ =	shalt  }
0x4c: {  	_ =	shalt  }
0x4d: {  	_ =	shalt  }
0x4e: {  	_ =	shalt  }
0x4f: {  	_ =	shalt  }
0x50: {  	_ =	shalt  }
0x51: {  	_ =	shalt  }
0x52: {  	_ =	shalt  }
0x53: {  	_ =	shalt  }
0x54: {  	_ =	shalt  }
0x55: {  	_ =	shalt  }
0x56: {  	_ =	shalt  }
0x57: {  	_ =	shalt  }
0x58: {  	_ =	shalt  }
0x59: {  	_ =	shalt  }
0x5a: {  	_ =	shalt  }
0x5b: {  	_ =	shalt  }
0x5c: {  	_ =	shalt  }
0x5d: {  	_ =	shalt  }
0x5e: {  	_ =	shalt  }
0x5f: {  	_ =	shalt  }
0x60: {  	_ =	shalt  }
0x61: {  	_ =	shalt  }
0x62: {  	_ =	shalt  }
0x63: {  	_ =	shalt  }
0x64: {  	_ =	shalt  }
0x65: {  	_ =	shalt  }
0x66: {  	_ =	shalt  }
0x67: {  	_ =	shalt  }
0x68: {  	_ =	shalt  }
0x69: {  	_ =	shalt  }
0x6a: {  	_ =	shalt  }
0x6b: {  	_ =	shalt  }
0x6c: {  	_ =	shalt  }
0x6d: {  	_ =	shalt  }
0x6e: {  	_ =	shalt  }
0x6f: {  	_ =	shalt  }
0x70: {  	_ =	shalt  }
0x71: {  	_ =	shalt  }
0x72: {  	_ =	shalt  }
0x73: {  	_ =	shalt  }
0x74: {  	_ =	shalt  }
0x75: {  	_ =	shalt  }
0x76: {  	_ =	shalt  }
0x77: {  	_ =	shalt  }
0x78: {  	_ =	shalt  }
0x79: {  	_ =	shalt  }
0x7a: {  	_ =	shalt  }
0x7b: {  	_ =	shalt  }
0x7c: {  	_ =	shalt  }
0x7d: {  	_ =	shalt  }
0x7e: {  	_ =	shalt  }
0x7f: {  	_ =	shalt  }
0x80: {  	_ =	shalt  }
0x81: {  	_ =	shalt  }
0x82: {  	_ =	shalt  }
0x83: {  	_ =	shalt  }
0x84: {  	_ =	shalt  }
0x85: {  	_ =	shalt  }
0x86: {  	_ =	shalt  }
0x87: {  	_ =	shalt  }
.Lfunc_end0:
.L_simem_size_0:
called_computation.5_lowered:
.L_overlay_start_0:
0x88: {  	s2 =	sld [smem:$0x3FD9]  }
0x89: {  	s3 =	sld [smem:$0x3FFE];
	_ =	sdelay $0x1  }
0x8a: {  	s1 =	srdreg.scid  }
0x8b: {  	s0 =	sand.u32 $0x1, s1  }
0x8c: {  	s16 =	sshll.u32 s0, $0xA;
	s2 =	sadd.s32 s3, s2  }
0x8d: {  	s2 =	sadd.s32 s2, s16  }
0x8e: {  	[smem:$0x3FB5] =	sst s2  }
0x8f: {  	_ = 	snop  }
0x90: {  	(tm) =	ssettm $0x1  }
0x91: {  	s17 =	sld [smem:$0x3FFB];
	_ =	sdelay $0x3  }
0x92: {  	_ =	strace s17  }
0x93: {  	s2 =	sld [smem:$0x3FFC];
	_ =	sdelay $0x3  }
0x94: {  	_ =	strace s2  }
0x95: {  	s2 =	sld [smem:$0x3FFD];
	_ =	sdelay $0x3  }
0x96: {  	_ =	strace s2  }
0x97: {  	_ =	strace $0x8FFFFFFF  }
0x98: {  	s18 =	sld [smem:$0x3FDB];
	_ =	sdelay $0x1  }
0x99: {  	s19 =	simm.s32 $_scs_section_size  }
0x9a: {  	s4 =	simm.s32 $_size__tile_overlayer_lowered;
	s5 =	simm.s32 $_tile_overlayer_lowered  }
0x9b: {  	s22 =	simm.s32 $0x1BFF;
	s21 =	sshll.u32 s5, $0x1;
	s2 =	sadd.s32 s19, s18  }
0x9c: {  	s6 =	simm.s32 $0x0;
	s20 =	sshll.u32 s4, $0x1;
	s4 =	sadd.s32 s21, s2  }
0x9d: {  	[timem:s6], [sflag:s22] =	dma.local [hbm:s4], s20  }
0x9e: {  	_ =	swait.ge [sflag:s22], s20  }
0x9f: {  	s3 =	ssub.s32 $0x0, s20;
	[sflag:s22] =	ssyncset.done $0x0  }
0xa0: {  	[sflag:s22] =	ssyncadd.s32 s3;
	_ =	sdelay $0x1  }
0xa1: {  	s23 =	simm.s32 $0x1B8B  }
0xa2: {  	_ =	swait.ge [sflag:s23], $0x1  }
0xa3: {  	[sflag:s23] =	ssyncset.done $0x0  }
0xa4: {  	s25 =	simm.s32 $0x1B8E;
	s24 =	sld [smem:$0x3FFE];
	[sflag:s23] =	ssyncadd.s32 $0xFFFFFFFF  }
0xa5: {  	s26 =	simm.s32 $execute0_lowered;
	[smem:$0x3FD2] =	sst s25  }
0xa6: {  	s4 =	sshll.u32 s26, $0x1;
	_ =	strace $0x80000055;
	[dreg:$0x1] =	wrdreg $0xFFFFFFFF  }
0xa7: {  	s28 =	simm.s32 $_size_execute0_lowered;
	s2 =	sadd.s32 s2, s4;
	[dreg:$0x0] =	wrdreg $0x0  }
0xa8: {  	s4 =	sshll.u32 s28, $0x1;
	[dreg:$0x2] =	wrdreg s2  }
0xa9: {  	[dreg:$0x3] =	wrdreg s4  }
0xaa: {  	[dreg:$0x4] =	wrdreg $0xC0  }
0xab: {  	_ =	task [dreg:s6], $0x5FFFF  }
0xac: {  	[dreg:$0x1] =	wrdreg $0xFFFFFFFF  }
0xad: {  	[dreg:$0x0] =	wrdreg $0x60  }
0xae: {  	[dreg:$0x2] =	wrdreg s24  }
0xaf: {  	[dreg:$0x3] =	wrdreg $0x9  }
0xb0: {  	_ =	task.clear_ibuf [dreg:s6], $0x4FFFF;
	_ =	strace $0x90000055  }
0xb1: {  	s29 =	simm.s32 $0x9;
	_ =	strace $0x80000057  }
0xb2: {  	_ =	swait.ge [sflag:s29], $0x1  }
0xb3: {  	[sflag:s29] =	ssyncadd.s32 $0xFFFFFFFF  }
0xb4: {  	_ =	strace $0x90000057  }
0xb5: {  	_ =	sfence  }
0xb6: {  	s30 =	sld [smem:$0x0];
	_ =	sdelay $0x2  }
0xb7: {  	s31 =	sshll.u32 s1, $0xD;
	s1 =	sshrl.u32 s1, $0x2  }
0xb8: {  	s3 =	sand.u32 $0x4000, s31;
	s1 =	sadd.s32 s1, s30  }
0xb9: {  	s0 =	sor.u32 s3, s0;
	s1 =	sshll.u32 s1, $0x11  }
0xba: {  	s0 =	sor.u32 s1, s0  }
0xbb: {  	s0 =	sadd.s32 $0x8F2B, s0  }
0xbc: {  	[sflag:s0] =	ssyncadd.remote.s32 $0x1  }
0xbd: {  	_ =	sfence.sel $0xFFFF  }
0xbe: {  	[dreg:$0x0] =	wrdreg $0xFFFFFFFF;
	(pc) =	sbr.abs _section_cstart, $3  }
0xbf: {  	[dreg:$0x1] =	wrdreg $0xFFFFFFFF  }
0xc0: {  	_ =	task.clear_ibuf [dreg:s6], $0x2FFFF;
	_ =	strace $0x9FFFFFFF  }
0xc1: {  	(tm) =	ssettm $0x7FFFFFFF  }
tec
execute0_lowered:
.L_overlay_start_1:
0x0: {  	(tag) =	ssettag $0x1  }
0x1: {  	s0 =	srdreg.scid  }
0x2: {  	s6 =	sand.u32 $0x1, s0  }
0x3: {  	s0 =	stileid.u32;
	s1 =	sshll.u32 s6, $0x4  }
0x4: {  	s7 =	sor.u32 s0, s1  }
0x5: {  	s8 =	rddreg [dreg:$0x0];
	s2 =	simm.s32 $0x0;
	s3 =	smul.u32 $0xC, s7  }
0x6: {  	[smem:$0x7FF] =	sst s2;
	s5 =	sadd.s32 $0x5600, s8;
	s10 =	ssub.s32 $0x2, s6  }
0x7: {  	s6 =	simm.s32 $0x60;
	s1 =	rddreg [dreg:$0x1];
	s3 =	sadd.s32 s3, s8  }
0x8: {  	_ =	strace $0x80000056;
	s4 =	sadd.s32 $0x2C800, s3;
	s3 =	simm.s32 $0x2  }
0x9: {  	[tilespmem:s2], [sflag:$0x2] =	stream.linear.gather [hbm4b:s4+s2], $0x60, $0x38;
	[tilespmem:$0x3060] =	vst v63  }
0xa: {  	s11 =	sshrl.u32 s10, $0x1;
	s9 =	smul.u32 $0x600, s7;
	_ =	swait.ge [sflag:s3], $0x60  }
0xb: {  	s7 =	simm.s32 $0x1;
	s31 =	ssub.s32 s10, s11;
	[sflag:s3] =	ssyncset.done $0x0  }
0xc: {  	s8 =	sadd.s32 s9, s8;
	s9 =	smax.u32 s31, $0x1;
	[sflag:s3] =	ssyncadd.s32 $0xFFFFFFA0  }
0xd: {  	[tilespmem:s6], [sflag:$0x1] =	stream.indirect.gather [hbm4b:s5+s6], $0x80, s2, s6, $0xb8;
	[tilespmem:$0x3060] =	vst v63  }
0xe: {  	p0 =	sne.s32 s9, $0x1;
	_ =	swait.ge [sflag:s7], $0x3000  }
.Ltmp0:
0xf: {  	[sflag:s7] =	ssyncset.done $0x0;
	(pc) =	sbr.rel @!p0 .LBB2_2-.Ltmp0, $4  }
0x10: {  	s8 =	sadd.s32 $0x2CA00, s8;
	[sflag:s7] =	ssyncadd.s32 $0xFFFFD000  }
0x11: {  	[hbm4b:s8+s2] =	stream.linear.scatter [tilespmem:s6], [sflag:$0x2], $0x3000, $0x38;
	[tilespmem:$0x3060] =	vst v63  }
0x12: {  	_ =	swait.ge [sflag:s3], $0x3000  }
0x13: {  	s9 =	sadd.s32 $0xFFFFFFFF, s9;
	[sflag:s3] =	ssyncset.done $0x0  }
.LBB2_1:
0x14: {  	p0 =	sne.s32 s9, $0x1;
	s9 =	sadd.s32 $0xFFFFFFFF, s9;
	[sflag:s3] =	ssyncadd.s32 $0xFFFFD000  }
0x15: {  	[tilespmem:s2], [sflag:$0x2] =	stream.linear.gather [hbm4b:s4+s2], $0x60, $0x38;
	[tilespmem:$0x3060] =	vst v63  }
0x16: {  	_ =	swait.ge [sflag:s3], $0x60  }
0x17: {  	[sflag:s3] =	ssyncset.done $0x0  }
0x18: {  	[sflag:s3] =	ssyncadd.s32 $0xFFFFFFA0  }
0x19: {  	[tilespmem:s6], [sflag:$0x1] =	stream.indirect.gather [hbm4b:s5+s6], $0x80, s2, s6, $0xb8;
	[tilespmem:$0x3060] =	vst v63  }
0x1a: {  	_ =	swait.ge [sflag:s7], $0x3000  }
.Ltmp1:
0x1b: {  	[sflag:s7] =	ssyncset.done $0x0;
	(pc) =	sbr.rel @p0 .LBB2_1-.Ltmp1, $4  }
0x1c: {  	[sflag:s7] =	ssyncadd.s32 $0xFFFFD000  }
0x1d: {  	[hbm4b:s8+s2] =	stream.linear.scatter [tilespmem:s6], [sflag:$0x2], $0x3000, $0x38;
	[tilespmem:$0x3060] =	vst v63  }
0x1e: {  	_ =	swait.ge [sflag:s3], $0x3000  }
0x1f: {  	[sflag:s3] =	ssyncset.done $0x0  }
.LBB2_2:
0x20: {  	[sflag:s3] =	ssyncadd.s32 $0xFFFFD000  }
0x21: {  	_ =	sfence.sel $0x180000  }
0x22: {  	[bflag:$0x0] =	sbarrier.arrive $0xFFFF  }
0x23: {  	p0 =	sne.s32 s0, $0x0;
	_ =	strace $0x90000056  }
0x24: {  	s0 =	sadd.s32 @!p0 $0x100000, s1;
	[bflag:$0x2] =	sbarrier.arrive $0xFFFF  }
0x25: {  	[sflag:s0] =	ssyncadd.tile.s32 @!p0 $0x1;
	_ =	shalt  }
.Lfunc_end2:
_tile_overlayer_lowered:
.L_overlay_start_2:
0x26: {  	(tag) =	ssettag $0x2  }
0x27: {  	s0 =	rddreg [dreg:$0x0];
	s2 =	stileid.u32  }
0x28: {  	s1 =	rddreg [dreg:$0x1];
	p0 =	sne.s32 s2, $0x0  }
0x29: {  	s3 =	rddreg [dreg:$0x2];
	[bflag:$0x3] =	sbarrier.arrive $0xFFFF;
	s2 =	simm.s32 @!p0 $0x1C02  }
0x2a: {  	[timem:s3], [sflag:s2] =	dma.local @!p0 [hbm:s0], s1  }
0x2b: {  	s0 =	simm.s32 @!p0 $0x2  }
0x2c: {  	_ =	swait.ge @!p0 [sflag:s0], s1  }
0x2d: {  	s1 =	ssub.s32 @!p0 $0x0, s1;
	[sflag:s0] =	ssyncset.done @!p0 $0x0  }
0x2e: {  	[sflag:s0] =	ssyncadd.s32 @!p0 s1  }
0x2f: {  	[bflag:$0x3] =	sbarrier.arrive $0xFFFF  }
0x30: {  	_ =	shalt  }

</sc_bundles>
